<compile_context>
chip_gen: v7x
topology: tpu7x:2x2x1
jax: 0.10.2.dev20260603
libtpu: 0.0.44.dev20260713+nightly
codegen_flags: <defaults>
</compile_context>

<pallas_src>
import functools

import jax
import jax.numpy as jnp
from jax import lax
from jax.experimental import pallas as pl
from jax.experimental.pallas import tpu as pltpu
from jax.experimental.pallas import tpu_sc as plsc

EMB = 64
ROWBLK = 8
NBUF = 2
NC = 2
NS = 16
NW = NC * NS

TBLK = 8192
HALF = TBLK // 2


def _relayout_block(wt_ref, out_ref):
    t = wt_ref[...]
    tt = jnp.transpose(t)
    out_ref[:, 0:EMB] = tt[:HALF, :]
    out_ref[:, EMB:2 * EMB] = tt[HALF:, :]


@functools.lru_cache(maxsize=None)
def _make_relayout(vocab: int):
    grid = (vocab + TBLK - 1) // TBLK
    return pl.pallas_call(
        _relayout_block,
        grid=(grid,),
        in_specs=[pl.BlockSpec((EMB, TBLK), lambda i: (0, i))],
        out_specs=pl.BlockSpec((HALF, 2 * EMB), lambda i: (i, 0)),
        out_shape=jax.ShapeDtypeStruct((grid * HALF, 2 * EMB), jnp.float32),
    )


@functools.lru_cache(maxsize=None)
def _make_gather(batch: int, seq: int, vocab2: int):
    rows_w = batch // NW
    nsteps = rows_w // ROWBLK
    assert rows_w * NW == batch and nsteps * ROWBLK == rows_w
    nq = EMB // 16
    nchunk = (rows_w * seq) // 16

    mesh = plsc.VectorSubcoreMesh(core_axis_name="c", subcore_axis_name="s")

    @functools.partial(
        pl.kernel,
        mesh=mesh,
        out_type=jax.ShapeDtypeStruct((batch, seq, EMB), jnp.float32),
        compiler_params=pltpu.CompilerParams(
            use_tc_tiling_on_sc=False, needs_layout_passes=False),
        scratch_types=[
            pltpu.VMEM((rows_w, seq), jnp.int32),
            pltpu.VMEM((rows_w, seq), jnp.int32),
            pltpu.VMEM((ROWBLK, seq, EMB), jnp.float32),
            pltpu.VMEM((ROWBLK, seq, EMB), jnp.float32),
            pltpu.VMEM((EMB,), jnp.float32),
            pltpu.SemaphoreType.DMA,
            pltpu.SemaphoreType.DMA,
        ],
    )
    def body(x_hbm, wemb_hbm, wpos_hbm, out_hbm, idx_v, r_v, buf0, buf1,
             wpos_v, sem0, sem1):
        wid = lax.axis_index("s") * NC + lax.axis_index("c")
        row0 = wid * rows_w
        pltpu.sync_copy(x_hbm.at[pl.ds(row0, rows_w)], idx_v)
        pltpu.sync_copy(wpos_hbm, wpos_v)
        wp = [wpos_v[pl.ds(16 * q, 16)] for q in range(nq)]
        bufs = (buf0, buf1)
        sems = (sem0, sem1)

        def remap(tchunk, carry):
            tv = tchunk * 16 + lax.iota(jnp.int32, 16)
            a = lax.shift_right_logical(tv * 5243, 18)
            r = tv - a * seq
            i = plsc.load_gather(idx_v, [a, r])
            sh = TBLK.bit_length() - 1
            blk = lax.shift_left(lax.shift_right_logical(i, sh), sh)
            off = lax.shift_left(jnp.bitwise_and(i, HALF - 1), 1)
            h = jnp.bitwise_and(lax.shift_right_logical(i, sh - 1), 1)
            plsc.store_scatter(r_v, [a, r], blk | off | h)
            return carry

        lax.fori_loop(0, nchunk, remap, 0)

        def issue(i, b):
            for a in range(ROWBLK):
                pltpu.async_copy(
                    wemb_hbm.at[r_v.at[i * ROWBLK + a]],
                    bufs[b].at[a], sems[b])

        def wait(b):
            for a in range(ROWBLK):
                pltpu.make_async_copy(
                    wemb_hbm.at[r_v.at[0]], bufs[b].at[a], sems[b]).wait()

        def process(i, b):
            buf = bufs[b]

            def addrow(r, carry):
                for a in range(ROWBLK):
                    for q in range(nq):
                        sl = pl.ds(16 * q, 16)
                        buf[a, r, sl] = buf[a, r, sl] + wp[q]
                return carry

            lax.fori_loop(0, seq, addrow, 0)
            pltpu.sync_copy(
                buf, out_hbm.at[pl.ds(row0 + i * ROWBLK, ROWBLK)])

        for b in range(NBUF):
            issue(b, b)

        @pl.loop(0, (nsteps - NBUF) // NBUF)
        def main(k):
            i0 = k * NBUF
            for b in range(NBUF):
                i = i0 + b
                wait(b)
                process(i, b)
                issue(i + NBUF, b)

        for b in range(NBUF):
            i = nsteps - NBUF + b
            wait(b)
            process(i, b)

    return body


BBLK = 128


def _out_block(in_ref, out_ref):
    t3 = in_ref[...].reshape(BBLK, 25, 128)
    for l in range(50):
        sel = t3[:, l // 2, 64 * (l % 2):64 * (l % 2) + 64]
        out_ref[l, :, :] = jnp.transpose(sel)


@functools.lru_cache(maxsize=None)
def _make_out_relayout(batch: int, seq: int):
    grid = batch // BBLK
    rows = BBLK * seq * EMB // 128
    return pl.pallas_call(
        _out_block,
        grid=(grid,),
        in_specs=[pl.BlockSpec((rows, 128), lambda i: (i, 0))],
        out_specs=pl.BlockSpec((seq, EMB, BBLK), lambda i: (0, 0, i)),
        out_shape=jax.ShapeDtypeStruct((seq, EMB, batch), jnp.float32),
    )


def kernel(x, W_emb, W_pos):
    b, l = x.shape
    vocab, emb = W_emb.shape
    w_flat = _make_relayout(vocab)(jnp.transpose(W_emb))
    n2 = w_flat.shape[0] * 2
    w_rows = w_flat.reshape(n2, emb)
    sc_out = _make_gather(b, l, n2)(x.astype(jnp.int32), w_rows, W_pos)
    flat = sc_out.reshape(b * l * emb // 128, 128)
    out_t = _make_out_relayout(b, l)(flat)
    return jnp.transpose(out_t, (2, 0, 1))

# --- scband reference (transcript-rebuilt; emitter-appended) ---
"""Pipeline reference for scband-embedding-31267361915363 (READ-ONLY COPY).

The authoritative reference and input builder live on the scoring server;
editing this copy changes nothing except your own understanding.
"""

import jax, jax.numpy as jnp
import numpy as np

VOCAB = 1000000
EMB = 64
B = 4096
L = 50

def setup_inputs(seed: int = 0) -> dict:
    key = jax.random.key(seed)
    k1, k2, k3 = jax.random.split(key, 3)
    x = jax.random.randint(k1, (B, L), 0, VOCAB, dtype=jnp.int64) if jax.config.jax_enable_x64 else jax.random.randint(k1, (B, L), 0, VOCAB, dtype=jnp.int32)
    W_emb = jax.random.normal(k2, (VOCAB, EMB), dtype=jnp.float32)
    W_pos = jax.random.normal(k3, (EMB,), dtype=jnp.float32)
    return {"x": x, "W_emb": W_emb, "W_pos": W_pos}

def reference(x, W_emb, W_pos):
    # x_emb = self.W_emb(x) + self.W_pos
    x_emb = jnp.take(W_emb, x, axis=0) + W_pos
    return x_emb

if __name__ == "__main__":
    import jax
    _d = setup_inputs()
    print(jax.jit(kernel)(*tuple(_d.values())))

</pallas_src>

<mosaic_0001>
#map = affine_map<(d0, d1) -> (0, 0)>
#map1 = affine_map<(d0, d1) -> (0)>
#map2 = affine_map<(d0, d1) -> (0, 0, 0)>
module attributes {stable_mosaic.version = 14 : i64} {
  func.func @body(%arg0: i32, %arg1: i32, %arg2: memref<4096x50xi32, #tpu.memory_space<hbm>>, %arg3: memref<1007616x64xf32, #tpu.memory_space<hbm>>, %arg4: memref<64xf32, #tpu.memory_space<hbm>>, %arg5: memref<4096x50x64xf32, #tpu.memory_space<hbm>>, %arg6: memref<128x50xi32, #tpu.memory_space<vmem>>, %arg7: memref<128x50xi32, #tpu.memory_space<vmem>>, %arg8: memref<8x50x64xf32, #tpu.memory_space<vmem>>, %arg9: memref<8x50x64xf32, #tpu.memory_space<vmem>>, %arg10: memref<64xf32, #tpu.memory_space<vmem>>, %arg11: memref<!tpu.dma_semaphore, #tpu.memory_space<semaphore_mem>>, %arg12: memref<!tpu.dma_semaphore, #tpu.memory_space<semaphore_mem>>) attributes {dimension_semantics = [#tpu.dimension_semantics<core_parallel>, #tpu.dimension_semantics<subcore_parallel>], iteration_bounds = array<i64: 2, 16>, scalar_prefetch = 0 : i64, scratch_operands = 7 : i64, tpu.core_type = #tpu.core_type<sc_vector_subcore>, window_params = [{transform_indices = #map}, {transform_indices = #map}, {transform_indices = #map1}, {transform_indices = #map2}]} {
    %mul3A = arith.constant 2 : i32
    %mul3A_0 = arith.muli %arg1, %mul3A : i32
    %add3A = arith.addi %mul3A_0, %arg0 : i32
    %mul3A_1 = arith.constant 128 : i32
    %mul3A_2 = arith.muli %add3A, %mul3A_1 : i32
    "tpu.region"() ({
      %run_scoped3A = tpu.sem_alloc : memref<!tpu.dma_semaphore, #tpu.memory_space<semaphore_mem>>
      %dma_start3A_418 = arith.constant 0 : i32
      %dma_start3A_419 = tpu.memref_slice %arg2[%mul3A_2, %dma_start3A_418] : memref<4096x50xi32, #tpu.memory_space<hbm>> -> memref<128x50xi32, #tpu.memory_space<hbm>>
      %dma_start3A_420 = arith.constant 0 : i32
      %dma_start3A_421 = tpu.memref_slice %arg2[%mul3A_2, %dma_start3A_420] : memref<4096x50xi32, #tpu.memory_space<hbm>> -> memref<128x50xi32, #tpu.memory_space<hbm>>
      tpu.enqueue_dma source(%dma_start3A_421 : memref<128x50xi32, #tpu.memory_space<hbm>>) target(%arg6 : memref<128x50xi32, #tpu.memory_space<vmem>>) target_semaphore(%run_scoped3A : memref<!tpu.dma_semaphore, #tpu.memory_space<semaphore_mem>>)
      %dma_wait3A_422 = arith.constant 0 : i32
      %dma_wait3A_423 = tpu.memref_slice %arg2[%mul3A_2, %dma_wait3A_422] : memref<4096x50xi32, #tpu.memory_space<hbm>> -> memref<128x50xi32, #tpu.memory_space<hbm>>
      %dma_wait3A_424 = arith.constant 0 : i32
      %dma_wait3A_425 = tpu.memref_slice %arg2[%mul3A_2, %dma_wait3A_424] : memref<4096x50xi32, #tpu.memory_space<hbm>> -> memref<128x50xi32, #tpu.memory_space<hbm>>
      tpu.wait_dma2 semaphore(%run_scoped3A : memref<!tpu.dma_semaphore, #tpu.memory_space<semaphore_mem>>) src(%dma_wait3A_425 : memref<128x50xi32, #tpu.memory_space<hbm>>) dst(%arg6 : memref<128x50xi32, #tpu.memory_space<vmem>>)
      tpu.yield
    }) : () -> ()
    "tpu.region"() ({
      %run_scoped3A = tpu.sem_alloc : memref<!tpu.dma_semaphore, #tpu.memory_space<semaphore_mem>>
      tpu.enqueue_dma source(%arg4 : memref<64xf32, #tpu.memory_space<hbm>>) target(%arg10 : memref<64xf32, #tpu.memory_space<vmem>>) target_semaphore(%run_scoped3A : memref<!tpu.dma_semaphore, #tpu.memory_space<semaphore_mem>>)
      tpu.wait_dma2 semaphore(%run_scoped3A : memref<!tpu.dma_semaphore, #tpu.memory_space<semaphore_mem>>) src(%arg4 : memref<64xf32, #tpu.memory_space<hbm>>) dst(%arg10 : memref<64xf32, #tpu.memory_space<vmem>>)
      tpu.yield
    }) : () -> ()
    %get3A = arith.constant 0 : index
    %get3A_3 = tpu.vector_load %arg10[%get3A] {strides = array<i32>} : memref<64xf32, #tpu.memory_space<vmem>>, vector<16xf32>,
    %get3A_4 = arith.constant 16 : index
    %get3A_5 = tpu.vector_load %arg10[%get3A_4] {strides = array<i32>} : memref<64xf32, #tpu.memory_space<vmem>>, vector<16xf32>,
    %get3A_6 = arith.constant 32 : index
    %get3A_7 = tpu.vector_load %arg10[%get3A_6] {strides = array<i32>} : memref<64xf32, #tpu.memory_space<vmem>>, vector<16xf32>,
    %get3A_8 = arith.constant 48 : index
    %get3A_9 = tpu.vector_load %arg10[%get3A_8] {strides = array<i32>} : memref<64xf32, #tpu.memory_space<vmem>>, vector<16xf32>,
    %scan3A = arith.constant 0 : i32
    %scan3A_10 = arith.constant 0 : i32
    %scan3A_11 = arith.constant 400 : i32
    %scan3A_12 = arith.addi %scan3A_10, %scan3A_11 : i32
    %scan3A_13 = arith.constant 1 : i32
    scf.for %scan3A_418 = %scan3A_10 to %scan3A_12 step %scan3A_13  : i32 {
      %mul3A_419 = arith.constant 16 : i32
      %mul3A_420 = arith.muli %scan3A_418, %mul3A_419 : i32
      %iota3A = tpu.iota {dimensions = array<i32: 0>} : vector<16xi32>
      %add3A_421 = vector.broadcast %mul3A_420 : i32 to vector<16xi32>
      %add3A_422 = arith.addi %add3A_421, %iota3A : vector<16xi32>
      %mul3A_423 = arith.constant 5243 : i32
      %mul3A_424 = vector.broadcast %mul3A_423 : i32 to vector<16xi32>
      %mul3A_425 = arith.muli %add3A_422, %mul3A_424 : vector<16xi32>
      %shift_right_logical3A = arith.constant 18 : i32
      %shift_right_logical3A_426 = vector.broadcast %shift_right_logical3A : i32 to vector<16xi32>
      %shift_right_logical3A_427 = arith.shrui %mul3A_425, %shift_right_logical3A_426 : vector<16xi32>
      %mul3A_428 = arith.constant 50 : i32
      %mul3A_429 = vector.broadcast %mul3A_428 : i32 to vector<16xi32>
      %mul3A_430 = arith.muli %shift_right_logical3A_427, %mul3A_429 : vector<16xi32>
      %sub3A = arith.subi %add3A_422, %mul3A_430 : vector<16xi32>
      %gather3A = tpu.vector_load_idx %arg6[%shift_right_logical3A_427, %sub3A] : memref<128x50xi32, #tpu.memory_space<vmem>>[vector<16xi32>, vector<16xi32>], vector<16xi32>,
      %shift_right_logical3A_431 = arith.constant 13 : i32
      %shift_right_logical3A_432 = vector.broadcast %shift_right_logical3A_431 : i32 to vector<16xi32>
      %shift_right_logical3A_433 = arith.shrui %gather3A, %shift_right_logical3A_432 : vector<16xi32>
      %shift_left3A = arith.constant 13 : i32
      %shift_left3A_434 = vector.broadcast %shift_left3A : i32 to vector<16xi32>
      %shift_left3A_435 = arith.shli %shift_right_logical3A_433, %shift_left3A_434 : vector<16xi32>
      %and3A = arith.constant 4095 : i32
      %and3A_436 = vector.broadcast %and3A : i32 to vector<16xi32>
      %and3A_437 = arith.andi %gather3A, %and3A_436 : vector<16xi32>
      %shift_left3A_438 = arith.constant 1 : i32
      %shift_left3A_439 = vector.broadcast %shift_left3A_438 : i32 to vector<16xi32>
      %shift_left3A_440 = arith.shli %and3A_437, %shift_left3A_439 : vector<16xi32>
      %shift_right_logical3A_441 = arith.constant 12 : i32
      %shift_right_logical3A_442 = vector.broadcast %shift_right_logical3A_441 : i32 to vector<16xi32>
      %shift_right_logical3A_443 = arith.shrui %gather3A, %shift_right_logical3A_442 : vector<16xi32>
      %and3A_444 = arith.constant 1 : i32
      %and3A_445 = vector.broadcast %and3A_444 : i32 to vector<16xi32>
      %and3A_446 = arith.andi %shift_right_logical3A_443, %and3A_445 : vector<16xi32>
      %or3A = arith.ori %shift_left3A_435, %shift_left3A_440 : vector<16xi32>
      %or3A_447 = arith.ori %or3A, %and3A_446 : vector<16xi32>
      tpu.vector_store_idx %arg7[%shift_right_logical3A_427, %sub3A], %or3A_447 : memref<128x50xi32, #tpu.memory_space<vmem>>[vector<16xi32>, vector<16xi32>], vector<16xi32>,
    }
    %scan3A_14 = arith.constant 400 : i32
    %dma_start3A = arith.constant 0 : i32
    %dma_start3A_15 = arith.constant 0 : i32
    %dma_start3A_16 = arith.constant 0 : i32
    %dma_start3A_17 = arith.constant 0 : i32
    %dma_start3A_18 = tpu.memref_slice %arg8[%dma_start3A_15, %dma_start3A_16, %dma_start3A_17] : memref<8x50x64xf32, #tpu.memory_space<vmem>> -> memref<1x50x64xf32, #tpu.memory_space<vmem>>
    %dma_start3A_19 = tpu.memref_squeeze %dma_start3A_18 : memref<1x50x64xf32, #tpu.memory_space<vmem>> -> memref<50x64xf32, #tpu.memory_space<vmem>>
    %dma_start3A_20 = arith.constant 0 : i32
    %dma_start3A_21 = tpu.memref_slice %arg7[%dma_start3A, %dma_start3A_20] : memref<128x50xi32, #tpu.memory_space<vmem>> -> memref<1x50xi32, #tpu.memory_space<vmem>>
    %dma_start3A_22 = tpu.memref_squeeze %dma_start3A_21 : memref<1x50xi32, #tpu.memory_space<vmem>> -> memref<50xi32, #tpu.memory_space<vmem>>
    %dma_start3A_23 = arith.constant 0 : i32
    %dma_start3A_24 = arith.constant 0 : i32
    %dma_start3A_25 = tpu.memref_slice %arg3[%dma_start3A_23, %dma_start3A_24] : memref<1007616x64xf32, #tpu.memory_space<hbm>> -> memref<1007616x64xf32, #tpu.memory_space<hbm>>
    tpu.enqueue_indirect_dma source(%dma_start3A_25 : memref<1007616x64xf32, #tpu.memory_space<hbm>>) target(%dma_start3A_19 : memref<50x64xf32, #tpu.memory_space<vmem>>) offsets(%dma_start3A_22 : memref<50xi32, #tpu.memory_space<vmem>>) semaphore(%arg11 : memref<!tpu.dma_semaphore, #tpu.memory_space<semaphore_mem>>)
    %dma_start3A_26 = arith.constant 1 : i32
    %dma_start3A_27 = arith.constant 1 : i32
    %dma_start3A_28 = arith.constant 0 : i32
    %dma_start3A_29 = arith.constant 0 : i32
    %dma_start3A_30 = tpu.memref_slice %arg8[%dma_start3A_27, %dma_start3A_28, %dma_start3A_29] : memref<8x50x64xf32, #tpu.memory_space<vmem>> -> memref<1x50x64xf32, #tpu.memory_space<vmem>>
    %dma_start3A_31 = tpu.memref_squeeze %dma_start3A_30 : memref<1x50x64xf32, #tpu.memory_space<vmem>> -> memref<50x64xf32, #tpu.memory_space<vmem>>
    %dma_start3A_32 = arith.constant 0 : i32
    %dma_start3A_33 = tpu.memref_slice %arg7[%dma_start3A_26, %dma_start3A_32] : memref<128x50xi32, #tpu.memory_space<vmem>> -> memref<1x50xi32, #tpu.memory_space<vmem>>
    %dma_start3A_34 = tpu.memref_squeeze %dma_start3A_33 : memref<1x50xi32, #tpu.memory_space<vmem>> -> memref<50xi32, #tpu.memory_space<vmem>>
    %dma_start3A_35 = arith.constant 0 : i32
    %dma_start3A_36 = arith.constant 0 : i32
    %dma_start3A_37 = tpu.memref_slice %arg3[%dma_start3A_35, %dma_start3A_36] : memref<1007616x64xf32, #tpu.memory_space<hbm>> -> memref<1007616x64xf32, #tpu.memory_space<hbm>>
    tpu.enqueue_indirect_dma source(%dma_start3A_37 : memref<1007616x64xf32, #tpu.memory_space<hbm>>) target(%dma_start3A_31 : memref<50x64xf32, #tpu.memory_space<vmem>>) offsets(%dma_start3A_34 : memref<50xi32, #tpu.memory_space<vmem>>) semaphore(%arg11 : memref<!tpu.dma_semaphore, #tpu.memory_space<semaphore_mem>>)
    %dma_start3A_38 = arith.constant 2 : i32
    %dma_start3A_39 = arith.constant 2 : i32
    %dma_start3A_40 = arith.constant 0 : i32
    %dma_start3A_41 = arith.constant 0 : i32
    %dma_start3A_42 = tpu.memref_slice %arg8[%dma_start3A_39, %dma_start3A_40, %dma_start3A_41] : memref<8x50x64xf32, #tpu.memory_space<vmem>> -> memref<1x50x64xf32, #tpu.memory_space<vmem>>
    %dma_start3A_43 = tpu.memref_squeeze %dma_start3A_42 : memref<1x50x64xf32, #tpu.memory_space<vmem>> -> memref<50x64xf32, #tpu.memory_space<vmem>>
    %dma_start3A_44 = arith.constant 0 : i32
    %dma_start3A_45 = tpu.memref_slice %arg7[%dma_start3A_38, %dma_start3A_44] : memref<128x50xi32, #tpu.memory_space<vmem>> -> memref<1x50xi32, #tpu.memory_space<vmem>>
    %dma_start3A_46 = tpu.memref_squeeze %dma_start3A_45 : memref<1x50xi32, #tpu.memory_space<vmem>> -> memref<50xi32, #tpu.memory_space<vmem>>
    %dma_start3A_47 = arith.constant 0 : i32
    %dma_start3A_48 = arith.constant 0 : i32
    %dma_start3A_49 = tpu.memref_slice %arg3[%dma_start3A_47, %dma_start3A_48] : memref<1007616x64xf32, #tpu.memory_space<hbm>> -> memref<1007616x64xf32, #tpu.memory_space<hbm>>
    tpu.enqueue_indirect_dma source(%dma_start3A_49 : memref<1007616x64xf32, #tpu.memory_space<hbm>>) target(%dma_start3A_43 : memref<50x64xf32, #tpu.memory_space<vmem>>) offsets(%dma_start3A_46 : memref<50xi32, #tpu.memory_space<vmem>>) semaphore(%arg11 : memref<!tpu.dma_semaphore, #tpu.memory_space<semaphore_mem>>)
    %dma_start3A_50 = arith.constant 3 : i32
    %dma_start3A_51 = arith.constant 3 : i32
    %dma_start3A_52 = arith.constant 0 : i32
    %dma_start3A_53 = arith.constant 0 : i32
    %dma_start3A_54 = tpu.memref_slice %arg8[%dma_start3A_51, %dma_start3A_52, %dma_start3A_53] : memref<8x50x64xf32, #tpu.memory_space<vmem>> -> memref<1x50x64xf32, #tpu.memory_space<vmem>>
    %dma_start3A_55 = tpu.memref_squeeze %dma_start3A_54 : memref<1x50x64xf32, #tpu.memory_space<vmem>> -> memref<50x64xf32, #tpu.memory_space<vmem>>
    %dma_start3A_56 = arith.constant 0 : i32
    %dma_start3A_57 = tpu.memref_slice %arg7[%dma_start3A_50, %dma_start3A_56] : memref<128x50xi32, #tpu.memory_space<vmem>> -> memref<1x50xi32, #tpu.memory_space<vmem>>
    %dma_start3A_58 = tpu.memref_squeeze %dma_start3A_57 : memref<1x50xi32, #tpu.memory_space<vmem>> -> memref<50xi32, #tpu.memory_space<vmem>>
    %dma_start3A_59 = arith.constant 0 : i32
    %dma_start3A_60 = arith.constant 0 : i32
    %dma_start3A_61 = tpu.memref_slice %arg3[%dma_start3A_59, %dma_start3A_60] : memref<1007616x64xf32, #tpu.memory_space<hbm>> -> memref<1007616x64xf32, #tpu.memory_space<hbm>>
    tpu.enqueue_indirect_dma source(%dma_start3A_61 : memref<1007616x64xf32, #tpu.memory_space<hbm>>) target(%dma_start3A_55 : memref<50x64xf32, #tpu.memory_space<vmem>>) offsets(%dma_start3A_58 : memref<50xi32, #tpu.memory_space<vmem>>) semaphore(%arg11 : memref<!tpu.dma_semaphore, #tpu.memory_space<semaphore_mem>>)
    %dma_start3A_62 = arith.constant 4 : i32
    %dma_start3A_63 = arith.constant 4 : i32
    %dma_start3A_64 = arith.constant 0 : i32
    %dma_start3A_65 = arith.constant 0 : i32
    %dma_start3A_66 = tpu.memref_slice %arg8[%dma_start3A_63, %dma_start3A_64, %dma_start3A_65] : memref<8x50x64xf32, #tpu.memory_space<vmem>> -> memref<1x50x64xf32, #tpu.memory_space<vmem>>
    %dma_start3A_67 = tpu.memref_squeeze %dma_start3A_66 : memref<1x50x64xf32, #tpu.memory_space<vmem>> -> memref<50x64xf32, #tpu.memory_space<vmem>>
    %dma_start3A_68 = arith.constant 0 : i32
    %dma_start3A_69 = tpu.memref_slice %arg7[%dma_start3A_62, %dma_start3A_68] : memref<128x50xi32, #tpu.memory_space<vmem>> -> memref<1x50xi32, #tpu.memory_space<vmem>>
    %dma_start3A_70 = tpu.memref_squeeze %dma_start3A_69 : memref<1x50xi32, #tpu.memory_space<vmem>> -> memref<50xi32, #tpu.memory_space<vmem>>
    %dma_start3A_71 = arith.constant 0 : i32
    %dma_start3A_72 = arith.constant 0 : i32
    %dma_start3A_73 = tpu.memref_slice %arg3[%dma_start3A_71, %dma_start3A_72] : memref<1007616x64xf32, #tpu.memory_space<hbm>> -> memref<1007616x64xf32, #tpu.memory_space<hbm>>
    tpu.enqueue_indirect_dma source(%dma_start3A_73 : memref<1007616x64xf32, #tpu.memory_space<hbm>>) target(%dma_start3A_67 : memref<50x64xf32, #tpu.memory_space<vmem>>) offsets(%dma_start3A_70 : memref<50xi32, #tpu.memory_space<vmem>>) semaphore(%arg11 : memref<!tpu.dma_semaphore, #tpu.memory_space<semaphore_mem>>)
    %dma_start3A_74 = arith.constant 5 : i32
    %dma_start3A_75 = arith.constant 5 : i32
    %dma_start3A_76 = arith.constant 0 : i32
    %dma_start3A_77 = arith.constant 0 : i32
    %dma_start3A_78 = tpu.memref_slice %arg8[%dma_start3A_75, %dma_start3A_76, %dma_start3A_77] : memref<8x50x64xf32, #tpu.memory_space<vmem>> -> memref<1x50x64xf32, #tpu.memory_space<vmem>>
    %dma_start3A_79 = tpu.memref_squeeze %dma_start3A_78 : memref<1x50x64xf32, #tpu.memory_space<vmem>> -> memref<50x64xf32, #tpu.memory_space<vmem>>
    %dma_start3A_80 = arith.constant 0 : i32
    %dma_start3A_81 = tpu.memref_slice %arg7[%dma_start3A_74, %dma_start3A_80] : memref<128x50xi32, #tpu.memory_space<vmem>> -> memref<1x50xi32, #tpu.memory_space<vmem>>
    %dma_start3A_82 = tpu.memref_squeeze %dma_start3A_81 : memref<1x50xi32, #tpu.memory_space<vmem>> -> memref<50xi32, #tpu.memory_space<vmem>>
    %dma_start3A_83 = arith.constant 0 : i32
    %dma_start3A_84 = arith.constant 0 : i32
    %dma_start3A_85 = tpu.memref_slice %arg3[%dma_start3A_83, %dma_start3A_84] : memref<1007616x64xf32, #tpu.memory_space<hbm>> -> memref<1007616x64xf32, #tpu.memory_space<hbm>>
    tpu.enqueue_indirect_dma source(%dma_start3A_85 : memref<1007616x64xf32, #tpu.memory_space<hbm>>) target(%dma_start3A_79 : memref<50x64xf32, #tpu.memory_space<vmem>>) offsets(%dma_start3A_82 : memref<50xi32, #tpu.memory_space<vmem>>) semaphore(%arg11 : memref<!tpu.dma_semaphore, #tpu.memory_space<semaphore_mem>>)
    %dma_start3A_86 = arith.constant 6 : i32
    %dma_start3A_87 = arith.constant 6 : i32
    %dma_start3A_88 = arith.constant 0 : i32
    %dma_start3A_89 = arith.constant 0 : i32
    %dma_start3A_90 = tpu.memref_slice %arg8[%dma_start3A_87, %dma_start3A_88, %dma_start3A_89] : memref<8x50x64xf32, #tpu.memory_space<vmem>> -> memref<1x50x64xf32, #tpu.memory_space<vmem>>
    %dma_start3A_91 = tpu.memref_squeeze %dma_start3A_90 : memref<1x50x64xf32, #tpu.memory_space<vmem>> -> memref<50x64xf32, #tpu.memory_space<vmem>>
    %dma_start3A_92 = arith.constant 0 : i32
    %dma_start3A_93 = tpu.memref_slice %arg7[%dma_start3A_86, %dma_start3A_92] : memref<128x50xi32, #tpu.memory_space<vmem>> -> memref<1x50xi32, #tpu.memory_space<vmem>>
    %dma_start3A_94 = tpu.memref_squeeze %dma_start3A_93 : memref<1x50xi32, #tpu.memory_space<vmem>> -> memref<50xi32, #tpu.memory_space<vmem>>
    %dma_start3A_95 = arith.constant 0 : i32
    %dma_start3A_96 = arith.constant 0 : i32
    %dma_start3A_97 = tpu.memref_slice %arg3[%dma_start3A_95, %dma_start3A_96] : memref<1007616x64xf32, #tpu.memory_space<hbm>> -> memref<1007616x64xf32, #tpu.memory_space<hbm>>
    tpu.enqueue_indirect_dma source(%dma_start3A_97 : memref<1007616x64xf32, #tpu.memory_space<hbm>>) target(%dma_start3A_91 : memref<50x64xf32, #tpu.memory_space<vmem>>) offsets(%dma_start3A_94 : memref<50xi32, #tpu.memory_space<vmem>>) semaphore(%arg11 : memref<!tpu.dma_semaphore, #tpu.memory_space<semaphore_mem>>)
    %dma_start3A_98 = arith.constant 7 : i32
    %dma_start3A_99 = arith.constant 7 : i32
    %dma_start3A_100 = arith.constant 0 : i32
    %dma_start3A_101 = arith.constant 0 : i32
    %dma_start3A_102 = tpu.memref_slice %arg8[%dma_start3A_99, %dma_start3A_100, %dma_start3A_101] : memref<8x50x64xf32, #tpu.memory_space<vmem>> -> memref<1x50x64xf32, #tpu.memory_space<vmem>>
    %dma_start3A_103 = tpu.memref_squeeze %dma_start3A_102 : memref<1x50x64xf32, #tpu.memory_space<vmem>> -> memref<50x64xf32, #tpu.memory_space<vmem>>
    %dma_start3A_104 = arith.constant 0 : i32
    %dma_start3A_105 = tpu.memref_slice %arg7[%dma_start3A_98, %dma_start3A_104] : memref<128x50xi32, #tpu.memory_space<vmem>> -> memref<1x50xi32, #tpu.memory_space<vmem>>
    %dma_start3A_106 = tpu.memref_squeeze %dma_start3A_105 : memref<1x50xi32, #tpu.memory_space<vmem>> -> memref<50xi32, #tpu.memory_space<vmem>>
    %dma_start3A_107 = arith.constant 0 : i32
    %dma_start3A_108 = arith.constant 0 : i32
    %dma_start3A_109 = tpu.memref_slice %arg3[%dma_start3A_107, %dma_start3A_108] : memref<1007616x64xf32, #tpu.memory_space<hbm>> -> memref<1007616x64xf32, #tpu.memory_space<hbm>>
    tpu.enqueue_indirect_dma source(%dma_start3A_109 : memref<1007616x64xf32, #tpu.memory_space<hbm>>) target(%dma_start3A_103 : memref<50x64xf32, #tpu.memory_space<vmem>>) offsets(%dma_start3A_106 : memref<50xi32, #tpu.memory_space<vmem>>) semaphore(%arg11 : memref<!tpu.dma_semaphore, #tpu.memory_space<semaphore_mem>>)
    %dma_start3A_110 = arith.constant 8 : i32
    %dma_start3A_111 = arith.constant 0 : i32
    %dma_start3A_112 = arith.constant 0 : i32
    %dma_start3A_113 = arith.constant 0 : i32
    %dma_start3A_114 = tpu.memref_slice %arg9[%dma_start3A_111, %dma_start3A_112, %dma_start3A_113] : memref<8x50x64xf32, #tpu.memory_space<vmem>> -> memref<1x50x64xf32, #tpu.memory_space<vmem>>
    %dma_start3A_115 = tpu.memref_squeeze %dma_start3A_114 : memref<1x50x64xf32, #tpu.memory_space<vmem>> -> memref<50x64xf32, #tpu.memory_space<vmem>>
    %dma_start3A_116 = arith.constant 0 : i32
    %dma_start3A_117 = tpu.memref_slice %arg7[%dma_start3A_110, %dma_start3A_116] : memref<128x50xi32, #tpu.memory_space<vmem>> -> memref<1x50xi32, #tpu.memory_space<vmem>>
    %dma_start3A_118 = tpu.memref_squeeze %dma_start3A_117 : memref<1x50xi32, #tpu.memory_space<vmem>> -> memref<50xi32, #tpu.memory_space<vmem>>
    %dma_start3A_119 = arith.constant 0 : i32
    %dma_start3A_120 = arith.constant 0 : i32
    %dma_start3A_121 = tpu.memref_slice %arg3[%dma_start3A_119, %dma_start3A_120] : memref<1007616x64xf32, #tpu.memory_space<hbm>> -> memref<1007616x64xf32, #tpu.memory_space<hbm>>
    tpu.enqueue_indirect_dma source(%dma_start3A_121 : memref<1007616x64xf32, #tpu.memory_space<hbm>>) target(%dma_start3A_115 : memref<50x64xf32, #tpu.memory_space<vmem>>) offsets(%dma_start3A_118 : memref<50xi32, #tpu.memory_space<vmem>>) semaphore(%arg12 : memref<!tpu.dma_semaphore, #tpu.memory_space<semaphore_mem>>)
    %dma_start3A_122 = arith.constant 9 : i32
    %dma_start3A_123 = arith.constant 1 : i32
    %dma_start3A_124 = arith.constant 0 : i32
    %dma_start3A_125 = arith.constant 0 : i32
    %dma_start3A_126 = tpu.memref_slice %arg9[%dma_start3A_123, %dma_start3A_124, %dma_start3A_125] : memref<8x50x64xf32, #tpu.memory_space<vmem>> -> memref<1x50x64xf32, #tpu.memory_space<vmem>>
    %dma_start3A_127 = tpu.memref_squeeze %dma_start3A_126 : memref<1x50x64xf32, #tpu.memory_space<vmem>> -> memref<50x64xf32, #tpu.memory_space<vmem>>
    %dma_start3A_128 = arith.constant 0 : i32
    %dma_start3A_129 = tpu.memref_slice %arg7[%dma_start3A_122, %dma_start3A_128] : memref<128x50xi32, #tpu.memory_space<vmem>> -> memref<1x50xi32, #tpu.memory_space<vmem>>
    %dma_start3A_130 = tpu.memref_squeeze %dma_start3A_129 : memref<1x50xi32, #tpu.memory_space<vmem>> -> memref<50xi32, #tpu.memory_space<vmem>>
    %dma_start3A_131 = arith.constant 0 : i32
    %dma_start3A_132 = arith.constant 0 : i32
    %dma_start3A_133 = tpu.memref_slice %arg3[%dma_start3A_131, %dma_start3A_132] : memref<1007616x64xf32, #tpu.memory_space<hbm>> -> memref<1007616x64xf32, #tpu.memory_space<hbm>>
    tpu.enqueue_indirect_dma source(%dma_start3A_133 : memref<1007616x64xf32, #tpu.memory_space<hbm>>) target(%dma_start3A_127 : memref<50x64xf32, #tpu.memory_space<vmem>>) offsets(%dma_start3A_130 : memref<50xi32, #tpu.memory_space<vmem>>) semaphore(%arg12 : memref<!tpu.dma_semaphore, #tpu.memory_space<semaphore_mem>>)
    %dma_start3A_134 = arith.constant 10 : i32
    %dma_start3A_135 = arith.constant 2 : i32
    %dma_start3A_136 = arith.constant 0 : i32
    %dma_start3A_137 = arith.constant 0 : i32
    %dma_start3A_138 = tpu.memref_slice %arg9[%dma_start3A_135, %dma_start3A_136, %dma_start3A_137] : memref<8x50x64xf32, #tpu.memory_space<vmem>> -> memref<1x50x64xf32, #tpu.memory_space<vmem>>
    %dma_start3A_139 = tpu.memref_squeeze %dma_start3A_138 : memref<1x50x64xf32, #tpu.memory_space<vmem>> -> memref<50x64xf32, #tpu.memory_space<vmem>>
    %dma_start3A_140 = arith.constant 0 : i32
    %dma_start3A_141 = tpu.memref_slice %arg7[%dma_start3A_134, %dma_start3A_140] : memref<128x50xi32, #tpu.memory_space<vmem>> -> memref<1x50xi32, #tpu.memory_space<vmem>>
    %dma_start3A_142 = tpu.memref_squeeze %dma_start3A_141 : memref<1x50xi32, #tpu.memory_space<vmem>> -> memref<50xi32, #tpu.memory_space<vmem>>
    %dma_start3A_143 = arith.constant 0 : i32
    %dma_start3A_144 = arith.constant 0 : i32
    %dma_start3A_145 = tpu.memref_slice %arg3[%dma_start3A_143, %dma_start3A_144] : memref<1007616x64xf32, #tpu.memory_space<hbm>> -> memref<1007616x64xf32, #tpu.memory_space<hbm>>
    tpu.enqueue_indirect_dma source(%dma_start3A_145 : memref<1007616x64xf32, #tpu.memory_space<hbm>>) target(%dma_start3A_139 : memref<50x64xf32, #tpu.memory_space<vmem>>) offsets(%dma_start3A_142 : memref<50xi32, #tpu.memory_space<vmem>>) semaphore(%arg12 : memref<!tpu.dma_semaphore, #tpu.memory_space<semaphore_mem>>)
    %dma_start3A_146 = arith.constant 11 : i32
    %dma_start3A_147 = arith.constant 3 : i32
    %dma_start3A_148 = arith.constant 0 : i32
    %dma_start3A_149 = arith.constant 0 : i32
    %dma_start3A_150 = tpu.memref_slice %arg9[%dma_start3A_147, %dma_start3A_148, %dma_start3A_149] : memref<8x50x64xf32, #tpu.memory_space<vmem>> -> memref<1x50x64xf32, #tpu.memory_space<vmem>>
    %dma_start3A_151 = tpu.memref_squeeze %dma_start3A_150 : memref<1x50x64xf32, #tpu.memory_space<vmem>> -> memref<50x64xf32, #tpu.memory_space<vmem>>
    %dma_start3A_152 = arith.constant 0 : i32
    %dma_start3A_153 = tpu.memref_slice %arg7[%dma_start3A_146, %dma_start3A_152] : memref<128x50xi32, #tpu.memory_space<vmem>> -> memref<1x50xi32, #tpu.memory_space<vmem>>
    %dma_start3A_154 = tpu.memref_squeeze %dma_start3A_153 : memref<1x50xi32, #tpu.memory_space<vmem>> -> memref<50xi32, #tpu.memory_space<vmem>>
    %dma_start3A_155 = arith.constant 0 : i32
    %dma_start3A_156 = arith.constant 0 : i32
    %dma_start3A_157 = tpu.memref_slice %arg3[%dma_start3A_155, %dma_start3A_156] : memref<1007616x64xf32, #tpu.memory_space<hbm>> -> memref<1007616x64xf32, #tpu.memory_space<hbm>>
    tpu.enqueue_indirect_dma source(%dma_start3A_157 : memref<1007616x64xf32, #tpu.memory_space<hbm>>) target(%dma_start3A_151 : memref<50x64xf32, #tpu.memory_space<vmem>>) offsets(%dma_start3A_154 : memref<50xi32, #tpu.memory_space<vmem>>) semaphore(%arg12 : memref<!tpu.dma_semaphore, #tpu.memory_space<semaphore_mem>>)
    %dma_start3A_158 = arith.constant 12 : i32
    %dma_start3A_159 = arith.constant 4 : i32
    %dma_start3A_160 = arith.constant 0 : i32
    %dma_start3A_161 = arith.constant 0 : i32
    %dma_start3A_162 = tpu.memref_slice %arg9[%dma_start3A_159, %dma_start3A_160, %dma_start3A_161] : memref<8x50x64xf32, #tpu.memory_space<vmem>> -> memref<1x50x64xf32, #tpu.memory_space<vmem>>
    %dma_start3A_163 = tpu.memref_squeeze %dma_start3A_162 : memref<1x50x64xf32, #tpu.memory_space<vmem>> -> memref<50x64xf32, #tpu.memory_space<vmem>>
    %dma_start3A_164 = arith.constant 0 : i32
    %dma_start3A_165 = tpu.memref_slice %arg7[%dma_start3A_158, %dma_start3A_164] : memref<128x50xi32, #tpu.memory_space<vmem>> -> memref<1x50xi32, #tpu.memory_space<vmem>>
    %dma_start3A_166 = tpu.memref_squeeze %dma_start3A_165 : memref<1x50xi32, #tpu.memory_space<vmem>> -> memref<50xi32, #tpu.memory_space<vmem>>
    %dma_start3A_167 = arith.constant 0 : i32
    %dma_start3A_168 = arith.constant 0 : i32
    %dma_start3A_169 = tpu.memref_slice %arg3[%dma_start3A_167, %dma_start3A_168] : memref<1007616x64xf32, #tpu.memory_space<hbm>> -> memref<1007616x64xf32, #tpu.memory_space<hbm>>
    tpu.enqueue_indirect_dma source(%dma_start3A_169 : memref<1007616x64xf32, #tpu.memory_space<hbm>>) target(%dma_start3A_163 : memref<50x64xf32, #tpu.memory_space<vmem>>) offsets(%dma_start3A_166 : memref<50xi32, #tpu.memory_space<vmem>>) semaphore(%arg12 : memref<!tpu.dma_semaphore, #tpu.memory_space<semaphore_mem>>)
    %dma_start3A_170 = arith.constant 13 : i32
    %dma_start3A_171 = arith.constant 5 : i32
    %dma_start3A_172 = arith.constant 0 : i32
    %dma_start3A_173 = arith.constant 0 : i32
    %dma_start3A_174 = tpu.memref_slice %arg9[%dma_start3A_171, %dma_start3A_172, %dma_start3A_173] : memref<8x50x64xf32, #tpu.memory_space<vmem>> -> memref<1x50x64xf32, #tpu.memory_space<vmem>>
    %dma_start3A_175 = tpu.memref_squeeze %dma_start3A_174 : memref<1x50x64xf32, #tpu.memory_space<vmem>> -> memref<50x64xf32, #tpu.memory_space<vmem>>
    %dma_start3A_176 = arith.constant 0 : i32
    %dma_start3A_177 = tpu.memref_slice %arg7[%dma_start3A_170, %dma_start3A_176] : memref<128x50xi32, #tpu.memory_space<vmem>> -> memref<1x50xi32, #tpu.memory_space<vmem>>
    %dma_start3A_178 = tpu.memref_squeeze %dma_start3A_177 : memref<1x50xi32, #tpu.memory_space<vmem>> -> memref<50xi32, #tpu.memory_space<vmem>>
    %dma_start3A_179 = arith.constant 0 : i32
    %dma_start3A_180 = arith.constant 0 : i32
    %dma_start3A_181 = tpu.memref_slice %arg3[%dma_start3A_179, %dma_start3A_180] : memref<1007616x64xf32, #tpu.memory_space<hbm>> -> memref<1007616x64xf32, #tpu.memory_space<hbm>>
    tpu.enqueue_indirect_dma source(%dma_start3A_181 : memref<1007616x64xf32, #tpu.memory_space<hbm>>) target(%dma_start3A_175 : memref<50x64xf32, #tpu.memory_space<vmem>>) offsets(%dma_start3A_178 : memref<50xi32, #tpu.memory_space<vmem>>) semaphore(%arg12 : memref<!tpu.dma_semaphore, #tpu.memory_space<semaphore_mem>>)
    %dma_start3A_182 = arith.constant 14 : i32
    %dma_start3A_183 = arith.constant 6 : i32
    %dma_start3A_184 = arith.constant 0 : i32
    %dma_start3A_185 = arith.constant 0 : i32
    %dma_start3A_186 = tpu.memref_slice %arg9[%dma_start3A_183, %dma_start3A_184, %dma_start3A_185] : memref<8x50x64xf32, #tpu.memory_space<vmem>> -> memref<1x50x64xf32, #tpu.memory_space<vmem>>
    %dma_start3A_187 = tpu.memref_squeeze %dma_start3A_186 : memref<1x50x64xf32, #tpu.memory_space<vmem>> -> memref<50x64xf32, #tpu.memory_space<vmem>>
    %dma_start3A_188 = arith.constant 0 : i32
    %dma_start3A_189 = tpu.memref_slice %arg7[%dma_start3A_182, %dma_start3A_188] : memref<128x50xi32, #tpu.memory_space<vmem>> -> memref<1x50xi32, #tpu.memory_space<vmem>>
    %dma_start3A_190 = tpu.memref_squeeze %dma_start3A_189 : memref<1x50xi32, #tpu.memory_space<vmem>> -> memref<50xi32, #tpu.memory_space<vmem>>
    %dma_start3A_191 = arith.constant 0 : i32
    %dma_start3A_192 = arith.constant 0 : i32
    %dma_start3A_193 = tpu.memref_slice %arg3[%dma_start3A_191, %dma_start3A_192] : memref<1007616x64xf32, #tpu.memory_space<hbm>> -> memref<1007616x64xf32, #tpu.memory_space<hbm>>
    tpu.enqueue_indirect_dma source(%dma_start3A_193 : memref<1007616x64xf32, #tpu.memory_space<hbm>>) target(%dma_start3A_187 : memref<50x64xf32, #tpu.memory_space<vmem>>) offsets(%dma_start3A_190 : memref<50xi32, #tpu.memory_space<vmem>>) semaphore(%arg12 : memref<!tpu.dma_semaphore, #tpu.memory_space<semaphore_mem>>)
    %dma_start3A_194 = arith.constant 15 : i32
    %dma_start3A_195 = arith.constant 7 : i32
    %dma_start3A_196 = arith.constant 0 : i32
    %dma_start3A_197 = arith.constant 0 : i32
    %dma_start3A_198 = tpu.memref_slice %arg9[%dma_start3A_195, %dma_start3A_196, %dma_start3A_197] : memref<8x50x64xf32, #tpu.memory_space<vmem>> -> memref<1x50x64xf32, #tpu.memory_space<vmem>>
    %dma_start3A_199 = tpu.memref_squeeze %dma_start3A_198 : memref<1x50x64xf32, #tpu.memory_space<vmem>> -> memref<50x64xf32, #tpu.memory_space<vmem>>
    %dma_start3A_200 = arith.constant 0 : i32
    %dma_start3A_201 = tpu.memref_slice %arg7[%dma_start3A_194, %dma_start3A_200] : memref<128x50xi32, #tpu.memory_space<vmem>> -> memref<1x50xi32, #tpu.memory_space<vmem>>
    %dma_start3A_202 = tpu.memref_squeeze %dma_start3A_201 : memref<1x50xi32, #tpu.memory_space<vmem>> -> memref<50xi32, #tpu.memory_space<vmem>>
    %dma_start3A_203 = arith.constant 0 : i32
    %dma_start3A_204 = arith.constant 0 : i32
    %dma_start3A_205 = tpu.memref_slice %arg3[%dma_start3A_203, %dma_start3A_204] : memref<1007616x64xf32, #tpu.memory_space<hbm>> -> memref<1007616x64xf32, #tpu.memory_space<hbm>>
    tpu.enqueue_indirect_dma source(%dma_start3A_205 : memref<1007616x64xf32, #tpu.memory_space<hbm>>) target(%dma_start3A_199 : memref<50x64xf32, #tpu.memory_space<vmem>>) offsets(%dma_start3A_202 : memref<50xi32, #tpu.memory_space<vmem>>) semaphore(%arg12 : memref<!tpu.dma_semaphore, #tpu.memory_space<semaphore_mem>>)
    %scan3A_206 = arith.constant 0 : i32
    %scan3A_207 = arith.constant 7 : i32
    %scan3A_208 = arith.addi %scan3A_206, %scan3A_207 : i32
    %scan3A_209 = arith.constant 1 : i32
    scf.for %scan3A_418 = %scan3A_206 to %scan3A_208 step %scan3A_209  : i32 {
      %mul3A_419 = arith.constant 1 : i32
      %mul3A_420 = arith.muli %scan3A_418, %mul3A_419 : i32
      %add3A_421 = arith.constant 0 : i32
      %add3A_422 = arith.addi %add3A_421, %mul3A_420 : i32
      %mul3A_423 = arith.constant 2 : i32
      %mul3A_424 = arith.muli %add3A_422, %mul3A_423 : i32
      %add3A_425 = arith.constant 0 : i32
      %add3A_426 = arith.addi %mul3A_424, %add3A_425 : i32
      %dma_wait3A_427 = arith.constant 0 : i32
      %dma_wait3A_428 = arith.constant 0 : i32
      %dma_wait3A_429 = arith.constant 0 : i32
      %dma_wait3A_430 = arith.constant 0 : i32
      %dma_wait3A_431 = tpu.memref_slice %arg8[%dma_wait3A_428, %dma_wait3A_429, %dma_wait3A_430] : memref<8x50x64xf32, #tpu.memory_space<vmem>> -> memref<1x50x64xf32, #tpu.memory_space<vmem>>
      %dma_wait3A_432 = tpu.memref_squeeze %dma_wait3A_431 : memref<1x50x64xf32, #tpu.memory_space<vmem>> -> memref<50x64xf32, #tpu.memory_space<vmem>>
      %dma_wait3A_433 = arith.constant 0 : i32
      %dma_wait3A_434 = tpu.memref_slice %arg7[%dma_wait3A_427, %dma_wait3A_433] : memref<128x50xi32, #tpu.memory_space<vmem>> -> memref<1x50xi32, #tpu.memory_space<vmem>>
      %dma_wait3A_435 = tpu.memref_squeeze %dma_wait3A_434 : memref<1x50xi32, #tpu.memory_space<vmem>> -> memref<50xi32, #tpu.memory_space<vmem>>
      %dma_wait3A_436 = arith.constant 0 : i32
      %dma_wait3A_437 = arith.constant 0 : i32
      %dma_wait3A_438 = tpu.memref_slice %arg3[%dma_wait3A_436, %dma_wait3A_437] : memref<1007616x64xf32, #tpu.memory_space<hbm>> -> memref<1007616x64xf32, #tpu.memory_space<hbm>>
      tpu.wait_indirect_dma semaphore(%arg11 : memref<!tpu.dma_semaphore, #tpu.memory_space<semaphore_mem>>) src(%dma_wait3A_438 : memref<1007616x64xf32, #tpu.memory_space<hbm>>) dst(%dma_wait3A_432 : memref<50x64xf32, #tpu.memory_space<vmem>>)
      %dma_wait3A_439 = arith.constant 0 : i32
      %dma_wait3A_440 = arith.constant 1 : i32
      %dma_wait3A_441 = arith.constant 0 : i32
      %dma_wait3A_442 = arith.constant 0 : i32
      %dma_wait3A_443 = tpu.memref_slice %arg8[%dma_wait3A_440, %dma_wait3A_441, %dma_wait3A_442] : memref<8x50x64xf32, #tpu.memory_space<vmem>> -> memref<1x50x64xf32, #tpu.memory_space<vmem>>
      %dma_wait3A_444 = tpu.memref_squeeze %dma_wait3A_443 : memref<1x50x64xf32, #tpu.memory_space<vmem>> -> memref<50x64xf32, #tpu.memory_space<vmem>>
      %dma_wait3A_445 = arith.constant 0 : i32
      %dma_wait3A_446 = tpu.memref_slice %arg7[%dma_wait3A_439, %dma_wait3A_445] : memref<128x50xi32, #tpu.memory_space<vmem>> -> memref<1x50xi32, #tpu.memory_space<vmem>>
      %dma_wait3A_447 = tpu.memref_squeeze %dma_wait3A_446 : memref<1x50xi32, #tpu.memory_space<vmem>> -> memref<50xi32, #tpu.memory_space<vmem>>
      %dma_wait3A_448 = arith.constant 0 : i32
      %dma_wait3A_449 = arith.constant 0 : i32
      %dma_wait3A_450 = tpu.memref_slice %arg3[%dma_wait3A_448, %dma_wait3A_449] : memref<1007616x64xf32, #tpu.memory_space<hbm>> -> memref<1007616x64xf32, #tpu.memory_space<hbm>>
      tpu.wait_indirect_dma semaphore(%arg11 : memref<!tpu.dma_semaphore, #tpu.memory_space<semaphore_mem>>) src(%dma_wait3A_450 : memref<1007616x64xf32, #tpu.memory_space<hbm>>) dst(%dma_wait3A_444 : memref<50x64xf32, #tpu.memory_space<vmem>>)
      %dma_wait3A_451 = arith.constant 0 : i32
      %dma_wait3A_452 = arith.constant 2 : i32
      %dma_wait3A_453 = arith.constant 0 : i32
      %dma_wait3A_454 = arith.constant 0 : i32
      %dma_wait3A_455 = tpu.memref_slice %arg8[%dma_wait3A_452, %dma_wait3A_453, %dma_wait3A_454] : memref<8x50x64xf32, #tpu.memory_space<vmem>> -> memref<1x50x64xf32, #tpu.memory_space<vmem>>
      %dma_wait3A_456 = tpu.memref_squeeze %dma_wait3A_455 : memref<1x50x64xf32, #tpu.memory_space<vmem>> -> memref<50x64xf32, #tpu.memory_space<vmem>>
      %dma_wait3A_457 = arith.constant 0 : i32
      %dma_wait3A_458 = tpu.memref_slice %arg7[%dma_wait3A_451, %dma_wait3A_457] : memref<128x50xi32, #tpu.memory_space<vmem>> -> memref<1x50xi32, #tpu.memory_space<vmem>>
      %dma_wait3A_459 = tpu.memref_squeeze %dma_wait3A_458 : memref<1x50xi32, #tpu.memory_space<vmem>> -> memref<50xi32, #tpu.memory_space<vmem>>
      %dma_wait3A_460 = arith.constant 0 : i32
      %dma_wait3A_461 = arith.constant 0 : i32
      %dma_wait3A_462 = tpu.memref_slice %arg3[%dma_wait3A_460, %dma_wait3A_461] : memref<1007616x64xf32, #tpu.memory_space<hbm>> -> memref<1007616x64xf32, #tpu.memory_space<hbm>>
      tpu.wait_indirect_dma semaphore(%arg11 : memref<!tpu.dma_semaphore, #tpu.memory_space<semaphore_mem>>) src(%dma_wait3A_462 : memref<1007616x64xf32, #tpu.memory_space<hbm>>) dst(%dma_wait3A_456 : memref<50x64xf32, #tpu.memory_space<vmem>>)
      %dma_wait3A_463 = arith.constant 0 : i32
      %dma_wait3A_464 = arith.constant 3 : i32
      %dma_wait3A_465 = arith.constant 0 : i32
      %dma_wait3A_466 = arith.constant 0 : i32
      %dma_wait3A_467 = tpu.memref_slice %arg8[%dma_wait3A_464, %dma_wait3A_465, %dma_wait3A_466] : memref<8x50x64xf32, #tpu.memory_space<vmem>> -> memref<1x50x64xf32, #tpu.memory_space<vmem>>
      %dma_wait3A_468 = tpu.memref_squeeze %dma_wait3A_467 : memref<1x50x64xf32, #tpu.memory_space<vmem>> -> memref<50x64xf32, #tpu.memory_space<vmem>>
      %dma_wait3A_469 = arith.constant 0 : i32
      %dma_wait3A_470 = tpu.memref_slice %arg7[%dma_wait3A_463, %dma_wait3A_469] : memref<128x50xi32, #tpu.memory_space<vmem>> -> memref<1x50xi32, #tpu.memory_space<vmem>>
      %dma_wait3A_471 = tpu.memref_squeeze %dma_wait3A_470 : memref<1x50xi32, #tpu.memory_space<vmem>> -> memref<50xi32, #tpu.memory_space<vmem>>
      %dma_wait3A_472 = arith.constant 0 : i32
      %dma_wait3A_473 = arith.constant 0 : i32
      %dma_wait3A_474 = tpu.memref_slice %arg3[%dma_wait3A_472, %dma_wait3A_473] : memref<1007616x64xf32, #tpu.memory_space<hbm>> -> memref<1007616x64xf32, #tpu.memory_space<hbm>>
      tpu.wait_indirect_dma semaphore(%arg11 : memref<!tpu.dma_semaphore, #tpu.memory_space<semaphore_mem>>) src(%dma_wait3A_474 : memref<1007616x64xf32, #tpu.memory_space<hbm>>) dst(%dma_wait3A_468 : memref<50x64xf32, #tpu.memory_space<vmem>>)
      %dma_wait3A_475 = arith.constant 0 : i32
      %dma_wait3A_476 = arith.constant 4 : i32
      %dma_wait3A_477 = arith.constant 0 : i32
      %dma_wait3A_478 = arith.constant 0 : i32
      %dma_wait3A_479 = tpu.memref_slice %arg8[%dma_wait3A_476, %dma_wait3A_477, %dma_wait3A_478] : memref<8x50x64xf32, #tpu.memory_space<vmem>> -> memref<1x50x64xf32, #tpu.memory_space<vmem>>
      %dma_wait3A_480 = tpu.memref_squeeze %dma_wait3A_479 : memref<1x50x64xf32, #tpu.memory_space<vmem>> -> memref<50x64xf32, #tpu.memory_space<vmem>>
      %dma_wait3A_481 = arith.constant 0 : i32
      %dma_wait3A_482 = tpu.memref_slice %arg7[%dma_wait3A_475, %dma_wait3A_481] : memref<128x50xi32, #tpu.memory_space<vmem>> -> memref<1x50xi32, #tpu.memory_space<vmem>>
      %dma_wait3A_483 = tpu.memref_squeeze %dma_wait3A_482 : memref<1x50xi32, #tpu.memory_space<vmem>> -> memref<50xi32, #tpu.memory_space<vmem>>
      %dma_wait3A_484 = arith.constant 0 : i32
      %dma_wait3A_485 = arith.constant 0 : i32
      %dma_wait3A_486 = tpu.memref_slice %arg3[%dma_wait3A_484, %dma_wait3A_485] : memref<1007616x64xf32, #tpu.memory_space<hbm>> -> memref<1007616x64xf32, #tpu.memory_space<hbm>>
      tpu.wait_indirect_dma semaphore(%arg11 : memref<!tpu.dma_semaphore, #tpu.memory_space<semaphore_mem>>) src(%dma_wait3A_486 : memref<1007616x64xf32, #tpu.memory_space<hbm>>) dst(%dma_wait3A_480 : memref<50x64xf32, #tpu.memory_space<vmem>>)
      %dma_wait3A_487 = arith.constant 0 : i32
      %dma_wait3A_488 = arith.constant 5 : i32
      %dma_wait3A_489 = arith.constant 0 : i32
      %dma_wait3A_490 = arith.constant 0 : i32
      %dma_wait3A_491 = tpu.memref_slice %arg8[%dma_wait3A_488, %dma_wait3A_489, %dma_wait3A_490] : memref<8x50x64xf32, #tpu.memory_space<vmem>> -> memref<1x50x64xf32, #tpu.memory_space<vmem>>
      %dma_wait3A_492 = tpu.memref_squeeze %dma_wait3A_491 : memref<1x50x64xf32, #tpu.memory_space<vmem>> -> memref<50x64xf32, #tpu.memory_space<vmem>>
      %dma_wait3A_493 = arith.constant 0 : i32
      %dma_wait3A_494 = tpu.memref_slice %arg7[%dma_wait3A_487, %dma_wait3A_493] : memref<128x50xi32, #tpu.memory_space<vmem>> -> memref<1x50xi32, #tpu.memory_space<vmem>>
      %dma_wait3A_495 = tpu.memref_squeeze %dma_wait3A_494 : memref<1x50xi32, #tpu.memory_space<vmem>> -> memref<50xi32, #tpu.memory_space<vmem>>
      %dma_wait3A_496 = arith.constant 0 : i32
      %dma_wait3A_497 = arith.constant 0 : i32
      %dma_wait3A_498 = tpu.memref_slice %arg3[%dma_wait3A_496, %dma_wait3A_497] : memref<1007616x64xf32, #tpu.memory_space<hbm>> -> memref<1007616x64xf32, #tpu.memory_space<hbm>>
      tpu.wait_indirect_dma semaphore(%arg11 : memref<!tpu.dma_semaphore, #tpu.memory_space<semaphore_mem>>) src(%dma_wait3A_498 : memref<1007616x64xf32, #tpu.memory_space<hbm>>) dst(%dma_wait3A_492 : memref<50x64xf32, #tpu.memory_space<vmem>>)
      %dma_wait3A_499 = arith.constant 0 : i32
      %dma_wait3A_500 = arith.constant 6 : i32
      %dma_wait3A_501 = arith.constant 0 : i32
      %dma_wait3A_502 = arith.constant 0 : i32
      %dma_wait3A_503 = tpu.memref_slice %arg8[%dma_wait3A_500, %dma_wait3A_501, %dma_wait3A_502] : memref<8x50x64xf32, #tpu.memory_space<vmem>> -> memref<1x50x64xf32, #tpu.memory_space<vmem>>
      %dma_wait3A_504 = tpu.memref_squeeze %dma_wait3A_503 : memref<1x50x64xf32, #tpu.memory_space<vmem>> -> memref<50x64xf32, #tpu.memory_space<vmem>>
      %dma_wait3A_505 = arith.constant 0 : i32
      %dma_wait3A_506 = tpu.memref_slice %arg7[%dma_wait3A_499, %dma_wait3A_505] : memref<128x50xi32, #tpu.memory_space<vmem>> -> memref<1x50xi32, #tpu.memory_space<vmem>>
      %dma_wait3A_507 = tpu.memref_squeeze %dma_wait3A_506 : memref<1x50xi32, #tpu.memory_space<vmem>> -> memref<50xi32, #tpu.memory_space<vmem>>
      %dma_wait3A_508 = arith.constant 0 : i32
      %dma_wait3A_509 = arith.constant 0 : i32
      %dma_wait3A_510 = tpu.memref_slice %arg3[%dma_wait3A_508, %dma_wait3A_509] : memref<1007616x64xf32, #tpu.memory_space<hbm>> -> memref<1007616x64xf32, #tpu.memory_space<hbm>>
      tpu.wait_indirect_dma semaphore(%arg11 : memref<!tpu.dma_semaphore, #tpu.memory_space<semaphore_mem>>) src(%dma_wait3A_510 : memref<1007616x64xf32, #tpu.memory_space<hbm>>) dst(%dma_wait3A_504 : memref<50x64xf32, #tpu.memory_space<vmem>>)
      %dma_wait3A_511 = arith.constant 0 : i32
      %dma_wait3A_512 = arith.constant 7 : i32
      %dma_wait3A_513 = arith.constant 0 : i32
      %dma_wait3A_514 = arith.constant 0 : i32
      %dma_wait3A_515 = tpu.memref_slice %arg8[%dma_wait3A_512, %dma_wait3A_513, %dma_wait3A_514] : memref<8x50x64xf32, #tpu.memory_space<vmem>> -> memref<1x50x64xf32, #tpu.memory_space<vmem>>
      %dma_wait3A_516 = tpu.memref_squeeze %dma_wait3A_515 : memref<1x50x64xf32, #tpu.memory_space<vmem>> -> memref<50x64xf32, #tpu.memory_space<vmem>>
      %dma_wait3A_517 = arith.constant 0 : i32
      %dma_wait3A_518 = tpu.memref_slice %arg7[%dma_wait3A_511, %dma_wait3A_517] : memref<128x50xi32, #tpu.memory_space<vmem>> -> memref<1x50xi32, #tpu.memory_space<vmem>>
      %dma_wait3A_519 = tpu.memref_squeeze %dma_wait3A_518 : memref<1x50xi32, #tpu.memory_space<vmem>> -> memref<50xi32, #tpu.memory_space<vmem>>
      %dma_wait3A_520 = arith.constant 0 : i32
      %dma_wait3A_521 = arith.constant 0 : i32
      %dma_wait3A_522 = tpu.memref_slice %arg3[%dma_wait3A_520, %dma_wait3A_521] : memref<1007616x64xf32, #tpu.memory_space<hbm>> -> memref<1007616x64xf32, #tpu.memory_space<hbm>>
      tpu.wait_indirect_dma semaphore(%arg11 : memref<!tpu.dma_semaphore, #tpu.memory_space<semaphore_mem>>) src(%dma_wait3A_522 : memref<1007616x64xf32, #tpu.memory_space<hbm>>) dst(%dma_wait3A_516 : memref<50x64xf32, #tpu.memory_space<vmem>>)
      %scan3A_523 = arith.constant 0 : i32
      %scan3A_524 = arith.constant 0 : i32
      %scan3A_525 = arith.constant 50 : i32
      %scan3A_526 = arith.addi %scan3A_524, %scan3A_525 : i32
      %scan3A_527 = arith.constant 1 : i32
      scf.for %scan3A_883 = %scan3A_524 to %scan3A_526 step %scan3A_527  : i32 {
        %get3A_884 = arith.constant 0 : i32
        %get3A_885 = arith.index_cast %get3A_884 : i32 to index
        %get3A_886 = arith.index_cast %scan3A_883 : i32 to index
        %get3A_887 = arith.constant 0 : index
        %get3A_888 = tpu.vector_load %arg8[%get3A_885, %get3A_886, %get3A_887] {strides = array<i32>} : memref<8x50x64xf32, #tpu.memory_space<vmem>>, vector<16xf32>,
        %add3A_889 = arith.addf %get3A_888, %get3A_3 : vector<16xf32>
        %swap3A = arith.constant 0 : i32
        %swap3A_890 = arith.index_cast %swap3A : i32 to index
        %swap3A_891 = arith.index_cast %scan3A_883 : i32 to index
        %swap3A_892 = arith.constant 0 : index
        %swap3A_893 = tpu.vector_load %arg8[%swap3A_890, %swap3A_891, %swap3A_892] {strides = array<i32>} : memref<8x50x64xf32, #tpu.memory_space<vmem>>, vector<16xf32>,
        tpu.vector_store %arg8[%swap3A_890, %swap3A_891, %swap3A_892], %add3A_889 {strides = array<i32>} : memref<8x50x64xf32, #tpu.memory_space<vmem>>, vector<16xf32>,
        %get3A_894 = arith.constant 0 : i32
        %get3A_895 = arith.index_cast %get3A_894 : i32 to index
        %get3A_896 = arith.index_cast %scan3A_883 : i32 to index
        %get3A_897 = arith.constant 16 : index
        %get3A_898 = tpu.vector_load %arg8[%get3A_895, %get3A_896, %get3A_897] {strides = array<i32>} : memref<8x50x64xf32, #tpu.memory_space<vmem>>, vector<16xf32>,
        %add3A_899 = arith.addf %get3A_898, %get3A_5 : vector<16xf32>
        %swap3A_900 = arith.constant 0 : i32
        %swap3A_901 = arith.index_cast %swap3A_900 : i32 to index
        %swap3A_902 = arith.index_cast %scan3A_883 : i32 to index
        %swap3A_903 = arith.constant 16 : index
        %swap3A_904 = tpu.vector_load %arg8[%swap3A_901, %swap3A_902, %swap3A_903] {strides = array<i32>} : memref<8x50x64xf32, #tpu.memory_space<vmem>>, vector<16xf32>,
        tpu.vector_store %arg8[%swap3A_901, %swap3A_902, %swap3A_903], %add3A_899 {strides = array<i32>} : memref<8x50x64xf32, #tpu.memory_space<vmem>>, vector<16xf32>,
        %get3A_905 = arith.constant 0 : i32
        %get3A_906 = arith.index_cast %get3A_905 : i32 to index
        %get3A_907 = arith.index_cast %scan3A_883 : i32 to index
        %get3A_908 = arith.constant 32 : index
        %get3A_909 = tpu.vector_load %arg8[%get3A_906, %get3A_907, %get3A_908] {strides = array<i32>} : memref<8x50x64xf32, #tpu.memory_space<vmem>>, vector<16xf32>,
        %add3A_910 = arith.addf %get3A_909, %get3A_7 : vector<16xf32>
        %swap3A_911 = arith.constant 0 : i32
        %swap3A_912 = arith.index_cast %swap3A_911 : i32 to index
        %swap3A_913 = arith.index_cast %scan3A_883 : i32 to index
        %swap3A_914 = arith.constant 32 : index
        %swap3A_915 = tpu.vector_load %arg8[%swap3A_912, %swap3A_913, %swap3A_914] {strides = array<i32>} : memref<8x50x64xf32, #tpu.memory_space<vmem>>, vector<16xf32>,
        tpu.vector_store %arg8[%swap3A_912, %swap3A_913, %swap3A_914], %add3A_910 {strides = array<i32>} : memref<8x50x64xf32, #tpu.memory_space<vmem>>, vector<16xf32>,
        %get3A_916 = arith.constant 0 : i32
        %get3A_917 = arith.index_cast %get3A_916 : i32 to index
        %get3A_918 = arith.index_cast %scan3A_883 : i32 to index
        %get3A_919 = arith.constant 48 : index
        %get3A_920 = tpu.vector_load %arg8[%get3A_917, %get3A_918, %get3A_919] {strides = array<i32>} : memref<8x50x64xf32, #tpu.memory_space<vmem>>, vector<16xf32>,
        %add3A_921 = arith.addf %get3A_920, %get3A_9 : vector<16xf32>
        %swap3A_922 = arith.constant 0 : i32
        %swap3A_923 = arith.index_cast %swap3A_922 : i32 to index
        %swap3A_924 = arith.index_cast %scan3A_883 : i32 to index
        %swap3A_925 = arith.constant 48 : index
        %swap3A_926 = tpu.vector_load %arg8[%swap3A_923, %swap3A_924, %swap3A_925] {strides = array<i32>} : memref<8x50x64xf32, #tpu.memory_space<vmem>>, vector<16xf32>,
        tpu.vector_store %arg8[%swap3A_923, %swap3A_924, %swap3A_925], %add3A_921 {strides = array<i32>} : memref<8x50x64xf32, #tpu.memory_space<vmem>>, vector<16xf32>,
        %get3A_927 = arith.constant 1 : i32
        %get3A_928 = arith.index_cast %get3A_927 : i32 to index
        %get3A_929 = arith.index_cast %scan3A_883 : i32 to index
        %get3A_930 = arith.constant 0 : index
        %get3A_931 = tpu.vector_load %arg8[%get3A_928, %get3A_929, %get3A_930] {strides = array<i32>} : memref<8x50x64xf32, #tpu.memory_space<vmem>>, vector<16xf32>,
        %add3A_932 = arith.addf %get3A_931, %get3A_3 : vector<16xf32>
        %swap3A_933 = arith.constant 1 : i32
        %swap3A_934 = arith.index_cast %swap3A_933 : i32 to index
        %swap3A_935 = arith.index_cast %scan3A_883 : i32 to index
        %swap3A_936 = arith.constant 0 : index
        %swap3A_937 = tpu.vector_load %arg8[%swap3A_934, %swap3A_935, %swap3A_936] {strides = array<i32>} : memref<8x50x64xf32, #tpu.memory_space<vmem>>, vector<16xf32>,
        tpu.vector_store %arg8[%swap3A_934, %swap3A_935, %swap3A_936], %add3A_932 {strides = array<i32>} : memref<8x50x64xf32, #tpu.memory_space<vmem>>, vector<16xf32>,
        %get3A_938 = arith.constant 1 : i32
        %get3A_939 = arith.index_cast %get3A_938 : i32 to index
        %get3A_940 = arith.index_cast %scan3A_883 : i32 to index
        %get3A_941 = arith.constant 16 : index
        %get3A_942 = tpu.vector_load %arg8[%get3A_939, %get3A_940, %get3A_941] {strides = array<i32>} : memref<8x50x64xf32, #tpu.memory_space<vmem>>, vector<16xf32>,
        %add3A_943 = arith.addf %get3A_942, %get3A_5 : vector<16xf32>
        %swap3A_944 = arith.constant 1 : i32
        %swap3A_945 = arith.index_cast %swap3A_944 : i32 to index
        %swap3A_946 = arith.index_cast %scan3A_883 : i32 to index
        %swap3A_947 = arith.constant 16 : index
        %swap3A_948 = tpu.vector_load %arg8[%swap3A_945, %swap3A_946, %swap3A_947] {strides = array<i32>} : memref<8x50x64xf32, #tpu.memory_space<vmem>>, vector<16xf32>,
        tpu.vector_store %arg8[%swap3A_945, %swap3A_946, %swap3A_947], %add3A_943 {strides = array<i32>} : memref<8x50x64xf32, #tpu.memory_space<vmem>>, vector<16xf32>,
        %get3A_949 = arith.constant 1 : i32
        %get3A_950 = arith.index_cast %get3A_949 : i32 to index
        %get3A_951 = arith.index_cast %scan3A_883 : i32 to index
        %get3A_952 = arith.constant 32 : index
        %get3A_953 = tpu.vector_load %arg8[%get3A_950, %get3A_951, %get3A_952] {strides = array<i32>} : memref<8x50x64xf32, #tpu.memory_space<vmem>>, vector<16xf32>,
        %add3A_954 = arith.addf %get3A_953, %get3A_7 : vector<16xf32>
        %swap3A_955 = arith.constant 1 : i32
        %swap3A_956 = arith.index_cast %swap3A_955 : i32 to index
        %swap3A_957 = arith.index_cast %scan3A_883 : i32 to index
        %swap3A_958 = arith.constant 32 : index
        %swap3A_959 = tpu.vector_load %arg8[%swap3A_956, %swap3A_957, %swap3A_958] {strides = array<i32>} : memref<8x50x64xf32, #tpu.memory_space<vmem>>, vector<16xf32>,
        tpu.vector_store %arg8[%swap3A_956, %swap3A_957, %swap3A_958], %add3A_954 {strides = array<i32>} : memref<8x50x64xf32, #tpu.memory_space<vmem>>, vector<16xf32>,
        %get3A_960 = arith.constant 1 : i32
        %get3A_961 = arith.index_cast %get3A_960 : i32 to index
        %get3A_962 = arith.index_cast %scan3A_883 : i32 to index
        %get3A_963 = arith.constant 48 : index
        %get3A_964 = tpu.vector_load %arg8[%get3A_961, %get3A_962, %get3A_963] {strides = array<i32>} : memref<8x50x64xf32, #tpu.memory_space<vmem>>, vector<16xf32>,
        %add3A_965 = arith.addf %get3A_964, %get3A_9 : vector<16xf32>
        %swap3A_966 = arith.constant 1 : i32
        %swap3A_967 = arith.index_cast %swap3A_966 : i32 to index
        %swap3A_968 = arith.index_cast %scan3A_883 : i32 to index
        %swap3A_969 = arith.constant 48 : index
        %swap3A_970 = tpu.vector_load %arg8[%swap3A_967, %swap3A_968, %swap3A_969] {strides = array<i32>} : memref<8x50x64xf32, #tpu.memory_space<vmem>>, vector<16xf32>,
        tpu.vector_store %arg8[%swap3A_967, %swap3A_968, %swap3A_969], %add3A_965 {strides = array<i32>} : memref<8x50x64xf32, #tpu.memory_space<vmem>>, vector<16xf32>,
        %get3A_971 = arith.constant 2 : i32
        %get3A_972 = arith.index_cast %get3A_971 : i32 to index
        %get3A_973 = arith.index_cast %scan3A_883 : i32 to index
        %get3A_974 = arith.constant 0 : index
        %get3A_975 = tpu.vector_load %arg8[%get3A_972, %get3A_973, %get3A_974] {strides = array<i32>} : memref<8x50x64xf32, #tpu.memory_space<vmem>>, vector<16xf32>,
        %add3A_976 = arith.addf %get3A_975, %get3A_3 : vector<16xf32>
        %swap3A_977 = arith.constant 2 : i32
        %swap3A_978 = arith.index_cast %swap3A_977 : i32 to index
        %swap3A_979 = arith.index_cast %scan3A_883 : i32 to index
        %swap3A_980 = arith.constant 0 : index
        %swap3A_981 = tpu.vector_load %arg8[%swap3A_978, %swap3A_979, %swap3A_980] {strides = array<i32>} : memref<8x50x64xf32, #tpu.memory_space<vmem>>, vector<16xf32>,
        tpu.vector_store %arg8[%swap3A_978, %swap3A_979, %swap3A_980], %add3A_976 {strides = array<i32>} : memref<8x50x64xf32, #tpu.memory_space<vmem>>, vector<16xf32>,
        %get3A_982 = arith.constant 2 : i32
        %get3A_983 = arith.index_cast %get3A_982 : i32 to index
        %get3A_984 = arith.index_cast %scan3A_883 : i32 to index
        %get3A_985 = arith.constant 16 : index
        %get3A_986 = tpu.vector_load %arg8[%get3A_983, %get3A_984, %get3A_985] {strides = array<i32>} : memref<8x50x64xf32, #tpu.memory_space<vmem>>, vector<16xf32>,
        %add3A_987 = arith.addf %get3A_986, %get3A_5 : vector<16xf32>
        %swap3A_988 = arith.constant 2 : i32
        %swap3A_989 = arith.index_cast %swap3A_988 : i32 to index
        %swap3A_990 = arith.index_cast %scan3A_883 : i32 to index
        %swap3A_991 = arith.constant 16 : index
        %swap3A_992 = tpu.vector_load %arg8[%swap3A_989, %swap3A_990, %swap3A_991] {strides = array<i32>} : memref<8x50x64xf32, #tpu.memory_space<vmem>>, vector<16xf32>,
        tpu.vector_store %arg8[%swap3A_989, %swap3A_990, %swap3A_991], %add3A_987 {strides = array<i32>} : memref<8x50x64xf32, #tpu.memory_space<vmem>>, vector<16xf32>,
        %get3A_993 = arith.constant 2 : i32
        %get3A_994 = arith.index_cast %get3A_993 : i32 to index
        %get3A_995 = arith.index_cast %scan3A_883 : i32 to index
        %get3A_996 = arith.constant 32 : index
        %get3A_997 = tpu.vector_load %arg8[%get3A_994, %get3A_995, %get3A_996] {strides = array<i32>} : memref<8x50x64xf32, #tpu.memory_space<vmem>>, vector<16xf32>,
        %add3A_998 = arith.addf %get3A_997, %get3A_7 : vector<16xf32>
        %swap3A_999 = arith.constant 2 : i32
        %swap3A_1000 = arith.index_cast %swap3A_999 : i32 to index
        %swap3A_1001 = arith.index_cast %scan3A_883 : i32 to index
        %swap3A_1002 = arith.constant 32 : index
        %swap3A_1003 = tpu.vector_load %arg8[%swap3A_1000, %swap3A_1001, %swap3A_1002] {strides = array<i32>} : memref<8x50x64xf32, #tpu.memory_space<vmem>>, vector<16xf32>,
        tpu.vector_store %arg8[%swap3A_1000, %swap3A_1001, %swap3A_1002], %add3A_998 {strides = array<i32>} : memref<8x50x64xf32, #tpu.memory_space<vmem>>, vector<16xf32>,
        %get3A_1004 = arith.constant 2 : i32
        %get3A_1005 = arith.index_cast %get3A_1004 : i32 to index
        %get3A_1006 = arith.index_cast %scan3A_883 : i32 to index
        %get3A_1007 = arith.constant 48 : index
        %get3A_1008 = tpu.vector_load %arg8[%get3A_1005, %get3A_1006, %get3A_1007] {strides = array<i32>} : memref<8x50x64xf32, #tpu.memory_space<vmem>>, vector<16xf32>,
        %add3A_1009 = arith.addf %get3A_1008, %get3A_9 : vector<16xf32>
        %swap3A_1010 = arith.constant 2 : i32
        %swap3A_1011 = arith.index_cast %swap3A_1010 : i32 to index
        %swap3A_1012 = arith.index_cast %scan3A_883 : i32 to index
        %swap3A_1013 = arith.constant 48 : index
        %swap3A_1014 = tpu.vector_load %arg8[%swap3A_1011, %swap3A_1012, %swap3A_1013] {strides = array<i32>} : memref<8x50x64xf32, #tpu.memory_space<vmem>>, vector<16xf32>,
        tpu.vector_store %arg8[%swap3A_1011, %swap3A_1012, %swap3A_1013], %add3A_1009 {strides = array<i32>} : memref<8x50x64xf32, #tpu.memory_space<vmem>>, vector<16xf32>,
        %get3A_1015 = arith.constant 3 : i32
        %get3A_1016 = arith.index_cast %get3A_1015 : i32 to index
        %get3A_1017 = arith.index_cast %scan3A_883 : i32 to index
        %get3A_1018 = arith.constant 0 : index
        %get3A_1019 = tpu.vector_load %arg8[%get3A_1016, %get3A_1017, %get3A_1018] {strides = array<i32>} : memref<8x50x64xf32, #tpu.memory_space<vmem>>, vector<16xf32>,
        %add3A_1020 = arith.addf %get3A_1019, %get3A_3 : vector<16xf32>
        %swap3A_1021 = arith.constant 3 : i32
        %swap3A_1022 = arith.index_cast %swap3A_1021 : i32 to index
        %swap3A_1023 = arith.index_cast %scan3A_883 : i32 to index
        %swap3A_1024 = arith.constant 0 : index
        %swap3A_1025 = tpu.vector_load %arg8[%swap3A_1022, %swap3A_1023, %swap3A_1024] {strides = array<i32>} : memref<8x50x64xf32, #tpu.memory_space<vmem>>, vector<16xf32>,
        tpu.vector_store %arg8[%swap3A_1022, %swap3A_1023, %swap3A_1024], %add3A_1020 {strides = array<i32>} : memref<8x50x64xf32, #tpu.memory_space<vmem>>, vector<16xf32>,
        %get3A_1026 = arith.constant 3 : i32
        %get3A_1027 = arith.index_cast %get3A_1026 : i32 to index
        %get3A_1028 = arith.index_cast %scan3A_883 : i32 to index
        %get3A_1029 = arith.constant 16 : index
        %get3A_1030 = tpu.vector_load %arg8[%get3A_1027, %get3A_1028, %get3A_1029] {strides = array<i32>} : memref<8x50x64xf32, #tpu.memory_space<vmem>>, vector<16xf32>,
        %add3A_1031 = arith.addf %get3A_1030, %get3A_5 : vector<16xf32>
        %swap3A_1032 = arith.constant 3 : i32
        %swap3A_1033 = arith.index_cast %swap3A_1032 : i32 to index
        %swap3A_1034 = arith.index_cast %scan3A_883 : i32 to index
        %swap3A_1035 = arith.constant 16 : index
        %swap3A_1036 = tpu.vector_load %arg8[%swap3A_1033, %swap3A_1034, %swap3A_1035] {strides = array<i32>} : memref<8x50x64xf32, #tpu.memory_space<vmem>>, vector<16xf32>,
        tpu.vector_store %arg8[%swap3A_1033, %swap3A_1034, %swap3A_1035], %add3A_1031 {strides = array<i32>} : memref<8x50x64xf32, #tpu.memory_space<vmem>>, vector<16xf32>,
        %get3A_1037 = arith.constant 3 : i32
        %get3A_1038 = arith.index_cast %get3A_1037 : i32 to index
        %get3A_1039 = arith.index_cast %scan3A_883 : i32 to index
        %get3A_1040 = arith.constant 32 : index
        %get3A_1041 = tpu.vector_load %arg8[%get3A_1038, %get3A_1039, %get3A_1040] {strides = array<i32>} : memref<8x50x64xf32, #tpu.memory_space<vmem>>, vector<16xf32>,
        %add3A_1042 = arith.addf %get3A_1041, %get3A_7 : vector<16xf32>
        %swap3A_1043 = arith.constant 3 : i32
        %swap3A_1044 = arith.index_cast %swap3A_1043 : i32 to index
        %swap3A_1045 = arith.index_cast %scan3A_883 : i32 to index
        %swap3A_1046 = arith.constant 32 : index
        %swap3A_1047 = tpu.vector_load %arg8[%swap3A_1044, %swap3A_1045, %swap3A_1046] {strides = array<i32>} : memref<8x50x64xf32, #tpu.memory_space<vmem>>, vector<16xf32>,
        tpu.vector_store %arg8[%swap3A_1044, %swap3A_1045, %swap3A_1046], %add3A_1042 {strides = array<i32>} : memref<8x50x64xf32, #tpu.memory_space<vmem>>, vector<16xf32>,
        %get3A_1048 = arith.constant 3 : i32
        %get3A_1049 = arith.index_cast %get3A_1048 : i32 to index
        %get3A_1050 = arith.index_cast %scan3A_883 : i32 to index
        %get3A_1051 = arith.constant 48 : index
        %get3A_1052 = tpu.vector_load %arg8[%get3A_1049, %get3A_1050, %get3A_1051] {strides = array<i32>} : memref<8x50x64xf32, #tpu.memory_space<vmem>>, vector<16xf32>,
        %add3A_1053 = arith.addf %get3A_1052, %get3A_9 : vector<16xf32>
        %swap3A_1054 = arith.constant 3 : i32
        %swap3A_1055 = arith.index_cast %swap3A_1054 : i32 to index
        %swap3A_1056 = arith.index_cast %scan3A_883 : i32 to index
        %swap3A_1057 = arith.constant 48 : index
        %swap3A_1058 = tpu.vector_load %arg8[%swap3A_1055, %swap3A_1056, %swap3A_1057] {strides = array<i32>} : memref<8x50x64xf32, #tpu.memory_space<vmem>>, vector<16xf32>,
        tpu.vector_store %arg8[%swap3A_1055, %swap3A_1056, %swap3A_1057], %add3A_1053 {strides = array<i32>} : memref<8x50x64xf32, #tpu.memory_space<vmem>>, vector<16xf32>,
        %get3A_1059 = arith.constant 4 : i32
        %get3A_1060 = arith.index_cast %get3A_1059 : i32 to index
        %get3A_1061 = arith.index_cast %scan3A_883 : i32 to index
        %get3A_1062 = arith.constant 0 : index
        %get3A_1063 = tpu.vector_load %arg8[%get3A_1060, %get3A_1061, %get3A_1062] {strides = array<i32>} : memref<8x50x64xf32, #tpu.memory_space<vmem>>, vector<16xf32>,
        %add3A_1064 = arith.addf %get3A_1063, %get3A_3 : vector<16xf32>
        %swap3A_1065 = arith.constant 4 : i32
        %swap3A_1066 = arith.index_cast %swap3A_1065 : i32 to index
        %swap3A_1067 = arith.index_cast %scan3A_883 : i32 to index
        %swap3A_1068 = arith.constant 0 : index
        %swap3A_1069 = tpu.vector_load %arg8[%swap3A_1066, %swap3A_1067, %swap3A_1068] {strides = array<i32>} : memref<8x50x64xf32, #tpu.memory_space<vmem>>, vector<16xf32>,
        tpu.vector_store %arg8[%swap3A_1066, %swap3A_1067, %swap3A_1068], %add3A_1064 {strides = array<i32>} : memref<8x50x64xf32, #tpu.memory_space<vmem>>, vector<16xf32>,
        %get3A_1070 = arith.constant 4 : i32
        %get3A_1071 = arith.index_cast %get3A_1070 : i32 to index
        %get3A_1072 = arith.index_cast %scan3A_883 : i32 to index
        %get3A_1073 = arith.constant 16 : index
        %get3A_1074 = tpu.vector_load %arg8[%get3A_1071, %get3A_1072, %get3A_1073] {strides = array<i32>} : memref<8x50x64xf32, #tpu.memory_space<vmem>>, vector<16xf32>,
        %add3A_1075 = arith.addf %get3A_1074, %get3A_5 : vector<16xf32>
        %swap3A_1076 = arith.constant 4 : i32
        %swap3A_1077 = arith.index_cast %swap3A_1076 : i32 to index
        %swap3A_1078 = arith.index_cast %scan3A_883 : i32 to index
        %swap3A_1079 = arith.constant 16 : index
        %swap3A_1080 = tpu.vector_load %arg8[%swap3A_1077, %swap3A_1078, %swap3A_1079] {strides = array<i32>} : memref<8x50x64xf32, #tpu.memory_space<vmem>>, vector<16xf32>,
        tpu.vector_store %arg8[%swap3A_1077, %swap3A_1078, %swap3A_1079], %add3A_1075 {strides = array<i32>} : memref<8x50x64xf32, #tpu.memory_space<vmem>>, vector<16xf32>,
        %get3A_1081 = arith.constant 4 : i32
        %get3A_1082 = arith.index_cast %get3A_1081 : i32 to index
        %get3A_1083 = arith.index_cast %scan3A_883 : i32 to index
        %get3A_1084 = arith.constant 32 : index
        %get3A_1085 = tpu.vector_load %arg8[%get3A_1082, %get3A_1083, %get3A_1084] {strides = array<i32>} : memref<8x50x64xf32, #tpu.memory_space<vmem>>, vector<16xf32>,
        %add3A_1086 = arith.addf %get3A_1085, %get3A_7 : vector<16xf32>
        %swap3A_1087 = arith.constant 4 : i32
        %swap3A_1088 = arith.index_cast %swap3A_1087 : i32 to index
        %swap3A_1089 = arith.index_cast %scan3A_883 : i32 to index
        %swap3A_1090 = arith.constant 32 : index
        %swap3A_1091 = tpu.vector_load %arg8[%swap3A_1088, %swap3A_1089, %swap3A_1090] {strides = array<i32>} : memref<8x50x64xf32, #tpu.memory_space<vmem>>, vector<16xf32>,
        tpu.vector_store %arg8[%swap3A_1088, %swap3A_1089, %swap3A_1090], %add3A_1086 {strides = array<i32>} : memref<8x50x64xf32, #tpu.memory_space<vmem>>, vector<16xf32>,
        %get3A_1092 = arith.constant 4 : i32
        %get3A_1093 = arith.index_cast %get3A_1092 : i32 to index
        %get3A_1094 = arith.index_cast %scan3A_883 : i32 to index
        %get3A_1095 = arith.constant 48 : index
        %get3A_1096 = tpu.vector_load %arg8[%get3A_1093, %get3A_1094, %get3A_1095] {strides = array<i32>} : memref<8x50x64xf32, #tpu.memory_space<vmem>>, vector<16xf32>,
        %add3A_1097 = arith.addf %get3A_1096, %get3A_9 : vector<16xf32>
        %swap3A_1098 = arith.constant 4 : i32
        %swap3A_1099 = arith.index_cast %swap3A_1098 : i32 to index
        %swap3A_1100 = arith.index_cast %scan3A_883 : i32 to index
        %swap3A_1101 = arith.constant 48 : index
        %swap3A_1102 = tpu.vector_load %arg8[%swap3A_1099, %swap3A_1100, %swap3A_1101] {strides = array<i32>} : memref<8x50x64xf32, #tpu.memory_space<vmem>>, vector<16xf32>,
        tpu.vector_store %arg8[%swap3A_1099, %swap3A_1100, %swap3A_1101], %add3A_1097 {strides = array<i32>} : memref<8x50x64xf32, #tpu.memory_space<vmem>>, vector<16xf32>,
        %get3A_1103 = arith.constant 5 : i32
        %get3A_1104 = arith.index_cast %get3A_1103 : i32 to index
        %get3A_1105 = arith.index_cast %scan3A_883 : i32 to index
        %get3A_1106 = arith.constant 0 : index
        %get3A_1107 = tpu.vector_load %arg8[%get3A_1104, %get3A_1105, %get3A_1106] {strides = array<i32>} : memref<8x50x64xf32, #tpu.memory_space<vmem>>, vector<16xf32>,
        %add3A_1108 = arith.addf %get3A_1107, %get3A_3 : vector<16xf32>
        %swap3A_1109 = arith.constant 5 : i32
        %swap3A_1110 = arith.index_cast %swap3A_1109 : i32 to index
        %swap3A_1111 = arith.index_cast %scan3A_883 : i32 to index
        %swap3A_1112 = arith.constant 0 : index
        %swap3A_1113 = tpu.vector_load %arg8[%swap3A_1110, %swap3A_1111, %swap3A_1112] {strides = array<i32>} : memref<8x50x64xf32, #tpu.memory_space<vmem>>, vector<16xf32>,
        tpu.vector_store %arg8[%swap3A_1110, %swap3A_1111, %swap3A_1112], %add3A_1108 {strides = array<i32>} : memref<8x50x64xf32, #tpu.memory_space<vmem>>, vector<16xf32>,
        %get3A_1114 = arith.constant 5 : i32
        %get3A_1115 = arith.index_cast %get3A_1114 : i32 to index
        %get3A_1116 = arith.index_cast %scan3A_883 : i32 to index
        %get3A_1117 = arith.constant 16 : index
        %get3A_1118 = tpu.vector_load %arg8[%get3A_1115, %get3A_1116, %get3A_1117] {strides = array<i32>} : memref<8x50x64xf32, #tpu.memory_space<vmem>>, vector<16xf32>,
        %add3A_1119 = arith.addf %get3A_1118, %get3A_5 : vector<16xf32>
        %swap3A_1120 = arith.constant 5 : i32
        %swap3A_1121 = arith.index_cast %swap3A_1120 : i32 to index
        %swap3A_1122 = arith.index_cast %scan3A_883 : i32 to index
        %swap3A_1123 = arith.constant 16 : index
        %swap3A_1124 = tpu.vector_load %arg8[%swap3A_1121, %swap3A_1122, %swap3A_1123] {strides = array<i32>} : memref<8x50x64xf32, #tpu.memory_space<vmem>>, vector<16xf32>,
        tpu.vector_store %arg8[%swap3A_1121, %swap3A_1122, %swap3A_1123], %add3A_1119 {strides = array<i32>} : memref<8x50x64xf32, #tpu.memory_space<vmem>>, vector<16xf32>,
        %get3A_1125 = arith.constant 5 : i32
        %get3A_1126 = arith.index_cast %get3A_1125 : i32 to index
        %get3A_1127 = arith.index_cast %scan3A_883 : i32 to index
        %get3A_1128 = arith.constant 32 : index
        %get3A_1129 = tpu.vector_load %arg8[%get3A_1126, %get3A_1127, %get3A_1128] {strides = array<i32>} : memref<8x50x64xf32, #tpu.memory_space<vmem>>, vector<16xf32>,
        %add3A_1130 = arith.addf %get3A_1129, %get3A_7 : vector<16xf32>
        %swap3A_1131 = arith.constant 5 : i32
        %swap3A_1132 = arith.index_cast %swap3A_1131 : i32 to index
        %swap3A_1133 = arith.index_cast %scan3A_883 : i32 to index
        %swap3A_1134 = arith.constant 32 : index
        %swap3A_1135 = tpu.vector_load %arg8[%swap3A_1132, %swap3A_1133, %swap3A_1134] {strides = array<i32>} : memref<8x50x64xf32, #tpu.memory_space<vmem>>, vector<16xf32>,
        tpu.vector_store %arg8[%swap3A_1132, %swap3A_1133, %swap3A_1134], %add3A_1130 {strides = array<i32>} : memref<8x50x64xf32, #tpu.memory_space<vmem>>, vector<16xf32>,
        %get3A_1136 = arith.constant 5 : i32
        %get3A_1137 = arith.index_cast %get3A_1136 : i32 to index
        %get3A_1138 = arith.index_cast %scan3A_883 : i32 to index
        %get3A_1139 = arith.constant 48 : index
        %get3A_1140 = tpu.vector_load %arg8[%get3A_1137, %get3A_1138, %get3A_1139] {strides = array<i32>} : memref<8x50x64xf32, #tpu.memory_space<vmem>>, vector<16xf32>,
        %add3A_1141 = arith.addf %get3A_1140, %get3A_9 : vector<16xf32>
        %swap3A_1142 = arith.constant 5 : i32
        %swap3A_1143 = arith.index_cast %swap3A_1142 : i32 to index
        %swap3A_1144 = arith.index_cast %scan3A_883 : i32 to index
        %swap3A_1145 = arith.constant 48 : index
        %swap3A_1146 = tpu.vector_load %arg8[%swap3A_1143, %swap3A_1144, %swap3A_1145] {strides = array<i32>} : memref<8x50x64xf32, #tpu.memory_space<vmem>>, vector<16xf32>,
        tpu.vector_store %arg8[%swap3A_1143, %swap3A_1144, %swap3A_1145], %add3A_1141 {strides = array<i32>} : memref<8x50x64xf32, #tpu.memory_space<vmem>>, vector<16xf32>,
        %get3A_1147 = arith.constant 6 : i32
        %get3A_1148 = arith.index_cast %get3A_1147 : i32 to index
        %get3A_1149 = arith.index_cast %scan3A_883 : i32 to index
        %get3A_1150 = arith.constant 0 : index
        %get3A_1151 = tpu.vector_load %arg8[%get3A_1148, %get3A_1149, %get3A_1150] {strides = array<i32>} : memref<8x50x64xf32, #tpu.memory_space<vmem>>, vector<16xf32>,
        %add3A_1152 = arith.addf %get3A_1151, %get3A_3 : vector<16xf32>
        %swap3A_1153 = arith.constant 6 : i32
        %swap3A_1154 = arith.index_cast %swap3A_1153 : i32 to index
        %swap3A_1155 = arith.index_cast %scan3A_883 : i32 to index
        %swap3A_1156 = arith.constant 0 : index
        %swap3A_1157 = tpu.vector_load %arg8[%swap3A_1154, %swap3A_1155, %swap3A_1156] {strides = array<i32>} : memref<8x50x64xf32, #tpu.memory_space<vmem>>, vector<16xf32>,
        tpu.vector_store %arg8[%swap3A_1154, %swap3A_1155, %swap3A_1156], %add3A_1152 {strides = array<i32>} : memref<8x50x64xf32, #tpu.memory_space<vmem>>, vector<16xf32>,
        %get3A_1158 = arith.constant 6 : i32
        %get3A_1159 = arith.index_cast %get3A_1158 : i32 to index
        %get3A_1160 = arith.index_cast %scan3A_883 : i32 to index
        %get3A_1161 = arith.constant 16 : index
        %get3A_1162 = tpu.vector_load %arg8[%get3A_1159, %get3A_1160, %get3A_1161] {strides = array<i32>} : memref<8x50x64xf32, #tpu.memory_space<vmem>>, vector<16xf32>,
        %add3A_1163 = arith.addf %get3A_1162, %get3A_5 : vector<16xf32>
        %swap3A_1164 = arith.constant 6 : i32
        %swap3A_1165 = arith.index_cast %swap3A_1164 : i32 to index
        %swap3A_1166 = arith.index_cast %scan3A_883 : i32 to index
        %swap3A_1167 = arith.constant 16 : index
        %swap3A_1168 = tpu.vector_load %arg8[%swap3A_1165, %swap3A_1166, %swap3A_1167] {strides = array<i32>} : memref<8x50x64xf32, #tpu.memory_space<vmem>>, vector<16xf32>,
        tpu.vector_store %arg8[%swap3A_1165, %swap3A_1166, %swap3A_1167], %add3A_1163 {strides = array<i32>} : memref<8x50x64xf32, #tpu.memory_space<vmem>>, vector<16xf32>,
        %get3A_1169 = arith.constant 6 : i32
        %get3A_1170 = arith.index_cast %get3A_1169 : i32 to index
        %get3A_1171 = arith.index_cast %scan3A_883 : i32 to index
        %get3A_1172 = arith.constant 32 : index
        %get3A_1173 = tpu.vector_load %arg8[%get3A_1170, %get3A_1171, %get3A_1172] {strides = array<i32>} : memref<8x50x64xf32, #tpu.memory_space<vmem>>, vector<16xf32>,
        %add3A_1174 = arith.addf %get3A_1173, %get3A_7 : vector<16xf32>
        %swap3A_1175 = arith.constant 6 : i32
        %swap3A_1176 = arith.index_cast %swap3A_1175 : i32 to index
        %swap3A_1177 = arith.index_cast %scan3A_883 : i32 to index
        %swap3A_1178 = arith.constant 32 : index
        %swap3A_1179 = tpu.vector_load %arg8[%swap3A_1176, %swap3A_1177, %swap3A_1178] {strides = array<i32>} : memref<8x50x64xf32, #tpu.memory_space<vmem>>, vector<16xf32>,
        tpu.vector_store %arg8[%swap3A_1176, %swap3A_1177, %swap3A_1178], %add3A_1174 {strides = array<i32>} : memref<8x50x64xf32, #tpu.memory_space<vmem>>, vector<16xf32>,
        %get3A_1180 = arith.constant 6 : i32
        %get3A_1181 = arith.index_cast %get3A_1180 : i32 to index
        %get3A_1182 = arith.index_cast %scan3A_883 : i32 to index
        %get3A_1183 = arith.constant 48 : index
        %get3A_1184 = tpu.vector_load %arg8[%get3A_1181, %get3A_1182, %get3A_1183] {strides = array<i32>} : memref<8x50x64xf32, #tpu.memory_space<vmem>>, vector<16xf32>,
        %add3A_1185 = arith.addf %get3A_1184, %get3A_9 : vector<16xf32>
        %swap3A_1186 = arith.constant 6 : i32
        %swap3A_1187 = arith.index_cast %swap3A_1186 : i32 to index
        %swap3A_1188 = arith.index_cast %scan3A_883 : i32 to index
        %swap3A_1189 = arith.constant 48 : index
        %swap3A_1190 = tpu.vector_load %arg8[%swap3A_1187, %swap3A_1188, %swap3A_1189] {strides = array<i32>} : memref<8x50x64xf32, #tpu.memory_space<vmem>>, vector<16xf32>,
        tpu.vector_store %arg8[%swap3A_1187, %swap3A_1188, %swap3A_1189], %add3A_1185 {strides = array<i32>} : memref<8x50x64xf32, #tpu.memory_space<vmem>>, vector<16xf32>,
        %get3A_1191 = arith.constant 7 : i32
        %get3A_1192 = arith.index_cast %get3A_1191 : i32 to index
        %get3A_1193 = arith.index_cast %scan3A_883 : i32 to index
        %get3A_1194 = arith.constant 0 : index
        %get3A_1195 = tpu.vector_load %arg8[%get3A_1192, %get3A_1193, %get3A_1194] {strides = array<i32>} : memref<8x50x64xf32, #tpu.memory_space<vmem>>, vector<16xf32>,
        %add3A_1196 = arith.addf %get3A_1195, %get3A_3 : vector<16xf32>
        %swap3A_1197 = arith.constant 7 : i32
        %swap3A_1198 = arith.index_cast %swap3A_1197 : i32 to index
        %swap3A_1199 = arith.index_cast %scan3A_883 : i32 to index
        %swap3A_1200 = arith.constant 0 : index
        %swap3A_1201 = tpu.vector_load %arg8[%swap3A_1198, %swap3A_1199, %swap3A_1200] {strides = array<i32>} : memref<8x50x64xf32, #tpu.memory_space<vmem>>, vector<16xf32>,
        tpu.vector_store %arg8[%swap3A_1198, %swap3A_1199, %swap3A_1200], %add3A_1196 {strides = array<i32>} : memref<8x50x64xf32, #tpu.memory_space<vmem>>, vector<16xf32>,
        %get3A_1202 = arith.constant 7 : i32
        %get3A_1203 = arith.index_cast %get3A_1202 : i32 to index
        %get3A_1204 = arith.index_cast %scan3A_883 : i32 to index
        %get3A_1205 = arith.constant 16 : index
        %get3A_1206 = tpu.vector_load %arg8[%get3A_1203, %get3A_1204, %get3A_1205] {strides = array<i32>} : memref<8x50x64xf32, #tpu.memory_space<vmem>>, vector<16xf32>,
        %add3A_1207 = arith.addf %get3A_1206, %get3A_5 : vector<16xf32>
        %swap3A_1208 = arith.constant 7 : i32
        %swap3A_1209 = arith.index_cast %swap3A_1208 : i32 to index
        %swap3A_1210 = arith.index_cast %scan3A_883 : i32 to index
        %swap3A_1211 = arith.constant 16 : index
        %swap3A_1212 = tpu.vector_load %arg8[%swap3A_1209, %swap3A_1210, %swap3A_1211] {strides = array<i32>} : memref<8x50x64xf32, #tpu.memory_space<vmem>>, vector<16xf32>,
        tpu.vector_store %arg8[%swap3A_1209, %swap3A_1210, %swap3A_1211], %add3A_1207 {strides = array<i32>} : memref<8x50x64xf32, #tpu.memory_space<vmem>>, vector<16xf32>,
        %get3A_1213 = arith.constant 7 : i32
        %get3A_1214 = arith.index_cast %get3A_1213 : i32 to index
        %get3A_1215 = arith.index_cast %scan3A_883 : i32 to index
        %get3A_1216 = arith.constant 32 : index
        %get3A_1217 = tpu.vector_load %arg8[%get3A_1214, %get3A_1215, %get3A_1216] {strides = array<i32>} : memref<8x50x64xf32, #tpu.memory_space<vmem>>, vector<16xf32>,
        %add3A_1218 = arith.addf %get3A_1217, %get3A_7 : vector<16xf32>
        %swap3A_1219 = arith.constant 7 : i32
        %swap3A_1220 = arith.index_cast %swap3A_1219 : i32 to index
        %swap3A_1221 = arith.index_cast %scan3A_883 : i32 to index
        %swap3A_1222 = arith.constant 32 : index
        %swap3A_1223 = tpu.vector_load %arg8[%swap3A_1220, %swap3A_1221, %swap3A_1222] {strides = array<i32>} : memref<8x50x64xf32, #tpu.memory_space<vmem>>, vector<16xf32>,
        tpu.vector_store %arg8[%swap3A_1220, %swap3A_1221, %swap3A_1222], %add3A_1218 {strides = array<i32>} : memref<8x50x64xf32, #tpu.memory_space<vmem>>, vector<16xf32>,
        %get3A_1224 = arith.constant 7 : i32
        %get3A_1225 = arith.index_cast %get3A_1224 : i32 to index
        %get3A_1226 = arith.index_cast %scan3A_883 : i32 to index
        %get3A_1227 = arith.constant 48 : index
        %get3A_1228 = tpu.vector_load %arg8[%get3A_1225, %get3A_1226, %get3A_1227] {strides = array<i32>} : memref<8x50x64xf32, #tpu.memory_space<vmem>>, vector<16xf32>,
        %add3A_1229 = arith.addf %get3A_1228, %get3A_9 : vector<16xf32>
        %swap3A_1230 = arith.constant 7 : i32
        %swap3A_1231 = arith.index_cast %swap3A_1230 : i32 to index
        %swap3A_1232 = arith.index_cast %scan3A_883 : i32 to index
        %swap3A_1233 = arith.constant 48 : index
        %swap3A_1234 = tpu.vector_load %arg8[%swap3A_1231, %swap3A_1232, %swap3A_1233] {strides = array<i32>} : memref<8x50x64xf32, #tpu.memory_space<vmem>>, vector<16xf32>,
        tpu.vector_store %arg8[%swap3A_1231, %swap3A_1232, %swap3A_1233], %add3A_1229 {strides = array<i32>} : memref<8x50x64xf32, #tpu.memory_space<vmem>>, vector<16xf32>,
      }
      %scan3A_528 = arith.constant 50 : i32
      %mul3A_529 = arith.constant 8 : i32
      %mul3A_530 = arith.muli %add3A_426, %mul3A_529 : i32
      %add3A_531 = arith.addi %mul3A_2, %mul3A_530 : i32
      "tpu.region"() ({
        %run_scoped3A = tpu.sem_alloc : memref<!tpu.dma_semaphore, #tpu.memory_space<semaphore_mem>>
        %dma_start3A_883 = arith.constant 0 : i32
        %dma_start3A_884 = arith.constant 0 : i32
        %dma_start3A_885 = tpu.memref_slice %arg5[%add3A_531, %dma_start3A_883, %dma_start3A_884] : memref<4096x50x64xf32, #tpu.memory_space<hbm>> -> memref<8x50x64xf32, #tpu.memory_space<hbm>>
        %dma_start3A_886 = arith.constant 0 : i32
        %dma_start3A_887 = arith.constant 0 : i32
        %dma_start3A_888 = tpu.memref_slice %arg5[%add3A_531, %dma_start3A_886, %dma_start3A_887] : memref<4096x50x64xf32, #tpu.memory_space<hbm>> -> memref<8x50x64xf32, #tpu.memory_space<hbm>>
        tpu.enqueue_dma source(%arg8 : memref<8x50x64xf32, #tpu.memory_space<vmem>>) target(%dma_start3A_888 : memref<8x50x64xf32, #tpu.memory_space<hbm>>) target_semaphore(%run_scoped3A : memref<!tpu.dma_semaphore, #tpu.memory_space<semaphore_mem>>)
        %dma_wait3A_889 = arith.constant 0 : i32
        %dma_wait3A_890 = arith.constant 0 : i32
        %dma_wait3A_891 = tpu.memref_slice %arg5[%add3A_531, %dma_wait3A_889, %dma_wait3A_890] : memref<4096x50x64xf32, #tpu.memory_space<hbm>> -> memref<8x50x64xf32, #tpu.memory_space<hbm>>
        %dma_wait3A_892 = arith.constant 0 : i32
        %dma_wait3A_893 = arith.constant 0 : i32
        %dma_wait3A_894 = tpu.memref_slice %arg5[%add3A_531, %dma_wait3A_892, %dma_wait3A_893] : memref<4096x50x64xf32, #tpu.memory_space<hbm>> -> memref<8x50x64xf32, #tpu.memory_space<hbm>>
        tpu.wait_dma2 semaphore(%run_scoped3A : memref<!tpu.dma_semaphore, #tpu.memory_space<semaphore_mem>>) src(%arg8 : memref<8x50x64xf32, #tpu.memory_space<vmem>>) dst(%dma_wait3A_894 : memref<8x50x64xf32, #tpu.memory_space<hbm>>)
        tpu.yield
      }) : () -> ()
      %add3A_532 = arith.constant 2 : i32
      %add3A_533 = arith.addi %add3A_426, %add3A_532 : i32
      %mul3A_534 = arith.constant 8 : i32
      %mul3A_535 = arith.muli %add3A_533, %mul3A_534 : i32
      %add3A_536 = arith.constant 0 : i32
      %add3A_537 = arith.addi %mul3A_535, %add3A_536 : i32
      %dma_start3A_538 = arith.constant 0 : i32
      %dma_start3A_539 = arith.constant 0 : i32
      %dma_start3A_540 = arith.constant 0 : i32
      %dma_start3A_541 = tpu.memref_slice %arg8[%dma_start3A_538, %dma_start3A_539, %dma_start3A_540] : memref<8x50x64xf32, #tpu.memory_space<vmem>> -> memref<1x50x64xf32, #tpu.memory_space<vmem>>
      %dma_start3A_542 = tpu.memref_squeeze %dma_start3A_541 : memref<1x50x64xf32, #tpu.memory_space<vmem>> -> memref<50x64xf32, #tpu.memory_space<vmem>>
      %dma_start3A_543 = arith.constant 0 : i32
      %dma_start3A_544 = tpu.memref_slice %arg7[%add3A_537, %dma_start3A_543] : memref<128x50xi32, #tpu.memory_space<vmem>> -> memref<1x50xi32, #tpu.memory_space<vmem>>
      %dma_start3A_545 = tpu.memref_squeeze %dma_start3A_544 : memref<1x50xi32, #tpu.memory_space<vmem>> -> memref<50xi32, #tpu.memory_space<vmem>>
      %dma_start3A_546 = arith.constant 0 : i32
      %dma_start3A_547 = arith.constant 0 : i32
      %dma_start3A_548 = tpu.memref_slice %arg3[%dma_start3A_546, %dma_start3A_547] : memref<1007616x64xf32, #tpu.memory_space<hbm>> -> memref<1007616x64xf32, #tpu.memory_space<hbm>>
      tpu.enqueue_indirect_dma source(%dma_start3A_548 : memref<1007616x64xf32, #tpu.memory_space<hbm>>) target(%dma_start3A_542 : memref<50x64xf32, #tpu.memory_space<vmem>>) offsets(%dma_start3A_545 : memref<50xi32, #tpu.memory_space<vmem>>) semaphore(%arg11 : memref<!tpu.dma_semaphore, #tpu.memory_space<semaphore_mem>>)
      %mul3A_549 = arith.constant 8 : i32
      %mul3A_550 = arith.muli %add3A_533, %mul3A_549 : i32
      %add3A_551 = arith.constant 1 : i32
      %add3A_552 = arith.addi %mul3A_550, %add3A_551 : i32
      %dma_start3A_553 = arith.constant 1 : i32
      %dma_start3A_554 = arith.constant 0 : i32
      %dma_start3A_555 = arith.constant 0 : i32
      %dma_start3A_556 = tpu.memref_slice %arg8[%dma_start3A_553, %dma_start3A_554, %dma_start3A_555] : memref<8x50x64xf32, #tpu.memory_space<vmem>> -> memref<1x50x64xf32, #tpu.memory_space<vmem>>
      %dma_start3A_557 = tpu.memref_squeeze %dma_start3A_556 : memref<1x50x64xf32, #tpu.memory_space<vmem>> -> memref<50x64xf32, #tpu.memory_space<vmem>>
      %dma_start3A_558 = arith.constant 0 : i32
      %dma_start3A_559 = tpu.memref_slice %arg7[%add3A_552, %dma_start3A_558] : memref<128x50xi32, #tpu.memory_space<vmem>> -> memref<1x50xi32, #tpu.memory_space<vmem>>
      %dma_start3A_560 = tpu.memref_squeeze %dma_start3A_559 : memref<1x50xi32, #tpu.memory_space<vmem>> -> memref<50xi32, #tpu.memory_space<vmem>>
      %dma_start3A_561 = arith.constant 0 : i32
      %dma_start3A_562 = arith.constant 0 : i32
      %dma_start3A_563 = tpu.memref_slice %arg3[%dma_start3A_561, %dma_start3A_562] : memref<1007616x64xf32, #tpu.memory_space<hbm>> -> memref<1007616x64xf32, #tpu.memory_space<hbm>>
      tpu.enqueue_indirect_dma source(%dma_start3A_563 : memref<1007616x64xf32, #tpu.memory_space<hbm>>) target(%dma_start3A_557 : memref<50x64xf32, #tpu.memory_space<vmem>>) offsets(%dma_start3A_560 : memref<50xi32, #tpu.memory_space<vmem>>) semaphore(%arg11 : memref<!tpu.dma_semaphore, #tpu.memory_space<semaphore_mem>>)
      %mul3A_564 = arith.constant 8 : i32
      %mul3A_565 = arith.muli %add3A_533, %mul3A_564 : i32
      %add3A_566 = arith.constant 2 : i32
      %add3A_567 = arith.addi %mul3A_565, %add3A_566 : i32
      %dma_start3A_568 = arith.constant 2 : i32
      %dma_start3A_569 = arith.constant 0 : i32
      %dma_start3A_570 = arith.constant 0 : i32
      %dma_start3A_571 = tpu.memref_slice %arg8[%dma_start3A_568, %dma_start3A_569, %dma_start3A_570] : memref<8x50x64xf32, #tpu.memory_space<vmem>> -> memref<1x50x64xf32, #tpu.memory_space<vmem>>
      %dma_start3A_572 = tpu.memref_squeeze %dma_start3A_571 : memref<1x50x64xf32, #tpu.memory_space<vmem>> -> memref<50x64xf32, #tpu.memory_space<vmem>>
      %dma_start3A_573 = arith.constant 0 : i32
      %dma_start3A_574 = tpu.memref_slice %arg7[%add3A_567, %dma_start3A_573] : memref<128x50xi32, #tpu.memory_space<vmem>> -> memref<1x50xi32, #tpu.memory_space<vmem>>
      %dma_start3A_575 = tpu.memref_squeeze %dma_start3A_574 : memref<1x50xi32, #tpu.memory_space<vmem>> -> memref<50xi32, #tpu.memory_space<vmem>>
      %dma_start3A_576 = arith.constant 0 : i32
      %dma_start3A_577 = arith.constant 0 : i32
      %dma_start3A_578 = tpu.memref_slice %arg3[%dma_start3A_576, %dma_start3A_577] : memref<1007616x64xf32, #tpu.memory_space<hbm>> -> memref<1007616x64xf32, #tpu.memory_space<hbm>>
      tpu.enqueue_indirect_dma source(%dma_start3A_578 : memref<1007616x64xf32, #tpu.memory_space<hbm>>) target(%dma_start3A_572 : memref<50x64xf32, #tpu.memory_space<vmem>>) offsets(%dma_start3A_575 : memref<50xi32, #tpu.memory_space<vmem>>) semaphore(%arg11 : memref<!tpu.dma_semaphore, #tpu.memory_space<semaphore_mem>>)
      %mul3A_579 = arith.constant 8 : i32
      %mul3A_580 = arith.muli %add3A_533, %mul3A_579 : i32
      %add3A_581 = arith.constant 3 : i32
      %add3A_582 = arith.addi %mul3A_580, %add3A_581 : i32
      %dma_start3A_583 = arith.constant 3 : i32
      %dma_start3A_584 = arith.constant 0 : i32
      %dma_start3A_585 = arith.constant 0 : i32
      %dma_start3A_586 = tpu.memref_slice %arg8[%dma_start3A_583, %dma_start3A_584, %dma_start3A_585] : memref<8x50x64xf32, #tpu.memory_space<vmem>> -> memref<1x50x64xf32, #tpu.memory_space<vmem>>
      %dma_start3A_587 = tpu.memref_squeeze %dma_start3A_586 : memref<1x50x64xf32, #tpu.memory_space<vmem>> -> memref<50x64xf32, #tpu.memory_space<vmem>>
      %dma_start3A_588 = arith.constant 0 : i32
      %dma_start3A_589 = tpu.memref_slice %arg7[%add3A_582, %dma_start3A_588] : memref<128x50xi32, #tpu.memory_space<vmem>> -> memref<1x50xi32, #tpu.memory_space<vmem>>
      %dma_start3A_590 = tpu.memref_squeeze %dma_start3A_589 : memref<1x50xi32, #tpu.memory_space<vmem>> -> memref<50xi32, #tpu.memory_space<vmem>>
      %dma_start3A_591 = arith.constant 0 : i32
      %dma_start3A_592 = arith.constant 0 : i32
      %dma_start3A_593 = tpu.memref_slice %arg3[%dma_start3A_591, %dma_start3A_592] : memref<1007616x64xf32, #tpu.memory_space<hbm>> -> memref<1007616x64xf32, #tpu.memory_space<hbm>>
      tpu.enqueue_indirect_dma source(%dma_start3A_593 : memref<1007616x64xf32, #tpu.memory_space<hbm>>) target(%dma_start3A_587 : memref<50x64xf32, #tpu.memory_space<vmem>>) offsets(%dma_start3A_590 : memref<50xi32, #tpu.memory_space<vmem>>) semaphore(%arg11 : memref<!tpu.dma_semaphore, #tpu.memory_space<semaphore_mem>>)
      %mul3A_594 = arith.constant 8 : i32
      %mul3A_595 = arith.muli %add3A_533, %mul3A_594 : i32
      %add3A_596 = arith.constant 4 : i32
      %add3A_597 = arith.addi %mul3A_595, %add3A_596 : i32
      %dma_start3A_598 = arith.constant 4 : i32
      %dma_start3A_599 = arith.constant 0 : i32
      %dma_start3A_600 = arith.constant 0 : i32
      %dma_start3A_601 = tpu.memref_slice %arg8[%dma_start3A_598, %dma_start3A_599, %dma_start3A_600] : memref<8x50x64xf32, #tpu.memory_space<vmem>> -> memref<1x50x64xf32, #tpu.memory_space<vmem>>
      %dma_start3A_602 = tpu.memref_squeeze %dma_start3A_601 : memref<1x50x64xf32, #tpu.memory_space<vmem>> -> memref<50x64xf32, #tpu.memory_space<vmem>>
      %dma_start3A_603 = arith.constant 0 : i32
      %dma_start3A_604 = tpu.memref_slice %arg7[%add3A_597, %dma_start3A_603] : memref<128x50xi32, #tpu.memory_space<vmem>> -> memref<1x50xi32, #tpu.memory_space<vmem>>
      %dma_start3A_605 = tpu.memref_squeeze %dma_start3A_604 : memref<1x50xi32, #tpu.memory_space<vmem>> -> memref<50xi32, #tpu.memory_space<vmem>>
      %dma_start3A_606 = arith.constant 0 : i32
      %dma_start3A_607 = arith.constant 0 : i32
      %dma_start3A_608 = tpu.memref_slice %arg3[%dma_start3A_606, %dma_start3A_607] : memref<1007616x64xf32, #tpu.memory_space<hbm>> -> memref<1007616x64xf32, #tpu.memory_space<hbm>>
      tpu.enqueue_indirect_dma source(%dma_start3A_608 : memref<1007616x64xf32, #tpu.memory_space<hbm>>) target(%dma_start3A_602 : memref<50x64xf32, #tpu.memory_space<vmem>>) offsets(%dma_start3A_605 : memref<50xi32, #tpu.memory_space<vmem>>) semaphore(%arg11 : memref<!tpu.dma_semaphore, #tpu.memory_space<semaphore_mem>>)
      %mul3A_609 = arith.constant 8 : i32
      %mul3A_610 = arith.muli %add3A_533, %mul3A_609 : i32
      %add3A_611 = arith.constant 5 : i32
      %add3A_612 = arith.addi %mul3A_610, %add3A_611 : i32
      %dma_start3A_613 = arith.constant 5 : i32
      %dma_start3A_614 = arith.constant 0 : i32
      %dma_start3A_615 = arith.constant 0 : i32
      %dma_start3A_616 = tpu.memref_slice %arg8[%dma_start3A_613, %dma_start3A_614, %dma_start3A_615] : memref<8x50x64xf32, #tpu.memory_space<vmem>> -> memref<1x50x64xf32, #tpu.memory_space<vmem>>
      %dma_start3A_617 = tpu.memref_squeeze %dma_start3A_616 : memref<1x50x64xf32, #tpu.memory_space<vmem>> -> memref<50x64xf32, #tpu.memory_space<vmem>>
      %dma_start3A_618 = arith.constant 0 : i32
      %dma_start3A_619 = tpu.memref_slice %arg7[%add3A_612, %dma_start3A_618] : memref<128x50xi32, #tpu.memory_space<vmem>> -> memref<1x50xi32, #tpu.memory_space<vmem>>
      %dma_start3A_620 = tpu.memref_squeeze %dma_start3A_619 : memref<1x50xi32, #tpu.memory_space<vmem>> -> memref<50xi32, #tpu.memory_space<vmem>>
      %dma_start3A_621 = arith.constant 0 : i32
      %dma_start3A_622 = arith.constant 0 : i32
      %dma_start3A_623 = tpu.memref_slice %arg3[%dma_start3A_621, %dma_start3A_622] : memref<1007616x64xf32, #tpu.memory_space<hbm>> -> memref<1007616x64xf32, #tpu.memory_space<hbm>>
      tpu.enqueue_indirect_dma source(%dma_start3A_623 : memref<1007616x64xf32, #tpu.memory_space<hbm>>) target(%dma_start3A_617 : memref<50x64xf32, #tpu.memory_space<vmem>>) offsets(%dma_start3A_620 : memref<50xi32, #tpu.memory_space<vmem>>) semaphore(%arg11 : memref<!tpu.dma_semaphore, #tpu.memory_space<semaphore_mem>>)
      %mul3A_624 = arith.constant 8 : i32
      %mul3A_625 = arith.muli %add3A_533, %mul3A_624 : i32
      %add3A_626 = arith.constant 6 : i32
      %add3A_627 = arith.addi %mul3A_625, %add3A_626 : i32
      %dma_start3A_628 = arith.constant 6 : i32
      %dma_start3A_629 = arith.constant 0 : i32
      %dma_start3A_630 = arith.constant 0 : i32
      %dma_start3A_631 = tpu.memref_slice %arg8[%dma_start3A_628, %dma_start3A_629, %dma_start3A_630] : memref<8x50x64xf32, #tpu.memory_space<vmem>> -> memref<1x50x64xf32, #tpu.memory_space<vmem>>
      %dma_start3A_632 = tpu.memref_squeeze %dma_start3A_631 : memref<1x50x64xf32, #tpu.memory_space<vmem>> -> memref<50x64xf32, #tpu.memory_space<vmem>>
      %dma_start3A_633 = arith.constant 0 : i32
      %dma_start3A_634 = tpu.memref_slice %arg7[%add3A_627, %dma_start3A_633] : memref<128x50xi32, #tpu.memory_space<vmem>> -> memref<1x50xi32, #tpu.memory_space<vmem>>
      %dma_start3A_635 = tpu.memref_squeeze %dma_start3A_634 : memref<1x50xi32, #tpu.memory_space<vmem>> -> memref<50xi32, #tpu.memory_space<vmem>>
      %dma_start3A_636 = arith.constant 0 : i32
      %dma_start3A_637 = arith.constant 0 : i32
      %dma_start3A_638 = tpu.memref_slice %arg3[%dma_start3A_636, %dma_start3A_637] : memref<1007616x64xf32, #tpu.memory_space<hbm>> -> memref<1007616x64xf32, #tpu.memory_space<hbm>>
      tpu.enqueue_indirect_dma source(%dma_start3A_638 : memref<1007616x64xf32, #tpu.memory_space<hbm>>) target(%dma_start3A_632 : memref<50x64xf32, #tpu.memory_space<vmem>>) offsets(%dma_start3A_635 : memref<50xi32, #tpu.memory_space<vmem>>) semaphore(%arg11 : memref<!tpu.dma_semaphore, #tpu.memory_space<semaphore_mem>>)
      %mul3A_639 = arith.constant 8 : i32
      %mul3A_640 = arith.muli %add3A_533, %mul3A_639 : i32
      %add3A_641 = arith.constant 7 : i32
      %add3A_642 = arith.addi %mul3A_640, %add3A_641 : i32
      %dma_start3A_643 = arith.constant 7 : i32
      %dma_start3A_644 = arith.constant 0 : i32
      %dma_start3A_645 = arith.constant 0 : i32
      %dma_start3A_646 = tpu.memref_slice %arg8[%dma_start3A_643, %dma_start3A_644, %dma_start3A_645] : memref<8x50x64xf32, #tpu.memory_space<vmem>> -> memref<1x50x64xf32, #tpu.memory_space<vmem>>
      %dma_start3A_647 = tpu.memref_squeeze %dma_start3A_646 : memref<1x50x64xf32, #tpu.memory_space<vmem>> -> memref<50x64xf32, #tpu.memory_space<vmem>>
      %dma_start3A_648 = arith.constant 0 : i32
      %dma_start3A_649 = tpu.memref_slice %arg7[%add3A_642, %dma_start3A_648] : memref<128x50xi32, #tpu.memory_space<vmem>> -> memref<1x50xi32, #tpu.memory_space<vmem>>
      %dma_start3A_650 = tpu.memref_squeeze %dma_start3A_649 : memref<1x50xi32, #tpu.memory_space<vmem>> -> memref<50xi32, #tpu.memory_space<vmem>>
      %dma_start3A_651 = arith.constant 0 : i32
      %dma_start3A_652 = arith.constant 0 : i32
      %dma_start3A_653 = tpu.memref_slice %arg3[%dma_start3A_651, %dma_start3A_652] : memref<1007616x64xf32, #tpu.memory_space<hbm>> -> memref<1007616x64xf32, #tpu.memory_space<hbm>>
      tpu.enqueue_indirect_dma source(%dma_start3A_653 : memref<1007616x64xf32, #tpu.memory_space<hbm>>) target(%dma_start3A_647 : memref<50x64xf32, #tpu.memory_space<vmem>>) offsets(%dma_start3A_650 : memref<50xi32, #tpu.memory_space<vmem>>) semaphore(%arg11 : memref<!tpu.dma_semaphore, #tpu.memory_space<semaphore_mem>>)
      %add3A_654 = arith.constant 1 : i32
      %add3A_655 = arith.addi %mul3A_424, %add3A_654 : i32
      %dma_wait3A_656 = arith.constant 0 : i32
      %dma_wait3A_657 = arith.constant 0 : i32
      %dma_wait3A_658 = arith.constant 0 : i32
      %dma_wait3A_659 = arith.constant 0 : i32
      %dma_wait3A_660 = tpu.memref_slice %arg9[%dma_wait3A_657, %dma_wait3A_658, %dma_wait3A_659] : memref<8x50x64xf32, #tpu.memory_space<vmem>> -> memref<1x50x64xf32, #tpu.memory_space<vmem>>
      %dma_wait3A_661 = tpu.memref_squeeze %dma_wait3A_660 : memref<1x50x64xf32, #tpu.memory_space<vmem>> -> memref<50x64xf32, #tpu.memory_space<vmem>>
      %dma_wait3A_662 = arith.constant 0 : i32
      %dma_wait3A_663 = tpu.memref_slice %arg7[%dma_wait3A_656, %dma_wait3A_662] : memref<128x50xi32, #tpu.memory_space<vmem>> -> memref<1x50xi32, #tpu.memory_space<vmem>>
      %dma_wait3A_664 = tpu.memref_squeeze %dma_wait3A_663 : memref<1x50xi32, #tpu.memory_space<vmem>> -> memref<50xi32, #tpu.memory_space<vmem>>
      %dma_wait3A_665 = arith.constant 0 : i32
      %dma_wait3A_666 = arith.constant 0 : i32
      %dma_wait3A_667 = tpu.memref_slice %arg3[%dma_wait3A_665, %dma_wait3A_666] : memref<1007616x64xf32, #tpu.memory_space<hbm>> -> memref<1007616x64xf32, #tpu.memory_space<hbm>>
      tpu.wait_indirect_dma semaphore(%arg12 : memref<!tpu.dma_semaphore, #tpu.memory_space<semaphore_mem>>) src(%dma_wait3A_667 : memref<1007616x64xf32, #tpu.memory_space<hbm>>) dst(%dma_wait3A_661 : memref<50x64xf32, #tpu.memory_space<vmem>>)
      %dma_wait3A_668 = arith.constant 0 : i32
      %dma_wait3A_669 = arith.constant 1 : i32
      %dma_wait3A_670 = arith.constant 0 : i32
      %dma_wait3A_671 = arith.constant 0 : i32
      %dma_wait3A_672 = tpu.memref_slice %arg9[%dma_wait3A_669, %dma_wait3A_670, %dma_wait3A_671] : memref<8x50x64xf32, #tpu.memory_space<vmem>> -> memref<1x50x64xf32, #tpu.memory_space<vmem>>
      %dma_wait3A_673 = tpu.memref_squeeze %dma_wait3A_672 : memref<1x50x64xf32, #tpu.memory_space<vmem>> -> memref<50x64xf32, #tpu.memory_space<vmem>>
      %dma_wait3A_674 = arith.constant 0 : i32
      %dma_wait3A_675 = tpu.memref_slice %arg7[%dma_wait3A_668, %dma_wait3A_674] : memref<128x50xi32, #tpu.memory_space<vmem>> -> memref<1x50xi32, #tpu.memory_space<vmem>>
      %dma_wait3A_676 = tpu.memref_squeeze %dma_wait3A_675 : memref<1x50xi32, #tpu.memory_space<vmem>> -> memref<50xi32, #tpu.memory_space<vmem>>
      %dma_wait3A_677 = arith.constant 0 : i32
      %dma_wait3A_678 = arith.constant 0 : i32
      %dma_wait3A_679 = tpu.memref_slice %arg3[%dma_wait3A_677, %dma_wait3A_678] : memref<1007616x64xf32, #tpu.memory_space<hbm>> -> memref<1007616x64xf32, #tpu.memory_space<hbm>>
      tpu.wait_indirect_dma semaphore(%arg12 : memref<!tpu.dma_semaphore, #tpu.memory_space<semaphore_mem>>) src(%dma_wait3A_679 : memref<1007616x64xf32, #tpu.memory_space<hbm>>) dst(%dma_wait3A_673 : memref<50x64xf32, #tpu.memory_space<vmem>>)
      %dma_wait3A_680 = arith.constant 0 : i32
      %dma_wait3A_681 = arith.constant 2 : i32
      %dma_wait3A_682 = arith.constant 0 : i32
      %dma_wait3A_683 = arith.constant 0 : i32
      %dma_wait3A_684 = tpu.memref_slice %arg9[%dma_wait3A_681, %dma_wait3A_682, %dma_wait3A_683] : memref<8x50x64xf32, #tpu.memory_space<vmem>> -> memref<1x50x64xf32, #tpu.memory_space<vmem>>
      %dma_wait3A_685 = tpu.memref_squeeze %dma_wait3A_684 : memref<1x50x64xf32, #tpu.memory_space<vmem>> -> memref<50x64xf32, #tpu.memory_space<vmem>>
      %dma_wait3A_686 = arith.constant 0 : i32
      %dma_wait3A_687 = tpu.memref_slice %arg7[%dma_wait3A_680, %dma_wait3A_686] : memref<128x50xi32, #tpu.memory_space<vmem>> -> memref<1x50xi32, #tpu.memory_space<vmem>>
      %dma_wait3A_688 = tpu.memref_squeeze %dma_wait3A_687 : memref<1x50xi32, #tpu.memory_space<vmem>> -> memref<50xi32, #tpu.memory_space<vmem>>
      %dma_wait3A_689 = arith.constant 0 : i32
      %dma_wait3A_690 = arith.constant 0 : i32
      %dma_wait3A_691 = tpu.memref_slice %arg3[%dma_wait3A_689, %dma_wait3A_690] : memref<1007616x64xf32, #tpu.memory_space<hbm>> -> memref<1007616x64xf32, #tpu.memory_space<hbm>>
      tpu.wait_indirect_dma semaphore(%arg12 : memref<!tpu.dma_semaphore, #tpu.memory_space<semaphore_mem>>) src(%dma_wait3A_691 : memref<1007616x64xf32, #tpu.memory_space<hbm>>) dst(%dma_wait3A_685 : memref<50x64xf32, #tpu.memory_space<vmem>>)
      %dma_wait3A_692 = arith.constant 0 : i32
      %dma_wait3A_693 = arith.constant 3 : i32
      %dma_wait3A_694 = arith.constant 0 : i32
      %dma_wait3A_695 = arith.constant 0 : i32
      %dma_wait3A_696 = tpu.memref_slice %arg9[%dma_wait3A_693, %dma_wait3A_694, %dma_wait3A_695] : memref<8x50x64xf32, #tpu.memory_space<vmem>> -> memref<1x50x64xf32, #tpu.memory_space<vmem>>
      %dma_wait3A_697 = tpu.memref_squeeze %dma_wait3A_696 : memref<1x50x64xf32, #tpu.memory_space<vmem>> -> memref<50x64xf32, #tpu.memory_space<vmem>>
      %dma_wait3A_698 = arith.constant 0 : i32
      %dma_wait3A_699 = tpu.memref_slice %arg7[%dma_wait3A_692, %dma_wait3A_698] : memref<128x50xi32, #tpu.memory_space<vmem>> -> memref<1x50xi32, #tpu.memory_space<vmem>>
      %dma_wait3A_700 = tpu.memref_squeeze %dma_wait3A_699 : memref<1x50xi32, #tpu.memory_space<vmem>> -> memref<50xi32, #tpu.memory_space<vmem>>
      %dma_wait3A_701 = arith.constant 0 : i32
      %dma_wait3A_702 = arith.constant 0 : i32
      %dma_wait3A_703 = tpu.memref_slice %arg3[%dma_wait3A_701, %dma_wait3A_702] : memref<1007616x64xf32, #tpu.memory_space<hbm>> -> memref<1007616x64xf32, #tpu.memory_space<hbm>>
      tpu.wait_indirect_dma semaphore(%arg12 : memref<!tpu.dma_semaphore, #tpu.memory_space<semaphore_mem>>) src(%dma_wait3A_703 : memref<1007616x64xf32, #tpu.memory_space<hbm>>) dst(%dma_wait3A_697 : memref<50x64xf32, #tpu.memory_space<vmem>>)
      %dma_wait3A_704 = arith.constant 0 : i32
      %dma_wait3A_705 = arith.constant 4 : i32
      %dma_wait3A_706 = arith.constant 0 : i32
      %dma_wait3A_707 = arith.constant 0 : i32
      %dma_wait3A_708 = tpu.memref_slice %arg9[%dma_wait3A_705, %dma_wait3A_706, %dma_wait3A_707] : memref<8x50x64xf32, #tpu.memory_space<vmem>> -> memref<1x50x64xf32, #tpu.memory_space<vmem>>
      %dma_wait3A_709 = tpu.memref_squeeze %dma_wait3A_708 : memref<1x50x64xf32, #tpu.memory_space<vmem>> -> memref<50x64xf32, #tpu.memory_space<vmem>>
      %dma_wait3A_710 = arith.constant 0 : i32
      %dma_wait3A_711 = tpu.memref_slice %arg7[%dma_wait3A_704, %dma_wait3A_710] : memref<128x50xi32, #tpu.memory_space<vmem>> -> memref<1x50xi32, #tpu.memory_space<vmem>>
      %dma_wait3A_712 = tpu.memref_squeeze %dma_wait3A_711 : memref<1x50xi32, #tpu.memory_space<vmem>> -> memref<50xi32, #tpu.memory_space<vmem>>
      %dma_wait3A_713 = arith.constant 0 : i32
      %dma_wait3A_714 = arith.constant 0 : i32
      %dma_wait3A_715 = tpu.memref_slice %arg3[%dma_wait3A_713, %dma_wait3A_714] : memref<1007616x64xf32, #tpu.memory_space<hbm>> -> memref<1007616x64xf32, #tpu.memory_space<hbm>>
      tpu.wait_indirect_dma semaphore(%arg12 : memref<!tpu.dma_semaphore, #tpu.memory_space<semaphore_mem>>) src(%dma_wait3A_715 : memref<1007616x64xf32, #tpu.memory_space<hbm>>) dst(%dma_wait3A_709 : memref<50x64xf32, #tpu.memory_space<vmem>>)
      %dma_wait3A_716 = arith.constant 0 : i32
      %dma_wait3A_717 = arith.constant 5 : i32
      %dma_wait3A_718 = arith.constant 0 : i32
      %dma_wait3A_719 = arith.constant 0 : i32
      %dma_wait3A_720 = tpu.memref_slice %arg9[%dma_wait3A_717, %dma_wait3A_718, %dma_wait3A_719] : memref<8x50x64xf32, #tpu.memory_space<vmem>> -> memref<1x50x64xf32, #tpu.memory_space<vmem>>
      %dma_wait3A_721 = tpu.memref_squeeze %dma_wait3A_720 : memref<1x50x64xf32, #tpu.memory_space<vmem>> -> memref<50x64xf32, #tpu.memory_space<vmem>>
      %dma_wait3A_722 = arith.constant 0 : i32
      %dma_wait3A_723 = tpu.memref_slice %arg7[%dma_wait3A_716, %dma_wait3A_722] : memref<128x50xi32, #tpu.memory_space<vmem>> -> memref<1x50xi32, #tpu.memory_space<vmem>>
      %dma_wait3A_724 = tpu.memref_squeeze %dma_wait3A_723 : memref<1x50xi32, #tpu.memory_space<vmem>> -> memref<50xi32, #tpu.memory_space<vmem>>
      %dma_wait3A_725 = arith.constant 0 : i32
      %dma_wait3A_726 = arith.constant 0 : i32
      %dma_wait3A_727 = tpu.memref_slice %arg3[%dma_wait3A_725, %dma_wait3A_726] : memref<1007616x64xf32, #tpu.memory_space<hbm>> -> memref<1007616x64xf32, #tpu.memory_space<hbm>>
      tpu.wait_indirect_dma semaphore(%arg12 : memref<!tpu.dma_semaphore, #tpu.memory_space<semaphore_mem>>) src(%dma_wait3A_727 : memref<1007616x64xf32, #tpu.memory_space<hbm>>) dst(%dma_wait3A_721 : memref<50x64xf32, #tpu.memory_space<vmem>>)
      %dma_wait3A_728 = arith.constant 0 : i32
      %dma_wait3A_729 = arith.constant 6 : i32
      %dma_wait3A_730 = arith.constant 0 : i32
      %dma_wait3A_731 = arith.constant 0 : i32
      %dma_wait3A_732 = tpu.memref_slice %arg9[%dma_wait3A_729, %dma_wait3A_730, %dma_wait3A_731] : memref<8x50x64xf32, #tpu.memory_space<vmem>> -> memref<1x50x64xf32, #tpu.memory_space<vmem>>
      %dma_wait3A_733 = tpu.memref_squeeze %dma_wait3A_732 : memref<1x50x64xf32, #tpu.memory_space<vmem>> -> memref<50x64xf32, #tpu.memory_space<vmem>>
      %dma_wait3A_734 = arith.constant 0 : i32
      %dma_wait3A_735 = tpu.memref_slice %arg7[%dma_wait3A_728, %dma_wait3A_734] : memref<128x50xi32, #tpu.memory_space<vmem>> -> memref<1x50xi32, #tpu.memory_space<vmem>>
      %dma_wait3A_736 = tpu.memref_squeeze %dma_wait3A_735 : memref<1x50xi32, #tpu.memory_space<vmem>> -> memref<50xi32, #tpu.memory_space<vmem>>
      %dma_wait3A_737 = arith.constant 0 : i32
      %dma_wait3A_738 = arith.constant 0 : i32
      %dma_wait3A_739 = tpu.memref_slice %arg3[%dma_wait3A_737, %dma_wait3A_738] : memref<1007616x64xf32, #tpu.memory_space<hbm>> -> memref<1007616x64xf32, #tpu.memory_space<hbm>>
      tpu.wait_indirect_dma semaphore(%arg12 : memref<!tpu.dma_semaphore, #tpu.memory_space<semaphore_mem>>) src(%dma_wait3A_739 : memref<1007616x64xf32, #tpu.memory_space<hbm>>) dst(%dma_wait3A_733 : memref<50x64xf32, #tpu.memory_space<vmem>>)
      %dma_wait3A_740 = arith.constant 0 : i32
      %dma_wait3A_741 = arith.constant 7 : i32
      %dma_wait3A_742 = arith.constant 0 : i32
      %dma_wait3A_743 = arith.constant 0 : i32
      %dma_wait3A_744 = tpu.memref_slice %arg9[%dma_wait3A_741, %dma_wait3A_742, %dma_wait3A_743] : memref<8x50x64xf32, #tpu.memory_space<vmem>> -> memref<1x50x64xf32, #tpu.memory_space<vmem>>
      %dma_wait3A_745 = tpu.memref_squeeze %dma_wait3A_744 : memref<1x50x64xf32, #tpu.memory_space<vmem>> -> memref<50x64xf32, #tpu.memory_space<vmem>>
      %dma_wait3A_746 = arith.constant 0 : i32
      %dma_wait3A_747 = tpu.memref_slice %arg7[%dma_wait3A_740, %dma_wait3A_746] : memref<128x50xi32, #tpu.memory_space<vmem>> -> memref<1x50xi32, #tpu.memory_space<vmem>>
      %dma_wait3A_748 = tpu.memref_squeeze %dma_wait3A_747 : memref<1x50xi32, #tpu.memory_space<vmem>> -> memref<50xi32, #tpu.memory_space<vmem>>
      %dma_wait3A_749 = arith.constant 0 : i32
      %dma_wait3A_750 = arith.constant 0 : i32
      %dma_wait3A_751 = tpu.memref_slice %arg3[%dma_wait3A_749, %dma_wait3A_750] : memref<1007616x64xf32, #tpu.memory_space<hbm>> -> memref<1007616x64xf32, #tpu.memory_space<hbm>>
      tpu.wait_indirect_dma semaphore(%arg12 : memref<!tpu.dma_semaphore, #tpu.memory_space<semaphore_mem>>) src(%dma_wait3A_751 : memref<1007616x64xf32, #tpu.memory_space<hbm>>) dst(%dma_wait3A_745 : memref<50x64xf32, #tpu.memory_space<vmem>>)
      %scan3A_752 = arith.constant 0 : i32
      %scan3A_753 = arith.constant 0 : i32
      %scan3A_754 = arith.constant 50 : i32
      %scan3A_755 = arith.addi %scan3A_753, %scan3A_754 : i32
      %scan3A_756 = arith.constant 1 : i32
      scf.for %scan3A_883 = %scan3A_753 to %scan3A_755 step %scan3A_756  : i32 {
        %get3A_884 = arith.constant 0 : i32
        %get3A_885 = arith.index_cast %get3A_884 : i32 to index
        %get3A_886 = arith.index_cast %scan3A_883 : i32 to index
        %get3A_887 = arith.constant 0 : index
        %get3A_888 = tpu.vector_load %arg9[%get3A_885, %get3A_886, %get3A_887] {strides = array<i32>} : memref<8x50x64xf32, #tpu.memory_space<vmem>>, vector<16xf32>,
        %add3A_889 = arith.addf %get3A_888, %get3A_3 : vector<16xf32>
        %swap3A = arith.constant 0 : i32
        %swap3A_890 = arith.index_cast %swap3A : i32 to index
        %swap3A_891 = arith.index_cast %scan3A_883 : i32 to index
        %swap3A_892 = arith.constant 0 : index
        %swap3A_893 = tpu.vector_load %arg9[%swap3A_890, %swap3A_891, %swap3A_892] {strides = array<i32>} : memref<8x50x64xf32, #tpu.memory_space<vmem>>, vector<16xf32>,
        tpu.vector_store %arg9[%swap3A_890, %swap3A_891, %swap3A_892], %add3A_889 {strides = array<i32>} : memref<8x50x64xf32, #tpu.memory_space<vmem>>, vector<16xf32>,
        %get3A_894 = arith.constant 0 : i32
        %get3A_895 = arith.index_cast %get3A_894 : i32 to index
        %get3A_896 = arith.index_cast %scan3A_883 : i32 to index
        %get3A_897 = arith.constant 16 : index
        %get3A_898 = tpu.vector_load %arg9[%get3A_895, %get3A_896, %get3A_897] {strides = array<i32>} : memref<8x50x64xf32, #tpu.memory_space<vmem>>, vector<16xf32>,
        %add3A_899 = arith.addf %get3A_898, %get3A_5 : vector<16xf32>
        %swap3A_900 = arith.constant 0 : i32
        %swap3A_901 = arith.index_cast %swap3A_900 : i32 to index
        %swap3A_902 = arith.index_cast %scan3A_883 : i32 to index
        %swap3A_903 = arith.constant 16 : index
        %swap3A_904 = tpu.vector_load %arg9[%swap3A_901, %swap3A_902, %swap3A_903] {strides = array<i32>} : memref<8x50x64xf32, #tpu.memory_space<vmem>>, vector<16xf32>,
        tpu.vector_store %arg9[%swap3A_901, %swap3A_902, %swap3A_903], %add3A_899 {strides = array<i32>} : memref<8x50x64xf32, #tpu.memory_space<vmem>>, vector<16xf32>,
        %get3A_905 = arith.constant 0 : i32
        %get3A_906 = arith.index_cast %get3A_905 : i32 to index
        %get3A_907 = arith.index_cast %scan3A_883 : i32 to index
        %get3A_908 = arith.constant 32 : index
        %get3A_909 = tpu.vector_load %arg9[%get3A_906, %get3A_907, %get3A_908] {strides = array<i32>} : memref<8x50x64xf32, #tpu.memory_space<vmem>>, vector<16xf32>,
        %add3A_910 = arith.addf %get3A_909, %get3A_7 : vector<16xf32>
        %swap3A_911 = arith.constant 0 : i32
        %swap3A_912 = arith.index_cast %swap3A_911 : i32 to index
        %swap3A_913 = arith.index_cast %scan3A_883 : i32 to index
        %swap3A_914 = arith.constant 32 : index
        %swap3A_915 = tpu.vector_load %arg9[%swap3A_912, %swap3A_913, %swap3A_914] {strides = array<i32>} : memref<8x50x64xf32, #tpu.memory_space<vmem>>, vector<16xf32>,
        tpu.vector_store %arg9[%swap3A_912, %swap3A_913, %swap3A_914], %add3A_910 {strides = array<i32>} : memref<8x50x64xf32, #tpu.memory_space<vmem>>, vector<16xf32>,
        %get3A_916 = arith.constant 0 : i32
        %get3A_917 = arith.index_cast %get3A_916 : i32 to index
        %get3A_918 = arith.index_cast %scan3A_883 : i32 to index
        %get3A_919 = arith.constant 48 : index
        %get3A_920 = tpu.vector_load %arg9[%get3A_917, %get3A_918, %get3A_919] {strides = array<i32>} : memref<8x50x64xf32, #tpu.memory_space<vmem>>, vector<16xf32>,
        %add3A_921 = arith.addf %get3A_920, %get3A_9 : vector<16xf32>
        %swap3A_922 = arith.constant 0 : i32
        %swap3A_923 = arith.index_cast %swap3A_922 : i32 to index
        %swap3A_924 = arith.index_cast %scan3A_883 : i32 to index
        %swap3A_925 = arith.constant 48 : index
        %swap3A_926 = tpu.vector_load %arg9[%swap3A_923, %swap3A_924, %swap3A_925] {strides = array<i32>} : memref<8x50x64xf32, #tpu.memory_space<vmem>>, vector<16xf32>,
        tpu.vector_store %arg9[%swap3A_923, %swap3A_924, %swap3A_925], %add3A_921 {strides = array<i32>} : memref<8x50x64xf32, #tpu.memory_space<vmem>>, vector<16xf32>,
        %get3A_927 = arith.constant 1 : i32
        %get3A_928 = arith.index_cast %get3A_927 : i32 to index
        %get3A_929 = arith.index_cast %scan3A_883 : i32 to index
        %get3A_930 = arith.constant 0 : index
        %get3A_931 = tpu.vector_load %arg9[%get3A_928, %get3A_929, %get3A_930] {strides = array<i32>} : memref<8x50x64xf32, #tpu.memory_space<vmem>>, vector<16xf32>,
        %add3A_932 = arith.addf %get3A_931, %get3A_3 : vector<16xf32>
        %swap3A_933 = arith.constant 1 : i32
        %swap3A_934 = arith.index_cast %swap3A_933 : i32 to index
        %swap3A_935 = arith.index_cast %scan3A_883 : i32 to index
        %swap3A_936 = arith.constant 0 : index
        %swap3A_937 = tpu.vector_load %arg9[%swap3A_934, %swap3A_935, %swap3A_936] {strides = array<i32>} : memref<8x50x64xf32, #tpu.memory_space<vmem>>, vector<16xf32>,
        tpu.vector_store %arg9[%swap3A_934, %swap3A_935, %swap3A_936], %add3A_932 {strides = array<i32>} : memref<8x50x64xf32, #tpu.memory_space<vmem>>, vector<16xf32>,
        %get3A_938 = arith.constant 1 : i32
        %get3A_939 = arith.index_cast %get3A_938 : i32 to index
        %get3A_940 = arith.index_cast %scan3A_883 : i32 to index
        %get3A_941 = arith.constant 16 : index
        %get3A_942 = tpu.vector_load %arg9[%get3A_939, %get3A_940, %get3A_941] {strides = array<i32>} : memref<8x50x64xf32, #tpu.memory_space<vmem>>, vector<16xf32>,
        %add3A_943 = arith.addf %get3A_942, %get3A_5 : vector<16xf32>
        %swap3A_944 = arith.constant 1 : i32
        %swap3A_945 = arith.index_cast %swap3A_944 : i32 to index
        %swap3A_946 = arith.index_cast %scan3A_883 : i32 to index
        %swap3A_947 = arith.constant 16 : index
        %swap3A_948 = tpu.vector_load %arg9[%swap3A_945, %swap3A_946, %swap3A_947] {strides = array<i32>} : memref<8x50x64xf32, #tpu.memory_space<vmem>>, vector<16xf32>,
        tpu.vector_store %arg9[%swap3A_945, %swap3A_946, %swap3A_947], %add3A_943 {strides = array<i32>} : memref<8x50x64xf32, #tpu.memory_space<vmem>>, vector<16xf32>,
        %get3A_949 = arith.constant 1 : i32
        %get3A_950 = arith.index_cast %get3A_949 : i32 to index
        %get3A_951 = arith.index_cast %scan3A_883 : i32 to index
        %get3A_952 = arith.constant 32 : index
        %get3A_953 = tpu.vector_load %arg9[%get3A_950, %get3A_951, %get3A_952] {strides = array<i32>} : memref<8x50x64xf32, #tpu.memory_space<vmem>>, vector<16xf32>,
        %add3A_954 = arith.addf %get3A_953, %get3A_7 : vector<16xf32>
        %swap3A_955 = arith.constant 1 : i32
        %swap3A_956 = arith.index_cast %swap3A_955 : i32 to index
        %swap3A_957 = arith.index_cast %scan3A_883 : i32 to index
        %swap3A_958 = arith.constant 32 : index
        %swap3A_959 = tpu.vector_load %arg9[%swap3A_956, %swap3A_957, %swap3A_958] {strides = array<i32>} : memref<8x50x64xf32, #tpu.memory_space<vmem>>, vector<16xf32>,
        tpu.vector_store %arg9[%swap3A_956, %swap3A_957, %swap3A_958], %add3A_954 {strides = array<i32>} : memref<8x50x64xf32, #tpu.memory_space<vmem>>, vector<16xf32>,
        %get3A_960 = arith.constant 1 : i32
        %get3A_961 = arith.index_cast %get3A_960 : i32 to index
        %get3A_962 = arith.index_cast %scan3A_883 : i32 to index
        %get3A_963 = arith.constant 48 : index
        %get3A_964 = tpu.vector_load %arg9[%get3A_961, %get3A_962, %get3A_963] {strides = array<i32>} : memref<8x50x64xf32, #tpu.memory_space<vmem>>, vector<16xf32>,
        %add3A_965 = arith.addf %get3A_964, %get3A_9 : vector<16xf32>
        %swap3A_966 = arith.constant 1 : i32
        %swap3A_967 = arith.index_cast %swap3A_966 : i32 to index
        %swap3A_968 = arith.index_cast %scan3A_883 : i32 to index
        %swap3A_969 = arith.constant 48 : index
        %swap3A_970 = tpu.vector_load %arg9[%swap3A_967, %swap3A_968, %swap3A_969] {strides = array<i32>} : memref<8x50x64xf32, #tpu.memory_space<vmem>>, vector<16xf32>,
        tpu.vector_store %arg9[%swap3A_967, %swap3A_968, %swap3A_969], %add3A_965 {strides = array<i32>} : memref<8x50x64xf32, #tpu.memory_space<vmem>>, vector<16xf32>,
        %get3A_971 = arith.constant 2 : i32
        %get3A_972 = arith.index_cast %get3A_971 : i32 to index
        %get3A_973 = arith.index_cast %scan3A_883 : i32 to index
        %get3A_974 = arith.constant 0 : index
        %get3A_975 = tpu.vector_load %arg9[%get3A_972, %get3A_973, %get3A_974] {strides = array<i32>} : memref<8x50x64xf32, #tpu.memory_space<vmem>>, vector<16xf32>,
        %add3A_976 = arith.addf %get3A_975, %get3A_3 : vector<16xf32>
        %swap3A_977 = arith.constant 2 : i32
        %swap3A_978 = arith.index_cast %swap3A_977 : i32 to index
        %swap3A_979 = arith.index_cast %scan3A_883 : i32 to index
        %swap3A_980 = arith.constant 0 : index
        %swap3A_981 = tpu.vector_load %arg9[%swap3A_978, %swap3A_979, %swap3A_980] {strides = array<i32>} : memref<8x50x64xf32, #tpu.memory_space<vmem>>, vector<16xf32>,
        tpu.vector_store %arg9[%swap3A_978, %swap3A_979, %swap3A_980], %add3A_976 {strides = array<i32>} : memref<8x50x64xf32, #tpu.memory_space<vmem>>, vector<16xf32>,
        %get3A_982 = arith.constant 2 : i32
        %get3A_983 = arith.index_cast %get3A_982 : i32 to index
        %get3A_984 = arith.index_cast %scan3A_883 : i32 to index
        %get3A_985 = arith.constant 16 : index
        %get3A_986 = tpu.vector_load %arg9[%get3A_983, %get3A_984, %get3A_985] {strides = array<i32>} : memref<8x50x64xf32, #tpu.memory_space<vmem>>, vector<16xf32>,
        %add3A_987 = arith.addf %get3A_986, %get3A_5 : vector<16xf32>
        %swap3A_988 = arith.constant 2 : i32
        %swap3A_989 = arith.index_cast %swap3A_988 : i32 to index
        %swap3A_990 = arith.index_cast %scan3A_883 : i32 to index
        %swap3A_991 = arith.constant 16 : index
        %swap3A_992 = tpu.vector_load %arg9[%swap3A_989, %swap3A_990, %swap3A_991] {strides = array<i32>} : memref<8x50x64xf32, #tpu.memory_space<vmem>>, vector<16xf32>,
        tpu.vector_store %arg9[%swap3A_989, %swap3A_990, %swap3A_991], %add3A_987 {strides = array<i32>} : memref<8x50x64xf32, #tpu.memory_space<vmem>>, vector<16xf32>,
        %get3A_993 = arith.constant 2 : i32
        %get3A_994 = arith.index_cast %get3A_993 : i32 to index
        %get3A_995 = arith.index_cast %scan3A_883 : i32 to index
        %get3A_996 = arith.constant 32 : index
        %get3A_997 = tpu.vector_load %arg9[%get3A_994, %get3A_995, %get3A_996] {strides = array<i32>} : memref<8x50x64xf32, #tpu.memory_space<vmem>>, vector<16xf32>,
        %add3A_998 = arith.addf %get3A_997, %get3A_7 : vector<16xf32>
        %swap3A_999 = arith.constant 2 : i32
        %swap3A_1000 = arith.index_cast %swap3A_999 : i32 to index
        %swap3A_1001 = arith.index_cast %scan3A_883 : i32 to index
        %swap3A_1002 = arith.constant 32 : index
        %swap3A_1003 = tpu.vector_load %arg9[%swap3A_1000, %swap3A_1001, %swap3A_1002] {strides = array<i32>} : memref<8x50x64xf32, #tpu.memory_space<vmem>>, vector<16xf32>,
        tpu.vector_store %arg9[%swap3A_1000, %swap3A_1001, %swap3A_1002], %add3A_998 {strides = array<i32>} : memref<8x50x64xf32, #tpu.memory_space<vmem>>, vector<16xf32>,
        %get3A_1004 = arith.constant 2 : i32
        %get3A_1005 = arith.index_cast %get3A_1004 : i32 to index
        %get3A_1006 = arith.index_cast %scan3A_883 : i32 to index
        %get3A_1007 = arith.constant 48 : index
        %get3A_1008 = tpu.vector_load %arg9[%get3A_1005, %get3A_1006, %get3A_1007] {strides = array<i32>} : memref<8x50x64xf32, #tpu.memory_space<vmem>>, vector<16xf32>,
        %add3A_1009 = arith.addf %get3A_1008, %get3A_9 : vector<16xf32>
        %swap3A_1010 = arith.constant 2 : i32
        %swap3A_1011 = arith.index_cast %swap3A_1010 : i32 to index
        %swap3A_1012 = arith.index_cast %scan3A_883 : i32 to index
        %swap3A_1013 = arith.constant 48 : index
        %swap3A_1014 = tpu.vector_load %arg9[%swap3A_1011, %swap3A_1012, %swap3A_1013] {strides = array<i32>} : memref<8x50x64xf32, #tpu.memory_space<vmem>>, vector<16xf32>,
        tpu.vector_store %arg9[%swap3A_1011, %swap3A_1012, %swap3A_1013], %add3A_1009 {strides = array<i32>} : memref<8x50x64xf32, #tpu.memory_space<vmem>>, vector<16xf32>,
        %get3A_1015 = arith.constant 3 : i32
        %get3A_1016 = arith.index_cast %get3A_1015 : i32 to index
        %get3A_1017 = arith.index_cast %scan3A_883 : i32 to index
        %get3A_1018 = arith.constant 0 : index
        %get3A_1019 = tpu.vector_load %arg9[%get3A_1016, %get3A_1017, %get3A_1018] {strides = array<i32>} : memref<8x50x64xf32, #tpu.memory_space<vmem>>, vector<16xf32>,
        %add3A_1020 = arith.addf %get3A_1019, %get3A_3 : vector<16xf32>
        %swap3A_1021 = arith.constant 3 : i32
        %swap3A_1022 = arith.index_cast %swap3A_1021 : i32 to index
        %swap3A_1023 = arith.index_cast %scan3A_883 : i32 to index
        %swap3A_1024 = arith.constant 0 : index
        %swap3A_1025 = tpu.vector_load %arg9[%swap3A_1022, %swap3A_1023, %swap3A_1024] {strides = array<i32>} : memref<8x50x64xf32, #tpu.memory_space<vmem>>, vector<16xf32>,
        tpu.vector_store %arg9[%swap3A_1022, %swap3A_1023, %swap3A_1024], %add3A_1020 {strides = array<i32>} : memref<8x50x64xf32, #tpu.memory_space<vmem>>, vector<16xf32>,
        %get3A_1026 = arith.constant 3 : i32
        %get3A_1027 = arith.index_cast %get3A_1026 : i32 to index
        %get3A_1028 = arith.index_cast %scan3A_883 : i32 to index
        %get3A_1029 = arith.constant 16 : index
        %get3A_1030 = tpu.vector_load %arg9[%get3A_1027, %get3A_1028, %get3A_1029] {strides = array<i32>} : memref<8x50x64xf32, #tpu.memory_space<vmem>>, vector<16xf32>,
        %add3A_1031 = arith.addf %get3A_1030, %get3A_5 : vector<16xf32>
        %swap3A_1032 = arith.constant 3 : i32
        %swap3A_1033 = arith.index_cast %swap3A_1032 : i32 to index
        %swap3A_1034 = arith.index_cast %scan3A_883 : i32 to index
        %swap3A_1035 = arith.constant 16 : index
        %swap3A_1036 = tpu.vector_load %arg9[%swap3A_1033, %swap3A_1034, %swap3A_1035] {strides = array<i32>} : memref<8x50x64xf32, #tpu.memory_space<vmem>>, vector<16xf32>,
        tpu.vector_store %arg9[%swap3A_1033, %swap3A_1034, %swap3A_1035], %add3A_1031 {strides = array<i32>} : memref<8x50x64xf32, #tpu.memory_space<vmem>>, vector<16xf32>,
        %get3A_1037 = arith.constant 3 : i32
        %get3A_1038 = arith.index_cast %get3A_1037 : i32 to index
        %get3A_1039 = arith.index_cast %scan3A_883 : i32 to index
        %get3A_1040 = arith.constant 32 : index
        %get3A_1041 = tpu.vector_load %arg9[%get3A_1038, %get3A_1039, %get3A_1040] {strides = array<i32>} : memref<8x50x64xf32, #tpu.memory_space<vmem>>, vector<16xf32>,
        %add3A_1042 = arith.addf %get3A_1041, %get3A_7 : vector<16xf32>
        %swap3A_1043 = arith.constant 3 : i32
        %swap3A_1044 = arith.index_cast %swap3A_1043 : i32 to index
        %swap3A_1045 = arith.index_cast %scan3A_883 : i32 to index
        %swap3A_1046 = arith.constant 32 : index
        %swap3A_1047 = tpu.vector_load %arg9[%swap3A_1044, %swap3A_1045, %swap3A_1046] {strides = array<i32>} : memref<8x50x64xf32, #tpu.memory_space<vmem>>, vector<16xf32>,
        tpu.vector_store %arg9[%swap3A_1044, %swap3A_1045, %swap3A_1046], %add3A_1042 {strides = array<i32>} : memref<8x50x64xf32, #tpu.memory_space<vmem>>, vector<16xf32>,
        %get3A_1048 = arith.constant 3 : i32
        %get3A_1049 = arith.index_cast %get3A_1048 : i32 to index
        %get3A_1050 = arith.index_cast %scan3A_883 : i32 to index
        %get3A_1051 = arith.constant 48 : index
        %get3A_1052 = tpu.vector_load %arg9[%get3A_1049, %get3A_1050, %get3A_1051] {strides = array<i32>} : memref<8x50x64xf32, #tpu.memory_space<vmem>>, vector<16xf32>,
        %add3A_1053 = arith.addf %get3A_1052, %get3A_9 : vector<16xf32>
        %swap3A_1054 = arith.constant 3 : i32
        %swap3A_1055 = arith.index_cast %swap3A_1054 : i32 to index
        %swap3A_1056 = arith.index_cast %scan3A_883 : i32 to index
        %swap3A_1057 = arith.constant 48 : index
        %swap3A_1058 = tpu.vector_load %arg9[%swap3A_1055, %swap3A_1056, %swap3A_1057] {strides = array<i32>} : memref<8x50x64xf32, #tpu.memory_space<vmem>>, vector<16xf32>,
        tpu.vector_store %arg9[%swap3A_1055, %swap3A_1056, %swap3A_1057], %add3A_1053 {strides = array<i32>} : memref<8x50x64xf32, #tpu.memory_space<vmem>>, vector<16xf32>,
        %get3A_1059 = arith.constant 4 : i32
        %get3A_1060 = arith.index_cast %get3A_1059 : i32 to index
        %get3A_1061 = arith.index_cast %scan3A_883 : i32 to index
        %get3A_1062 = arith.constant 0 : index
        %get3A_1063 = tpu.vector_load %arg9[%get3A_1060, %get3A_1061, %get3A_1062] {strides = array<i32>} : memref<8x50x64xf32, #tpu.memory_space<vmem>>, vector<16xf32>,
        %add3A_1064 = arith.addf %get3A_1063, %get3A_3 : vector<16xf32>
        %swap3A_1065 = arith.constant 4 : i32
        %swap3A_1066 = arith.index_cast %swap3A_1065 : i32 to index
        %swap3A_1067 = arith.index_cast %scan3A_883 : i32 to index
        %swap3A_1068 = arith.constant 0 : index
        %swap3A_1069 = tpu.vector_load %arg9[%swap3A_1066, %swap3A_1067, %swap3A_1068] {strides = array<i32>} : memref<8x50x64xf32, #tpu.memory_space<vmem>>, vector<16xf32>,
        tpu.vector_store %arg9[%swap3A_1066, %swap3A_1067, %swap3A_1068], %add3A_1064 {strides = array<i32>} : memref<8x50x64xf32, #tpu.memory_space<vmem>>, vector<16xf32>,
        %get3A_1070 = arith.constant 4 : i32
        %get3A_1071 = arith.index_cast %get3A_1070 : i32 to index
        %get3A_1072 = arith.index_cast %scan3A_883 : i32 to index
        %get3A_1073 = arith.constant 16 : index
        %get3A_1074 = tpu.vector_load %arg9[%get3A_1071, %get3A_1072, %get3A_1073] {strides = array<i32>} : memref<8x50x64xf32, #tpu.memory_space<vmem>>, vector<16xf32>,
        %add3A_1075 = arith.addf %get3A_1074, %get3A_5 : vector<16xf32>
        %swap3A_1076 = arith.constant 4 : i32
        %swap3A_1077 = arith.index_cast %swap3A_1076 : i32 to index
        %swap3A_1078 = arith.index_cast %scan3A_883 : i32 to index
        %swap3A_1079 = arith.constant 16 : index
        %swap3A_1080 = tpu.vector_load %arg9[%swap3A_1077, %swap3A_1078, %swap3A_1079] {strides = array<i32>} : memref<8x50x64xf32, #tpu.memory_space<vmem>>, vector<16xf32>,
        tpu.vector_store %arg9[%swap3A_1077, %swap3A_1078, %swap3A_1079], %add3A_1075 {strides = array<i32>} : memref<8x50x64xf32, #tpu.memory_space<vmem>>, vector<16xf32>,
        %get3A_1081 = arith.constant 4 : i32
        %get3A_1082 = arith.index_cast %get3A_1081 : i32 to index
        %get3A_1083 = arith.index_cast %scan3A_883 : i32 to index
        %get3A_1084 = arith.constant 32 : index
        %get3A_1085 = tpu.vector_load %arg9[%get3A_1082, %get3A_1083, %get3A_1084] {strides = array<i32>} : memref<8x50x64xf32, #tpu.memory_space<vmem>>, vector<16xf32>,
        %add3A_1086 = arith.addf %get3A_1085, %get3A_7 : vector<16xf32>
        %swap3A_1087 = arith.constant 4 : i32
        %swap3A_1088 = arith.index_cast %swap3A_1087 : i32 to index
        %swap3A_1089 = arith.index_cast %scan3A_883 : i32 to index
        %swap3A_1090 = arith.constant 32 : index
        %swap3A_1091 = tpu.vector_load %arg9[%swap3A_1088, %swap3A_1089, %swap3A_1090] {strides = array<i32>} : memref<8x50x64xf32, #tpu.memory_space<vmem>>, vector<16xf32>,
        tpu.vector_store %arg9[%swap3A_1088, %swap3A_1089, %swap3A_1090], %add3A_1086 {strides = array<i32>} : memref<8x50x64xf32, #tpu.memory_space<vmem>>, vector<16xf32>,
        %get3A_1092 = arith.constant 4 : i32
        %get3A_1093 = arith.index_cast %get3A_1092 : i32 to index
        %get3A_1094 = arith.index_cast %scan3A_883 : i32 to index
        %get3A_1095 = arith.constant 48 : index
        %get3A_1096 = tpu.vector_load %arg9[%get3A_1093, %get3A_1094, %get3A_1095] {strides = array<i32>} : memref<8x50x64xf32, #tpu.memory_space<vmem>>, vector<16xf32>,
        %add3A_1097 = arith.addf %get3A_1096, %get3A_9 : vector<16xf32>
        %swap3A_1098 = arith.constant 4 : i32
        %swap3A_1099 = arith.index_cast %swap3A_1098 : i32 to index
        %swap3A_1100 = arith.index_cast %scan3A_883 : i32 to index
        %swap3A_1101 = arith.constant 48 : index
        %swap3A_1102 = tpu.vector_load %arg9[%swap3A_1099, %swap3A_1100, %swap3A_1101] {strides = array<i32>} : memref<8x50x64xf32, #tpu.memory_space<vmem>>, vector<16xf32>,
        tpu.vector_store %arg9[%swap3A_1099, %swap3A_1100, %swap3A_1101], %add3A_1097 {strides = array<i32>} : memref<8x50x64xf32, #tpu.memory_space<vmem>>, vector<16xf32>,
        %get3A_1103 = arith.constant 5 : i32
        %get3A_1104 = arith.index_cast %get3A_1103 : i32 to index
        %get3A_1105 = arith.index_cast %scan3A_883 : i32 to index
        %get3A_1106 = arith.constant 0 : index
        %get3A_1107 = tpu.vector_load %arg9[%get3A_1104, %get3A_1105, %get3A_1106] {strides = array<i32>} : memref<8x50x64xf32, #tpu.memory_space<vmem>>, vector<16xf32>,
        %add3A_1108 = arith.addf %get3A_1107, %get3A_3 : vector<16xf32>
        %swap3A_1109 = arith.constant 5 : i32
        %swap3A_1110 = arith.index_cast %swap3A_1109 : i32 to index
        %swap3A_1111 = arith.index_cast %scan3A_883 : i32 to index
        %swap3A_1112 = arith.constant 0 : index
        %swap3A_1113 = tpu.vector_load %arg9[%swap3A_1110, %swap3A_1111, %swap3A_1112] {strides = array<i32>} : memref<8x50x64xf32, #tpu.memory_space<vmem>>, vector<16xf32>,
        tpu.vector_store %arg9[%swap3A_1110, %swap3A_1111, %swap3A_1112], %add3A_1108 {strides = array<i32>} : memref<8x50x64xf32, #tpu.memory_space<vmem>>, vector<16xf32>,
        %get3A_1114 = arith.constant 5 : i32
        %get3A_1115 = arith.index_cast %get3A_1114 : i32 to index
        %get3A_1116 = arith.index_cast %scan3A_883 : i32 to index
        %get3A_1117 = arith.constant 16 : index
        %get3A_1118 = tpu.vector_load %arg9[%get3A_1115, %get3A_1116, %get3A_1117] {strides = array<i32>} : memref<8x50x64xf32, #tpu.memory_space<vmem>>, vector<16xf32>,
        %add3A_1119 = arith.addf %get3A_1118, %get3A_5 : vector<16xf32>
        %swap3A_1120 = arith.constant 5 : i32
        %swap3A_1121 = arith.index_cast %swap3A_1120 : i32 to index
        %swap3A_1122 = arith.index_cast %scan3A_883 : i32 to index
        %swap3A_1123 = arith.constant 16 : index
        %swap3A_1124 = tpu.vector_load %arg9[%swap3A_1121, %swap3A_1122, %swap3A_1123] {strides = array<i32>} : memref<8x50x64xf32, #tpu.memory_space<vmem>>, vector<16xf32>,
        tpu.vector_store %arg9[%swap3A_1121, %swap3A_1122, %swap3A_1123], %add3A_1119 {strides = array<i32>} : memref<8x50x64xf32, #tpu.memory_space<vmem>>, vector<16xf32>,
        %get3A_1125 = arith.constant 5 : i32
        %get3A_1126 = arith.index_cast %get3A_1125 : i32 to index
        %get3A_1127 = arith.index_cast %scan3A_883 : i32 to index
        %get3A_1128 = arith.constant 32 : index
        %get3A_1129 = tpu.vector_load %arg9[%get3A_1126, %get3A_1127, %get3A_1128] {strides = array<i32>} : memref<8x50x64xf32, #tpu.memory_space<vmem>>, vector<16xf32>,
        %add3A_1130 = arith.addf %get3A_1129, %get3A_7 : vector<16xf32>
        %swap3A_1131 = arith.constant 5 : i32
        %swap3A_1132 = arith.index_cast %swap3A_1131 : i32 to index
        %swap3A_1133 = arith.index_cast %scan3A_883 : i32 to index
        %swap3A_1134 = arith.constant 32 : index
        %swap3A_1135 = tpu.vector_load %arg9[%swap3A_1132, %swap3A_1133, %swap3A_1134] {strides = array<i32>} : memref<8x50x64xf32, #tpu.memory_space<vmem>>, vector<16xf32>,
        tpu.vector_store %arg9[%swap3A_1132, %swap3A_1133, %swap3A_1134], %add3A_1130 {strides = array<i32>} : memref<8x50x64xf32, #tpu.memory_space<vmem>>, vector<16xf32>,
        %get3A_1136 = arith.constant 5 : i32
        %get3A_1137 = arith.index_cast %get3A_1136 : i32 to index
        %get3A_1138 = arith.index_cast %scan3A_883 : i32 to index
        %get3A_1139 = arith.constant 48 : index
        %get3A_1140 = tpu.vector_load %arg9[%get3A_1137, %get3A_1138, %get3A_1139] {strides = array<i32>} : memref<8x50x64xf32, #tpu.memory_space<vmem>>, vector<16xf32>,
        %add3A_1141 = arith.addf %get3A_1140, %get3A_9 : vector<16xf32>
        %swap3A_1142 = arith.constant 5 : i32
        %swap3A_1143 = arith.index_cast %swap3A_1142 : i32 to index
        %swap3A_1144 = arith.index_cast %scan3A_883 : i32 to index
        %swap3A_1145 = arith.constant 48 : index
        %swap3A_1146 = tpu.vector_load %arg9[%swap3A_1143, %swap3A_1144, %swap3A_1145] {strides = array<i32>} : memref<8x50x64xf32, #tpu.memory_space<vmem>>, vector<16xf32>,
        tpu.vector_store %arg9[%swap3A_1143, %swap3A_1144, %swap3A_1145], %add3A_1141 {strides = array<i32>} : memref<8x50x64xf32, #tpu.memory_space<vmem>>, vector<16xf32>,
        %get3A_1147 = arith.constant 6 : i32
        %get3A_1148 = arith.index_cast %get3A_1147 : i32 to index
        %get3A_1149 = arith.index_cast %scan3A_883 : i32 to index
        %get3A_1150 = arith.constant 0 : index
        %get3A_1151 = tpu.vector_load %arg9[%get3A_1148, %get3A_1149, %get3A_1150] {strides = array<i32>} : memref<8x50x64xf32, #tpu.memory_space<vmem>>, vector<16xf32>,
        %add3A_1152 = arith.addf %get3A_1151, %get3A_3 : vector<16xf32>
        %swap3A_1153 = arith.constant 6 : i32
        %swap3A_1154 = arith.index_cast %swap3A_1153 : i32 to index
        %swap3A_1155 = arith.index_cast %scan3A_883 : i32 to index
        %swap3A_1156 = arith.constant 0 : index
        %swap3A_1157 = tpu.vector_load %arg9[%swap3A_1154, %swap3A_1155, %swap3A_1156] {strides = array<i32>} : memref<8x50x64xf32, #tpu.memory_space<vmem>>, vector<16xf32>,
        tpu.vector_store %arg9[%swap3A_1154, %swap3A_1155, %swap3A_1156], %add3A_1152 {strides = array<i32>} : memref<8x50x64xf32, #tpu.memory_space<vmem>>, vector<16xf32>,
        %get3A_1158 = arith.constant 6 : i32
        %get3A_1159 = arith.index_cast %get3A_1158 : i32 to index
        %get3A_1160 = arith.index_cast %scan3A_883 : i32 to index
        %get3A_1161 = arith.constant 16 : index
        %get3A_1162 = tpu.vector_load %arg9[%get3A_1159, %get3A_1160, %get3A_1161] {strides = array<i32>} : memref<8x50x64xf32, #tpu.memory_space<vmem>>, vector<16xf32>,
        %add3A_1163 = arith.addf %get3A_1162, %get3A_5 : vector<16xf32>
        %swap3A_1164 = arith.constant 6 : i32
        %swap3A_1165 = arith.index_cast %swap3A_1164 : i32 to index
        %swap3A_1166 = arith.index_cast %scan3A_883 : i32 to index
        %swap3A_1167 = arith.constant 16 : index
        %swap3A_1168 = tpu.vector_load %arg9[%swap3A_1165, %swap3A_1166, %swap3A_1167] {strides = array<i32>} : memref<8x50x64xf32, #tpu.memory_space<vmem>>, vector<16xf32>,
        tpu.vector_store %arg9[%swap3A_1165, %swap3A_1166, %swap3A_1167], %add3A_1163 {strides = array<i32>} : memref<8x50x64xf32, #tpu.memory_space<vmem>>, vector<16xf32>,
        %get3A_1169 = arith.constant 6 : i32
        %get3A_1170 = arith.index_cast %get3A_1169 : i32 to index
        %get3A_1171 = arith.index_cast %scan3A_883 : i32 to index
        %get3A_1172 = arith.constant 32 : index
        %get3A_1173 = tpu.vector_load %arg9[%get3A_1170, %get3A_1171, %get3A_1172] {strides = array<i32>} : memref<8x50x64xf32, #tpu.memory_space<vmem>>, vector<16xf32>,
        %add3A_1174 = arith.addf %get3A_1173, %get3A_7 : vector<16xf32>
        %swap3A_1175 = arith.constant 6 : i32
        %swap3A_1176 = arith.index_cast %swap3A_1175 : i32 to index
        %swap3A_1177 = arith.index_cast %scan3A_883 : i32 to index
        %swap3A_1178 = arith.constant 32 : index
        %swap3A_1179 = tpu.vector_load %arg9[%swap3A_1176, %swap3A_1177, %swap3A_1178] {strides = array<i32>} : memref<8x50x64xf32, #tpu.memory_space<vmem>>, vector<16xf32>,
        tpu.vector_store %arg9[%swap3A_1176, %swap3A_1177, %swap3A_1178], %add3A_1174 {strides = array<i32>} : memref<8x50x64xf32, #tpu.memory_space<vmem>>, vector<16xf32>,
        %get3A_1180 = arith.constant 6 : i32
        %get3A_1181 = arith.index_cast %get3A_1180 : i32 to index
        %get3A_1182 = arith.index_cast %scan3A_883 : i32 to index
        %get3A_1183 = arith.constant 48 : index
        %get3A_1184 = tpu.vector_load %arg9[%get3A_1181, %get3A_1182, %get3A_1183] {strides = array<i32>} : memref<8x50x64xf32, #tpu.memory_space<vmem>>, vector<16xf32>,
        %add3A_1185 = arith.addf %get3A_1184, %get3A_9 : vector<16xf32>
        %swap3A_1186 = arith.constant 6 : i32
        %swap3A_1187 = arith.index_cast %swap3A_1186 : i32 to index
        %swap3A_1188 = arith.index_cast %scan3A_883 : i32 to index
        %swap3A_1189 = arith.constant 48 : index
        %swap3A_1190 = tpu.vector_load %arg9[%swap3A_1187, %swap3A_1188, %swap3A_1189] {strides = array<i32>} : memref<8x50x64xf32, #tpu.memory_space<vmem>>, vector<16xf32>,
        tpu.vector_store %arg9[%swap3A_1187, %swap3A_1188, %swap3A_1189], %add3A_1185 {strides = array<i32>} : memref<8x50x64xf32, #tpu.memory_space<vmem>>, vector<16xf32>,
        %get3A_1191 = arith.constant 7 : i32
        %get3A_1192 = arith.index_cast %get3A_1191 : i32 to index
        %get3A_1193 = arith.index_cast %scan3A_883 : i32 to index
        %get3A_1194 = arith.constant 0 : index
        %get3A_1195 = tpu.vector_load %arg9[%get3A_1192, %get3A_1193, %get3A_1194] {strides = array<i32>} : memref<8x50x64xf32, #tpu.memory_space<vmem>>, vector<16xf32>,
        %add3A_1196 = arith.addf %get3A_1195, %get3A_3 : vector<16xf32>
        %swap3A_1197 = arith.constant 7 : i32
        %swap3A_1198 = arith.index_cast %swap3A_1197 : i32 to index
        %swap3A_1199 = arith.index_cast %scan3A_883 : i32 to index
        %swap3A_1200 = arith.constant 0 : index
        %swap3A_1201 = tpu.vector_load %arg9[%swap3A_1198, %swap3A_1199, %swap3A_1200] {strides = array<i32>} : memref<8x50x64xf32, #tpu.memory_space<vmem>>, vector<16xf32>,
        tpu.vector_store %arg9[%swap3A_1198, %swap3A_1199, %swap3A_1200], %add3A_1196 {strides = array<i32>} : memref<8x50x64xf32, #tpu.memory_space<vmem>>, vector<16xf32>,
        %get3A_1202 = arith.constant 7 : i32
        %get3A_1203 = arith.index_cast %get3A_1202 : i32 to index
        %get3A_1204 = arith.index_cast %scan3A_883 : i32 to index
        %get3A_1205 = arith.constant 16 : index
        %get3A_1206 = tpu.vector_load %arg9[%get3A_1203, %get3A_1204, %get3A_1205] {strides = array<i32>} : memref<8x50x64xf32, #tpu.memory_space<vmem>>, vector<16xf32>,
        %add3A_1207 = arith.addf %get3A_1206, %get3A_5 : vector<16xf32>
        %swap3A_1208 = arith.constant 7 : i32
        %swap3A_1209 = arith.index_cast %swap3A_1208 : i32 to index
        %swap3A_1210 = arith.index_cast %scan3A_883 : i32 to index
        %swap3A_1211 = arith.constant 16 : index
        %swap3A_1212 = tpu.vector_load %arg9[%swap3A_1209, %swap3A_1210, %swap3A_1211] {strides = array<i32>} : memref<8x50x64xf32, #tpu.memory_space<vmem>>, vector<16xf32>,
        tpu.vector_store %arg9[%swap3A_1209, %swap3A_1210, %swap3A_1211], %add3A_1207 {strides = array<i32>} : memref<8x50x64xf32, #tpu.memory_space<vmem>>, vector<16xf32>,
        %get3A_1213 = arith.constant 7 : i32
        %get3A_1214 = arith.index_cast %get3A_1213 : i32 to index
        %get3A_1215 = arith.index_cast %scan3A_883 : i32 to index
        %get3A_1216 = arith.constant 32 : index
        %get3A_1217 = tpu.vector_load %arg9[%get3A_1214, %get3A_1215, %get3A_1216] {strides = array<i32>} : memref<8x50x64xf32, #tpu.memory_space<vmem>>, vector<16xf32>,
        %add3A_1218 = arith.addf %get3A_1217, %get3A_7 : vector<16xf32>
        %swap3A_1219 = arith.constant 7 : i32
        %swap3A_1220 = arith.index_cast %swap3A_1219 : i32 to index
        %swap3A_1221 = arith.index_cast %scan3A_883 : i32 to index
        %swap3A_1222 = arith.constant 32 : index
        %swap3A_1223 = tpu.vector_load %arg9[%swap3A_1220, %swap3A_1221, %swap3A_1222] {strides = array<i32>} : memref<8x50x64xf32, #tpu.memory_space<vmem>>, vector<16xf32>,
        tpu.vector_store %arg9[%swap3A_1220, %swap3A_1221, %swap3A_1222], %add3A_1218 {strides = array<i32>} : memref<8x50x64xf32, #tpu.memory_space<vmem>>, vector<16xf32>,
        %get3A_1224 = arith.constant 7 : i32
        %get3A_1225 = arith.index_cast %get3A_1224 : i32 to index
        %get3A_1226 = arith.index_cast %scan3A_883 : i32 to index
        %get3A_1227 = arith.constant 48 : index
        %get3A_1228 = tpu.vector_load %arg9[%get3A_1225, %get3A_1226, %get3A_1227] {strides = array<i32>} : memref<8x50x64xf32, #tpu.memory_space<vmem>>, vector<16xf32>,
        %add3A_1229 = arith.addf %get3A_1228, %get3A_9 : vector<16xf32>
        %swap3A_1230 = arith.constant 7 : i32
        %swap3A_1231 = arith.index_cast %swap3A_1230 : i32 to index
        %swap3A_1232 = arith.index_cast %scan3A_883 : i32 to index
        %swap3A_1233 = arith.constant 48 : index
        %swap3A_1234 = tpu.vector_load %arg9[%swap3A_1231, %swap3A_1232, %swap3A_1233] {strides = array<i32>} : memref<8x50x64xf32, #tpu.memory_space<vmem>>, vector<16xf32>,
        tpu.vector_store %arg9[%swap3A_1231, %swap3A_1232, %swap3A_1233], %add3A_1229 {strides = array<i32>} : memref<8x50x64xf32, #tpu.memory_space<vmem>>, vector<16xf32>,
      }
      %scan3A_757 = arith.constant 50 : i32
      %mul3A_758 = arith.constant 8 : i32
      %mul3A_759 = arith.muli %add3A_655, %mul3A_758 : i32
      %add3A_760 = arith.addi %mul3A_2, %mul3A_759 : i32
      "tpu.region"() ({
        %run_scoped3A = tpu.sem_alloc : memref<!tpu.dma_semaphore, #tpu.memory_space<semaphore_mem>>
        %dma_start3A_883 = arith.constant 0 : i32
        %dma_start3A_884 = arith.constant 0 : i32
        %dma_start3A_885 = tpu.memref_slice %arg5[%add3A_760, %dma_start3A_883, %dma_start3A_884] : memref<4096x50x64xf32, #tpu.memory_space<hbm>> -> memref<8x50x64xf32, #tpu.memory_space<hbm>>
        %dma_start3A_886 = arith.constant 0 : i32
        %dma_start3A_887 = arith.constant 0 : i32
        %dma_start3A_888 = tpu.memref_slice %arg5[%add3A_760, %dma_start3A_886, %dma_start3A_887] : memref<4096x50x64xf32, #tpu.memory_space<hbm>> -> memref<8x50x64xf32, #tpu.memory_space<hbm>>
        tpu.enqueue_dma source(%arg9 : memref<8x50x64xf32, #tpu.memory_space<vmem>>) target(%dma_start3A_888 : memref<8x50x64xf32, #tpu.memory_space<hbm>>) target_semaphore(%run_scoped3A : memref<!tpu.dma_semaphore, #tpu.memory_space<semaphore_mem>>)
        %dma_wait3A_889 = arith.constant 0 : i32
        %dma_wait3A_890 = arith.constant 0 : i32
        %dma_wait3A_891 = tpu.memref_slice %arg5[%add3A_760, %dma_wait3A_889, %dma_wait3A_890] : memref<4096x50x64xf32, #tpu.memory_space<hbm>> -> memref<8x50x64xf32, #tpu.memory_space<hbm>>
        %dma_wait3A_892 = arith.constant 0 : i32
        %dma_wait3A_893 = arith.constant 0 : i32
        %dma_wait3A_894 = tpu.memref_slice %arg5[%add3A_760, %dma_wait3A_892, %dma_wait3A_893] : memref<4096x50x64xf32, #tpu.memory_space<hbm>> -> memref<8x50x64xf32, #tpu.memory_space<hbm>>
        tpu.wait_dma2 semaphore(%run_scoped3A : memref<!tpu.dma_semaphore, #tpu.memory_space<semaphore_mem>>) src(%arg9 : memref<8x50x64xf32, #tpu.memory_space<vmem>>) dst(%dma_wait3A_894 : memref<8x50x64xf32, #tpu.memory_space<hbm>>)
        tpu.yield
      }) : () -> ()
      %add3A_761 = arith.constant 2 : i32
      %add3A_762 = arith.addi %add3A_655, %add3A_761 : i32
      %mul3A_763 = arith.constant 8 : i32
      %mul3A_764 = arith.muli %add3A_762, %mul3A_763 : i32
      %add3A_765 = arith.constant 0 : i32
      %add3A_766 = arith.addi %mul3A_764, %add3A_765 : i32
      %dma_start3A_767 = arith.constant 0 : i32
      %dma_start3A_768 = arith.constant 0 : i32
      %dma_start3A_769 = arith.constant 0 : i32
      %dma_start3A_770 = tpu.memref_slice %arg9[%dma_start3A_767, %dma_start3A_768, %dma_start3A_769] : memref<8x50x64xf32, #tpu.memory_space<vmem>> -> memref<1x50x64xf32, #tpu.memory_space<vmem>>
      %dma_start3A_771 = tpu.memref_squeeze %dma_start3A_770 : memref<1x50x64xf32, #tpu.memory_space<vmem>> -> memref<50x64xf32, #tpu.memory_space<vmem>>
      %dma_start3A_772 = arith.constant 0 : i32
      %dma_start3A_773 = tpu.memref_slice %arg7[%add3A_766, %dma_start3A_772] : memref<128x50xi32, #tpu.memory_space<vmem>> -> memref<1x50xi32, #tpu.memory_space<vmem>>
      %dma_start3A_774 = tpu.memref_squeeze %dma_start3A_773 : memref<1x50xi32, #tpu.memory_space<vmem>> -> memref<50xi32, #tpu.memory_space<vmem>>
      %dma_start3A_775 = arith.constant 0 : i32
      %dma_start3A_776 = arith.constant 0 : i32
      %dma_start3A_777 = tpu.memref_slice %arg3[%dma_start3A_775, %dma_start3A_776] : memref<1007616x64xf32, #tpu.memory_space<hbm>> -> memref<1007616x64xf32, #tpu.memory_space<hbm>>
      tpu.enqueue_indirect_dma source(%dma_start3A_777 : memref<1007616x64xf32, #tpu.memory_space<hbm>>) target(%dma_start3A_771 : memref<50x64xf32, #tpu.memory_space<vmem>>) offsets(%dma_start3A_774 : memref<50xi32, #tpu.memory_space<vmem>>) semaphore(%arg12 : memref<!tpu.dma_semaphore, #tpu.memory_space<semaphore_mem>>)
      %mul3A_778 = arith.constant 8 : i32
      %mul3A_779 = arith.muli %add3A_762, %mul3A_778 : i32
      %add3A_780 = arith.constant 1 : i32
      %add3A_781 = arith.addi %mul3A_779, %add3A_780 : i32
      %dma_start3A_782 = arith.constant 1 : i32
      %dma_start3A_783 = arith.constant 0 : i32
      %dma_start3A_784 = arith.constant 0 : i32
      %dma_start3A_785 = tpu.memref_slice %arg9[%dma_start3A_782, %dma_start3A_783, %dma_start3A_784] : memref<8x50x64xf32, #tpu.memory_space<vmem>> -> memref<1x50x64xf32, #tpu.memory_space<vmem>>
      %dma_start3A_786 = tpu.memref_squeeze %dma_start3A_785 : memref<1x50x64xf32, #tpu.memory_space<vmem>> -> memref<50x64xf32, #tpu.memory_space<vmem>>
      %dma_start3A_787 = arith.constant 0 : i32
      %dma_start3A_788 = tpu.memref_slice %arg7[%add3A_781, %dma_start3A_787] : memref<128x50xi32, #tpu.memory_space<vmem>> -> memref<1x50xi32, #tpu.memory_space<vmem>>
      %dma_start3A_789 = tpu.memref_squeeze %dma_start3A_788 : memref<1x50xi32, #tpu.memory_space<vmem>> -> memref<50xi32, #tpu.memory_space<vmem>>
      %dma_start3A_790 = arith.constant 0 : i32
      %dma_start3A_791 = arith.constant 0 : i32
      %dma_start3A_792 = tpu.memref_slice %arg3[%dma_start3A_790, %dma_start3A_791] : memref<1007616x64xf32, #tpu.memory_space<hbm>> -> memref<1007616x64xf32, #tpu.memory_space<hbm>>
      tpu.enqueue_indirect_dma source(%dma_start3A_792 : memref<1007616x64xf32, #tpu.memory_space<hbm>>) target(%dma_start3A_786 : memref<50x64xf32, #tpu.memory_space<vmem>>) offsets(%dma_start3A_789 : memref<50xi32, #tpu.memory_space<vmem>>) semaphore(%arg12 : memref<!tpu.dma_semaphore, #tpu.memory_space<semaphore_mem>>)
      %mul3A_793 = arith.constant 8 : i32
      %mul3A_794 = arith.muli %add3A_762, %mul3A_793 : i32
      %add3A_795 = arith.constant 2 : i32
      %add3A_796 = arith.addi %mul3A_794, %add3A_795 : i32
      %dma_start3A_797 = arith.constant 2 : i32
      %dma_start3A_798 = arith.constant 0 : i32
      %dma_start3A_799 = arith.constant 0 : i32
      %dma_start3A_800 = tpu.memref_slice %arg9[%dma_start3A_797, %dma_start3A_798, %dma_start3A_799] : memref<8x50x64xf32, #tpu.memory_space<vmem>> -> memref<1x50x64xf32, #tpu.memory_space<vmem>>
      %dma_start3A_801 = tpu.memref_squeeze %dma_start3A_800 : memref<1x50x64xf32, #tpu.memory_space<vmem>> -> memref<50x64xf32, #tpu.memory_space<vmem>>
      %dma_start3A_802 = arith.constant 0 : i32
      %dma_start3A_803 = tpu.memref_slice %arg7[%add3A_796, %dma_start3A_802] : memref<128x50xi32, #tpu.memory_space<vmem>> -> memref<1x50xi32, #tpu.memory_space<vmem>>
      %dma_start3A_804 = tpu.memref_squeeze %dma_start3A_803 : memref<1x50xi32, #tpu.memory_space<vmem>> -> memref<50xi32, #tpu.memory_space<vmem>>
      %dma_start3A_805 = arith.constant 0 : i32
      %dma_start3A_806 = arith.constant 0 : i32
      %dma_start3A_807 = tpu.memref_slice %arg3[%dma_start3A_805, %dma_start3A_806] : memref<1007616x64xf32, #tpu.memory_space<hbm>> -> memref<1007616x64xf32, #tpu.memory_space<hbm>>
      tpu.enqueue_indirect_dma source(%dma_start3A_807 : memref<1007616x64xf32, #tpu.memory_space<hbm>>) target(%dma_start3A_801 : memref<50x64xf32, #tpu.memory_space<vmem>>) offsets(%dma_start3A_804 : memref<50xi32, #tpu.memory_space<vmem>>) semaphore(%arg12 : memref<!tpu.dma_semaphore, #tpu.memory_space<semaphore_mem>>)
      %mul3A_808 = arith.constant 8 : i32
      %mul3A_809 = arith.muli %add3A_762, %mul3A_808 : i32
      %add3A_810 = arith.constant 3 : i32
      %add3A_811 = arith.addi %mul3A_809, %add3A_810 : i32
      %dma_start3A_812 = arith.constant 3 : i32
      %dma_start3A_813 = arith.constant 0 : i32
      %dma_start3A_814 = arith.constant 0 : i32
      %dma_start3A_815 = tpu.memref_slice %arg9[%dma_start3A_812, %dma_start3A_813, %dma_start3A_814] : memref<8x50x64xf32, #tpu.memory_space<vmem>> -> memref<1x50x64xf32, #tpu.memory_space<vmem>>
      %dma_start3A_816 = tpu.memref_squeeze %dma_start3A_815 : memref<1x50x64xf32, #tpu.memory_space<vmem>> -> memref<50x64xf32, #tpu.memory_space<vmem>>
      %dma_start3A_817 = arith.constant 0 : i32
      %dma_start3A_818 = tpu.memref_slice %arg7[%add3A_811, %dma_start3A_817] : memref<128x50xi32, #tpu.memory_space<vmem>> -> memref<1x50xi32, #tpu.memory_space<vmem>>
      %dma_start3A_819 = tpu.memref_squeeze %dma_start3A_818 : memref<1x50xi32, #tpu.memory_space<vmem>> -> memref<50xi32, #tpu.memory_space<vmem>>
      %dma_start3A_820 = arith.constant 0 : i32
      %dma_start3A_821 = arith.constant 0 : i32
      %dma_start3A_822 = tpu.memref_slice %arg3[%dma_start3A_820, %dma_start3A_821] : memref<1007616x64xf32, #tpu.memory_space<hbm>> -> memref<1007616x64xf32, #tpu.memory_space<hbm>>
      tpu.enqueue_indirect_dma source(%dma_start3A_822 : memref<1007616x64xf32, #tpu.memory_space<hbm>>) target(%dma_start3A_816 : memref<50x64xf32, #tpu.memory_space<vmem>>) offsets(%dma_start3A_819 : memref<50xi32, #tpu.memory_space<vmem>>) semaphore(%arg12 : memref<!tpu.dma_semaphore, #tpu.memory_space<semaphore_mem>>)
      %mul3A_823 = arith.constant 8 : i32
      %mul3A_824 = arith.muli %add3A_762, %mul3A_823 : i32
      %add3A_825 = arith.constant 4 : i32
      %add3A_826 = arith.addi %mul3A_824, %add3A_825 : i32
      %dma_start3A_827 = arith.constant 4 : i32
      %dma_start3A_828 = arith.constant 0 : i32
      %dma_start3A_829 = arith.constant 0 : i32
      %dma_start3A_830 = tpu.memref_slice %arg9[%dma_start3A_827, %dma_start3A_828, %dma_start3A_829] : memref<8x50x64xf32, #tpu.memory_space<vmem>> -> memref<1x50x64xf32, #tpu.memory_space<vmem>>
      %dma_start3A_831 = tpu.memref_squeeze %dma_start3A_830 : memref<1x50x64xf32, #tpu.memory_space<vmem>> -> memref<50x64xf32, #tpu.memory_space<vmem>>
      %dma_start3A_832 = arith.constant 0 : i32
      %dma_start3A_833 = tpu.memref_slice %arg7[%add3A_826, %dma_start3A_832] : memref<128x50xi32, #tpu.memory_space<vmem>> -> memref<1x50xi32, #tpu.memory_space<vmem>>
      %dma_start3A_834 = tpu.memref_squeeze %dma_start3A_833 : memref<1x50xi32, #tpu.memory_space<vmem>> -> memref<50xi32, #tpu.memory_space<vmem>>
      %dma_start3A_835 = arith.constant 0 : i32
      %dma_start3A_836 = arith.constant 0 : i32
      %dma_start3A_837 = tpu.memref_slice %arg3[%dma_start3A_835, %dma_start3A_836] : memref<1007616x64xf32, #tpu.memory_space<hbm>> -> memref<1007616x64xf32, #tpu.memory_space<hbm>>
      tpu.enqueue_indirect_dma source(%dma_start3A_837 : memref<1007616x64xf32, #tpu.memory_space<hbm>>) target(%dma_start3A_831 : memref<50x64xf32, #tpu.memory_space<vmem>>) offsets(%dma_start3A_834 : memref<50xi32, #tpu.memory_space<vmem>>) semaphore(%arg12 : memref<!tpu.dma_semaphore, #tpu.memory_space<semaphore_mem>>)
      %mul3A_838 = arith.constant 8 : i32
      %mul3A_839 = arith.muli %add3A_762, %mul3A_838 : i32
      %add3A_840 = arith.constant 5 : i32
      %add3A_841 = arith.addi %mul3A_839, %add3A_840 : i32
      %dma_start3A_842 = arith.constant 5 : i32
      %dma_start3A_843 = arith.constant 0 : i32
      %dma_start3A_844 = arith.constant 0 : i32
      %dma_start3A_845 = tpu.memref_slice %arg9[%dma_start3A_842, %dma_start3A_843, %dma_start3A_844] : memref<8x50x64xf32, #tpu.memory_space<vmem>> -> memref<1x50x64xf32, #tpu.memory_space<vmem>>
      %dma_start3A_846 = tpu.memref_squeeze %dma_start3A_845 : memref<1x50x64xf32, #tpu.memory_space<vmem>> -> memref<50x64xf32, #tpu.memory_space<vmem>>
      %dma_start3A_847 = arith.constant 0 : i32
      %dma_start3A_848 = tpu.memref_slice %arg7[%add3A_841, %dma_start3A_847] : memref<128x50xi32, #tpu.memory_space<vmem>> -> memref<1x50xi32, #tpu.memory_space<vmem>>
      %dma_start3A_849 = tpu.memref_squeeze %dma_start3A_848 : memref<1x50xi32, #tpu.memory_space<vmem>> -> memref<50xi32, #tpu.memory_space<vmem>>
      %dma_start3A_850 = arith.constant 0 : i32
      %dma_start3A_851 = arith.constant 0 : i32
      %dma_start3A_852 = tpu.memref_slice %arg3[%dma_start3A_850, %dma_start3A_851] : memref<1007616x64xf32, #tpu.memory_space<hbm>> -> memref<1007616x64xf32, #tpu.memory_space<hbm>>
      tpu.enqueue_indirect_dma source(%dma_start3A_852 : memref<1007616x64xf32, #tpu.memory_space<hbm>>) target(%dma_start3A_846 : memref<50x64xf32, #tpu.memory_space<vmem>>) offsets(%dma_start3A_849 : memref<50xi32, #tpu.memory_space<vmem>>) semaphore(%arg12 : memref<!tpu.dma_semaphore, #tpu.memory_space<semaphore_mem>>)
      %mul3A_853 = arith.constant 8 : i32
      %mul3A_854 = arith.muli %add3A_762, %mul3A_853 : i32
      %add3A_855 = arith.constant 6 : i32
      %add3A_856 = arith.addi %mul3A_854, %add3A_855 : i32
      %dma_start3A_857 = arith.constant 6 : i32
      %dma_start3A_858 = arith.constant 0 : i32
      %dma_start3A_859 = arith.constant 0 : i32
      %dma_start3A_860 = tpu.memref_slice %arg9[%dma_start3A_857, %dma_start3A_858, %dma_start3A_859] : memref<8x50x64xf32, #tpu.memory_space<vmem>> -> memref<1x50x64xf32, #tpu.memory_space<vmem>>
      %dma_start3A_861 = tpu.memref_squeeze %dma_start3A_860 : memref<1x50x64xf32, #tpu.memory_space<vmem>> -> memref<50x64xf32, #tpu.memory_space<vmem>>
      %dma_start3A_862 = arith.constant 0 : i32
      %dma_start3A_863 = tpu.memref_slice %arg7[%add3A_856, %dma_start3A_862] : memref<128x50xi32, #tpu.memory_space<vmem>> -> memref<1x50xi32, #tpu.memory_space<vmem>>
      %dma_start3A_864 = tpu.memref_squeeze %dma_start3A_863 : memref<1x50xi32, #tpu.memory_space<vmem>> -> memref<50xi32, #tpu.memory_space<vmem>>
      %dma_start3A_865 = arith.constant 0 : i32
      %dma_start3A_866 = arith.constant 0 : i32
      %dma_start3A_867 = tpu.memref_slice %arg3[%dma_start3A_865, %dma_start3A_866] : memref<1007616x64xf32, #tpu.memory_space<hbm>> -> memref<1007616x64xf32, #tpu.memory_space<hbm>>
      tpu.enqueue_indirect_dma source(%dma_start3A_867 : memref<1007616x64xf32, #tpu.memory_space<hbm>>) target(%dma_start3A_861 : memref<50x64xf32, #tpu.memory_space<vmem>>) offsets(%dma_start3A_864 : memref<50xi32, #tpu.memory_space<vmem>>) semaphore(%arg12 : memref<!tpu.dma_semaphore, #tpu.memory_space<semaphore_mem>>)
      %mul3A_868 = arith.constant 8 : i32
      %mul3A_869 = arith.muli %add3A_762, %mul3A_868 : i32
      %add3A_870 = arith.constant 7 : i32
      %add3A_871 = arith.addi %mul3A_869, %add3A_870 : i32
      %dma_start3A_872 = arith.constant 7 : i32
      %dma_start3A_873 = arith.constant 0 : i32
      %dma_start3A_874 = arith.constant 0 : i32
      %dma_start3A_875 = tpu.memref_slice %arg9[%dma_start3A_872, %dma_start3A_873, %dma_start3A_874] : memref<8x50x64xf32, #tpu.memory_space<vmem>> -> memref<1x50x64xf32, #tpu.memory_space<vmem>>
      %dma_start3A_876 = tpu.memref_squeeze %dma_start3A_875 : memref<1x50x64xf32, #tpu.memory_space<vmem>> -> memref<50x64xf32, #tpu.memory_space<vmem>>
      %dma_start3A_877 = arith.constant 0 : i32
      %dma_start3A_878 = tpu.memref_slice %arg7[%add3A_871, %dma_start3A_877] : memref<128x50xi32, #tpu.memory_space<vmem>> -> memref<1x50xi32, #tpu.memory_space<vmem>>
      %dma_start3A_879 = tpu.memref_squeeze %dma_start3A_878 : memref<1x50xi32, #tpu.memory_space<vmem>> -> memref<50xi32, #tpu.memory_space<vmem>>
      %dma_start3A_880 = arith.constant 0 : i32
      %dma_start3A_881 = arith.constant 0 : i32
      %dma_start3A_882 = tpu.memref_slice %arg3[%dma_start3A_880, %dma_start3A_881] : memref<1007616x64xf32, #tpu.memory_space<hbm>> -> memref<1007616x64xf32, #tpu.memory_space<hbm>>
      tpu.enqueue_indirect_dma source(%dma_start3A_882 : memref<1007616x64xf32, #tpu.memory_space<hbm>>) target(%dma_start3A_876 : memref<50x64xf32, #tpu.memory_space<vmem>>) offsets(%dma_start3A_879 : memref<50xi32, #tpu.memory_space<vmem>>) semaphore(%arg12 : memref<!tpu.dma_semaphore, #tpu.memory_space<semaphore_mem>>)
    }
    %scan3A_210 = arith.constant 7 : i32
    %dma_wait3A = arith.constant 0 : i32
    %dma_wait3A_211 = arith.constant 0 : i32
    %dma_wait3A_212 = arith.constant 0 : i32
    %dma_wait3A_213 = arith.constant 0 : i32
    %dma_wait3A_214 = tpu.memref_slice %arg8[%dma_wait3A_211, %dma_wait3A_212, %dma_wait3A_213] : memref<8x50x64xf32, #tpu.memory_space<vmem>> -> memref<1x50x64xf32, #tpu.memory_space<vmem>>
    %dma_wait3A_215 = tpu.memref_squeeze %dma_wait3A_214 : memref<1x50x64xf32, #tpu.memory_space<vmem>> -> memref<50x64xf32, #tpu.memory_space<vmem>>
    %dma_wait3A_216 = arith.constant 0 : i32
    %dma_wait3A_217 = tpu.memref_slice %arg7[%dma_wait3A, %dma_wait3A_216] : memref<128x50xi32, #tpu.memory_space<vmem>> -> memref<1x50xi32, #tpu.memory_space<vmem>>
    %dma_wait3A_218 = tpu.memref_squeeze %dma_wait3A_217 : memref<1x50xi32, #tpu.memory_space<vmem>> -> memref<50xi32, #tpu.memory_space<vmem>>
    %dma_wait3A_219 = arith.constant 0 : i32
    %dma_wait3A_220 = arith.constant 0 : i32
    %dma_wait3A_221 = tpu.memref_slice %arg3[%dma_wait3A_219, %dma_wait3A_220] : memref<1007616x64xf32, #tpu.memory_space<hbm>> -> memref<1007616x64xf32, #tpu.memory_space<hbm>>
    tpu.wait_indirect_dma semaphore(%arg11 : memref<!tpu.dma_semaphore, #tpu.memory_space<semaphore_mem>>) src(%dma_wait3A_221 : memref<1007616x64xf32, #tpu.memory_space<hbm>>) dst(%dma_wait3A_215 : memref<50x64xf32, #tpu.memory_space<vmem>>)
    %dma_wait3A_222 = arith.constant 0 : i32
    %dma_wait3A_223 = arith.constant 1 : i32
    %dma_wait3A_224 = arith.constant 0 : i32
    %dma_wait3A_225 = arith.constant 0 : i32
    %dma_wait3A_226 = tpu.memref_slice %arg8[%dma_wait3A_223, %dma_wait3A_224, %dma_wait3A_225] : memref<8x50x64xf32, #tpu.memory_space<vmem>> -> memref<1x50x64xf32, #tpu.memory_space<vmem>>
    %dma_wait3A_227 = tpu.memref_squeeze %dma_wait3A_226 : memref<1x50x64xf32, #tpu.memory_space<vmem>> -> memref<50x64xf32, #tpu.memory_space<vmem>>
    %dma_wait3A_228 = arith.constant 0 : i32
    %dma_wait3A_229 = tpu.memref_slice %arg7[%dma_wait3A_222, %dma_wait3A_228] : memref<128x50xi32, #tpu.memory_space<vmem>> -> memref<1x50xi32, #tpu.memory_space<vmem>>
    %dma_wait3A_230 = tpu.memref_squeeze %dma_wait3A_229 : memref<1x50xi32, #tpu.memory_space<vmem>> -> memref<50xi32, #tpu.memory_space<vmem>>
    %dma_wait3A_231 = arith.constant 0 : i32
    %dma_wait3A_232 = arith.constant 0 : i32
    %dma_wait3A_233 = tpu.memref_slice %arg3[%dma_wait3A_231, %dma_wait3A_232] : memref<1007616x64xf32, #tpu.memory_space<hbm>> -> memref<1007616x64xf32, #tpu.memory_space<hbm>>
    tpu.wait_indirect_dma semaphore(%arg11 : memref<!tpu.dma_semaphore, #tpu.memory_space<semaphore_mem>>) src(%dma_wait3A_233 : memref<1007616x64xf32, #tpu.memory_space<hbm>>) dst(%dma_wait3A_227 : memref<50x64xf32, #tpu.memory_space<vmem>>)
    %dma_wait3A_234 = arith.constant 0 : i32
    %dma_wait3A_235 = arith.constant 2 : i32
    %dma_wait3A_236 = arith.constant 0 : i32
    %dma_wait3A_237 = arith.constant 0 : i32
    %dma_wait3A_238 = tpu.memref_slice %arg8[%dma_wait3A_235, %dma_wait3A_236, %dma_wait3A_237] : memref<8x50x64xf32, #tpu.memory_space<vmem>> -> memref<1x50x64xf32, #tpu.memory_space<vmem>>
    %dma_wait3A_239 = tpu.memref_squeeze %dma_wait3A_238 : memref<1x50x64xf32, #tpu.memory_space<vmem>> -> memref<50x64xf32, #tpu.memory_space<vmem>>
    %dma_wait3A_240 = arith.constant 0 : i32
    %dma_wait3A_241 = tpu.memref_slice %arg7[%dma_wait3A_234, %dma_wait3A_240] : memref<128x50xi32, #tpu.memory_space<vmem>> -> memref<1x50xi32, #tpu.memory_space<vmem>>
    %dma_wait3A_242 = tpu.memref_squeeze %dma_wait3A_241 : memref<1x50xi32, #tpu.memory_space<vmem>> -> memref<50xi32, #tpu.memory_space<vmem>>
    %dma_wait3A_243 = arith.constant 0 : i32
    %dma_wait3A_244 = arith.constant 0 : i32
    %dma_wait3A_245 = tpu.memref_slice %arg3[%dma_wait3A_243, %dma_wait3A_244] : memref<1007616x64xf32, #tpu.memory_space<hbm>> -> memref<1007616x64xf32, #tpu.memory_space<hbm>>
    tpu.wait_indirect_dma semaphore(%arg11 : memref<!tpu.dma_semaphore, #tpu.memory_space<semaphore_mem>>) src(%dma_wait3A_245 : memref<1007616x64xf32, #tpu.memory_space<hbm>>) dst(%dma_wait3A_239 : memref<50x64xf32, #tpu.memory_space<vmem>>)
    %dma_wait3A_246 = arith.constant 0 : i32
    %dma_wait3A_247 = arith.constant 3 : i32
    %dma_wait3A_248 = arith.constant 0 : i32
    %dma_wait3A_249 = arith.constant 0 : i32
    %dma_wait3A_250 = tpu.memref_slice %arg8[%dma_wait3A_247, %dma_wait3A_248, %dma_wait3A_249] : memref<8x50x64xf32, #tpu.memory_space<vmem>> -> memref<1x50x64xf32, #tpu.memory_space<vmem>>
    %dma_wait3A_251 = tpu.memref_squeeze %dma_wait3A_250 : memref<1x50x64xf32, #tpu.memory_space<vmem>> -> memref<50x64xf32, #tpu.memory_space<vmem>>
    %dma_wait3A_252 = arith.constant 0 : i32
    %dma_wait3A_253 = tpu.memref_slice %arg7[%dma_wait3A_246, %dma_wait3A_252] : memref<128x50xi32, #tpu.memory_space<vmem>> -> memref<1x50xi32, #tpu.memory_space<vmem>>
    %dma_wait3A_254 = tpu.memref_squeeze %dma_wait3A_253 : memref<1x50xi32, #tpu.memory_space<vmem>> -> memref<50xi32, #tpu.memory_space<vmem>>
    %dma_wait3A_255 = arith.constant 0 : i32
    %dma_wait3A_256 = arith.constant 0 : i32
    %dma_wait3A_257 = tpu.memref_slice %arg3[%dma_wait3A_255, %dma_wait3A_256] : memref<1007616x64xf32, #tpu.memory_space<hbm>> -> memref<1007616x64xf32, #tpu.memory_space<hbm>>
    tpu.wait_indirect_dma semaphore(%arg11 : memref<!tpu.dma_semaphore, #tpu.memory_space<semaphore_mem>>) src(%dma_wait3A_257 : memref<1007616x64xf32, #tpu.memory_space<hbm>>) dst(%dma_wait3A_251 : memref<50x64xf32, #tpu.memory_space<vmem>>)
    %dma_wait3A_258 = arith.constant 0 : i32
    %dma_wait3A_259 = arith.constant 4 : i32
    %dma_wait3A_260 = arith.constant 0 : i32
    %dma_wait3A_261 = arith.constant 0 : i32
    %dma_wait3A_262 = tpu.memref_slice %arg8[%dma_wait3A_259, %dma_wait3A_260, %dma_wait3A_261] : memref<8x50x64xf32, #tpu.memory_space<vmem>> -> memref<1x50x64xf32, #tpu.memory_space<vmem>>
    %dma_wait3A_263 = tpu.memref_squeeze %dma_wait3A_262 : memref<1x50x64xf32, #tpu.memory_space<vmem>> -> memref<50x64xf32, #tpu.memory_space<vmem>>
    %dma_wait3A_264 = arith.constant 0 : i32
    %dma_wait3A_265 = tpu.memref_slice %arg7[%dma_wait3A_258, %dma_wait3A_264] : memref<128x50xi32, #tpu.memory_space<vmem>> -> memref<1x50xi32, #tpu.memory_space<vmem>>
    %dma_wait3A_266 = tpu.memref_squeeze %dma_wait3A_265 : memref<1x50xi32, #tpu.memory_space<vmem>> -> memref<50xi32, #tpu.memory_space<vmem>>
    %dma_wait3A_267 = arith.constant 0 : i32
    %dma_wait3A_268 = arith.constant 0 : i32
    %dma_wait3A_269 = tpu.memref_slice %arg3[%dma_wait3A_267, %dma_wait3A_268] : memref<1007616x64xf32, #tpu.memory_space<hbm>> -> memref<1007616x64xf32, #tpu.memory_space<hbm>>
    tpu.wait_indirect_dma semaphore(%arg11 : memref<!tpu.dma_semaphore, #tpu.memory_space<semaphore_mem>>) src(%dma_wait3A_269 : memref<1007616x64xf32, #tpu.memory_space<hbm>>) dst(%dma_wait3A_263 : memref<50x64xf32, #tpu.memory_space<vmem>>)
    %dma_wait3A_270 = arith.constant 0 : i32
    %dma_wait3A_271 = arith.constant 5 : i32
    %dma_wait3A_272 = arith.constant 0 : i32
    %dma_wait3A_273 = arith.constant 0 : i32
    %dma_wait3A_274 = tpu.memref_slice %arg8[%dma_wait3A_271, %dma_wait3A_272, %dma_wait3A_273] : memref<8x50x64xf32, #tpu.memory_space<vmem>> -> memref<1x50x64xf32, #tpu.memory_space<vmem>>
    %dma_wait3A_275 = tpu.memref_squeeze %dma_wait3A_274 : memref<1x50x64xf32, #tpu.memory_space<vmem>> -> memref<50x64xf32, #tpu.memory_space<vmem>>
    %dma_wait3A_276 = arith.constant 0 : i32
    %dma_wait3A_277 = tpu.memref_slice %arg7[%dma_wait3A_270, %dma_wait3A_276] : memref<128x50xi32, #tpu.memory_space<vmem>> -> memref<1x50xi32, #tpu.memory_space<vmem>>
    %dma_wait3A_278 = tpu.memref_squeeze %dma_wait3A_277 : memref<1x50xi32, #tpu.memory_space<vmem>> -> memref<50xi32, #tpu.memory_space<vmem>>
    %dma_wait3A_279 = arith.constant 0 : i32
    %dma_wait3A_280 = arith.constant 0 : i32
    %dma_wait3A_281 = tpu.memref_slice %arg3[%dma_wait3A_279, %dma_wait3A_280] : memref<1007616x64xf32, #tpu.memory_space<hbm>> -> memref<1007616x64xf32, #tpu.memory_space<hbm>>
    tpu.wait_indirect_dma semaphore(%arg11 : memref<!tpu.dma_semaphore, #tpu.memory_space<semaphore_mem>>) src(%dma_wait3A_281 : memref<1007616x64xf32, #tpu.memory_space<hbm>>) dst(%dma_wait3A_275 : memref<50x64xf32, #tpu.memory_space<vmem>>)
    %dma_wait3A_282 = arith.constant 0 : i32
    %dma_wait3A_283 = arith.constant 6 : i32
    %dma_wait3A_284 = arith.constant 0 : i32
    %dma_wait3A_285 = arith.constant 0 : i32
    %dma_wait3A_286 = tpu.memref_slice %arg8[%dma_wait3A_283, %dma_wait3A_284, %dma_wait3A_285] : memref<8x50x64xf32, #tpu.memory_space<vmem>> -> memref<1x50x64xf32, #tpu.memory_space<vmem>>
    %dma_wait3A_287 = tpu.memref_squeeze %dma_wait3A_286 : memref<1x50x64xf32, #tpu.memory_space<vmem>> -> memref<50x64xf32, #tpu.memory_space<vmem>>
    %dma_wait3A_288 = arith.constant 0 : i32
    %dma_wait3A_289 = tpu.memref_slice %arg7[%dma_wait3A_282, %dma_wait3A_288] : memref<128x50xi32, #tpu.memory_space<vmem>> -> memref<1x50xi32, #tpu.memory_space<vmem>>
    %dma_wait3A_290 = tpu.memref_squeeze %dma_wait3A_289 : memref<1x50xi32, #tpu.memory_space<vmem>> -> memref<50xi32, #tpu.memory_space<vmem>>
    %dma_wait3A_291 = arith.constant 0 : i32
    %dma_wait3A_292 = arith.constant 0 : i32
    %dma_wait3A_293 = tpu.memref_slice %arg3[%dma_wait3A_291, %dma_wait3A_292] : memref<1007616x64xf32, #tpu.memory_space<hbm>> -> memref<1007616x64xf32, #tpu.memory_space<hbm>>
    tpu.wait_indirect_dma semaphore(%arg11 : memref<!tpu.dma_semaphore, #tpu.memory_space<semaphore_mem>>) src(%dma_wait3A_293 : memref<1007616x64xf32, #tpu.memory_space<hbm>>) dst(%dma_wait3A_287 : memref<50x64xf32, #tpu.memory_space<vmem>>)
    %dma_wait3A_294 = arith.constant 0 : i32
    %dma_wait3A_295 = arith.constant 7 : i32
    %dma_wait3A_296 = arith.constant 0 : i32
    %dma_wait3A_297 = arith.constant 0 : i32
    %dma_wait3A_298 = tpu.memref_slice %arg8[%dma_wait3A_295, %dma_wait3A_296, %dma_wait3A_297] : memref<8x50x64xf32, #tpu.memory_space<vmem>> -> memref<1x50x64xf32, #tpu.memory_space<vmem>>
    %dma_wait3A_299 = tpu.memref_squeeze %dma_wait3A_298 : memref<1x50x64xf32, #tpu.memory_space<vmem>> -> memref<50x64xf32, #tpu.memory_space<vmem>>
    %dma_wait3A_300 = arith.constant 0 : i32
    %dma_wait3A_301 = tpu.memref_slice %arg7[%dma_wait3A_294, %dma_wait3A_300] : memref<128x50xi32, #tpu.memory_space<vmem>> -> memref<1x50xi32, #tpu.memory_space<vmem>>
    %dma_wait3A_302 = tpu.memref_squeeze %dma_wait3A_301 : memref<1x50xi32, #tpu.memory_space<vmem>> -> memref<50xi32, #tpu.memory_space<vmem>>
    %dma_wait3A_303 = arith.constant 0 : i32
    %dma_wait3A_304 = arith.constant 0 : i32
    %dma_wait3A_305 = tpu.memref_slice %arg3[%dma_wait3A_303, %dma_wait3A_304] : memref<1007616x64xf32, #tpu.memory_space<hbm>> -> memref<1007616x64xf32, #tpu.memory_space<hbm>>
    tpu.wait_indirect_dma semaphore(%arg11 : memref<!tpu.dma_semaphore, #tpu.memory_space<semaphore_mem>>) src(%dma_wait3A_305 : memref<1007616x64xf32, #tpu.memory_space<hbm>>) dst(%dma_wait3A_299 : memref<50x64xf32, #tpu.memory_space<vmem>>)
    %scan3A_306 = arith.constant 0 : i32
    %scan3A_307 = arith.constant 0 : i32
    %scan3A_308 = arith.constant 50 : i32
    %scan3A_309 = arith.addi %scan3A_307, %scan3A_308 : i32
    %scan3A_310 = arith.constant 1 : i32
    scf.for %scan3A_418 = %scan3A_307 to %scan3A_309 step %scan3A_310  : i32 {
      %get3A_419 = arith.constant 0 : i32
      %get3A_420 = arith.index_cast %get3A_419 : i32 to index
      %get3A_421 = arith.index_cast %scan3A_418 : i32 to index
      %get3A_422 = arith.constant 0 : index
      %get3A_423 = tpu.vector_load %arg8[%get3A_420, %get3A_421, %get3A_422] {strides = array<i32>} : memref<8x50x64xf32, #tpu.memory_space<vmem>>, vector<16xf32>,
      %add3A_424 = arith.addf %get3A_423, %get3A_3 : vector<16xf32>
      %swap3A = arith.constant 0 : i32
      %swap3A_425 = arith.index_cast %swap3A : i32 to index
      %swap3A_426 = arith.index_cast %scan3A_418 : i32 to index
      %swap3A_427 = arith.constant 0 : index
      %swap3A_428 = tpu.vector_load %arg8[%swap3A_425, %swap3A_426, %swap3A_427] {strides = array<i32>} : memref<8x50x64xf32, #tpu.memory_space<vmem>>, vector<16xf32>,
      tpu.vector_store %arg8[%swap3A_425, %swap3A_426, %swap3A_427], %add3A_424 {strides = array<i32>} : memref<8x50x64xf32, #tpu.memory_space<vmem>>, vector<16xf32>,
      %get3A_429 = arith.constant 0 : i32
      %get3A_430 = arith.index_cast %get3A_429 : i32 to index
      %get3A_431 = arith.index_cast %scan3A_418 : i32 to index
      %get3A_432 = arith.constant 16 : index
      %get3A_433 = tpu.vector_load %arg8[%get3A_430, %get3A_431, %get3A_432] {strides = array<i32>} : memref<8x50x64xf32, #tpu.memory_space<vmem>>, vector<16xf32>,
      %add3A_434 = arith.addf %get3A_433, %get3A_5 : vector<16xf32>
      %swap3A_435 = arith.constant 0 : i32
      %swap3A_436 = arith.index_cast %swap3A_435 : i32 to index
      %swap3A_437 = arith.index_cast %scan3A_418 : i32 to index
      %swap3A_438 = arith.constant 16 : index
      %swap3A_439 = tpu.vector_load %arg8[%swap3A_436, %swap3A_437, %swap3A_438] {strides = array<i32>} : memref<8x50x64xf32, #tpu.memory_space<vmem>>, vector<16xf32>,
      tpu.vector_store %arg8[%swap3A_436, %swap3A_437, %swap3A_438], %add3A_434 {strides = array<i32>} : memref<8x50x64xf32, #tpu.memory_space<vmem>>, vector<16xf32>,
      %get3A_440 = arith.constant 0 : i32
      %get3A_441 = arith.index_cast %get3A_440 : i32 to index
      %get3A_442 = arith.index_cast %scan3A_418 : i32 to index
      %get3A_443 = arith.constant 32 : index
      %get3A_444 = tpu.vector_load %arg8[%get3A_441, %get3A_442, %get3A_443] {strides = array<i32>} : memref<8x50x64xf32, #tpu.memory_space<vmem>>, vector<16xf32>,
      %add3A_445 = arith.addf %get3A_444, %get3A_7 : vector<16xf32>
      %swap3A_446 = arith.constant 0 : i32
      %swap3A_447 = arith.index_cast %swap3A_446 : i32 to index
      %swap3A_448 = arith.index_cast %scan3A_418 : i32 to index
      %swap3A_449 = arith.constant 32 : index
      %swap3A_450 = tpu.vector_load %arg8[%swap3A_447, %swap3A_448, %swap3A_449] {strides = array<i32>} : memref<8x50x64xf32, #tpu.memory_space<vmem>>, vector<16xf32>,
      tpu.vector_store %arg8[%swap3A_447, %swap3A_448, %swap3A_449], %add3A_445 {strides = array<i32>} : memref<8x50x64xf32, #tpu.memory_space<vmem>>, vector<16xf32>,
      %get3A_451 = arith.constant 0 : i32
      %get3A_452 = arith.index_cast %get3A_451 : i32 to index
      %get3A_453 = arith.index_cast %scan3A_418 : i32 to index
      %get3A_454 = arith.constant 48 : index
      %get3A_455 = tpu.vector_load %arg8[%get3A_452, %get3A_453, %get3A_454] {strides = array<i32>} : memref<8x50x64xf32, #tpu.memory_space<vmem>>, vector<16xf32>,
      %add3A_456 = arith.addf %get3A_455, %get3A_9 : vector<16xf32>
      %swap3A_457 = arith.constant 0 : i32
      %swap3A_458 = arith.index_cast %swap3A_457 : i32 to index
      %swap3A_459 = arith.index_cast %scan3A_418 : i32 to index
      %swap3A_460 = arith.constant 48 : index
      %swap3A_461 = tpu.vector_load %arg8[%swap3A_458, %swap3A_459, %swap3A_460] {strides = array<i32>} : memref<8x50x64xf32, #tpu.memory_space<vmem>>, vector<16xf32>,
      tpu.vector_store %arg8[%swap3A_458, %swap3A_459, %swap3A_460], %add3A_456 {strides = array<i32>} : memref<8x50x64xf32, #tpu.memory_space<vmem>>, vector<16xf32>,
      %get3A_462 = arith.constant 1 : i32
      %get3A_463 = arith.index_cast %get3A_462 : i32 to index
      %get3A_464 = arith.index_cast %scan3A_418 : i32 to index
      %get3A_465 = arith.constant 0 : index
      %get3A_466 = tpu.vector_load %arg8[%get3A_463, %get3A_464, %get3A_465] {strides = array<i32>} : memref<8x50x64xf32, #tpu.memory_space<vmem>>, vector<16xf32>,
      %add3A_467 = arith.addf %get3A_466, %get3A_3 : vector<16xf32>
      %swap3A_468 = arith.constant 1 : i32
      %swap3A_469 = arith.index_cast %swap3A_468 : i32 to index
      %swap3A_470 = arith.index_cast %scan3A_418 : i32 to index
      %swap3A_471 = arith.constant 0 : index
      %swap3A_472 = tpu.vector_load %arg8[%swap3A_469, %swap3A_470, %swap3A_471] {strides = array<i32>} : memref<8x50x64xf32, #tpu.memory_space<vmem>>, vector<16xf32>,
      tpu.vector_store %arg8[%swap3A_469, %swap3A_470, %swap3A_471], %add3A_467 {strides = array<i32>} : memref<8x50x64xf32, #tpu.memory_space<vmem>>, vector<16xf32>,
      %get3A_473 = arith.constant 1 : i32
      %get3A_474 = arith.index_cast %get3A_473 : i32 to index
      %get3A_475 = arith.index_cast %scan3A_418 : i32 to index
      %get3A_476 = arith.constant 16 : index
      %get3A_477 = tpu.vector_load %arg8[%get3A_474, %get3A_475, %get3A_476] {strides = array<i32>} : memref<8x50x64xf32, #tpu.memory_space<vmem>>, vector<16xf32>,
      %add3A_478 = arith.addf %get3A_477, %get3A_5 : vector<16xf32>
      %swap3A_479 = arith.constant 1 : i32
      %swap3A_480 = arith.index_cast %swap3A_479 : i32 to index
      %swap3A_481 = arith.index_cast %scan3A_418 : i32 to index
      %swap3A_482 = arith.constant 16 : index
      %swap3A_483 = tpu.vector_load %arg8[%swap3A_480, %swap3A_481, %swap3A_482] {strides = array<i32>} : memref<8x50x64xf32, #tpu.memory_space<vmem>>, vector<16xf32>,
      tpu.vector_store %arg8[%swap3A_480, %swap3A_481, %swap3A_482], %add3A_478 {strides = array<i32>} : memref<8x50x64xf32, #tpu.memory_space<vmem>>, vector<16xf32>,
      %get3A_484 = arith.constant 1 : i32
      %get3A_485 = arith.index_cast %get3A_484 : i32 to index
      %get3A_486 = arith.index_cast %scan3A_418 : i32 to index
      %get3A_487 = arith.constant 32 : index
      %get3A_488 = tpu.vector_load %arg8[%get3A_485, %get3A_486, %get3A_487] {strides = array<i32>} : memref<8x50x64xf32, #tpu.memory_space<vmem>>, vector<16xf32>,
      %add3A_489 = arith.addf %get3A_488, %get3A_7 : vector<16xf32>
      %swap3A_490 = arith.constant 1 : i32
      %swap3A_491 = arith.index_cast %swap3A_490 : i32 to index
      %swap3A_492 = arith.index_cast %scan3A_418 : i32 to index
      %swap3A_493 = arith.constant 32 : index
      %swap3A_494 = tpu.vector_load %arg8[%swap3A_491, %swap3A_492, %swap3A_493] {strides = array<i32>} : memref<8x50x64xf32, #tpu.memory_space<vmem>>, vector<16xf32>,
      tpu.vector_store %arg8[%swap3A_491, %swap3A_492, %swap3A_493], %add3A_489 {strides = array<i32>} : memref<8x50x64xf32, #tpu.memory_space<vmem>>, vector<16xf32>,
      %get3A_495 = arith.constant 1 : i32
      %get3A_496 = arith.index_cast %get3A_495 : i32 to index
      %get3A_497 = arith.index_cast %scan3A_418 : i32 to index
      %get3A_498 = arith.constant 48 : index
      %get3A_499 = tpu.vector_load %arg8[%get3A_496, %get3A_497, %get3A_498] {strides = array<i32>} : memref<8x50x64xf32, #tpu.memory_space<vmem>>, vector<16xf32>,
      %add3A_500 = arith.addf %get3A_499, %get3A_9 : vector<16xf32>
      %swap3A_501 = arith.constant 1 : i32
      %swap3A_502 = arith.index_cast %swap3A_501 : i32 to index
      %swap3A_503 = arith.index_cast %scan3A_418 : i32 to index
      %swap3A_504 = arith.constant 48 : index
      %swap3A_505 = tpu.vector_load %arg8[%swap3A_502, %swap3A_503, %swap3A_504] {strides = array<i32>} : memref<8x50x64xf32, #tpu.memory_space<vmem>>, vector<16xf32>,
      tpu.vector_store %arg8[%swap3A_502, %swap3A_503, %swap3A_504], %add3A_500 {strides = array<i32>} : memref<8x50x64xf32, #tpu.memory_space<vmem>>, vector<16xf32>,
      %get3A_506 = arith.constant 2 : i32
      %get3A_507 = arith.index_cast %get3A_506 : i32 to index
      %get3A_508 = arith.index_cast %scan3A_418 : i32 to index
      %get3A_509 = arith.constant 0 : index
      %get3A_510 = tpu.vector_load %arg8[%get3A_507, %get3A_508, %get3A_509] {strides = array<i32>} : memref<8x50x64xf32, #tpu.memory_space<vmem>>, vector<16xf32>,
      %add3A_511 = arith.addf %get3A_510, %get3A_3 : vector<16xf32>
      %swap3A_512 = arith.constant 2 : i32
      %swap3A_513 = arith.index_cast %swap3A_512 : i32 to index
      %swap3A_514 = arith.index_cast %scan3A_418 : i32 to index
      %swap3A_515 = arith.constant 0 : index
      %swap3A_516 = tpu.vector_load %arg8[%swap3A_513, %swap3A_514, %swap3A_515] {strides = array<i32>} : memref<8x50x64xf32, #tpu.memory_space<vmem>>, vector<16xf32>,
      tpu.vector_store %arg8[%swap3A_513, %swap3A_514, %swap3A_515], %add3A_511 {strides = array<i32>} : memref<8x50x64xf32, #tpu.memory_space<vmem>>, vector<16xf32>,
      %get3A_517 = arith.constant 2 : i32
      %get3A_518 = arith.index_cast %get3A_517 : i32 to index
      %get3A_519 = arith.index_cast %scan3A_418 : i32 to index
      %get3A_520 = arith.constant 16 : index
      %get3A_521 = tpu.vector_load %arg8[%get3A_518, %get3A_519, %get3A_520] {strides = array<i32>} : memref<8x50x64xf32, #tpu.memory_space<vmem>>, vector<16xf32>,
      %add3A_522 = arith.addf %get3A_521, %get3A_5 : vector<16xf32>
      %swap3A_523 = arith.constant 2 : i32
      %swap3A_524 = arith.index_cast %swap3A_523 : i32 to index
      %swap3A_525 = arith.index_cast %scan3A_418 : i32 to index
      %swap3A_526 = arith.constant 16 : index
      %swap3A_527 = tpu.vector_load %arg8[%swap3A_524, %swap3A_525, %swap3A_526] {strides = array<i32>} : memref<8x50x64xf32, #tpu.memory_space<vmem>>, vector<16xf32>,
      tpu.vector_store %arg8[%swap3A_524, %swap3A_525, %swap3A_526], %add3A_522 {strides = array<i32>} : memref<8x50x64xf32, #tpu.memory_space<vmem>>, vector<16xf32>,
      %get3A_528 = arith.constant 2 : i32
      %get3A_529 = arith.index_cast %get3A_528 : i32 to index
      %get3A_530 = arith.index_cast %scan3A_418 : i32 to index
      %get3A_531 = arith.constant 32 : index
      %get3A_532 = tpu.vector_load %arg8[%get3A_529, %get3A_530, %get3A_531] {strides = array<i32>} : memref<8x50x64xf32, #tpu.memory_space<vmem>>, vector<16xf32>,
      %add3A_533 = arith.addf %get3A_532, %get3A_7 : vector<16xf32>
      %swap3A_534 = arith.constant 2 : i32
      %swap3A_535 = arith.index_cast %swap3A_534 : i32 to index
      %swap3A_536 = arith.index_cast %scan3A_418 : i32 to index
      %swap3A_537 = arith.constant 32 : index
      %swap3A_538 = tpu.vector_load %arg8[%swap3A_535, %swap3A_536, %swap3A_537] {strides = array<i32>} : memref<8x50x64xf32, #tpu.memory_space<vmem>>, vector<16xf32>,
      tpu.vector_store %arg8[%swap3A_535, %swap3A_536, %swap3A_537], %add3A_533 {strides = array<i32>} : memref<8x50x64xf32, #tpu.memory_space<vmem>>, vector<16xf32>,
      %get3A_539 = arith.constant 2 : i32
      %get3A_540 = arith.index_cast %get3A_539 : i32 to index
      %get3A_541 = arith.index_cast %scan3A_418 : i32 to index
      %get3A_542 = arith.constant 48 : index
      %get3A_543 = tpu.vector_load %arg8[%get3A_540, %get3A_541, %get3A_542] {strides = array<i32>} : memref<8x50x64xf32, #tpu.memory_space<vmem>>, vector<16xf32>,
      %add3A_544 = arith.addf %get3A_543, %get3A_9 : vector<16xf32>
      %swap3A_545 = arith.constant 2 : i32
      %swap3A_546 = arith.index_cast %swap3A_545 : i32 to index
      %swap3A_547 = arith.index_cast %scan3A_418 : i32 to index
      %swap3A_548 = arith.constant 48 : index
      %swap3A_549 = tpu.vector_load %arg8[%swap3A_546, %swap3A_547, %swap3A_548] {strides = array<i32>} : memref<8x50x64xf32, #tpu.memory_space<vmem>>, vector<16xf32>,
      tpu.vector_store %arg8[%swap3A_546, %swap3A_547, %swap3A_548], %add3A_544 {strides = array<i32>} : memref<8x50x64xf32, #tpu.memory_space<vmem>>, vector<16xf32>,
      %get3A_550 = arith.constant 3 : i32
      %get3A_551 = arith.index_cast %get3A_550 : i32 to index
      %get3A_552 = arith.index_cast %scan3A_418 : i32 to index
      %get3A_553 = arith.constant 0 : index
      %get3A_554 = tpu.vector_load %arg8[%get3A_551, %get3A_552, %get3A_553] {strides = array<i32>} : memref<8x50x64xf32, #tpu.memory_space<vmem>>, vector<16xf32>,
      %add3A_555 = arith.addf %get3A_554, %get3A_3 : vector<16xf32>
      %swap3A_556 = arith.constant 3 : i32
      %swap3A_557 = arith.index_cast %swap3A_556 : i32 to index
      %swap3A_558 = arith.index_cast %scan3A_418 : i32 to index
      %swap3A_559 = arith.constant 0 : index
      %swap3A_560 = tpu.vector_load %arg8[%swap3A_557, %swap3A_558, %swap3A_559] {strides = array<i32>} : memref<8x50x64xf32, #tpu.memory_space<vmem>>, vector<16xf32>,
      tpu.vector_store %arg8[%swap3A_557, %swap3A_558, %swap3A_559], %add3A_555 {strides = array<i32>} : memref<8x50x64xf32, #tpu.memory_space<vmem>>, vector<16xf32>,
      %get3A_561 = arith.constant 3 : i32
      %get3A_562 = arith.index_cast %get3A_561 : i32 to index
      %get3A_563 = arith.index_cast %scan3A_418 : i32 to index
      %get3A_564 = arith.constant 16 : index
      %get3A_565 = tpu.vector_load %arg8[%get3A_562, %get3A_563, %get3A_564] {strides = array<i32>} : memref<8x50x64xf32, #tpu.memory_space<vmem>>, vector<16xf32>,
      %add3A_566 = arith.addf %get3A_565, %get3A_5 : vector<16xf32>
      %swap3A_567 = arith.constant 3 : i32
      %swap3A_568 = arith.index_cast %swap3A_567 : i32 to index
      %swap3A_569 = arith.index_cast %scan3A_418 : i32 to index
      %swap3A_570 = arith.constant 16 : index
      %swap3A_571 = tpu.vector_load %arg8[%swap3A_568, %swap3A_569, %swap3A_570] {strides = array<i32>} : memref<8x50x64xf32, #tpu.memory_space<vmem>>, vector<16xf32>,
      tpu.vector_store %arg8[%swap3A_568, %swap3A_569, %swap3A_570], %add3A_566 {strides = array<i32>} : memref<8x50x64xf32, #tpu.memory_space<vmem>>, vector<16xf32>,
      %get3A_572 = arith.constant 3 : i32
      %get3A_573 = arith.index_cast %get3A_572 : i32 to index
      %get3A_574 = arith.index_cast %scan3A_418 : i32 to index
      %get3A_575 = arith.constant 32 : index
      %get3A_576 = tpu.vector_load %arg8[%get3A_573, %get3A_574, %get3A_575] {strides = array<i32>} : memref<8x50x64xf32, #tpu.memory_space<vmem>>, vector<16xf32>,
      %add3A_577 = arith.addf %get3A_576, %get3A_7 : vector<16xf32>
      %swap3A_578 = arith.constant 3 : i32
      %swap3A_579 = arith.index_cast %swap3A_578 : i32 to index
      %swap3A_580 = arith.index_cast %scan3A_418 : i32 to index
      %swap3A_581 = arith.constant 32 : index
      %swap3A_582 = tpu.vector_load %arg8[%swap3A_579, %swap3A_580, %swap3A_581] {strides = array<i32>} : memref<8x50x64xf32, #tpu.memory_space<vmem>>, vector<16xf32>,
      tpu.vector_store %arg8[%swap3A_579, %swap3A_580, %swap3A_581], %add3A_577 {strides = array<i32>} : memref<8x50x64xf32, #tpu.memory_space<vmem>>, vector<16xf32>,
      %get3A_583 = arith.constant 3 : i32
      %get3A_584 = arith.index_cast %get3A_583 : i32 to index
      %get3A_585 = arith.index_cast %scan3A_418 : i32 to index
      %get3A_586 = arith.constant 48 : index
      %get3A_587 = tpu.vector_load %arg8[%get3A_584, %get3A_585, %get3A_586] {strides = array<i32>} : memref<8x50x64xf32, #tpu.memory_space<vmem>>, vector<16xf32>,
      %add3A_588 = arith.addf %get3A_587, %get3A_9 : vector<16xf32>
      %swap3A_589 = arith.constant 3 : i32
      %swap3A_590 = arith.index_cast %swap3A_589 : i32 to index
      %swap3A_591 = arith.index_cast %scan3A_418 : i32 to index
      %swap3A_592 = arith.constant 48 : index
      %swap3A_593 = tpu.vector_load %arg8[%swap3A_590, %swap3A_591, %swap3A_592] {strides = array<i32>} : memref<8x50x64xf32, #tpu.memory_space<vmem>>, vector<16xf32>,
      tpu.vector_store %arg8[%swap3A_590, %swap3A_591, %swap3A_592], %add3A_588 {strides = array<i32>} : memref<8x50x64xf32, #tpu.memory_space<vmem>>, vector<16xf32>,
      %get3A_594 = arith.constant 4 : i32
      %get3A_595 = arith.index_cast %get3A_594 : i32 to index
      %get3A_596 = arith.index_cast %scan3A_418 : i32 to index
      %get3A_597 = arith.constant 0 : index
      %get3A_598 = tpu.vector_load %arg8[%get3A_595, %get3A_596, %get3A_597] {strides = array<i32>} : memref<8x50x64xf32, #tpu.memory_space<vmem>>, vector<16xf32>,
      %add3A_599 = arith.addf %get3A_598, %get3A_3 : vector<16xf32>
      %swap3A_600 = arith.constant 4 : i32
      %swap3A_601 = arith.index_cast %swap3A_600 : i32 to index
      %swap3A_602 = arith.index_cast %scan3A_418 : i32 to index
      %swap3A_603 = arith.constant 0 : index
      %swap3A_604 = tpu.vector_load %arg8[%swap3A_601, %swap3A_602, %swap3A_603] {strides = array<i32>} : memref<8x50x64xf32, #tpu.memory_space<vmem>>, vector<16xf32>,
      tpu.vector_store %arg8[%swap3A_601, %swap3A_602, %swap3A_603], %add3A_599 {strides = array<i32>} : memref<8x50x64xf32, #tpu.memory_space<vmem>>, vector<16xf32>,
      %get3A_605 = arith.constant 4 : i32
      %get3A_606 = arith.index_cast %get3A_605 : i32 to index
      %get3A_607 = arith.index_cast %scan3A_418 : i32 to index
      %get3A_608 = arith.constant 16 : index
      %get3A_609 = tpu.vector_load %arg8[%get3A_606, %get3A_607, %get3A_608] {strides = array<i32>} : memref<8x50x64xf32, #tpu.memory_space<vmem>>, vector<16xf32>,
      %add3A_610 = arith.addf %get3A_609, %get3A_5 : vector<16xf32>
      %swap3A_611 = arith.constant 4 : i32
      %swap3A_612 = arith.index_cast %swap3A_611 : i32 to index
      %swap3A_613 = arith.index_cast %scan3A_418 : i32 to index
      %swap3A_614 = arith.constant 16 : index
      %swap3A_615 = tpu.vector_load %arg8[%swap3A_612, %swap3A_613, %swap3A_614] {strides = array<i32>} : memref<8x50x64xf32, #tpu.memory_space<vmem>>, vector<16xf32>,
      tpu.vector_store %arg8[%swap3A_612, %swap3A_613, %swap3A_614], %add3A_610 {strides = array<i32>} : memref<8x50x64xf32, #tpu.memory_space<vmem>>, vector<16xf32>,
      %get3A_616 = arith.constant 4 : i32
      %get3A_617 = arith.index_cast %get3A_616 : i32 to index
      %get3A_618 = arith.index_cast %scan3A_418 : i32 to index
      %get3A_619 = arith.constant 32 : index
      %get3A_620 = tpu.vector_load %arg8[%get3A_617, %get3A_618, %get3A_619] {strides = array<i32>} : memref<8x50x64xf32, #tpu.memory_space<vmem>>, vector<16xf32>,
      %add3A_621 = arith.addf %get3A_620, %get3A_7 : vector<16xf32>
      %swap3A_622 = arith.constant 4 : i32
      %swap3A_623 = arith.index_cast %swap3A_622 : i32 to index
      %swap3A_624 = arith.index_cast %scan3A_418 : i32 to index
      %swap3A_625 = arith.constant 32 : index
      %swap3A_626 = tpu.vector_load %arg8[%swap3A_623, %swap3A_624, %swap3A_625] {strides = array<i32>} : memref<8x50x64xf32, #tpu.memory_space<vmem>>, vector<16xf32>,
      tpu.vector_store %arg8[%swap3A_623, %swap3A_624, %swap3A_625], %add3A_621 {strides = array<i32>} : memref<8x50x64xf32, #tpu.memory_space<vmem>>, vector<16xf32>,
      %get3A_627 = arith.constant 4 : i32
      %get3A_628 = arith.index_cast %get3A_627 : i32 to index
      %get3A_629 = arith.index_cast %scan3A_418 : i32 to index
      %get3A_630 = arith.constant 48 : index
      %get3A_631 = tpu.vector_load %arg8[%get3A_628, %get3A_629, %get3A_630] {strides = array<i32>} : memref<8x50x64xf32, #tpu.memory_space<vmem>>, vector<16xf32>,
      %add3A_632 = arith.addf %get3A_631, %get3A_9 : vector<16xf32>
      %swap3A_633 = arith.constant 4 : i32
      %swap3A_634 = arith.index_cast %swap3A_633 : i32 to index
      %swap3A_635 = arith.index_cast %scan3A_418 : i32 to index
      %swap3A_636 = arith.constant 48 : index
      %swap3A_637 = tpu.vector_load %arg8[%swap3A_634, %swap3A_635, %swap3A_636] {strides = array<i32>} : memref<8x50x64xf32, #tpu.memory_space<vmem>>, vector<16xf32>,
      tpu.vector_store %arg8[%swap3A_634, %swap3A_635, %swap3A_636], %add3A_632 {strides = array<i32>} : memref<8x50x64xf32, #tpu.memory_space<vmem>>, vector<16xf32>,
      %get3A_638 = arith.constant 5 : i32
      %get3A_639 = arith.index_cast %get3A_638 : i32 to index
      %get3A_640 = arith.index_cast %scan3A_418 : i32 to index
      %get3A_641 = arith.constant 0 : index
      %get3A_642 = tpu.vector_load %arg8[%get3A_639, %get3A_640, %get3A_641] {strides = array<i32>} : memref<8x50x64xf32, #tpu.memory_space<vmem>>, vector<16xf32>,
      %add3A_643 = arith.addf %get3A_642, %get3A_3 : vector<16xf32>
      %swap3A_644 = arith.constant 5 : i32
      %swap3A_645 = arith.index_cast %swap3A_644 : i32 to index
      %swap3A_646 = arith.index_cast %scan3A_418 : i32 to index
      %swap3A_647 = arith.constant 0 : index
      %swap3A_648 = tpu.vector_load %arg8[%swap3A_645, %swap3A_646, %swap3A_647] {strides = array<i32>} : memref<8x50x64xf32, #tpu.memory_space<vmem>>, vector<16xf32>,
      tpu.vector_store %arg8[%swap3A_645, %swap3A_646, %swap3A_647], %add3A_643 {strides = array<i32>} : memref<8x50x64xf32, #tpu.memory_space<vmem>>, vector<16xf32>,
      %get3A_649 = arith.constant 5 : i32
      %get3A_650 = arith.index_cast %get3A_649 : i32 to index
      %get3A_651 = arith.index_cast %scan3A_418 : i32 to index
      %get3A_652 = arith.constant 16 : index
      %get3A_653 = tpu.vector_load %arg8[%get3A_650, %get3A_651, %get3A_652] {strides = array<i32>} : memref<8x50x64xf32, #tpu.memory_space<vmem>>, vector<16xf32>,
      %add3A_654 = arith.addf %get3A_653, %get3A_5 : vector<16xf32>
      %swap3A_655 = arith.constant 5 : i32
      %swap3A_656 = arith.index_cast %swap3A_655 : i32 to index
      %swap3A_657 = arith.index_cast %scan3A_418 : i32 to index
      %swap3A_658 = arith.constant 16 : index
      %swap3A_659 = tpu.vector_load %arg8[%swap3A_656, %swap3A_657, %swap3A_658] {strides = array<i32>} : memref<8x50x64xf32, #tpu.memory_space<vmem>>, vector<16xf32>,
      tpu.vector_store %arg8[%swap3A_656, %swap3A_657, %swap3A_658], %add3A_654 {strides = array<i32>} : memref<8x50x64xf32, #tpu.memory_space<vmem>>, vector<16xf32>,
      %get3A_660 = arith.constant 5 : i32
      %get3A_661 = arith.index_cast %get3A_660 : i32 to index
      %get3A_662 = arith.index_cast %scan3A_418 : i32 to index
      %get3A_663 = arith.constant 32 : index
      %get3A_664 = tpu.vector_load %arg8[%get3A_661, %get3A_662, %get3A_663] {strides = array<i32>} : memref<8x50x64xf32, #tpu.memory_space<vmem>>, vector<16xf32>,
      %add3A_665 = arith.addf %get3A_664, %get3A_7 : vector<16xf32>
      %swap3A_666 = arith.constant 5 : i32
      %swap3A_667 = arith.index_cast %swap3A_666 : i32 to index
      %swap3A_668 = arith.index_cast %scan3A_418 : i32 to index
      %swap3A_669 = arith.constant 32 : index
      %swap3A_670 = tpu.vector_load %arg8[%swap3A_667, %swap3A_668, %swap3A_669] {strides = array<i32>} : memref<8x50x64xf32, #tpu.memory_space<vmem>>, vector<16xf32>,
      tpu.vector_store %arg8[%swap3A_667, %swap3A_668, %swap3A_669], %add3A_665 {strides = array<i32>} : memref<8x50x64xf32, #tpu.memory_space<vmem>>, vector<16xf32>,
      %get3A_671 = arith.constant 5 : i32
      %get3A_672 = arith.index_cast %get3A_671 : i32 to index
      %get3A_673 = arith.index_cast %scan3A_418 : i32 to index
      %get3A_674 = arith.constant 48 : index
      %get3A_675 = tpu.vector_load %arg8[%get3A_672, %get3A_673, %get3A_674] {strides = array<i32>} : memref<8x50x64xf32, #tpu.memory_space<vmem>>, vector<16xf32>,
      %add3A_676 = arith.addf %get3A_675, %get3A_9 : vector<16xf32>
      %swap3A_677 = arith.constant 5 : i32
      %swap3A_678 = arith.index_cast %swap3A_677 : i32 to index
      %swap3A_679 = arith.index_cast %scan3A_418 : i32 to index
      %swap3A_680 = arith.constant 48 : index
      %swap3A_681 = tpu.vector_load %arg8[%swap3A_678, %swap3A_679, %swap3A_680] {strides = array<i32>} : memref<8x50x64xf32, #tpu.memory_space<vmem>>, vector<16xf32>,
      tpu.vector_store %arg8[%swap3A_678, %swap3A_679, %swap3A_680], %add3A_676 {strides = array<i32>} : memref<8x50x64xf32, #tpu.memory_space<vmem>>, vector<16xf32>,
      %get3A_682 = arith.constant 6 : i32
      %get3A_683 = arith.index_cast %get3A_682 : i32 to index
      %get3A_684 = arith.index_cast %scan3A_418 : i32 to index
      %get3A_685 = arith.constant 0 : index
      %get3A_686 = tpu.vector_load %arg8[%get3A_683, %get3A_684, %get3A_685] {strides = array<i32>} : memref<8x50x64xf32, #tpu.memory_space<vmem>>, vector<16xf32>,
      %add3A_687 = arith.addf %get3A_686, %get3A_3 : vector<16xf32>
      %swap3A_688 = arith.constant 6 : i32
      %swap3A_689 = arith.index_cast %swap3A_688 : i32 to index
      %swap3A_690 = arith.index_cast %scan3A_418 : i32 to index
      %swap3A_691 = arith.constant 0 : index
      %swap3A_692 = tpu.vector_load %arg8[%swap3A_689, %swap3A_690, %swap3A_691] {strides = array<i32>} : memref<8x50x64xf32, #tpu.memory_space<vmem>>, vector<16xf32>,
      tpu.vector_store %arg8[%swap3A_689, %swap3A_690, %swap3A_691], %add3A_687 {strides = array<i32>} : memref<8x50x64xf32, #tpu.memory_space<vmem>>, vector<16xf32>,
      %get3A_693 = arith.constant 6 : i32
      %get3A_694 = arith.index_cast %get3A_693 : i32 to index
      %get3A_695 = arith.index_cast %scan3A_418 : i32 to index
      %get3A_696 = arith.constant 16 : index
      %get3A_697 = tpu.vector_load %arg8[%get3A_694, %get3A_695, %get3A_696] {strides = array<i32>} : memref<8x50x64xf32, #tpu.memory_space<vmem>>, vector<16xf32>,
      %add3A_698 = arith.addf %get3A_697, %get3A_5 : vector<16xf32>
      %swap3A_699 = arith.constant 6 : i32
      %swap3A_700 = arith.index_cast %swap3A_699 : i32 to index
      %swap3A_701 = arith.index_cast %scan3A_418 : i32 to index
      %swap3A_702 = arith.constant 16 : index
      %swap3A_703 = tpu.vector_load %arg8[%swap3A_700, %swap3A_701, %swap3A_702] {strides = array<i32>} : memref<8x50x64xf32, #tpu.memory_space<vmem>>, vector<16xf32>,
      tpu.vector_store %arg8[%swap3A_700, %swap3A_701, %swap3A_702], %add3A_698 {strides = array<i32>} : memref<8x50x64xf32, #tpu.memory_space<vmem>>, vector<16xf32>,
      %get3A_704 = arith.constant 6 : i32
      %get3A_705 = arith.index_cast %get3A_704 : i32 to index
      %get3A_706 = arith.index_cast %scan3A_418 : i32 to index
      %get3A_707 = arith.constant 32 : index
      %get3A_708 = tpu.vector_load %arg8[%get3A_705, %get3A_706, %get3A_707] {strides = array<i32>} : memref<8x50x64xf32, #tpu.memory_space<vmem>>, vector<16xf32>,
      %add3A_709 = arith.addf %get3A_708, %get3A_7 : vector<16xf32>
      %swap3A_710 = arith.constant 6 : i32
      %swap3A_711 = arith.index_cast %swap3A_710 : i32 to index
      %swap3A_712 = arith.index_cast %scan3A_418 : i32 to index
      %swap3A_713 = arith.constant 32 : index
      %swap3A_714 = tpu.vector_load %arg8[%swap3A_711, %swap3A_712, %swap3A_713] {strides = array<i32>} : memref<8x50x64xf32, #tpu.memory_space<vmem>>, vector<16xf32>,
      tpu.vector_store %arg8[%swap3A_711, %swap3A_712, %swap3A_713], %add3A_709 {strides = array<i32>} : memref<8x50x64xf32, #tpu.memory_space<vmem>>, vector<16xf32>,
      %get3A_715 = arith.constant 6 : i32
      %get3A_716 = arith.index_cast %get3A_715 : i32 to index
      %get3A_717 = arith.index_cast %scan3A_418 : i32 to index
      %get3A_718 = arith.constant 48 : index
      %get3A_719 = tpu.vector_load %arg8[%get3A_716, %get3A_717, %get3A_718] {strides = array<i32>} : memref<8x50x64xf32, #tpu.memory_space<vmem>>, vector<16xf32>,
      %add3A_720 = arith.addf %get3A_719, %get3A_9 : vector<16xf32>
      %swap3A_721 = arith.constant 6 : i32
      %swap3A_722 = arith.index_cast %swap3A_721 : i32 to index
      %swap3A_723 = arith.index_cast %scan3A_418 : i32 to index
      %swap3A_724 = arith.constant 48 : index
      %swap3A_725 = tpu.vector_load %arg8[%swap3A_722, %swap3A_723, %swap3A_724] {strides = array<i32>} : memref<8x50x64xf32, #tpu.memory_space<vmem>>, vector<16xf32>,
      tpu.vector_store %arg8[%swap3A_722, %swap3A_723, %swap3A_724], %add3A_720 {strides = array<i32>} : memref<8x50x64xf32, #tpu.memory_space<vmem>>, vector<16xf32>,
      %get3A_726 = arith.constant 7 : i32
      %get3A_727 = arith.index_cast %get3A_726 : i32 to index
      %get3A_728 = arith.index_cast %scan3A_418 : i32 to index
      %get3A_729 = arith.constant 0 : index
      %get3A_730 = tpu.vector_load %arg8[%get3A_727, %get3A_728, %get3A_729] {strides = array<i32>} : memref<8x50x64xf32, #tpu.memory_space<vmem>>, vector<16xf32>,
      %add3A_731 = arith.addf %get3A_730, %get3A_3 : vector<16xf32>
      %swap3A_732 = arith.constant 7 : i32
      %swap3A_733 = arith.index_cast %swap3A_732 : i32 to index
      %swap3A_734 = arith.index_cast %scan3A_418 : i32 to index
      %swap3A_735 = arith.constant 0 : index
      %swap3A_736 = tpu.vector_load %arg8[%swap3A_733, %swap3A_734, %swap3A_735] {strides = array<i32>} : memref<8x50x64xf32, #tpu.memory_space<vmem>>, vector<16xf32>,
      tpu.vector_store %arg8[%swap3A_733, %swap3A_734, %swap3A_735], %add3A_731 {strides = array<i32>} : memref<8x50x64xf32, #tpu.memory_space<vmem>>, vector<16xf32>,
      %get3A_737 = arith.constant 7 : i32
      %get3A_738 = arith.index_cast %get3A_737 : i32 to index
      %get3A_739 = arith.index_cast %scan3A_418 : i32 to index
      %get3A_740 = arith.constant 16 : index
      %get3A_741 = tpu.vector_load %arg8[%get3A_738, %get3A_739, %get3A_740] {strides = array<i32>} : memref<8x50x64xf32, #tpu.memory_space<vmem>>, vector<16xf32>,
      %add3A_742 = arith.addf %get3A_741, %get3A_5 : vector<16xf32>
      %swap3A_743 = arith.constant 7 : i32
      %swap3A_744 = arith.index_cast %swap3A_743 : i32 to index
      %swap3A_745 = arith.index_cast %scan3A_418 : i32 to index
      %swap3A_746 = arith.constant 16 : index
      %swap3A_747 = tpu.vector_load %arg8[%swap3A_744, %swap3A_745, %swap3A_746] {strides = array<i32>} : memref<8x50x64xf32, #tpu.memory_space<vmem>>, vector<16xf32>,
      tpu.vector_store %arg8[%swap3A_744, %swap3A_745, %swap3A_746], %add3A_742 {strides = array<i32>} : memref<8x50x64xf32, #tpu.memory_space<vmem>>, vector<16xf32>,
      %get3A_748 = arith.constant 7 : i32
      %get3A_749 = arith.index_cast %get3A_748 : i32 to index
      %get3A_750 = arith.index_cast %scan3A_418 : i32 to index
      %get3A_751 = arith.constant 32 : index
      %get3A_752 = tpu.vector_load %arg8[%get3A_749, %get3A_750, %get3A_751] {strides = array<i32>} : memref<8x50x64xf32, #tpu.memory_space<vmem>>, vector<16xf32>,
      %add3A_753 = arith.addf %get3A_752, %get3A_7 : vector<16xf32>
      %swap3A_754 = arith.constant 7 : i32
      %swap3A_755 = arith.index_cast %swap3A_754 : i32 to index
      %swap3A_756 = arith.index_cast %scan3A_418 : i32 to index
      %swap3A_757 = arith.constant 32 : index
      %swap3A_758 = tpu.vector_load %arg8[%swap3A_755, %swap3A_756, %swap3A_757] {strides = array<i32>} : memref<8x50x64xf32, #tpu.memory_space<vmem>>, vector<16xf32>,
      tpu.vector_store %arg8[%swap3A_755, %swap3A_756, %swap3A_757], %add3A_753 {strides = array<i32>} : memref<8x50x64xf32, #tpu.memory_space<vmem>>, vector<16xf32>,
      %get3A_759 = arith.constant 7 : i32
      %get3A_760 = arith.index_cast %get3A_759 : i32 to index
      %get3A_761 = arith.index_cast %scan3A_418 : i32 to index
      %get3A_762 = arith.constant 48 : index
      %get3A_763 = tpu.vector_load %arg8[%get3A_760, %get3A_761, %get3A_762] {strides = array<i32>} : memref<8x50x64xf32, #tpu.memory_space<vmem>>, vector<16xf32>,
      %add3A_764 = arith.addf %get3A_763, %get3A_9 : vector<16xf32>
      %swap3A_765 = arith.constant 7 : i32
      %swap3A_766 = arith.index_cast %swap3A_765 : i32 to index
      %swap3A_767 = arith.index_cast %scan3A_418 : i32 to index
      %swap3A_768 = arith.constant 48 : index
      %swap3A_769 = tpu.vector_load %arg8[%swap3A_766, %swap3A_767, %swap3A_768] {strides = array<i32>} : memref<8x50x64xf32, #tpu.memory_space<vmem>>, vector<16xf32>,
      tpu.vector_store %arg8[%swap3A_766, %swap3A_767, %swap3A_768], %add3A_764 {strides = array<i32>} : memref<8x50x64xf32, #tpu.memory_space<vmem>>, vector<16xf32>,
    }
    %scan3A_311 = arith.constant 50 : i32
    %add3A_312 = arith.constant 112 : i32
    %add3A_313 = arith.addi %mul3A_2, %add3A_312 : i32
    "tpu.region"() ({
      %run_scoped3A = tpu.sem_alloc : memref<!tpu.dma_semaphore, #tpu.memory_space<semaphore_mem>>
      %dma_start3A_418 = arith.constant 0 : i32
      %dma_start3A_419 = arith.constant 0 : i32
      %dma_start3A_420 = tpu.memref_slice %arg5[%add3A_313, %dma_start3A_418, %dma_start3A_419] : memref<4096x50x64xf32, #tpu.memory_space<hbm>> -> memref<8x50x64xf32, #tpu.memory_space<hbm>>
      %dma_start3A_421 = arith.constant 0 : i32
      %dma_start3A_422 = arith.constant 0 : i32
      %dma_start3A_423 = tpu.memref_slice %arg5[%add3A_313, %dma_start3A_421, %dma_start3A_422] : memref<4096x50x64xf32, #tpu.memory_space<hbm>> -> memref<8x50x64xf32, #tpu.memory_space<hbm>>
      tpu.enqueue_dma source(%arg8 : memref<8x50x64xf32, #tpu.memory_space<vmem>>) target(%dma_start3A_423 : memref<8x50x64xf32, #tpu.memory_space<hbm>>) target_semaphore(%run_scoped3A : memref<!tpu.dma_semaphore, #tpu.memory_space<semaphore_mem>>)
      %dma_wait3A_424 = arith.constant 0 : i32
      %dma_wait3A_425 = arith.constant 0 : i32
      %dma_wait3A_426 = tpu.memref_slice %arg5[%add3A_313, %dma_wait3A_424, %dma_wait3A_425] : memref<4096x50x64xf32, #tpu.memory_space<hbm>> -> memref<8x50x64xf32, #tpu.memory_space<hbm>>
      %dma_wait3A_427 = arith.constant 0 : i32
      %dma_wait3A_428 = arith.constant 0 : i32
      %dma_wait3A_429 = tpu.memref_slice %arg5[%add3A_313, %dma_wait3A_427, %dma_wait3A_428] : memref<4096x50x64xf32, #tpu.memory_space<hbm>> -> memref<8x50x64xf32, #tpu.memory_space<hbm>>
      tpu.wait_dma2 semaphore(%run_scoped3A : memref<!tpu.dma_semaphore, #tpu.memory_space<semaphore_mem>>) src(%arg8 : memref<8x50x64xf32, #tpu.memory_space<vmem>>) dst(%dma_wait3A_429 : memref<8x50x64xf32, #tpu.memory_space<hbm>>)
      tpu.yield
    }) : () -> ()
    %dma_wait3A_314 = arith.constant 0 : i32
    %dma_wait3A_315 = arith.constant 0 : i32
    %dma_wait3A_316 = arith.constant 0 : i32
    %dma_wait3A_317 = arith.constant 0 : i32
    %dma_wait3A_318 = tpu.memref_slice %arg9[%dma_wait3A_315, %dma_wait3A_316, %dma_wait3A_317] : memref<8x50x64xf32, #tpu.memory_space<vmem>> -> memref<1x50x64xf32, #tpu.memory_space<vmem>>
    %dma_wait3A_319 = tpu.memref_squeeze %dma_wait3A_318 : memref<1x50x64xf32, #tpu.memory_space<vmem>> -> memref<50x64xf32, #tpu.memory_space<vmem>>
    %dma_wait3A_320 = arith.constant 0 : i32
    %dma_wait3A_321 = tpu.memref_slice %arg7[%dma_wait3A_314, %dma_wait3A_320] : memref<128x50xi32, #tpu.memory_space<vmem>> -> memref<1x50xi32, #tpu.memory_space<vmem>>
    %dma_wait3A_322 = tpu.memref_squeeze %dma_wait3A_321 : memref<1x50xi32, #tpu.memory_space<vmem>> -> memref<50xi32, #tpu.memory_space<vmem>>
    %dma_wait3A_323 = arith.constant 0 : i32
    %dma_wait3A_324 = arith.constant 0 : i32
    %dma_wait3A_325 = tpu.memref_slice %arg3[%dma_wait3A_323, %dma_wait3A_324] : memref<1007616x64xf32, #tpu.memory_space<hbm>> -> memref<1007616x64xf32, #tpu.memory_space<hbm>>
    tpu.wait_indirect_dma semaphore(%arg12 : memref<!tpu.dma_semaphore, #tpu.memory_space<semaphore_mem>>) src(%dma_wait3A_325 : memref<1007616x64xf32, #tpu.memory_space<hbm>>) dst(%dma_wait3A_319 : memref<50x64xf32, #tpu.memory_space<vmem>>)
    %dma_wait3A_326 = arith.constant 0 : i32
    %dma_wait3A_327 = arith.constant 1 : i32
    %dma_wait3A_328 = arith.constant 0 : i32
    %dma_wait3A_329 = arith.constant 0 : i32
    %dma_wait3A_330 = tpu.memref_slice %arg9[%dma_wait3A_327, %dma_wait3A_328, %dma_wait3A_329] : memref<8x50x64xf32, #tpu.memory_space<vmem>> -> memref<1x50x64xf32, #tpu.memory_space<vmem>>
    %dma_wait3A_331 = tpu.memref_squeeze %dma_wait3A_330 : memref<1x50x64xf32, #tpu.memory_space<vmem>> -> memref<50x64xf32, #tpu.memory_space<vmem>>
    %dma_wait3A_332 = arith.constant 0 : i32
    %dma_wait3A_333 = tpu.memref_slice %arg7[%dma_wait3A_326, %dma_wait3A_332] : memref<128x50xi32, #tpu.memory_space<vmem>> -> memref<1x50xi32, #tpu.memory_space<vmem>>
    %dma_wait3A_334 = tpu.memref_squeeze %dma_wait3A_333 : memref<1x50xi32, #tpu.memory_space<vmem>> -> memref<50xi32, #tpu.memory_space<vmem>>
    %dma_wait3A_335 = arith.constant 0 : i32
    %dma_wait3A_336 = arith.constant 0 : i32
    %dma_wait3A_337 = tpu.memref_slice %arg3[%dma_wait3A_335, %dma_wait3A_336] : memref<1007616x64xf32, #tpu.memory_space<hbm>> -> memref<1007616x64xf32, #tpu.memory_space<hbm>>
    tpu.wait_indirect_dma semaphore(%arg12 : memref<!tpu.dma_semaphore, #tpu.memory_space<semaphore_mem>>) src(%dma_wait3A_337 : memref<1007616x64xf32, #tpu.memory_space<hbm>>) dst(%dma_wait3A_331 : memref<50x64xf32, #tpu.memory_space<vmem>>)
    %dma_wait3A_338 = arith.constant 0 : i32
    %dma_wait3A_339 = arith.constant 2 : i32
    %dma_wait3A_340 = arith.constant 0 : i32
    %dma_wait3A_341 = arith.constant 0 : i32
    %dma_wait3A_342 = tpu.memref_slice %arg9[%dma_wait3A_339, %dma_wait3A_340, %dma_wait3A_341] : memref<8x50x64xf32, #tpu.memory_space<vmem>> -> memref<1x50x64xf32, #tpu.memory_space<vmem>>
    %dma_wait3A_343 = tpu.memref_squeeze %dma_wait3A_342 : memref<1x50x64xf32, #tpu.memory_space<vmem>> -> memref<50x64xf32, #tpu.memory_space<vmem>>
    %dma_wait3A_344 = arith.constant 0 : i32
    %dma_wait3A_345 = tpu.memref_slice %arg7[%dma_wait3A_338, %dma_wait3A_344] : memref<128x50xi32, #tpu.memory_space<vmem>> -> memref<1x50xi32, #tpu.memory_space<vmem>>
    %dma_wait3A_346 = tpu.memref_squeeze %dma_wait3A_345 : memref<1x50xi32, #tpu.memory_space<vmem>> -> memref<50xi32, #tpu.memory_space<vmem>>
    %dma_wait3A_347 = arith.constant 0 : i32
    %dma_wait3A_348 = arith.constant 0 : i32
    %dma_wait3A_349 = tpu.memref_slice %arg3[%dma_wait3A_347, %dma_wait3A_348] : memref<1007616x64xf32, #tpu.memory_space<hbm>> -> memref<1007616x64xf32, #tpu.memory_space<hbm>>
    tpu.wait_indirect_dma semaphore(%arg12 : memref<!tpu.dma_semaphore, #tpu.memory_space<semaphore_mem>>) src(%dma_wait3A_349 : memref<1007616x64xf32, #tpu.memory_space<hbm>>) dst(%dma_wait3A_343 : memref<50x64xf32, #tpu.memory_space<vmem>>)
    %dma_wait3A_350 = arith.constant 0 : i32
    %dma_wait3A_351 = arith.constant 3 : i32
    %dma_wait3A_352 = arith.constant 0 : i32
    %dma_wait3A_353 = arith.constant 0 : i32
    %dma_wait3A_354 = tpu.memref_slice %arg9[%dma_wait3A_351, %dma_wait3A_352, %dma_wait3A_353] : memref<8x50x64xf32, #tpu.memory_space<vmem>> -> memref<1x50x64xf32, #tpu.memory_space<vmem>>
    %dma_wait3A_355 = tpu.memref_squeeze %dma_wait3A_354 : memref<1x50x64xf32, #tpu.memory_space<vmem>> -> memref<50x64xf32, #tpu.memory_space<vmem>>
    %dma_wait3A_356 = arith.constant 0 : i32
    %dma_wait3A_357 = tpu.memref_slice %arg7[%dma_wait3A_350, %dma_wait3A_356] : memref<128x50xi32, #tpu.memory_space<vmem>> -> memref<1x50xi32, #tpu.memory_space<vmem>>
    %dma_wait3A_358 = tpu.memref_squeeze %dma_wait3A_357 : memref<1x50xi32, #tpu.memory_space<vmem>> -> memref<50xi32, #tpu.memory_space<vmem>>
    %dma_wait3A_359 = arith.constant 0 : i32
    %dma_wait3A_360 = arith.constant 0 : i32
    %dma_wait3A_361 = tpu.memref_slice %arg3[%dma_wait3A_359, %dma_wait3A_360] : memref<1007616x64xf32, #tpu.memory_space<hbm>> -> memref<1007616x64xf32, #tpu.memory_space<hbm>>
    tpu.wait_indirect_dma semaphore(%arg12 : memref<!tpu.dma_semaphore, #tpu.memory_space<semaphore_mem>>) src(%dma_wait3A_361 : memref<1007616x64xf32, #tpu.memory_space<hbm>>) dst(%dma_wait3A_355 : memref<50x64xf32, #tpu.memory_space<vmem>>)
    %dma_wait3A_362 = arith.constant 0 : i32
    %dma_wait3A_363 = arith.constant 4 : i32
    %dma_wait3A_364 = arith.constant 0 : i32
    %dma_wait3A_365 = arith.constant 0 : i32
    %dma_wait3A_366 = tpu.memref_slice %arg9[%dma_wait3A_363, %dma_wait3A_364, %dma_wait3A_365] : memref<8x50x64xf32, #tpu.memory_space<vmem>> -> memref<1x50x64xf32, #tpu.memory_space<vmem>>
    %dma_wait3A_367 = tpu.memref_squeeze %dma_wait3A_366 : memref<1x50x64xf32, #tpu.memory_space<vmem>> -> memref<50x64xf32, #tpu.memory_space<vmem>>
    %dma_wait3A_368 = arith.constant 0 : i32
    %dma_wait3A_369 = tpu.memref_slice %arg7[%dma_wait3A_362, %dma_wait3A_368] : memref<128x50xi32, #tpu.memory_space<vmem>> -> memref<1x50xi32, #tpu.memory_space<vmem>>
    %dma_wait3A_370 = tpu.memref_squeeze %dma_wait3A_369 : memref<1x50xi32, #tpu.memory_space<vmem>> -> memref<50xi32, #tpu.memory_space<vmem>>
    %dma_wait3A_371 = arith.constant 0 : i32
    %dma_wait3A_372 = arith.constant 0 : i32
    %dma_wait3A_373 = tpu.memref_slice %arg3[%dma_wait3A_371, %dma_wait3A_372] : memref<1007616x64xf32, #tpu.memory_space<hbm>> -> memref<1007616x64xf32, #tpu.memory_space<hbm>>
    tpu.wait_indirect_dma semaphore(%arg12 : memref<!tpu.dma_semaphore, #tpu.memory_space<semaphore_mem>>) src(%dma_wait3A_373 : memref<1007616x64xf32, #tpu.memory_space<hbm>>) dst(%dma_wait3A_367 : memref<50x64xf32, #tpu.memory_space<vmem>>)
    %dma_wait3A_374 = arith.constant 0 : i32
    %dma_wait3A_375 = arith.constant 5 : i32
    %dma_wait3A_376 = arith.constant 0 : i32
    %dma_wait3A_377 = arith.constant 0 : i32
    %dma_wait3A_378 = tpu.memref_slice %arg9[%dma_wait3A_375, %dma_wait3A_376, %dma_wait3A_377] : memref<8x50x64xf32, #tpu.memory_space<vmem>> -> memref<1x50x64xf32, #tpu.memory_space<vmem>>
    %dma_wait3A_379 = tpu.memref_squeeze %dma_wait3A_378 : memref<1x50x64xf32, #tpu.memory_space<vmem>> -> memref<50x64xf32, #tpu.memory_space<vmem>>
    %dma_wait3A_380 = arith.constant 0 : i32
    %dma_wait3A_381 = tpu.memref_slice %arg7[%dma_wait3A_374, %dma_wait3A_380] : memref<128x50xi32, #tpu.memory_space<vmem>> -> memref<1x50xi32, #tpu.memory_space<vmem>>
    %dma_wait3A_382 = tpu.memref_squeeze %dma_wait3A_381 : memref<1x50xi32, #tpu.memory_space<vmem>> -> memref<50xi32, #tpu.memory_space<vmem>>
    %dma_wait3A_383 = arith.constant 0 : i32
    %dma_wait3A_384 = arith.constant 0 : i32
    %dma_wait3A_385 = tpu.memref_slice %arg3[%dma_wait3A_383, %dma_wait3A_384] : memref<1007616x64xf32, #tpu.memory_space<hbm>> -> memref<1007616x64xf32, #tpu.memory_space<hbm>>
    tpu.wait_indirect_dma semaphore(%arg12 : memref<!tpu.dma_semaphore, #tpu.memory_space<semaphore_mem>>) src(%dma_wait3A_385 : memref<1007616x64xf32, #tpu.memory_space<hbm>>) dst(%dma_wait3A_379 : memref<50x64xf32, #tpu.memory_space<vmem>>)
    %dma_wait3A_386 = arith.constant 0 : i32
    %dma_wait3A_387 = arith.constant 6 : i32
    %dma_wait3A_388 = arith.constant 0 : i32
    %dma_wait3A_389 = arith.constant 0 : i32
    %dma_wait3A_390 = tpu.memref_slice %arg9[%dma_wait3A_387, %dma_wait3A_388, %dma_wait3A_389] : memref<8x50x64xf32, #tpu.memory_space<vmem>> -> memref<1x50x64xf32, #tpu.memory_space<vmem>>
    %dma_wait3A_391 = tpu.memref_squeeze %dma_wait3A_390 : memref<1x50x64xf32, #tpu.memory_space<vmem>> -> memref<50x64xf32, #tpu.memory_space<vmem>>
    %dma_wait3A_392 = arith.constant 0 : i32
    %dma_wait3A_393 = tpu.memref_slice %arg7[%dma_wait3A_386, %dma_wait3A_392] : memref<128x50xi32, #tpu.memory_space<vmem>> -> memref<1x50xi32, #tpu.memory_space<vmem>>
    %dma_wait3A_394 = tpu.memref_squeeze %dma_wait3A_393 : memref<1x50xi32, #tpu.memory_space<vmem>> -> memref<50xi32, #tpu.memory_space<vmem>>
    %dma_wait3A_395 = arith.constant 0 : i32
    %dma_wait3A_396 = arith.constant 0 : i32
    %dma_wait3A_397 = tpu.memref_slice %arg3[%dma_wait3A_395, %dma_wait3A_396] : memref<1007616x64xf32, #tpu.memory_space<hbm>> -> memref<1007616x64xf32, #tpu.memory_space<hbm>>
    tpu.wait_indirect_dma semaphore(%arg12 : memref<!tpu.dma_semaphore, #tpu.memory_space<semaphore_mem>>) src(%dma_wait3A_397 : memref<1007616x64xf32, #tpu.memory_space<hbm>>) dst(%dma_wait3A_391 : memref<50x64xf32, #tpu.memory_space<vmem>>)
    %dma_wait3A_398 = arith.constant 0 : i32
    %dma_wait3A_399 = arith.constant 7 : i32
    %dma_wait3A_400 = arith.constant 0 : i32
    %dma_wait3A_401 = arith.constant 0 : i32
    %dma_wait3A_402 = tpu.memref_slice %arg9[%dma_wait3A_399, %dma_wait3A_400, %dma_wait3A_401] : memref<8x50x64xf32, #tpu.memory_space<vmem>> -> memref<1x50x64xf32, #tpu.memory_space<vmem>>
    %dma_wait3A_403 = tpu.memref_squeeze %dma_wait3A_402 : memref<1x50x64xf32, #tpu.memory_space<vmem>> -> memref<50x64xf32, #tpu.memory_space<vmem>>
    %dma_wait3A_404 = arith.constant 0 : i32
    %dma_wait3A_405 = tpu.memref_slice %arg7[%dma_wait3A_398, %dma_wait3A_404] : memref<128x50xi32, #tpu.memory_space<vmem>> -> memref<1x50xi32, #tpu.memory_space<vmem>>
    %dma_wait3A_406 = tpu.memref_squeeze %dma_wait3A_405 : memref<1x50xi32, #tpu.memory_space<vmem>> -> memref<50xi32, #tpu.memory_space<vmem>>
    %dma_wait3A_407 = arith.constant 0 : i32
    %dma_wait3A_408 = arith.constant 0 : i32
    %dma_wait3A_409 = tpu.memref_slice %arg3[%dma_wait3A_407, %dma_wait3A_408] : memref<1007616x64xf32, #tpu.memory_space<hbm>> -> memref<1007616x64xf32, #tpu.memory_space<hbm>>
    tpu.wait_indirect_dma semaphore(%arg12 : memref<!tpu.dma_semaphore, #tpu.memory_space<semaphore_mem>>) src(%dma_wait3A_409 : memref<1007616x64xf32, #tpu.memory_space<hbm>>) dst(%dma_wait3A_403 : memref<50x64xf32, #tpu.memory_space<vmem>>)
    %scan3A_410 = arith.constant 0 : i32
    %scan3A_411 = arith.constant 0 : i32
    %scan3A_412 = arith.constant 50 : i32
    %scan3A_413 = arith.addi %scan3A_411, %scan3A_412 : i32
    %scan3A_414 = arith.constant 1 : i32
    scf.for %scan3A_418 = %scan3A_411 to %scan3A_413 step %scan3A_414  : i32 {
      %get3A_419 = arith.constant 0 : i32
      %get3A_420 = arith.index_cast %get3A_419 : i32 to index
      %get3A_421 = arith.index_cast %scan3A_418 : i32 to index
      %get3A_422 = arith.constant 0 : index
      %get3A_423 = tpu.vector_load %arg9[%get3A_420, %get3A_421, %get3A_422] {strides = array<i32>} : memref<8x50x64xf32, #tpu.memory_space<vmem>>, vector<16xf32>,
      %add3A_424 = arith.addf %get3A_423, %get3A_3 : vector<16xf32>
      %swap3A = arith.constant 0 : i32
      %swap3A_425 = arith.index_cast %swap3A : i32 to index
      %swap3A_426 = arith.index_cast %scan3A_418 : i32 to index
      %swap3A_427 = arith.constant 0 : index
      %swap3A_428 = tpu.vector_load %arg9[%swap3A_425, %swap3A_426, %swap3A_427] {strides = array<i32>} : memref<8x50x64xf32, #tpu.memory_space<vmem>>, vector<16xf32>,
      tpu.vector_store %arg9[%swap3A_425, %swap3A_426, %swap3A_427], %add3A_424 {strides = array<i32>} : memref<8x50x64xf32, #tpu.memory_space<vmem>>, vector<16xf32>,
      %get3A_429 = arith.constant 0 : i32
      %get3A_430 = arith.index_cast %get3A_429 : i32 to index
      %get3A_431 = arith.index_cast %scan3A_418 : i32 to index
      %get3A_432 = arith.constant 16 : index
      %get3A_433 = tpu.vector_load %arg9[%get3A_430, %get3A_431, %get3A_432] {strides = array<i32>} : memref<8x50x64xf32, #tpu.memory_space<vmem>>, vector<16xf32>,
      %add3A_434 = arith.addf %get3A_433, %get3A_5 : vector<16xf32>
      %swap3A_435 = arith.constant 0 : i32
      %swap3A_436 = arith.index_cast %swap3A_435 : i32 to index
      %swap3A_437 = arith.index_cast %scan3A_418 : i32 to index
      %swap3A_438 = arith.constant 16 : index
      %swap3A_439 = tpu.vector_load %arg9[%swap3A_436, %swap3A_437, %swap3A_438] {strides = array<i32>} : memref<8x50x64xf32, #tpu.memory_space<vmem>>, vector<16xf32>,
      tpu.vector_store %arg9[%swap3A_436, %swap3A_437, %swap3A_438], %add3A_434 {strides = array<i32>} : memref<8x50x64xf32, #tpu.memory_space<vmem>>, vector<16xf32>,
      %get3A_440 = arith.constant 0 : i32
      %get3A_441 = arith.index_cast %get3A_440 : i32 to index
      %get3A_442 = arith.index_cast %scan3A_418 : i32 to index
      %get3A_443 = arith.constant 32 : index
      %get3A_444 = tpu.vector_load %arg9[%get3A_441, %get3A_442, %get3A_443] {strides = array<i32>} : memref<8x50x64xf32, #tpu.memory_space<vmem>>, vector<16xf32>,
      %add3A_445 = arith.addf %get3A_444, %get3A_7 : vector<16xf32>
      %swap3A_446 = arith.constant 0 : i32
      %swap3A_447 = arith.index_cast %swap3A_446 : i32 to index
      %swap3A_448 = arith.index_cast %scan3A_418 : i32 to index
      %swap3A_449 = arith.constant 32 : index
      %swap3A_450 = tpu.vector_load %arg9[%swap3A_447, %swap3A_448, %swap3A_449] {strides = array<i32>} : memref<8x50x64xf32, #tpu.memory_space<vmem>>, vector<16xf32>,
      tpu.vector_store %arg9[%swap3A_447, %swap3A_448, %swap3A_449], %add3A_445 {strides = array<i32>} : memref<8x50x64xf32, #tpu.memory_space<vmem>>, vector<16xf32>,
      %get3A_451 = arith.constant 0 : i32
      %get3A_452 = arith.index_cast %get3A_451 : i32 to index
      %get3A_453 = arith.index_cast %scan3A_418 : i32 to index
      %get3A_454 = arith.constant 48 : index
      %get3A_455 = tpu.vector_load %arg9[%get3A_452, %get3A_453, %get3A_454] {strides = array<i32>} : memref<8x50x64xf32, #tpu.memory_space<vmem>>, vector<16xf32>,
      %add3A_456 = arith.addf %get3A_455, %get3A_9 : vector<16xf32>
      %swap3A_457 = arith.constant 0 : i32
      %swap3A_458 = arith.index_cast %swap3A_457 : i32 to index
      %swap3A_459 = arith.index_cast %scan3A_418 : i32 to index
      %swap3A_460 = arith.constant 48 : index
      %swap3A_461 = tpu.vector_load %arg9[%swap3A_458, %swap3A_459, %swap3A_460] {strides = array<i32>} : memref<8x50x64xf32, #tpu.memory_space<vmem>>, vector<16xf32>,
      tpu.vector_store %arg9[%swap3A_458, %swap3A_459, %swap3A_460], %add3A_456 {strides = array<i32>} : memref<8x50x64xf32, #tpu.memory_space<vmem>>, vector<16xf32>,
      %get3A_462 = arith.constant 1 : i32
      %get3A_463 = arith.index_cast %get3A_462 : i32 to index
      %get3A_464 = arith.index_cast %scan3A_418 : i32 to index
      %get3A_465 = arith.constant 0 : index
      %get3A_466 = tpu.vector_load %arg9[%get3A_463, %get3A_464, %get3A_465] {strides = array<i32>} : memref<8x50x64xf32, #tpu.memory_space<vmem>>, vector<16xf32>,
      %add3A_467 = arith.addf %get3A_466, %get3A_3 : vector<16xf32>
      %swap3A_468 = arith.constant 1 : i32
      %swap3A_469 = arith.index_cast %swap3A_468 : i32 to index
      %swap3A_470 = arith.index_cast %scan3A_418 : i32 to index
      %swap3A_471 = arith.constant 0 : index
      %swap3A_472 = tpu.vector_load %arg9[%swap3A_469, %swap3A_470, %swap3A_471] {strides = array<i32>} : memref<8x50x64xf32, #tpu.memory_space<vmem>>, vector<16xf32>,
      tpu.vector_store %arg9[%swap3A_469, %swap3A_470, %swap3A_471], %add3A_467 {strides = array<i32>} : memref<8x50x64xf32, #tpu.memory_space<vmem>>, vector<16xf32>,
      %get3A_473 = arith.constant 1 : i32
      %get3A_474 = arith.index_cast %get3A_473 : i32 to index
      %get3A_475 = arith.index_cast %scan3A_418 : i32 to index
      %get3A_476 = arith.constant 16 : index
      %get3A_477 = tpu.vector_load %arg9[%get3A_474, %get3A_475, %get3A_476] {strides = array<i32>} : memref<8x50x64xf32, #tpu.memory_space<vmem>>, vector<16xf32>,
      %add3A_478 = arith.addf %get3A_477, %get3A_5 : vector<16xf32>
      %swap3A_479 = arith.constant 1 : i32
      %swap3A_480 = arith.index_cast %swap3A_479 : i32 to index
      %swap3A_481 = arith.index_cast %scan3A_418 : i32 to index
      %swap3A_482 = arith.constant 16 : index
      %swap3A_483 = tpu.vector_load %arg9[%swap3A_480, %swap3A_481, %swap3A_482] {strides = array<i32>} : memref<8x50x64xf32, #tpu.memory_space<vmem>>, vector<16xf32>,
      tpu.vector_store %arg9[%swap3A_480, %swap3A_481, %swap3A_482], %add3A_478 {strides = array<i32>} : memref<8x50x64xf32, #tpu.memory_space<vmem>>, vector<16xf32>,
      %get3A_484 = arith.constant 1 : i32
      %get3A_485 = arith.index_cast %get3A_484 : i32 to index
      %get3A_486 = arith.index_cast %scan3A_418 : i32 to index
      %get3A_487 = arith.constant 32 : index
      %get3A_488 = tpu.vector_load %arg9[%get3A_485, %get3A_486, %get3A_487] {strides = array<i32>} : memref<8x50x64xf32, #tpu.memory_space<vmem>>, vector<16xf32>,
      %add3A_489 = arith.addf %get3A_488, %get3A_7 : vector<16xf32>
      %swap3A_490 = arith.constant 1 : i32
      %swap3A_491 = arith.index_cast %swap3A_490 : i32 to index
      %swap3A_492 = arith.index_cast %scan3A_418 : i32 to index
      %swap3A_493 = arith.constant 32 : index
      %swap3A_494 = tpu.vector_load %arg9[%swap3A_491, %swap3A_492, %swap3A_493] {strides = array<i32>} : memref<8x50x64xf32, #tpu.memory_space<vmem>>, vector<16xf32>,
      tpu.vector_store %arg9[%swap3A_491, %swap3A_492, %swap3A_493], %add3A_489 {strides = array<i32>} : memref<8x50x64xf32, #tpu.memory_space<vmem>>, vector<16xf32>,
      %get3A_495 = arith.constant 1 : i32
      %get3A_496 = arith.index_cast %get3A_495 : i32 to index
      %get3A_497 = arith.index_cast %scan3A_418 : i32 to index
      %get3A_498 = arith.constant 48 : index
      %get3A_499 = tpu.vector_load %arg9[%get3A_496, %get3A_497, %get3A_498] {strides = array<i32>} : memref<8x50x64xf32, #tpu.memory_space<vmem>>, vector<16xf32>,
      %add3A_500 = arith.addf %get3A_499, %get3A_9 : vector<16xf32>
      %swap3A_501 = arith.constant 1 : i32
      %swap3A_502 = arith.index_cast %swap3A_501 : i32 to index
      %swap3A_503 = arith.index_cast %scan3A_418 : i32 to index
      %swap3A_504 = arith.constant 48 : index
      %swap3A_505 = tpu.vector_load %arg9[%swap3A_502, %swap3A_503, %swap3A_504] {strides = array<i32>} : memref<8x50x64xf32, #tpu.memory_space<vmem>>, vector<16xf32>,
      tpu.vector_store %arg9[%swap3A_502, %swap3A_503, %swap3A_504], %add3A_500 {strides = array<i32>} : memref<8x50x64xf32, #tpu.memory_space<vmem>>, vector<16xf32>,
      %get3A_506 = arith.constant 2 : i32
      %get3A_507 = arith.index_cast %get3A_506 : i32 to index
      %get3A_508 = arith.index_cast %scan3A_418 : i32 to index
      %get3A_509 = arith.constant 0 : index
      %get3A_510 = tpu.vector_load %arg9[%get3A_507, %get3A_508, %get3A_509] {strides = array<i32>} : memref<8x50x64xf32, #tpu.memory_space<vmem>>, vector<16xf32>,
      %add3A_511 = arith.addf %get3A_510, %get3A_3 : vector<16xf32>
      %swap3A_512 = arith.constant 2 : i32
      %swap3A_513 = arith.index_cast %swap3A_512 : i32 to index
      %swap3A_514 = arith.index_cast %scan3A_418 : i32 to index
      %swap3A_515 = arith.constant 0 : index
      %swap3A_516 = tpu.vector_load %arg9[%swap3A_513, %swap3A_514, %swap3A_515] {strides = array<i32>} : memref<8x50x64xf32, #tpu.memory_space<vmem>>, vector<16xf32>,
      tpu.vector_store %arg9[%swap3A_513, %swap3A_514, %swap3A_515], %add3A_511 {strides = array<i32>} : memref<8x50x64xf32, #tpu.memory_space<vmem>>, vector<16xf32>,
      %get3A_517 = arith.constant 2 : i32
      %get3A_518 = arith.index_cast %get3A_517 : i32 to index
      %get3A_519 = arith.index_cast %scan3A_418 : i32 to index
      %get3A_520 = arith.constant 16 : index
      %get3A_521 = tpu.vector_load %arg9[%get3A_518, %get3A_519, %get3A_520] {strides = array<i32>} : memref<8x50x64xf32, #tpu.memory_space<vmem>>, vector<16xf32>,
      %add3A_522 = arith.addf %get3A_521, %get3A_5 : vector<16xf32>
      %swap3A_523 = arith.constant 2 : i32
      %swap3A_524 = arith.index_cast %swap3A_523 : i32 to index
      %swap3A_525 = arith.index_cast %scan3A_418 : i32 to index
      %swap3A_526 = arith.constant 16 : index
      %swap3A_527 = tpu.vector_load %arg9[%swap3A_524, %swap3A_525, %swap3A_526] {strides = array<i32>} : memref<8x50x64xf32, #tpu.memory_space<vmem>>, vector<16xf32>,
      tpu.vector_store %arg9[%swap3A_524, %swap3A_525, %swap3A_526], %add3A_522 {strides = array<i32>} : memref<8x50x64xf32, #tpu.memory_space<vmem>>, vector<16xf32>,
      %get3A_528 = arith.constant 2 : i32
      %get3A_529 = arith.index_cast %get3A_528 : i32 to index
      %get3A_530 = arith.index_cast %scan3A_418 : i32 to index
      %get3A_531 = arith.constant 32 : index
      %get3A_532 = tpu.vector_load %arg9[%get3A_529, %get3A_530, %get3A_531] {strides = array<i32>} : memref<8x50x64xf32, #tpu.memory_space<vmem>>, vector<16xf32>,
      %add3A_533 = arith.addf %get3A_532, %get3A_7 : vector<16xf32>
      %swap3A_534 = arith.constant 2 : i32
      %swap3A_535 = arith.index_cast %swap3A_534 : i32 to index
      %swap3A_536 = arith.index_cast %scan3A_418 : i32 to index
      %swap3A_537 = arith.constant 32 : index
      %swap3A_538 = tpu.vector_load %arg9[%swap3A_535, %swap3A_536, %swap3A_537] {strides = array<i32>} : memref<8x50x64xf32, #tpu.memory_space<vmem>>, vector<16xf32>,
      tpu.vector_store %arg9[%swap3A_535, %swap3A_536, %swap3A_537], %add3A_533 {strides = array<i32>} : memref<8x50x64xf32, #tpu.memory_space<vmem>>, vector<16xf32>,
      %get3A_539 = arith.constant 2 : i32
      %get3A_540 = arith.index_cast %get3A_539 : i32 to index
      %get3A_541 = arith.index_cast %scan3A_418 : i32 to index
      %get3A_542 = arith.constant 48 : index
      %get3A_543 = tpu.vector_load %arg9[%get3A_540, %get3A_541, %get3A_542] {strides = array<i32>} : memref<8x50x64xf32, #tpu.memory_space<vmem>>, vector<16xf32>,
      %add3A_544 = arith.addf %get3A_543, %get3A_9 : vector<16xf32>
      %swap3A_545 = arith.constant 2 : i32
      %swap3A_546 = arith.index_cast %swap3A_545 : i32 to index
      %swap3A_547 = arith.index_cast %scan3A_418 : i32 to index
      %swap3A_548 = arith.constant 48 : index
      %swap3A_549 = tpu.vector_load %arg9[%swap3A_546, %swap3A_547, %swap3A_548] {strides = array<i32>} : memref<8x50x64xf32, #tpu.memory_space<vmem>>, vector<16xf32>,
      tpu.vector_store %arg9[%swap3A_546, %swap3A_547, %swap3A_548], %add3A_544 {strides = array<i32>} : memref<8x50x64xf32, #tpu.memory_space<vmem>>, vector<16xf32>,
      %get3A_550 = arith.constant 3 : i32
      %get3A_551 = arith.index_cast %get3A_550 : i32 to index
      %get3A_552 = arith.index_cast %scan3A_418 : i32 to index
      %get3A_553 = arith.constant 0 : index
      %get3A_554 = tpu.vector_load %arg9[%get3A_551, %get3A_552, %get3A_553] {strides = array<i32>} : memref<8x50x64xf32, #tpu.memory_space<vmem>>, vector<16xf32>,
      %add3A_555 = arith.addf %get3A_554, %get3A_3 : vector<16xf32>
      %swap3A_556 = arith.constant 3 : i32
      %swap3A_557 = arith.index_cast %swap3A_556 : i32 to index
      %swap3A_558 = arith.index_cast %scan3A_418 : i32 to index
      %swap3A_559 = arith.constant 0 : index
      %swap3A_560 = tpu.vector_load %arg9[%swap3A_557, %swap3A_558, %swap3A_559] {strides = array<i32>} : memref<8x50x64xf32, #tpu.memory_space<vmem>>, vector<16xf32>,
      tpu.vector_store %arg9[%swap3A_557, %swap3A_558, %swap3A_559], %add3A_555 {strides = array<i32>} : memref<8x50x64xf32, #tpu.memory_space<vmem>>, vector<16xf32>,
      %get3A_561 = arith.constant 3 : i32
      %get3A_562 = arith.index_cast %get3A_561 : i32 to index
      %get3A_563 = arith.index_cast %scan3A_418 : i32 to index
      %get3A_564 = arith.constant 16 : index
      %get3A_565 = tpu.vector_load %arg9[%get3A_562, %get3A_563, %get3A_564] {strides = array<i32>} : memref<8x50x64xf32, #tpu.memory_space<vmem>>, vector<16xf32>,
      %add3A_566 = arith.addf %get3A_565, %get3A_5 : vector<16xf32>
      %swap3A_567 = arith.constant 3 : i32
      %swap3A_568 = arith.index_cast %swap3A_567 : i32 to index
      %swap3A_569 = arith.index_cast %scan3A_418 : i32 to index
      %swap3A_570 = arith.constant 16 : index
      %swap3A_571 = tpu.vector_load %arg9[%swap3A_568, %swap3A_569, %swap3A_570] {strides = array<i32>} : memref<8x50x64xf32, #tpu.memory_space<vmem>>, vector<16xf32>,
      tpu.vector_store %arg9[%swap3A_568, %swap3A_569, %swap3A_570], %add3A_566 {strides = array<i32>} : memref<8x50x64xf32, #tpu.memory_space<vmem>>, vector<16xf32>,
      %get3A_572 = arith.constant 3 : i32
      %get3A_573 = arith.index_cast %get3A_572 : i32 to index
      %get3A_574 = arith.index_cast %scan3A_418 : i32 to index
      %get3A_575 = arith.constant 32 : index
      %get3A_576 = tpu.vector_load %arg9[%get3A_573, %get3A_574, %get3A_575] {strides = array<i32>} : memref<8x50x64xf32, #tpu.memory_space<vmem>>, vector<16xf32>,
      %add3A_577 = arith.addf %get3A_576, %get3A_7 : vector<16xf32>
      %swap3A_578 = arith.constant 3 : i32
      %swap3A_579 = arith.index_cast %swap3A_578 : i32 to index
      %swap3A_580 = arith.index_cast %scan3A_418 : i32 to index
      %swap3A_581 = arith.constant 32 : index
      %swap3A_582 = tpu.vector_load %arg9[%swap3A_579, %swap3A_580, %swap3A_581] {strides = array<i32>} : memref<8x50x64xf32, #tpu.memory_space<vmem>>, vector<16xf32>,
      tpu.vector_store %arg9[%swap3A_579, %swap3A_580, %swap3A_581], %add3A_577 {strides = array<i32>} : memref<8x50x64xf32, #tpu.memory_space<vmem>>, vector<16xf32>,
      %get3A_583 = arith.constant 3 : i32
      %get3A_584 = arith.index_cast %get3A_583 : i32 to index
      %get3A_585 = arith.index_cast %scan3A_418 : i32 to index
      %get3A_586 = arith.constant 48 : index
      %get3A_587 = tpu.vector_load %arg9[%get3A_584, %get3A_585, %get3A_586] {strides = array<i32>} : memref<8x50x64xf32, #tpu.memory_space<vmem>>, vector<16xf32>,
      %add3A_588 = arith.addf %get3A_587, %get3A_9 : vector<16xf32>
      %swap3A_589 = arith.constant 3 : i32
      %swap3A_590 = arith.index_cast %swap3A_589 : i32 to index
      %swap3A_591 = arith.index_cast %scan3A_418 : i32 to index
      %swap3A_592 = arith.constant 48 : index
      %swap3A_593 = tpu.vector_load %arg9[%swap3A_590, %swap3A_591, %swap3A_592] {strides = array<i32>} : memref<8x50x64xf32, #tpu.memory_space<vmem>>, vector<16xf32>,
      tpu.vector_store %arg9[%swap3A_590, %swap3A_591, %swap3A_592], %add3A_588 {strides = array<i32>} : memref<8x50x64xf32, #tpu.memory_space<vmem>>, vector<16xf32>,
      %get3A_594 = arith.constant 4 : i32
      %get3A_595 = arith.index_cast %get3A_594 : i32 to index
      %get3A_596 = arith.index_cast %scan3A_418 : i32 to index
      %get3A_597 = arith.constant 0 : index
      %get3A_598 = tpu.vector_load %arg9[%get3A_595, %get3A_596, %get3A_597] {strides = array<i32>} : memref<8x50x64xf32, #tpu.memory_space<vmem>>, vector<16xf32>,
      %add3A_599 = arith.addf %get3A_598, %get3A_3 : vector<16xf32>
      %swap3A_600 = arith.constant 4 : i32
      %swap3A_601 = arith.index_cast %swap3A_600 : i32 to index
      %swap3A_602 = arith.index_cast %scan3A_418 : i32 to index
      %swap3A_603 = arith.constant 0 : index
      %swap3A_604 = tpu.vector_load %arg9[%swap3A_601, %swap3A_602, %swap3A_603] {strides = array<i32>} : memref<8x50x64xf32, #tpu.memory_space<vmem>>, vector<16xf32>,
      tpu.vector_store %arg9[%swap3A_601, %swap3A_602, %swap3A_603], %add3A_599 {strides = array<i32>} : memref<8x50x64xf32, #tpu.memory_space<vmem>>, vector<16xf32>,
      %get3A_605 = arith.constant 4 : i32
      %get3A_606 = arith.index_cast %get3A_605 : i32 to index
      %get3A_607 = arith.index_cast %scan3A_418 : i32 to index
      %get3A_608 = arith.constant 16 : index
      %get3A_609 = tpu.vector_load %arg9[%get3A_606, %get3A_607, %get3A_608] {strides = array<i32>} : memref<8x50x64xf32, #tpu.memory_space<vmem>>, vector<16xf32>,
      %add3A_610 = arith.addf %get3A_609, %get3A_5 : vector<16xf32>
      %swap3A_611 = arith.constant 4 : i32
      %swap3A_612 = arith.index_cast %swap3A_611 : i32 to index
      %swap3A_613 = arith.index_cast %scan3A_418 : i32 to index
      %swap3A_614 = arith.constant 16 : index
      %swap3A_615 = tpu.vector_load %arg9[%swap3A_612, %swap3A_613, %swap3A_614] {strides = array<i32>} : memref<8x50x64xf32, #tpu.memory_space<vmem>>, vector<16xf32>,
      tpu.vector_store %arg9[%swap3A_612, %swap3A_613, %swap3A_614], %add3A_610 {strides = array<i32>} : memref<8x50x64xf32, #tpu.memory_space<vmem>>, vector<16xf32>,
      %get3A_616 = arith.constant 4 : i32
      %get3A_617 = arith.index_cast %get3A_616 : i32 to index
      %get3A_618 = arith.index_cast %scan3A_418 : i32 to index
      %get3A_619 = arith.constant 32 : index
      %get3A_620 = tpu.vector_load %arg9[%get3A_617, %get3A_618, %get3A_619] {strides = array<i32>} : memref<8x50x64xf32, #tpu.memory_space<vmem>>, vector<16xf32>,
      %add3A_621 = arith.addf %get3A_620, %get3A_7 : vector<16xf32>
      %swap3A_622 = arith.constant 4 : i32
      %swap3A_623 = arith.index_cast %swap3A_622 : i32 to index
      %swap3A_624 = arith.index_cast %scan3A_418 : i32 to index
      %swap3A_625 = arith.constant 32 : index
      %swap3A_626 = tpu.vector_load %arg9[%swap3A_623, %swap3A_624, %swap3A_625] {strides = array<i32>} : memref<8x50x64xf32, #tpu.memory_space<vmem>>, vector<16xf32>,
      tpu.vector_store %arg9[%swap3A_623, %swap3A_624, %swap3A_625], %add3A_621 {strides = array<i32>} : memref<8x50x64xf32, #tpu.memory_space<vmem>>, vector<16xf32>,
      %get3A_627 = arith.constant 4 : i32
      %get3A_628 = arith.index_cast %get3A_627 : i32 to index
      %get3A_629 = arith.index_cast %scan3A_418 : i32 to index
      %get3A_630 = arith.constant 48 : index
      %get3A_631 = tpu.vector_load %arg9[%get3A_628, %get3A_629, %get3A_630] {strides = array<i32>} : memref<8x50x64xf32, #tpu.memory_space<vmem>>, vector<16xf32>,
      %add3A_632 = arith.addf %get3A_631, %get3A_9 : vector<16xf32>
      %swap3A_633 = arith.constant 4 : i32
      %swap3A_634 = arith.index_cast %swap3A_633 : i32 to index
      %swap3A_635 = arith.index_cast %scan3A_418 : i32 to index
      %swap3A_636 = arith.constant 48 : index
      %swap3A_637 = tpu.vector_load %arg9[%swap3A_634, %swap3A_635, %swap3A_636] {strides = array<i32>} : memref<8x50x64xf32, #tpu.memory_space<vmem>>, vector<16xf32>,
      tpu.vector_store %arg9[%swap3A_634, %swap3A_635, %swap3A_636], %add3A_632 {strides = array<i32>} : memref<8x50x64xf32, #tpu.memory_space<vmem>>, vector<16xf32>,
      %get3A_638 = arith.constant 5 : i32
      %get3A_639 = arith.index_cast %get3A_638 : i32 to index
      %get3A_640 = arith.index_cast %scan3A_418 : i32 to index
      %get3A_641 = arith.constant 0 : index
      %get3A_642 = tpu.vector_load %arg9[%get3A_639, %get3A_640, %get3A_641] {strides = array<i32>} : memref<8x50x64xf32, #tpu.memory_space<vmem>>, vector<16xf32>,
      %add3A_643 = arith.addf %get3A_642, %get3A_3 : vector<16xf32>
      %swap3A_644 = arith.constant 5 : i32
      %swap3A_645 = arith.index_cast %swap3A_644 : i32 to index
      %swap3A_646 = arith.index_cast %scan3A_418 : i32 to index
      %swap3A_647 = arith.constant 0 : index
      %swap3A_648 = tpu.vector_load %arg9[%swap3A_645, %swap3A_646, %swap3A_647] {strides = array<i32>} : memref<8x50x64xf32, #tpu.memory_space<vmem>>, vector<16xf32>,
      tpu.vector_store %arg9[%swap3A_645, %swap3A_646, %swap3A_647], %add3A_643 {strides = array<i32>} : memref<8x50x64xf32, #tpu.memory_space<vmem>>, vector<16xf32>,
      %get3A_649 = arith.constant 5 : i32
      %get3A_650 = arith.index_cast %get3A_649 : i32 to index
      %get3A_651 = arith.index_cast %scan3A_418 : i32 to index
      %get3A_652 = arith.constant 16 : index
      %get3A_653 = tpu.vector_load %arg9[%get3A_650, %get3A_651, %get3A_652] {strides = array<i32>} : memref<8x50x64xf32, #tpu.memory_space<vmem>>, vector<16xf32>,
      %add3A_654 = arith.addf %get3A_653, %get3A_5 : vector<16xf32>
      %swap3A_655 = arith.constant 5 : i32
      %swap3A_656 = arith.index_cast %swap3A_655 : i32 to index
      %swap3A_657 = arith.index_cast %scan3A_418 : i32 to index
      %swap3A_658 = arith.constant 16 : index
      %swap3A_659 = tpu.vector_load %arg9[%swap3A_656, %swap3A_657, %swap3A_658] {strides = array<i32>} : memref<8x50x64xf32, #tpu.memory_space<vmem>>, vector<16xf32>,
      tpu.vector_store %arg9[%swap3A_656, %swap3A_657, %swap3A_658], %add3A_654 {strides = array<i32>} : memref<8x50x64xf32, #tpu.memory_space<vmem>>, vector<16xf32>,
      %get3A_660 = arith.constant 5 : i32
      %get3A_661 = arith.index_cast %get3A_660 : i32 to index
      %get3A_662 = arith.index_cast %scan3A_418 : i32 to index
      %get3A_663 = arith.constant 32 : index
      %get3A_664 = tpu.vector_load %arg9[%get3A_661, %get3A_662, %get3A_663] {strides = array<i32>} : memref<8x50x64xf32, #tpu.memory_space<vmem>>, vector<16xf32>,
      %add3A_665 = arith.addf %get3A_664, %get3A_7 : vector<16xf32>
      %swap3A_666 = arith.constant 5 : i32
      %swap3A_667 = arith.index_cast %swap3A_666 : i32 to index
      %swap3A_668 = arith.index_cast %scan3A_418 : i32 to index
      %swap3A_669 = arith.constant 32 : index
      %swap3A_670 = tpu.vector_load %arg9[%swap3A_667, %swap3A_668, %swap3A_669] {strides = array<i32>} : memref<8x50x64xf32, #tpu.memory_space<vmem>>, vector<16xf32>,
      tpu.vector_store %arg9[%swap3A_667, %swap3A_668, %swap3A_669], %add3A_665 {strides = array<i32>} : memref<8x50x64xf32, #tpu.memory_space<vmem>>, vector<16xf32>,
      %get3A_671 = arith.constant 5 : i32
      %get3A_672 = arith.index_cast %get3A_671 : i32 to index
      %get3A_673 = arith.index_cast %scan3A_418 : i32 to index
      %get3A_674 = arith.constant 48 : index
      %get3A_675 = tpu.vector_load %arg9[%get3A_672, %get3A_673, %get3A_674] {strides = array<i32>} : memref<8x50x64xf32, #tpu.memory_space<vmem>>, vector<16xf32>,
      %add3A_676 = arith.addf %get3A_675, %get3A_9 : vector<16xf32>
      %swap3A_677 = arith.constant 5 : i32
      %swap3A_678 = arith.index_cast %swap3A_677 : i32 to index
      %swap3A_679 = arith.index_cast %scan3A_418 : i32 to index
      %swap3A_680 = arith.constant 48 : index
      %swap3A_681 = tpu.vector_load %arg9[%swap3A_678, %swap3A_679, %swap3A_680] {strides = array<i32>} : memref<8x50x64xf32, #tpu.memory_space<vmem>>, vector<16xf32>,
      tpu.vector_store %arg9[%swap3A_678, %swap3A_679, %swap3A_680], %add3A_676 {strides = array<i32>} : memref<8x50x64xf32, #tpu.memory_space<vmem>>, vector<16xf32>,
      %get3A_682 = arith.constant 6 : i32
      %get3A_683 = arith.index_cast %get3A_682 : i32 to index
      %get3A_684 = arith.index_cast %scan3A_418 : i32 to index
      %get3A_685 = arith.constant 0 : index
      %get3A_686 = tpu.vector_load %arg9[%get3A_683, %get3A_684, %get3A_685] {strides = array<i32>} : memref<8x50x64xf32, #tpu.memory_space<vmem>>, vector<16xf32>,
      %add3A_687 = arith.addf %get3A_686, %get3A_3 : vector<16xf32>
      %swap3A_688 = arith.constant 6 : i32
      %swap3A_689 = arith.index_cast %swap3A_688 : i32 to index
      %swap3A_690 = arith.index_cast %scan3A_418 : i32 to index
      %swap3A_691 = arith.constant 0 : index
      %swap3A_692 = tpu.vector_load %arg9[%swap3A_689, %swap3A_690, %swap3A_691] {strides = array<i32>} : memref<8x50x64xf32, #tpu.memory_space<vmem>>, vector<16xf32>,
      tpu.vector_store %arg9[%swap3A_689, %swap3A_690, %swap3A_691], %add3A_687 {strides = array<i32>} : memref<8x50x64xf32, #tpu.memory_space<vmem>>, vector<16xf32>,
      %get3A_693 = arith.constant 6 : i32
      %get3A_694 = arith.index_cast %get3A_693 : i32 to index
      %get3A_695 = arith.index_cast %scan3A_418 : i32 to index
      %get3A_696 = arith.constant 16 : index
      %get3A_697 = tpu.vector_load %arg9[%get3A_694, %get3A_695, %get3A_696] {strides = array<i32>} : memref<8x50x64xf32, #tpu.memory_space<vmem>>, vector<16xf32>,
      %add3A_698 = arith.addf %get3A_697, %get3A_5 : vector<16xf32>
      %swap3A_699 = arith.constant 6 : i32
      %swap3A_700 = arith.index_cast %swap3A_699 : i32 to index
      %swap3A_701 = arith.index_cast %scan3A_418 : i32 to index
      %swap3A_702 = arith.constant 16 : index
      %swap3A_703 = tpu.vector_load %arg9[%swap3A_700, %swap3A_701, %swap3A_702] {strides = array<i32>} : memref<8x50x64xf32, #tpu.memory_space<vmem>>, vector<16xf32>,
      tpu.vector_store %arg9[%swap3A_700, %swap3A_701, %swap3A_702], %add3A_698 {strides = array<i32>} : memref<8x50x64xf32, #tpu.memory_space<vmem>>, vector<16xf32>,
      %get3A_704 = arith.constant 6 : i32
      %get3A_705 = arith.index_cast %get3A_704 : i32 to index
      %get3A_706 = arith.index_cast %scan3A_418 : i32 to index
      %get3A_707 = arith.constant 32 : index
      %get3A_708 = tpu.vector_load %arg9[%get3A_705, %get3A_706, %get3A_707] {strides = array<i32>} : memref<8x50x64xf32, #tpu.memory_space<vmem>>, vector<16xf32>,
      %add3A_709 = arith.addf %get3A_708, %get3A_7 : vector<16xf32>
      %swap3A_710 = arith.constant 6 : i32
      %swap3A_711 = arith.index_cast %swap3A_710 : i32 to index
      %swap3A_712 = arith.index_cast %scan3A_418 : i32 to index
      %swap3A_713 = arith.constant 32 : index
      %swap3A_714 = tpu.vector_load %arg9[%swap3A_711, %swap3A_712, %swap3A_713] {strides = array<i32>} : memref<8x50x64xf32, #tpu.memory_space<vmem>>, vector<16xf32>,
      tpu.vector_store %arg9[%swap3A_711, %swap3A_712, %swap3A_713], %add3A_709 {strides = array<i32>} : memref<8x50x64xf32, #tpu.memory_space<vmem>>, vector<16xf32>,
      %get3A_715 = arith.constant 6 : i32
      %get3A_716 = arith.index_cast %get3A_715 : i32 to index
      %get3A_717 = arith.index_cast %scan3A_418 : i32 to index
      %get3A_718 = arith.constant 48 : index
      %get3A_719 = tpu.vector_load %arg9[%get3A_716, %get3A_717, %get3A_718] {strides = array<i32>} : memref<8x50x64xf32, #tpu.memory_space<vmem>>, vector<16xf32>,
      %add3A_720 = arith.addf %get3A_719, %get3A_9 : vector<16xf32>
      %swap3A_721 = arith.constant 6 : i32
      %swap3A_722 = arith.index_cast %swap3A_721 : i32 to index
      %swap3A_723 = arith.index_cast %scan3A_418 : i32 to index
      %swap3A_724 = arith.constant 48 : index
      %swap3A_725 = tpu.vector_load %arg9[%swap3A_722, %swap3A_723, %swap3A_724] {strides = array<i32>} : memref<8x50x64xf32, #tpu.memory_space<vmem>>, vector<16xf32>,
      tpu.vector_store %arg9[%swap3A_722, %swap3A_723, %swap3A_724], %add3A_720 {strides = array<i32>} : memref<8x50x64xf32, #tpu.memory_space<vmem>>, vector<16xf32>,
      %get3A_726 = arith.constant 7 : i32
      %get3A_727 = arith.index_cast %get3A_726 : i32 to index
      %get3A_728 = arith.index_cast %scan3A_418 : i32 to index
      %get3A_729 = arith.constant 0 : index
      %get3A_730 = tpu.vector_load %arg9[%get3A_727, %get3A_728, %get3A_729] {strides = array<i32>} : memref<8x50x64xf32, #tpu.memory_space<vmem>>, vector<16xf32>,
      %add3A_731 = arith.addf %get3A_730, %get3A_3 : vector<16xf32>
      %swap3A_732 = arith.constant 7 : i32
      %swap3A_733 = arith.index_cast %swap3A_732 : i32 to index
      %swap3A_734 = arith.index_cast %scan3A_418 : i32 to index
      %swap3A_735 = arith.constant 0 : index
      %swap3A_736 = tpu.vector_load %arg9[%swap3A_733, %swap3A_734, %swap3A_735] {strides = array<i32>} : memref<8x50x64xf32, #tpu.memory_space<vmem>>, vector<16xf32>,
      tpu.vector_store %arg9[%swap3A_733, %swap3A_734, %swap3A_735], %add3A_731 {strides = array<i32>} : memref<8x50x64xf32, #tpu.memory_space<vmem>>, vector<16xf32>,
      %get3A_737 = arith.constant 7 : i32
      %get3A_738 = arith.index_cast %get3A_737 : i32 to index
      %get3A_739 = arith.index_cast %scan3A_418 : i32 to index
      %get3A_740 = arith.constant 16 : index
      %get3A_741 = tpu.vector_load %arg9[%get3A_738, %get3A_739, %get3A_740] {strides = array<i32>} : memref<8x50x64xf32, #tpu.memory_space<vmem>>, vector<16xf32>,
      %add3A_742 = arith.addf %get3A_741, %get3A_5 : vector<16xf32>
      %swap3A_743 = arith.constant 7 : i32
      %swap3A_744 = arith.index_cast %swap3A_743 : i32 to index
      %swap3A_745 = arith.index_cast %scan3A_418 : i32 to index
      %swap3A_746 = arith.constant 16 : index
      %swap3A_747 = tpu.vector_load %arg9[%swap3A_744, %swap3A_745, %swap3A_746] {strides = array<i32>} : memref<8x50x64xf32, #tpu.memory_space<vmem>>, vector<16xf32>,
      tpu.vector_store %arg9[%swap3A_744, %swap3A_745, %swap3A_746], %add3A_742 {strides = array<i32>} : memref<8x50x64xf32, #tpu.memory_space<vmem>>, vector<16xf32>,
      %get3A_748 = arith.constant 7 : i32
      %get3A_749 = arith.index_cast %get3A_748 : i32 to index
      %get3A_750 = arith.index_cast %scan3A_418 : i32 to index
      %get3A_751 = arith.constant 32 : index
      %get3A_752 = tpu.vector_load %arg9[%get3A_749, %get3A_750, %get3A_751] {strides = array<i32>} : memref<8x50x64xf32, #tpu.memory_space<vmem>>, vector<16xf32>,
      %add3A_753 = arith.addf %get3A_752, %get3A_7 : vector<16xf32>
      %swap3A_754 = arith.constant 7 : i32
      %swap3A_755 = arith.index_cast %swap3A_754 : i32 to index
      %swap3A_756 = arith.index_cast %scan3A_418 : i32 to index
      %swap3A_757 = arith.constant 32 : index
      %swap3A_758 = tpu.vector_load %arg9[%swap3A_755, %swap3A_756, %swap3A_757] {strides = array<i32>} : memref<8x50x64xf32, #tpu.memory_space<vmem>>, vector<16xf32>,
      tpu.vector_store %arg9[%swap3A_755, %swap3A_756, %swap3A_757], %add3A_753 {strides = array<i32>} : memref<8x50x64xf32, #tpu.memory_space<vmem>>, vector<16xf32>,
      %get3A_759 = arith.constant 7 : i32
      %get3A_760 = arith.index_cast %get3A_759 : i32 to index
      %get3A_761 = arith.index_cast %scan3A_418 : i32 to index
      %get3A_762 = arith.constant 48 : index
      %get3A_763 = tpu.vector_load %arg9[%get3A_760, %get3A_761, %get3A_762] {strides = array<i32>} : memref<8x50x64xf32, #tpu.memory_space<vmem>>, vector<16xf32>,
      %add3A_764 = arith.addf %get3A_763, %get3A_9 : vector<16xf32>
      %swap3A_765 = arith.constant 7 : i32
      %swap3A_766 = arith.index_cast %swap3A_765 : i32 to index
      %swap3A_767 = arith.index_cast %scan3A_418 : i32 to index
      %swap3A_768 = arith.constant 48 : index
      %swap3A_769 = tpu.vector_load %arg9[%swap3A_766, %swap3A_767, %swap3A_768] {strides = array<i32>} : memref<8x50x64xf32, #tpu.memory_space<vmem>>, vector<16xf32>,
      tpu.vector_store %arg9[%swap3A_766, %swap3A_767, %swap3A_768], %add3A_764 {strides = array<i32>} : memref<8x50x64xf32, #tpu.memory_space<vmem>>, vector<16xf32>,
    }
    %scan3A_415 = arith.constant 50 : i32
    %add3A_416 = arith.constant 120 : i32
    %add3A_417 = arith.addi %mul3A_2, %add3A_416 : i32
    "tpu.region"() ({
      %run_scoped3A = tpu.sem_alloc : memref<!tpu.dma_semaphore, #tpu.memory_space<semaphore_mem>>
      %dma_start3A_418 = arith.constant 0 : i32
      %dma_start3A_419 = arith.constant 0 : i32
      %dma_start3A_420 = tpu.memref_slice %arg5[%add3A_417, %dma_start3A_418, %dma_start3A_419] : memref<4096x50x64xf32, #tpu.memory_space<hbm>> -> memref<8x50x64xf32, #tpu.memory_space<hbm>>
      %dma_start3A_421 = arith.constant 0 : i32
      %dma_start3A_422 = arith.constant 0 : i32
      %dma_start3A_423 = tpu.memref_slice %arg5[%add3A_417, %dma_start3A_421, %dma_start3A_422] : memref<4096x50x64xf32, #tpu.memory_space<hbm>> -> memref<8x50x64xf32, #tpu.memory_space<hbm>>
      tpu.enqueue_dma source(%arg9 : memref<8x50x64xf32, #tpu.memory_space<vmem>>) target(%dma_start3A_423 : memref<8x50x64xf32, #tpu.memory_space<hbm>>) target_semaphore(%run_scoped3A : memref<!tpu.dma_semaphore, #tpu.memory_space<semaphore_mem>>)
      %dma_wait3A_424 = arith.constant 0 : i32
      %dma_wait3A_425 = arith.constant 0 : i32
      %dma_wait3A_426 = tpu.memref_slice %arg5[%add3A_417, %dma_wait3A_424, %dma_wait3A_425] : memref<4096x50x64xf32, #tpu.memory_space<hbm>> -> memref<8x50x64xf32, #tpu.memory_space<hbm>>
      %dma_wait3A_427 = arith.constant 0 : i32
      %dma_wait3A_428 = arith.constant 0 : i32
      %dma_wait3A_429 = tpu.memref_slice %arg5[%add3A_417, %dma_wait3A_427, %dma_wait3A_428] : memref<4096x50x64xf32, #tpu.memory_space<hbm>> -> memref<8x50x64xf32, #tpu.memory_space<hbm>>
      tpu.wait_dma2 semaphore(%run_scoped3A : memref<!tpu.dma_semaphore, #tpu.memory_space<semaphore_mem>>) src(%arg9 : memref<8x50x64xf32, #tpu.memory_space<vmem>>) dst(%dma_wait3A_429 : memref<8x50x64xf32, #tpu.memory_space<hbm>>)
      tpu.yield
    }) : () -> ()
    return
  }
}

module attributes {stable_mosaic.version = 14 : i64} {
  func.func @_relayout_block(%arg0: i32, %arg1: memref<64x8192xf32, #tpu.memory_space<vmem>>, %arg2: memref<4096x128xf32, #tpu.memory_space<vmem>>) attributes {dimension_semantics = [#tpu.dimension_semantics<arbitrary>], iteration_bounds = array<i64: 123>, scalar_prefetch = 0 : i64, scratch_operands = 0 : i64, tpu.core_type = #tpu.core_type<tc>, window_params = [{transform_indices = @transform_0, window_bounds = array<i64: 64, 8192>}, {transform_indices = @transform_1, window_bounds = array<i64: 4096, 128>}]} {
    %get3A = arith.constant 0 : index
    %get3A_0 = arith.constant 0 : index
    %get3A_1 = vector.load %arg1[%get3A, %get3A_0] : memref<64x8192xf32, #tpu.memory_space<vmem>>, vector<64x8192xf32>
    %transpose3A = tpu.transpose %get3A_1, [1, 0] : vector<64x8192xf32> -> vector<8192x64xf32>
    %slice3A = vector.extract_strided_slice %transpose3A {offsets = [0, 0], sizes = [4096, 64], strides = [1, 1]} : vector<8192x64xf32> to vector<4096x64xf32>
    %swap3A = arith.constant 0 : index
    %swap3A_2 = arith.constant 0 : index
    %swap3A_3 = vector.load %arg2[%swap3A, %swap3A_2] : memref<4096x128xf32, #tpu.memory_space<vmem>>, vector<4096x64xf32>
    tpu.vector_store %arg2[%swap3A, %swap3A_2], %slice3A {strides = array<i32>} : memref<4096x128xf32, #tpu.memory_space<vmem>>, vector<4096x64xf32>,
    %slice3A_4 = vector.extract_strided_slice %transpose3A {offsets = [4096, 0], sizes = [4096, 64], strides = [1, 1]} : vector<8192x64xf32> to vector<4096x64xf32>
    %swap3A_5 = arith.constant 0 : index
    %swap3A_6 = arith.constant 64 : index
    %swap3A_7 = vector.load %arg2[%swap3A_5, %swap3A_6] : memref<4096x128xf32, #tpu.memory_space<vmem>>, vector<4096x64xf32>
    tpu.vector_store %arg2[%swap3A_5, %swap3A_6], %slice3A_4 {strides = array<i32>} : memref<4096x128xf32, #tpu.memory_space<vmem>>, vector<4096x64xf32>,
    return
  }
  func.func @transform_0(%arg0: i32) -> (i32, i32) {
    %c0_i32 = arith.constant 0 : i32
    %c0_i32_0 = arith.constant 0 : i32
    return %c0_i32, %arg0 : i32, i32
  }
  func.func @transform_1(%arg0: i32) -> (i32, i32) {
    %c0_i32 = arith.constant 0 : i32
    %c0_i32_0 = arith.constant 0 : i32
    return %arg0, %c0_i32 : i32, i32
  }
}

module attributes {stable_mosaic.version = 14 : i64} {
  func.func @_out_block(%arg0: i32, %arg1: memref<3200x128xf32, #tpu.memory_space<vmem>>, %arg2: memref<50x64x128xf32, #tpu.memory_space<vmem>>) attributes {dimension_semantics = [#tpu.dimension_semantics<arbitrary>], iteration_bounds = array<i64: 32>, scalar_prefetch = 0 : i64, scratch_operands = 0 : i64, tpu.core_type = #tpu.core_type<tc>, window_params = [{transform_indices = @transform_0, window_bounds = array<i64: 3200, 128>}, {transform_indices = @transform_1, window_bounds = array<i64: 50, 64, 128>}]} {
    %get3A = arith.constant 0 : index
    %get3A_0 = arith.constant 0 : index
    %get3A_1 = vector.load %arg1[%get3A, %get3A_0] : memref<3200x128xf32, #tpu.memory_space<vmem>>, vector<3200x128xf32>
    %reshape3A = vector.shape_cast %get3A_1 : vector<3200x128xf32> to vector<128x25x128xf32>
    %slice3A = vector.extract_strided_slice %reshape3A {offsets = [0, 0, 0], sizes = [128, 1, 64], strides = [1, 1, 1]} : vector<128x25x128xf32> to vector<128x1x64xf32>
    %squeeze3A = vector.shape_cast %slice3A : vector<128x1x64xf32> to vector<128x64xf32>
    %transpose3A = tpu.transpose %squeeze3A, [1, 0] : vector<128x64xf32> -> vector<64x128xf32>
    %swap3A = arith.constant 0 : index
    %swap3A_2 = arith.constant 0 : index
    %swap3A_3 = arith.constant 0 : index
    %swap3A_4 = vector.load %arg2[%swap3A, %swap3A_2, %swap3A_3] : memref<50x64x128xf32, #tpu.memory_space<vmem>>, vector<1x64x128xf32>
    %swap3A_5 = vector.shape_cast %swap3A_4 : vector<1x64x128xf32> to vector<64x128xf32>
    %swap3A_6 = vector.shape_cast %transpose3A : vector<64x128xf32> to vector<1x64x128xf32>
    tpu.vector_store %arg2[%swap3A, %swap3A_2, %swap3A_3], %swap3A_6 {strides = array<i32>} : memref<50x64x128xf32, #tpu.memory_space<vmem>>, vector<1x64x128xf32>,
    %slice3A_7 = vector.extract_strided_slice %reshape3A {offsets = [0, 0, 64], sizes = [128, 1, 64], strides = [1, 1, 1]} : vector<128x25x128xf32> to vector<128x1x64xf32>
    %squeeze3A_8 = vector.shape_cast %slice3A_7 : vector<128x1x64xf32> to vector<128x64xf32>
    %transpose3A_9 = tpu.transpose %squeeze3A_8, [1, 0] : vector<128x64xf32> -> vector<64x128xf32>
    %swap3A_10 = arith.constant 1 : index
    %swap3A_11 = arith.constant 0 : index
    %swap3A_12 = arith.constant 0 : index
    %swap3A_13 = vector.load %arg2[%swap3A_10, %swap3A_11, %swap3A_12] : memref<50x64x128xf32, #tpu.memory_space<vmem>>, vector<1x64x128xf32>
    %swap3A_14 = vector.shape_cast %swap3A_13 : vector<1x64x128xf32> to vector<64x128xf32>
    %swap3A_15 = vector.shape_cast %transpose3A_9 : vector<64x128xf32> to vector<1x64x128xf32>
    tpu.vector_store %arg2[%swap3A_10, %swap3A_11, %swap3A_12], %swap3A_15 {strides = array<i32>} : memref<50x64x128xf32, #tpu.memory_space<vmem>>, vector<1x64x128xf32>,
    %slice3A_16 = vector.extract_strided_slice %reshape3A {offsets = [0, 1, 0], sizes = [128, 1, 64], strides = [1, 1, 1]} : vector<128x25x128xf32> to vector<128x1x64xf32>
    %squeeze3A_17 = vector.shape_cast %slice3A_16 : vector<128x1x64xf32> to vector<128x64xf32>
    %transpose3A_18 = tpu.transpose %squeeze3A_17, [1, 0] : vector<128x64xf32> -> vector<64x128xf32>
    %swap3A_19 = arith.constant 2 : index
    %swap3A_20 = arith.constant 0 : index
    %swap3A_21 = arith.constant 0 : index
    %swap3A_22 = vector.load %arg2[%swap3A_19, %swap3A_20, %swap3A_21] : memref<50x64x128xf32, #tpu.memory_space<vmem>>, vector<1x64x128xf32>
    %swap3A_23 = vector.shape_cast %swap3A_22 : vector<1x64x128xf32> to vector<64x128xf32>
    %swap3A_24 = vector.shape_cast %transpose3A_18 : vector<64x128xf32> to vector<1x64x128xf32>
    tpu.vector_store %arg2[%swap3A_19, %swap3A_20, %swap3A_21], %swap3A_24 {strides = array<i32>} : memref<50x64x128xf32, #tpu.memory_space<vmem>>, vector<1x64x128xf32>,
    %slice3A_25 = vector.extract_strided_slice %reshape3A {offsets = [0, 1, 64], sizes = [128, 1, 64], strides = [1, 1, 1]} : vector<128x25x128xf32> to vector<128x1x64xf32>
    %squeeze3A_26 = vector.shape_cast %slice3A_25 : vector<128x1x64xf32> to vector<128x64xf32>
    %transpose3A_27 = tpu.transpose %squeeze3A_26, [1, 0] : vector<128x64xf32> -> vector<64x128xf32>
    %swap3A_28 = arith.constant 3 : index
    %swap3A_29 = arith.constant 0 : index
    %swap3A_30 = arith.constant 0 : index
    %swap3A_31 = vector.load %arg2[%swap3A_28, %swap3A_29, %swap3A_30] : memref<50x64x128xf32, #tpu.memory_space<vmem>>, vector<1x64x128xf32>
    %swap3A_32 = vector.shape_cast %swap3A_31 : vector<1x64x128xf32> to vector<64x128xf32>
    %swap3A_33 = vector.shape_cast %transpose3A_27 : vector<64x128xf32> to vector<1x64x128xf32>
    tpu.vector_store %arg2[%swap3A_28, %swap3A_29, %swap3A_30], %swap3A_33 {strides = array<i32>} : memref<50x64x128xf32, #tpu.memory_space<vmem>>, vector<1x64x128xf32>,
    %slice3A_34 = vector.extract_strided_slice %reshape3A {offsets = [0, 2, 0], sizes = [128, 1, 64], strides = [1, 1, 1]} : vector<128x25x128xf32> to vector<128x1x64xf32>
    %squeeze3A_35 = vector.shape_cast %slice3A_34 : vector<128x1x64xf32> to vector<128x64xf32>
    %transpose3A_36 = tpu.transpose %squeeze3A_35, [1, 0] : vector<128x64xf32> -> vector<64x128xf32>
    %swap3A_37 = arith.constant 4 : index
    %swap3A_38 = arith.constant 0 : index
    %swap3A_39 = arith.constant 0 : index
    %swap3A_40 = vector.load %arg2[%swap3A_37, %swap3A_38, %swap3A_39] : memref<50x64x128xf32, #tpu.memory_space<vmem>>, vector<1x64x128xf32>
    %swap3A_41 = vector.shape_cast %swap3A_40 : vector<1x64x128xf32> to vector<64x128xf32>
    %swap3A_42 = vector.shape_cast %transpose3A_36 : vector<64x128xf32> to vector<1x64x128xf32>
    tpu.vector_store %arg2[%swap3A_37, %swap3A_38, %swap3A_39], %swap3A_42 {strides = array<i32>} : memref<50x64x128xf32, #tpu.memory_space<vmem>>, vector<1x64x128xf32>,
    %slice3A_43 = vector.extract_strided_slice %reshape3A {offsets = [0, 2, 64], sizes = [128, 1, 64], strides = [1, 1, 1]} : vector<128x25x128xf32> to vector<128x1x64xf32>
    %squeeze3A_44 = vector.shape_cast %slice3A_43 : vector<128x1x64xf32> to vector<128x64xf32>
    %transpose3A_45 = tpu.transpose %squeeze3A_44, [1, 0] : vector<128x64xf32> -> vector<64x128xf32>
    %swap3A_46 = arith.constant 5 : index
    %swap3A_47 = arith.constant 0 : index
    %swap3A_48 = arith.constant 0 : index
    %swap3A_49 = vector.load %arg2[%swap3A_46, %swap3A_47, %swap3A_48] : memref<50x64x128xf32, #tpu.memory_space<vmem>>, vector<1x64x128xf32>
    %swap3A_50 = vector.shape_cast %swap3A_49 : vector<1x64x128xf32> to vector<64x128xf32>
    %swap3A_51 = vector.shape_cast %transpose3A_45 : vector<64x128xf32> to vector<1x64x128xf32>
    tpu.vector_store %arg2[%swap3A_46, %swap3A_47, %swap3A_48], %swap3A_51 {strides = array<i32>} : memref<50x64x128xf32, #tpu.memory_space<vmem>>, vector<1x64x128xf32>,
    %slice3A_52 = vector.extract_strided_slice %reshape3A {offsets = [0, 3, 0], sizes = [128, 1, 64], strides = [1, 1, 1]} : vector<128x25x128xf32> to vector<128x1x64xf32>
    %squeeze3A_53 = vector.shape_cast %slice3A_52 : vector<128x1x64xf32> to vector<128x64xf32>
    %transpose3A_54 = tpu.transpose %squeeze3A_53, [1, 0] : vector<128x64xf32> -> vector<64x128xf32>
    %swap3A_55 = arith.constant 6 : index
    %swap3A_56 = arith.constant 0 : index
    %swap3A_57 = arith.constant 0 : index
    %swap3A_58 = vector.load %arg2[%swap3A_55, %swap3A_56, %swap3A_57] : memref<50x64x128xf32, #tpu.memory_space<vmem>>, vector<1x64x128xf32>
    %swap3A_59 = vector.shape_cast %swap3A_58 : vector<1x64x128xf32> to vector<64x128xf32>
    %swap3A_60 = vector.shape_cast %transpose3A_54 : vector<64x128xf32> to vector<1x64x128xf32>
    tpu.vector_store %arg2[%swap3A_55, %swap3A_56, %swap3A_57], %swap3A_60 {strides = array<i32>} : memref<50x64x128xf32, #tpu.memory_space<vmem>>, vector<1x64x128xf32>,
    %slice3A_61 = vector.extract_strided_slice %reshape3A {offsets = [0, 3, 64], sizes = [128, 1, 64], strides = [1, 1, 1]} : vector<128x25x128xf32> to vector<128x1x64xf32>
    %squeeze3A_62 = vector.shape_cast %slice3A_61 : vector<128x1x64xf32> to vector<128x64xf32>
    %transpose3A_63 = tpu.transpose %squeeze3A_62, [1, 0] : vector<128x64xf32> -> vector<64x128xf32>
    %swap3A_64 = arith.constant 7 : index
    %swap3A_65 = arith.constant 0 : index
    %swap3A_66 = arith.constant 0 : index
    %swap3A_67 = vector.load %arg2[%swap3A_64, %swap3A_65, %swap3A_66] : memref<50x64x128xf32, #tpu.memory_space<vmem>>, vector<1x64x128xf32>
    %swap3A_68 = vector.shape_cast %swap3A_67 : vector<1x64x128xf32> to vector<64x128xf32>
    %swap3A_69 = vector.shape_cast %transpose3A_63 : vector<64x128xf32> to vector<1x64x128xf32>
    tpu.vector_store %arg2[%swap3A_64, %swap3A_65, %swap3A_66], %swap3A_69 {strides = array<i32>} : memref<50x64x128xf32, #tpu.memory_space<vmem>>, vector<1x64x128xf32>,
    %slice3A_70 = vector.extract_strided_slice %reshape3A {offsets = [0, 4, 0], sizes = [128, 1, 64], strides = [1, 1, 1]} : vector<128x25x128xf32> to vector<128x1x64xf32>
    %squeeze3A_71 = vector.shape_cast %slice3A_70 : vector<128x1x64xf32> to vector<128x64xf32>
    %transpose3A_72 = tpu.transpose %squeeze3A_71, [1, 0] : vector<128x64xf32> -> vector<64x128xf32>
    %swap3A_73 = arith.constant 8 : index
    %swap3A_74 = arith.constant 0 : index
    %swap3A_75 = arith.constant 0 : index
    %swap3A_76 = vector.load %arg2[%swap3A_73, %swap3A_74, %swap3A_75] : memref<50x64x128xf32, #tpu.memory_space<vmem>>, vector<1x64x128xf32>
    %swap3A_77 = vector.shape_cast %swap3A_76 : vector<1x64x128xf32> to vector<64x128xf32>
    %swap3A_78 = vector.shape_cast %transpose3A_72 : vector<64x128xf32> to vector<1x64x128xf32>
    tpu.vector_store %arg2[%swap3A_73, %swap3A_74, %swap3A_75], %swap3A_78 {strides = array<i32>} : memref<50x64x128xf32, #tpu.memory_space<vmem>>, vector<1x64x128xf32>,
    %slice3A_79 = vector.extract_strided_slice %reshape3A {offsets = [0, 4, 64], sizes = [128, 1, 64], strides = [1, 1, 1]} : vector<128x25x128xf32> to vector<128x1x64xf32>
    %squeeze3A_80 = vector.shape_cast %slice3A_79 : vector<128x1x64xf32> to vector<128x64xf32>
    %transpose3A_81 = tpu.transpose %squeeze3A_80, [1, 0] : vector<128x64xf32> -> vector<64x128xf32>
    %swap3A_82 = arith.constant 9 : index
    %swap3A_83 = arith.constant 0 : index
    %swap3A_84 = arith.constant 0 : index
    %swap3A_85 = vector.load %arg2[%swap3A_82, %swap3A_83, %swap3A_84] : memref<50x64x128xf32, #tpu.memory_space<vmem>>, vector<1x64x128xf32>
    %swap3A_86 = vector.shape_cast %swap3A_85 : vector<1x64x128xf32> to vector<64x128xf32>
    %swap3A_87 = vector.shape_cast %transpose3A_81 : vector<64x128xf32> to vector<1x64x128xf32>
    tpu.vector_store %arg2[%swap3A_82, %swap3A_83, %swap3A_84], %swap3A_87 {strides = array<i32>} : memref<50x64x128xf32, #tpu.memory_space<vmem>>, vector<1x64x128xf32>,
    %slice3A_88 = vector.extract_strided_slice %reshape3A {offsets = [0, 5, 0], sizes = [128, 1, 64], strides = [1, 1, 1]} : vector<128x25x128xf32> to vector<128x1x64xf32>
    %squeeze3A_89 = vector.shape_cast %slice3A_88 : vector<128x1x64xf32> to vector<128x64xf32>
    %transpose3A_90 = tpu.transpose %squeeze3A_89, [1, 0] : vector<128x64xf32> -> vector<64x128xf32>
    %swap3A_91 = arith.constant 10 : index
    %swap3A_92 = arith.constant 0 : index
    %swap3A_93 = arith.constant 0 : index
    %swap3A_94 = vector.load %arg2[%swap3A_91, %swap3A_92, %swap3A_93] : memref<50x64x128xf32, #tpu.memory_space<vmem>>, vector<1x64x128xf32>
    %swap3A_95 = vector.shape_cast %swap3A_94 : vector<1x64x128xf32> to vector<64x128xf32>
    %swap3A_96 = vector.shape_cast %transpose3A_90 : vector<64x128xf32> to vector<1x64x128xf32>
    tpu.vector_store %arg2[%swap3A_91, %swap3A_92, %swap3A_93], %swap3A_96 {strides = array<i32>} : memref<50x64x128xf32, #tpu.memory_space<vmem>>, vector<1x64x128xf32>,
    %slice3A_97 = vector.extract_strided_slice %reshape3A {offsets = [0, 5, 64], sizes = [128, 1, 64], strides = [1, 1, 1]} : vector<128x25x128xf32> to vector<128x1x64xf32>
    %squeeze3A_98 = vector.shape_cast %slice3A_97 : vector<128x1x64xf32> to vector<128x64xf32>
    %transpose3A_99 = tpu.transpose %squeeze3A_98, [1, 0] : vector<128x64xf32> -> vector<64x128xf32>
    %swap3A_100 = arith.constant 11 : index
    %swap3A_101 = arith.constant 0 : index
    %swap3A_102 = arith.constant 0 : index
    %swap3A_103 = vector.load %arg2[%swap3A_100, %swap3A_101, %swap3A_102] : memref<50x64x128xf32, #tpu.memory_space<vmem>>, vector<1x64x128xf32>
    %swap3A_104 = vector.shape_cast %swap3A_103 : vector<1x64x128xf32> to vector<64x128xf32>
    %swap3A_105 = vector.shape_cast %transpose3A_99 : vector<64x128xf32> to vector<1x64x128xf32>
    tpu.vector_store %arg2[%swap3A_100, %swap3A_101, %swap3A_102], %swap3A_105 {strides = array<i32>} : memref<50x64x128xf32, #tpu.memory_space<vmem>>, vector<1x64x128xf32>,
    %slice3A_106 = vector.extract_strided_slice %reshape3A {offsets = [0, 6, 0], sizes = [128, 1, 64], strides = [1, 1, 1]} : vector<128x25x128xf32> to vector<128x1x64xf32>
    %squeeze3A_107 = vector.shape_cast %slice3A_106 : vector<128x1x64xf32> to vector<128x64xf32>
    %transpose3A_108 = tpu.transpose %squeeze3A_107, [1, 0] : vector<128x64xf32> -> vector<64x128xf32>
    %swap3A_109 = arith.constant 12 : index
    %swap3A_110 = arith.constant 0 : index
    %swap3A_111 = arith.constant 0 : index
    %swap3A_112 = vector.load %arg2[%swap3A_109, %swap3A_110, %swap3A_111] : memref<50x64x128xf32, #tpu.memory_space<vmem>>, vector<1x64x128xf32>
    %swap3A_113 = vector.shape_cast %swap3A_112 : vector<1x64x128xf32> to vector<64x128xf32>
    %swap3A_114 = vector.shape_cast %transpose3A_108 : vector<64x128xf32> to vector<1x64x128xf32>
    tpu.vector_store %arg2[%swap3A_109, %swap3A_110, %swap3A_111], %swap3A_114 {strides = array<i32>} : memref<50x64x128xf32, #tpu.memory_space<vmem>>, vector<1x64x128xf32>,
    %slice3A_115 = vector.extract_strided_slice %reshape3A {offsets = [0, 6, 64], sizes = [128, 1, 64], strides = [1, 1, 1]} : vector<128x25x128xf32> to vector<128x1x64xf32>
    %squeeze3A_116 = vector.shape_cast %slice3A_115 : vector<128x1x64xf32> to vector<128x64xf32>
    %transpose3A_117 = tpu.transpose %squeeze3A_116, [1, 0] : vector<128x64xf32> -> vector<64x128xf32>
    %swap3A_118 = arith.constant 13 : index
    %swap3A_119 = arith.constant 0 : index
    %swap3A_120 = arith.constant 0 : index
    %swap3A_121 = vector.load %arg2[%swap3A_118, %swap3A_119, %swap3A_120] : memref<50x64x128xf32, #tpu.memory_space<vmem>>, vector<1x64x128xf32>
    %swap3A_122 = vector.shape_cast %swap3A_121 : vector<1x64x128xf32> to vector<64x128xf32>
    %swap3A_123 = vector.shape_cast %transpose3A_117 : vector<64x128xf32> to vector<1x64x128xf32>
    tpu.vector_store %arg2[%swap3A_118, %swap3A_119, %swap3A_120], %swap3A_123 {strides = array<i32>} : memref<50x64x128xf32, #tpu.memory_space<vmem>>, vector<1x64x128xf32>,
    %slice3A_124 = vector.extract_strided_slice %reshape3A {offsets = [0, 7, 0], sizes = [128, 1, 64], strides = [1, 1, 1]} : vector<128x25x128xf32> to vector<128x1x64xf32>
    %squeeze3A_125 = vector.shape_cast %slice3A_124 : vector<128x1x64xf32> to vector<128x64xf32>
    %transpose3A_126 = tpu.transpose %squeeze3A_125, [1, 0] : vector<128x64xf32> -> vector<64x128xf32>
    %swap3A_127 = arith.constant 14 : index
    %swap3A_128 = arith.constant 0 : index
    %swap3A_129 = arith.constant 0 : index
    %swap3A_130 = vector.load %arg2[%swap3A_127, %swap3A_128, %swap3A_129] : memref<50x64x128xf32, #tpu.memory_space<vmem>>, vector<1x64x128xf32>
    %swap3A_131 = vector.shape_cast %swap3A_130 : vector<1x64x128xf32> to vector<64x128xf32>
    %swap3A_132 = vector.shape_cast %transpose3A_126 : vector<64x128xf32> to vector<1x64x128xf32>
    tpu.vector_store %arg2[%swap3A_127, %swap3A_128, %swap3A_129], %swap3A_132 {strides = array<i32>} : memref<50x64x128xf32, #tpu.memory_space<vmem>>, vector<1x64x128xf32>,
    %slice3A_133 = vector.extract_strided_slice %reshape3A {offsets = [0, 7, 64], sizes = [128, 1, 64], strides = [1, 1, 1]} : vector<128x25x128xf32> to vector<128x1x64xf32>
    %squeeze3A_134 = vector.shape_cast %slice3A_133 : vector<128x1x64xf32> to vector<128x64xf32>
    %transpose3A_135 = tpu.transpose %squeeze3A_134, [1, 0] : vector<128x64xf32> -> vector<64x128xf32>
    %swap3A_136 = arith.constant 15 : index
    %swap3A_137 = arith.constant 0 : index
    %swap3A_138 = arith.constant 0 : index
    %swap3A_139 = vector.load %arg2[%swap3A_136, %swap3A_137, %swap3A_138] : memref<50x64x128xf32, #tpu.memory_space<vmem>>, vector<1x64x128xf32>
    %swap3A_140 = vector.shape_cast %swap3A_139 : vector<1x64x128xf32> to vector<64x128xf32>
    %swap3A_141 = vector.shape_cast %transpose3A_135 : vector<64x128xf32> to vector<1x64x128xf32>
    tpu.vector_store %arg2[%swap3A_136, %swap3A_137, %swap3A_138], %swap3A_141 {strides = array<i32>} : memref<50x64x128xf32, #tpu.memory_space<vmem>>, vector<1x64x128xf32>,
    %slice3A_142 = vector.extract_strided_slice %reshape3A {offsets = [0, 8, 0], sizes = [128, 1, 64], strides = [1, 1, 1]} : vector<128x25x128xf32> to vector<128x1x64xf32>
    %squeeze3A_143 = vector.shape_cast %slice3A_142 : vector<128x1x64xf32> to vector<128x64xf32>
    %transpose3A_144 = tpu.transpose %squeeze3A_143, [1, 0] : vector<128x64xf32> -> vector<64x128xf32>
    %swap3A_145 = arith.constant 16 : index
    %swap3A_146 = arith.constant 0 : index
    %swap3A_147 = arith.constant 0 : index
    %swap3A_148 = vector.load %arg2[%swap3A_145, %swap3A_146, %swap3A_147] : memref<50x64x128xf32, #tpu.memory_space<vmem>>, vector<1x64x128xf32>
    %swap3A_149 = vector.shape_cast %swap3A_148 : vector<1x64x128xf32> to vector<64x128xf32>
    %swap3A_150 = vector.shape_cast %transpose3A_144 : vector<64x128xf32> to vector<1x64x128xf32>
    tpu.vector_store %arg2[%swap3A_145, %swap3A_146, %swap3A_147], %swap3A_150 {strides = array<i32>} : memref<50x64x128xf32, #tpu.memory_space<vmem>>, vector<1x64x128xf32>,
    %slice3A_151 = vector.extract_strided_slice %reshape3A {offsets = [0, 8, 64], sizes = [128, 1, 64], strides = [1, 1, 1]} : vector<128x25x128xf32> to vector<128x1x64xf32>
    %squeeze3A_152 = vector.shape_cast %slice3A_151 : vector<128x1x64xf32> to vector<128x64xf32>
    %transpose3A_153 = tpu.transpose %squeeze3A_152, [1, 0] : vector<128x64xf32> -> vector<64x128xf32>
    %swap3A_154 = arith.constant 17 : index
    %swap3A_155 = arith.constant 0 : index
    %swap3A_156 = arith.constant 0 : index
    %swap3A_157 = vector.load %arg2[%swap3A_154, %swap3A_155, %swap3A_156] : memref<50x64x128xf32, #tpu.memory_space<vmem>>, vector<1x64x128xf32>
    %swap3A_158 = vector.shape_cast %swap3A_157 : vector<1x64x128xf32> to vector<64x128xf32>
    %swap3A_159 = vector.shape_cast %transpose3A_153 : vector<64x128xf32> to vector<1x64x128xf32>
    tpu.vector_store %arg2[%swap3A_154, %swap3A_155, %swap3A_156], %swap3A_159 {strides = array<i32>} : memref<50x64x128xf32, #tpu.memory_space<vmem>>, vector<1x64x128xf32>,
    %slice3A_160 = vector.extract_strided_slice %reshape3A {offsets = [0, 9, 0], sizes = [128, 1, 64], strides = [1, 1, 1]} : vector<128x25x128xf32> to vector<128x1x64xf32>
    %squeeze3A_161 = vector.shape_cast %slice3A_160 : vector<128x1x64xf32> to vector<128x64xf32>
    %transpose3A_162 = tpu.transpose %squeeze3A_161, [1, 0] : vector<128x64xf32> -> vector<64x128xf32>
    %swap3A_163 = arith.constant 18 : index
    %swap3A_164 = arith.constant 0 : index
    %swap3A_165 = arith.constant 0 : index
    %swap3A_166 = vector.load %arg2[%swap3A_163, %swap3A_164, %swap3A_165] : memref<50x64x128xf32, #tpu.memory_space<vmem>>, vector<1x64x128xf32>
    %swap3A_167 = vector.shape_cast %swap3A_166 : vector<1x64x128xf32> to vector<64x128xf32>
    %swap3A_168 = vector.shape_cast %transpose3A_162 : vector<64x128xf32> to vector<1x64x128xf32>
    tpu.vector_store %arg2[%swap3A_163, %swap3A_164, %swap3A_165], %swap3A_168 {strides = array<i32>} : memref<50x64x128xf32, #tpu.memory_space<vmem>>, vector<1x64x128xf32>,
    %slice3A_169 = vector.extract_strided_slice %reshape3A {offsets = [0, 9, 64], sizes = [128, 1, 64], strides = [1, 1, 1]} : vector<128x25x128xf32> to vector<128x1x64xf32>
    %squeeze3A_170 = vector.shape_cast %slice3A_169 : vector<128x1x64xf32> to vector<128x64xf32>
    %transpose3A_171 = tpu.transpose %squeeze3A_170, [1, 0] : vector<128x64xf32> -> vector<64x128xf32>
    %swap3A_172 = arith.constant 19 : index
    %swap3A_173 = arith.constant 0 : index
    %swap3A_174 = arith.constant 0 : index
    %swap3A_175 = vector.load %arg2[%swap3A_172, %swap3A_173, %swap3A_174] : memref<50x64x128xf32, #tpu.memory_space<vmem>>, vector<1x64x128xf32>
    %swap3A_176 = vector.shape_cast %swap3A_175 : vector<1x64x128xf32> to vector<64x128xf32>
    %swap3A_177 = vector.shape_cast %transpose3A_171 : vector<64x128xf32> to vector<1x64x128xf32>
    tpu.vector_store %arg2[%swap3A_172, %swap3A_173, %swap3A_174], %swap3A_177 {strides = array<i32>} : memref<50x64x128xf32, #tpu.memory_space<vmem>>, vector<1x64x128xf32>,
    %slice3A_178 = vector.extract_strided_slice %reshape3A {offsets = [0, 10, 0], sizes = [128, 1, 64], strides = [1, 1, 1]} : vector<128x25x128xf32> to vector<128x1x64xf32>
    %squeeze3A_179 = vector.shape_cast %slice3A_178 : vector<128x1x64xf32> to vector<128x64xf32>
    %transpose3A_180 = tpu.transpose %squeeze3A_179, [1, 0] : vector<128x64xf32> -> vector<64x128xf32>
    %swap3A_181 = arith.constant 20 : index
    %swap3A_182 = arith.constant 0 : index
    %swap3A_183 = arith.constant 0 : index
    %swap3A_184 = vector.load %arg2[%swap3A_181, %swap3A_182, %swap3A_183] : memref<50x64x128xf32, #tpu.memory_space<vmem>>, vector<1x64x128xf32>
    %swap3A_185 = vector.shape_cast %swap3A_184 : vector<1x64x128xf32> to vector<64x128xf32>
    %swap3A_186 = vector.shape_cast %transpose3A_180 : vector<64x128xf32> to vector<1x64x128xf32>
    tpu.vector_store %arg2[%swap3A_181, %swap3A_182, %swap3A_183], %swap3A_186 {strides = array<i32>} : memref<50x64x128xf32, #tpu.memory_space<vmem>>, vector<1x64x128xf32>,
    %slice3A_187 = vector.extract_strided_slice %reshape3A {offsets = [0, 10, 64], sizes = [128, 1, 64], strides = [1, 1, 1]} : vector<128x25x128xf32> to vector<128x1x64xf32>
    %squeeze3A_188 = vector.shape_cast %slice3A_187 : vector<128x1x64xf32> to vector<128x64xf32>
    %transpose3A_189 = tpu.transpose %squeeze3A_188, [1, 0] : vector<128x64xf32> -> vector<64x128xf32>
    %swap3A_190 = arith.constant 21 : index
    %swap3A_191 = arith.constant 0 : index
    %swap3A_192 = arith.constant 0 : index
    %swap3A_193 = vector.load %arg2[%swap3A_190, %swap3A_191, %swap3A_192] : memref<50x64x128xf32, #tpu.memory_space<vmem>>, vector<1x64x128xf32>
    %swap3A_194 = vector.shape_cast %swap3A_193 : vector<1x64x128xf32> to vector<64x128xf32>
    %swap3A_195 = vector.shape_cast %transpose3A_189 : vector<64x128xf32> to vector<1x64x128xf32>
    tpu.vector_store %arg2[%swap3A_190, %swap3A_191, %swap3A_192], %swap3A_195 {strides = array<i32>} : memref<50x64x128xf32, #tpu.memory_space<vmem>>, vector<1x64x128xf32>,
    %slice3A_196 = vector.extract_strided_slice %reshape3A {offsets = [0, 11, 0], sizes = [128, 1, 64], strides = [1, 1, 1]} : vector<128x25x128xf32> to vector<128x1x64xf32>
    %squeeze3A_197 = vector.shape_cast %slice3A_196 : vector<128x1x64xf32> to vector<128x64xf32>
    %transpose3A_198 = tpu.transpose %squeeze3A_197, [1, 0] : vector<128x64xf32> -> vector<64x128xf32>
    %swap3A_199 = arith.constant 22 : index
    %swap3A_200 = arith.constant 0 : index
    %swap3A_201 = arith.constant 0 : index
    %swap3A_202 = vector.load %arg2[%swap3A_199, %swap3A_200, %swap3A_201] : memref<50x64x128xf32, #tpu.memory_space<vmem>>, vector<1x64x128xf32>
    %swap3A_203 = vector.shape_cast %swap3A_202 : vector<1x64x128xf32> to vector<64x128xf32>
    %swap3A_204 = vector.shape_cast %transpose3A_198 : vector<64x128xf32> to vector<1x64x128xf32>
    tpu.vector_store %arg2[%swap3A_199, %swap3A_200, %swap3A_201], %swap3A_204 {strides = array<i32>} : memref<50x64x128xf32, #tpu.memory_space<vmem>>, vector<1x64x128xf32>,
    %slice3A_205 = vector.extract_strided_slice %reshape3A {offsets = [0, 11, 64], sizes = [128, 1, 64], strides = [1, 1, 1]} : vector<128x25x128xf32> to vector<128x1x64xf32>
    %squeeze3A_206 = vector.shape_cast %slice3A_205 : vector<128x1x64xf32> to vector<128x64xf32>
    %transpose3A_207 = tpu.transpose %squeeze3A_206, [1, 0] : vector<128x64xf32> -> vector<64x128xf32>
    %swap3A_208 = arith.constant 23 : index
    %swap3A_209 = arith.constant 0 : index
    %swap3A_210 = arith.constant 0 : index
    %swap3A_211 = vector.load %arg2[%swap3A_208, %swap3A_209, %swap3A_210] : memref<50x64x128xf32, #tpu.memory_space<vmem>>, vector<1x64x128xf32>
    %swap3A_212 = vector.shape_cast %swap3A_211 : vector<1x64x128xf32> to vector<64x128xf32>
    %swap3A_213 = vector.shape_cast %transpose3A_207 : vector<64x128xf32> to vector<1x64x128xf32>
    tpu.vector_store %arg2[%swap3A_208, %swap3A_209, %swap3A_210], %swap3A_213 {strides = array<i32>} : memref<50x64x128xf32, #tpu.memory_space<vmem>>, vector<1x64x128xf32>,
    %slice3A_214 = vector.extract_strided_slice %reshape3A {offsets = [0, 12, 0], sizes = [128, 1, 64], strides = [1, 1, 1]} : vector<128x25x128xf32> to vector<128x1x64xf32>
    %squeeze3A_215 = vector.shape_cast %slice3A_214 : vector<128x1x64xf32> to vector<128x64xf32>
    %transpose3A_216 = tpu.transpose %squeeze3A_215, [1, 0] : vector<128x64xf32> -> vector<64x128xf32>
    %swap3A_217 = arith.constant 24 : index
    %swap3A_218 = arith.constant 0 : index
    %swap3A_219 = arith.constant 0 : index
    %swap3A_220 = vector.load %arg2[%swap3A_217, %swap3A_218, %swap3A_219] : memref<50x64x128xf32, #tpu.memory_space<vmem>>, vector<1x64x128xf32>
    %swap3A_221 = vector.shape_cast %swap3A_220 : vector<1x64x128xf32> to vector<64x128xf32>
    %swap3A_222 = vector.shape_cast %transpose3A_216 : vector<64x128xf32> to vector<1x64x128xf32>
    tpu.vector_store %arg2[%swap3A_217, %swap3A_218, %swap3A_219], %swap3A_222 {strides = array<i32>} : memref<50x64x128xf32, #tpu.memory_space<vmem>>, vector<1x64x128xf32>,
    %slice3A_223 = vector.extract_strided_slice %reshape3A {offsets = [0, 12, 64], sizes = [128, 1, 64], strides = [1, 1, 1]} : vector<128x25x128xf32> to vector<128x1x64xf32>
    %squeeze3A_224 = vector.shape_cast %slice3A_223 : vector<128x1x64xf32> to vector<128x64xf32>
    %transpose3A_225 = tpu.transpose %squeeze3A_224, [1, 0] : vector<128x64xf32> -> vector<64x128xf32>
    %swap3A_226 = arith.constant 25 : index
    %swap3A_227 = arith.constant 0 : index
    %swap3A_228 = arith.constant 0 : index
    %swap3A_229 = vector.load %arg2[%swap3A_226, %swap3A_227, %swap3A_228] : memref<50x64x128xf32, #tpu.memory_space<vmem>>, vector<1x64x128xf32>
    %swap3A_230 = vector.shape_cast %swap3A_229 : vector<1x64x128xf32> to vector<64x128xf32>
    %swap3A_231 = vector.shape_cast %transpose3A_225 : vector<64x128xf32> to vector<1x64x128xf32>
    tpu.vector_store %arg2[%swap3A_226, %swap3A_227, %swap3A_228], %swap3A_231 {strides = array<i32>} : memref<50x64x128xf32, #tpu.memory_space<vmem>>, vector<1x64x128xf32>,
    %slice3A_232 = vector.extract_strided_slice %reshape3A {offsets = [0, 13, 0], sizes = [128, 1, 64], strides = [1, 1, 1]} : vector<128x25x128xf32> to vector<128x1x64xf32>
    %squeeze3A_233 = vector.shape_cast %slice3A_232 : vector<128x1x64xf32> to vector<128x64xf32>
    %transpose3A_234 = tpu.transpose %squeeze3A_233, [1, 0] : vector<128x64xf32> -> vector<64x128xf32>
    %swap3A_235 = arith.constant 26 : index
    %swap3A_236 = arith.constant 0 : index
    %swap3A_237 = arith.constant 0 : index
    %swap3A_238 = vector.load %arg2[%swap3A_235, %swap3A_236, %swap3A_237] : memref<50x64x128xf32, #tpu.memory_space<vmem>>, vector<1x64x128xf32>
    %swap3A_239 = vector.shape_cast %swap3A_238 : vector<1x64x128xf32> to vector<64x128xf32>
    %swap3A_240 = vector.shape_cast %transpose3A_234 : vector<64x128xf32> to vector<1x64x128xf32>
    tpu.vector_store %arg2[%swap3A_235, %swap3A_236, %swap3A_237], %swap3A_240 {strides = array<i32>} : memref<50x64x128xf32, #tpu.memory_space<vmem>>, vector<1x64x128xf32>,
    %slice3A_241 = vector.extract_strided_slice %reshape3A {offsets = [0, 13, 64], sizes = [128, 1, 64], strides = [1, 1, 1]} : vector<128x25x128xf32> to vector<128x1x64xf32>
    %squeeze3A_242 = vector.shape_cast %slice3A_241 : vector<128x1x64xf32> to vector<128x64xf32>
    %transpose3A_243 = tpu.transpose %squeeze3A_242, [1, 0] : vector<128x64xf32> -> vector<64x128xf32>
    %swap3A_244 = arith.constant 27 : index
    %swap3A_245 = arith.constant 0 : index
    %swap3A_246 = arith.constant 0 : index
    %swap3A_247 = vector.load %arg2[%swap3A_244, %swap3A_245, %swap3A_246] : memref<50x64x128xf32, #tpu.memory_space<vmem>>, vector<1x64x128xf32>
    %swap3A_248 = vector.shape_cast %swap3A_247 : vector<1x64x128xf32> to vector<64x128xf32>
    %swap3A_249 = vector.shape_cast %transpose3A_243 : vector<64x128xf32> to vector<1x64x128xf32>
    tpu.vector_store %arg2[%swap3A_244, %swap3A_245, %swap3A_246], %swap3A_249 {strides = array<i32>} : memref<50x64x128xf32, #tpu.memory_space<vmem>>, vector<1x64x128xf32>,
    %slice3A_250 = vector.extract_strided_slice %reshape3A {offsets = [0, 14, 0], sizes = [128, 1, 64], strides = [1, 1, 1]} : vector<128x25x128xf32> to vector<128x1x64xf32>
    %squeeze3A_251 = vector.shape_cast %slice3A_250 : vector<128x1x64xf32> to vector<128x64xf32>
    %transpose3A_252 = tpu.transpose %squeeze3A_251, [1, 0] : vector<128x64xf32> -> vector<64x128xf32>
    %swap3A_253 = arith.constant 28 : index
    %swap3A_254 = arith.constant 0 : index
    %swap3A_255 = arith.constant 0 : index
    %swap3A_256 = vector.load %arg2[%swap3A_253, %swap3A_254, %swap3A_255] : memref<50x64x128xf32, #tpu.memory_space<vmem>>, vector<1x64x128xf32>
    %swap3A_257 = vector.shape_cast %swap3A_256 : vector<1x64x128xf32> to vector<64x128xf32>
    %swap3A_258 = vector.shape_cast %transpose3A_252 : vector<64x128xf32> to vector<1x64x128xf32>
    tpu.vector_store %arg2[%swap3A_253, %swap3A_254, %swap3A_255], %swap3A_258 {strides = array<i32>} : memref<50x64x128xf32, #tpu.memory_space<vmem>>, vector<1x64x128xf32>,
    %slice3A_259 = vector.extract_strided_slice %reshape3A {offsets = [0, 14, 64], sizes = [128, 1, 64], strides = [1, 1, 1]} : vector<128x25x128xf32> to vector<128x1x64xf32>
    %squeeze3A_260 = vector.shape_cast %slice3A_259 : vector<128x1x64xf32> to vector<128x64xf32>
    %transpose3A_261 = tpu.transpose %squeeze3A_260, [1, 0] : vector<128x64xf32> -> vector<64x128xf32>
    %swap3A_262 = arith.constant 29 : index
    %swap3A_263 = arith.constant 0 : index
    %swap3A_264 = arith.constant 0 : index
    %swap3A_265 = vector.load %arg2[%swap3A_262, %swap3A_263, %swap3A_264] : memref<50x64x128xf32, #tpu.memory_space<vmem>>, vector<1x64x128xf32>
    %swap3A_266 = vector.shape_cast %swap3A_265 : vector<1x64x128xf32> to vector<64x128xf32>
    %swap3A_267 = vector.shape_cast %transpose3A_261 : vector<64x128xf32> to vector<1x64x128xf32>
    tpu.vector_store %arg2[%swap3A_262, %swap3A_263, %swap3A_264], %swap3A_267 {strides = array<i32>} : memref<50x64x128xf32, #tpu.memory_space<vmem>>, vector<1x64x128xf32>,
    %slice3A_268 = vector.extract_strided_slice %reshape3A {offsets = [0, 15, 0], sizes = [128, 1, 64], strides = [1, 1, 1]} : vector<128x25x128xf32> to vector<128x1x64xf32>
    %squeeze3A_269 = vector.shape_cast %slice3A_268 : vector<128x1x64xf32> to vector<128x64xf32>
    %transpose3A_270 = tpu.transpose %squeeze3A_269, [1, 0] : vector<128x64xf32> -> vector<64x128xf32>
    %swap3A_271 = arith.constant 30 : index
    %swap3A_272 = arith.constant 0 : index
    %swap3A_273 = arith.constant 0 : index
    %swap3A_274 = vector.load %arg2[%swap3A_271, %swap3A_272, %swap3A_273] : memref<50x64x128xf32, #tpu.memory_space<vmem>>, vector<1x64x128xf32>
    %swap3A_275 = vector.shape_cast %swap3A_274 : vector<1x64x128xf32> to vector<64x128xf32>
    %swap3A_276 = vector.shape_cast %transpose3A_270 : vector<64x128xf32> to vector<1x64x128xf32>
    tpu.vector_store %arg2[%swap3A_271, %swap3A_272, %swap3A_273], %swap3A_276 {strides = array<i32>} : memref<50x64x128xf32, #tpu.memory_space<vmem>>, vector<1x64x128xf32>,
    %slice3A_277 = vector.extract_strided_slice %reshape3A {offsets = [0, 15, 64], sizes = [128, 1, 64], strides = [1, 1, 1]} : vector<128x25x128xf32> to vector<128x1x64xf32>
    %squeeze3A_278 = vector.shape_cast %slice3A_277 : vector<128x1x64xf32> to vector<128x64xf32>
    %transpose3A_279 = tpu.transpose %squeeze3A_278, [1, 0] : vector<128x64xf32> -> vector<64x128xf32>
    %swap3A_280 = arith.constant 31 : index
    %swap3A_281 = arith.constant 0 : index
    %swap3A_282 = arith.constant 0 : index
    %swap3A_283 = vector.load %arg2[%swap3A_280, %swap3A_281, %swap3A_282] : memref<50x64x128xf32, #tpu.memory_space<vmem>>, vector<1x64x128xf32>
    %swap3A_284 = vector.shape_cast %swap3A_283 : vector<1x64x128xf32> to vector<64x128xf32>
    %swap3A_285 = vector.shape_cast %transpose3A_279 : vector<64x128xf32> to vector<1x64x128xf32>
    tpu.vector_store %arg2[%swap3A_280, %swap3A_281, %swap3A_282], %swap3A_285 {strides = array<i32>} : memref<50x64x128xf32, #tpu.memory_space<vmem>>, vector<1x64x128xf32>,
    %slice3A_286 = vector.extract_strided_slice %reshape3A {offsets = [0, 16, 0], sizes = [128, 1, 64], strides = [1, 1, 1]} : vector<128x25x128xf32> to vector<128x1x64xf32>
    %squeeze3A_287 = vector.shape_cast %slice3A_286 : vector<128x1x64xf32> to vector<128x64xf32>
    %transpose3A_288 = tpu.transpose %squeeze3A_287, [1, 0] : vector<128x64xf32> -> vector<64x128xf32>
    %swap3A_289 = arith.constant 32 : index
    %swap3A_290 = arith.constant 0 : index
    %swap3A_291 = arith.constant 0 : index
    %swap3A_292 = vector.load %arg2[%swap3A_289, %swap3A_290, %swap3A_291] : memref<50x64x128xf32, #tpu.memory_space<vmem>>, vector<1x64x128xf32>
    %swap3A_293 = vector.shape_cast %swap3A_292 : vector<1x64x128xf32> to vector<64x128xf32>
    %swap3A_294 = vector.shape_cast %transpose3A_288 : vector<64x128xf32> to vector<1x64x128xf32>
    tpu.vector_store %arg2[%swap3A_289, %swap3A_290, %swap3A_291], %swap3A_294 {strides = array<i32>} : memref<50x64x128xf32, #tpu.memory_space<vmem>>, vector<1x64x128xf32>,
    %slice3A_295 = vector.extract_strided_slice %reshape3A {offsets = [0, 16, 64], sizes = [128, 1, 64], strides = [1, 1, 1]} : vector<128x25x128xf32> to vector<128x1x64xf32>
    %squeeze3A_296 = vector.shape_cast %slice3A_295 : vector<128x1x64xf32> to vector<128x64xf32>
    %transpose3A_297 = tpu.transpose %squeeze3A_296, [1, 0] : vector<128x64xf32> -> vector<64x128xf32>
    %swap3A_298 = arith.constant 33 : index
    %swap3A_299 = arith.constant 0 : index
    %swap3A_300 = arith.constant 0 : index
    %swap3A_301 = vector.load %arg2[%swap3A_298, %swap3A_299, %swap3A_300] : memref<50x64x128xf32, #tpu.memory_space<vmem>>, vector<1x64x128xf32>
    %swap3A_302 = vector.shape_cast %swap3A_301 : vector<1x64x128xf32> to vector<64x128xf32>
    %swap3A_303 = vector.shape_cast %transpose3A_297 : vector<64x128xf32> to vector<1x64x128xf32>
    tpu.vector_store %arg2[%swap3A_298, %swap3A_299, %swap3A_300], %swap3A_303 {strides = array<i32>} : memref<50x64x128xf32, #tpu.memory_space<vmem>>, vector<1x64x128xf32>,
    %slice3A_304 = vector.extract_strided_slice %reshape3A {offsets = [0, 17, 0], sizes = [128, 1, 64], strides = [1, 1, 1]} : vector<128x25x128xf32> to vector<128x1x64xf32>
    %squeeze3A_305 = vector.shape_cast %slice3A_304 : vector<128x1x64xf32> to vector<128x64xf32>
    %transpose3A_306 = tpu.transpose %squeeze3A_305, [1, 0] : vector<128x64xf32> -> vector<64x128xf32>
    %swap3A_307 = arith.constant 34 : index
    %swap3A_308 = arith.constant 0 : index
    %swap3A_309 = arith.constant 0 : index
    %swap3A_310 = vector.load %arg2[%swap3A_307, %swap3A_308, %swap3A_309] : memref<50x64x128xf32, #tpu.memory_space<vmem>>, vector<1x64x128xf32>
    %swap3A_311 = vector.shape_cast %swap3A_310 : vector<1x64x128xf32> to vector<64x128xf32>
    %swap3A_312 = vector.shape_cast %transpose3A_306 : vector<64x128xf32> to vector<1x64x128xf32>
    tpu.vector_store %arg2[%swap3A_307, %swap3A_308, %swap3A_309], %swap3A_312 {strides = array<i32>} : memref<50x64x128xf32, #tpu.memory_space<vmem>>, vector<1x64x128xf32>,
    %slice3A_313 = vector.extract_strided_slice %reshape3A {offsets = [0, 17, 64], sizes = [128, 1, 64], strides = [1, 1, 1]} : vector<128x25x128xf32> to vector<128x1x64xf32>
    %squeeze3A_314 = vector.shape_cast %slice3A_313 : vector<128x1x64xf32> to vector<128x64xf32>
    %transpose3A_315 = tpu.transpose %squeeze3A_314, [1, 0] : vector<128x64xf32> -> vector<64x128xf32>
    %swap3A_316 = arith.constant 35 : index
    %swap3A_317 = arith.constant 0 : index
    %swap3A_318 = arith.constant 0 : index
    %swap3A_319 = vector.load %arg2[%swap3A_316, %swap3A_317, %swap3A_318] : memref<50x64x128xf32, #tpu.memory_space<vmem>>, vector<1x64x128xf32>
    %swap3A_320 = vector.shape_cast %swap3A_319 : vector<1x64x128xf32> to vector<64x128xf32>
    %swap3A_321 = vector.shape_cast %transpose3A_315 : vector<64x128xf32> to vector<1x64x128xf32>
    tpu.vector_store %arg2[%swap3A_316, %swap3A_317, %swap3A_318], %swap3A_321 {strides = array<i32>} : memref<50x64x128xf32, #tpu.memory_space<vmem>>, vector<1x64x128xf32>,
    %slice3A_322 = vector.extract_strided_slice %reshape3A {offsets = [0, 18, 0], sizes = [128, 1, 64], strides = [1, 1, 1]} : vector<128x25x128xf32> to vector<128x1x64xf32>
    %squeeze3A_323 = vector.shape_cast %slice3A_322 : vector<128x1x64xf32> to vector<128x64xf32>
    %transpose3A_324 = tpu.transpose %squeeze3A_323, [1, 0] : vector<128x64xf32> -> vector<64x128xf32>
    %swap3A_325 = arith.constant 36 : index
    %swap3A_326 = arith.constant 0 : index
    %swap3A_327 = arith.constant 0 : index
    %swap3A_328 = vector.load %arg2[%swap3A_325, %swap3A_326, %swap3A_327] : memref<50x64x128xf32, #tpu.memory_space<vmem>>, vector<1x64x128xf32>
    %swap3A_329 = vector.shape_cast %swap3A_328 : vector<1x64x128xf32> to vector<64x128xf32>
    %swap3A_330 = vector.shape_cast %transpose3A_324 : vector<64x128xf32> to vector<1x64x128xf32>
    tpu.vector_store %arg2[%swap3A_325, %swap3A_326, %swap3A_327], %swap3A_330 {strides = array<i32>} : memref<50x64x128xf32, #tpu.memory_space<vmem>>, vector<1x64x128xf32>,
    %slice3A_331 = vector.extract_strided_slice %reshape3A {offsets = [0, 18, 64], sizes = [128, 1, 64], strides = [1, 1, 1]} : vector<128x25x128xf32> to vector<128x1x64xf32>
    %squeeze3A_332 = vector.shape_cast %slice3A_331 : vector<128x1x64xf32> to vector<128x64xf32>
    %transpose3A_333 = tpu.transpose %squeeze3A_332, [1, 0] : vector<128x64xf32> -> vector<64x128xf32>
    %swap3A_334 = arith.constant 37 : index
    %swap3A_335 = arith.constant 0 : index
    %swap3A_336 = arith.constant 0 : index
    %swap3A_337 = vector.load %arg2[%swap3A_334, %swap3A_335, %swap3A_336] : memref<50x64x128xf32, #tpu.memory_space<vmem>>, vector<1x64x128xf32>
    %swap3A_338 = vector.shape_cast %swap3A_337 : vector<1x64x128xf32> to vector<64x128xf32>
    %swap3A_339 = vector.shape_cast %transpose3A_333 : vector<64x128xf32> to vector<1x64x128xf32>
    tpu.vector_store %arg2[%swap3A_334, %swap3A_335, %swap3A_336], %swap3A_339 {strides = array<i32>} : memref<50x64x128xf32, #tpu.memory_space<vmem>>, vector<1x64x128xf32>,
    %slice3A_340 = vector.extract_strided_slice %reshape3A {offsets = [0, 19, 0], sizes = [128, 1, 64], strides = [1, 1, 1]} : vector<128x25x128xf32> to vector<128x1x64xf32>
    %squeeze3A_341 = vector.shape_cast %slice3A_340 : vector<128x1x64xf32> to vector<128x64xf32>
    %transpose3A_342 = tpu.transpose %squeeze3A_341, [1, 0] : vector<128x64xf32> -> vector<64x128xf32>
    %swap3A_343 = arith.constant 38 : index
    %swap3A_344 = arith.constant 0 : index
    %swap3A_345 = arith.constant 0 : index
    %swap3A_346 = vector.load %arg2[%swap3A_343, %swap3A_344, %swap3A_345] : memref<50x64x128xf32, #tpu.memory_space<vmem>>, vector<1x64x128xf32>
    %swap3A_347 = vector.shape_cast %swap3A_346 : vector<1x64x128xf32> to vector<64x128xf32>
    %swap3A_348 = vector.shape_cast %transpose3A_342 : vector<64x128xf32> to vector<1x64x128xf32>
    tpu.vector_store %arg2[%swap3A_343, %swap3A_344, %swap3A_345], %swap3A_348 {strides = array<i32>} : memref<50x64x128xf32, #tpu.memory_space<vmem>>, vector<1x64x128xf32>,
    %slice3A_349 = vector.extract_strided_slice %reshape3A {offsets = [0, 19, 64], sizes = [128, 1, 64], strides = [1, 1, 1]} : vector<128x25x128xf32> to vector<128x1x64xf32>
    %squeeze3A_350 = vector.shape_cast %slice3A_349 : vector<128x1x64xf32> to vector<128x64xf32>
    %transpose3A_351 = tpu.transpose %squeeze3A_350, [1, 0] : vector<128x64xf32> -> vector<64x128xf32>
    %swap3A_352 = arith.constant 39 : index
    %swap3A_353 = arith.constant 0 : index
    %swap3A_354 = arith.constant 0 : index
    %swap3A_355 = vector.load %arg2[%swap3A_352, %swap3A_353, %swap3A_354] : memref<50x64x128xf32, #tpu.memory_space<vmem>>, vector<1x64x128xf32>
    %swap3A_356 = vector.shape_cast %swap3A_355 : vector<1x64x128xf32> to vector<64x128xf32>
    %swap3A_357 = vector.shape_cast %transpose3A_351 : vector<64x128xf32> to vector<1x64x128xf32>
    tpu.vector_store %arg2[%swap3A_352, %swap3A_353, %swap3A_354], %swap3A_357 {strides = array<i32>} : memref<50x64x128xf32, #tpu.memory_space<vmem>>, vector<1x64x128xf32>,
    %slice3A_358 = vector.extract_strided_slice %reshape3A {offsets = [0, 20, 0], sizes = [128, 1, 64], strides = [1, 1, 1]} : vector<128x25x128xf32> to vector<128x1x64xf32>
    %squeeze3A_359 = vector.shape_cast %slice3A_358 : vector<128x1x64xf32> to vector<128x64xf32>
    %transpose3A_360 = tpu.transpose %squeeze3A_359, [1, 0] : vector<128x64xf32> -> vector<64x128xf32>
    %swap3A_361 = arith.constant 40 : index
    %swap3A_362 = arith.constant 0 : index
    %swap3A_363 = arith.constant 0 : index
    %swap3A_364 = vector.load %arg2[%swap3A_361, %swap3A_362, %swap3A_363] : memref<50x64x128xf32, #tpu.memory_space<vmem>>, vector<1x64x128xf32>
    %swap3A_365 = vector.shape_cast %swap3A_364 : vector<1x64x128xf32> to vector<64x128xf32>
    %swap3A_366 = vector.shape_cast %transpose3A_360 : vector<64x128xf32> to vector<1x64x128xf32>
    tpu.vector_store %arg2[%swap3A_361, %swap3A_362, %swap3A_363], %swap3A_366 {strides = array<i32>} : memref<50x64x128xf32, #tpu.memory_space<vmem>>, vector<1x64x128xf32>,
    %slice3A_367 = vector.extract_strided_slice %reshape3A {offsets = [0, 20, 64], sizes = [128, 1, 64], strides = [1, 1, 1]} : vector<128x25x128xf32> to vector<128x1x64xf32>
    %squeeze3A_368 = vector.shape_cast %slice3A_367 : vector<128x1x64xf32> to vector<128x64xf32>
    %transpose3A_369 = tpu.transpose %squeeze3A_368, [1, 0] : vector<128x64xf32> -> vector<64x128xf32>
    %swap3A_370 = arith.constant 41 : index
    %swap3A_371 = arith.constant 0 : index
    %swap3A_372 = arith.constant 0 : index
    %swap3A_373 = vector.load %arg2[%swap3A_370, %swap3A_371, %swap3A_372] : memref<50x64x128xf32, #tpu.memory_space<vmem>>, vector<1x64x128xf32>
    %swap3A_374 = vector.shape_cast %swap3A_373 : vector<1x64x128xf32> to vector<64x128xf32>
    %swap3A_375 = vector.shape_cast %transpose3A_369 : vector<64x128xf32> to vector<1x64x128xf32>
    tpu.vector_store %arg2[%swap3A_370, %swap3A_371, %swap3A_372], %swap3A_375 {strides = array<i32>} : memref<50x64x128xf32, #tpu.memory_space<vmem>>, vector<1x64x128xf32>,
    %slice3A_376 = vector.extract_strided_slice %reshape3A {offsets = [0, 21, 0], sizes = [128, 1, 64], strides = [1, 1, 1]} : vector<128x25x128xf32> to vector<128x1x64xf32>
    %squeeze3A_377 = vector.shape_cast %slice3A_376 : vector<128x1x64xf32> to vector<128x64xf32>
    %transpose3A_378 = tpu.transpose %squeeze3A_377, [1, 0] : vector<128x64xf32> -> vector<64x128xf32>
    %swap3A_379 = arith.constant 42 : index
    %swap3A_380 = arith.constant 0 : index
    %swap3A_381 = arith.constant 0 : index
    %swap3A_382 = vector.load %arg2[%swap3A_379, %swap3A_380, %swap3A_381] : memref<50x64x128xf32, #tpu.memory_space<vmem>>, vector<1x64x128xf32>
    %swap3A_383 = vector.shape_cast %swap3A_382 : vector<1x64x128xf32> to vector<64x128xf32>
    %swap3A_384 = vector.shape_cast %transpose3A_378 : vector<64x128xf32> to vector<1x64x128xf32>
    tpu.vector_store %arg2[%swap3A_379, %swap3A_380, %swap3A_381], %swap3A_384 {strides = array<i32>} : memref<50x64x128xf32, #tpu.memory_space<vmem>>, vector<1x64x128xf32>,
    %slice3A_385 = vector.extract_strided_slice %reshape3A {offsets = [0, 21, 64], sizes = [128, 1, 64], strides = [1, 1, 1]} : vector<128x25x128xf32> to vector<128x1x64xf32>
    %squeeze3A_386 = vector.shape_cast %slice3A_385 : vector<128x1x64xf32> to vector<128x64xf32>
    %transpose3A_387 = tpu.transpose %squeeze3A_386, [1, 0] : vector<128x64xf32> -> vector<64x128xf32>
    %swap3A_388 = arith.constant 43 : index
    %swap3A_389 = arith.constant 0 : index
    %swap3A_390 = arith.constant 0 : index
    %swap3A_391 = vector.load %arg2[%swap3A_388, %swap3A_389, %swap3A_390] : memref<50x64x128xf32, #tpu.memory_space<vmem>>, vector<1x64x128xf32>
    %swap3A_392 = vector.shape_cast %swap3A_391 : vector<1x64x128xf32> to vector<64x128xf32>
    %swap3A_393 = vector.shape_cast %transpose3A_387 : vector<64x128xf32> to vector<1x64x128xf32>
    tpu.vector_store %arg2[%swap3A_388, %swap3A_389, %swap3A_390], %swap3A_393 {strides = array<i32>} : memref<50x64x128xf32, #tpu.memory_space<vmem>>, vector<1x64x128xf32>,
    %slice3A_394 = vector.extract_strided_slice %reshape3A {offsets = [0, 22, 0], sizes = [128, 1, 64], strides = [1, 1, 1]} : vector<128x25x128xf32> to vector<128x1x64xf32>
    %squeeze3A_395 = vector.shape_cast %slice3A_394 : vector<128x1x64xf32> to vector<128x64xf32>
    %transpose3A_396 = tpu.transpose %squeeze3A_395, [1, 0] : vector<128x64xf32> -> vector<64x128xf32>
    %swap3A_397 = arith.constant 44 : index
    %swap3A_398 = arith.constant 0 : index
    %swap3A_399 = arith.constant 0 : index
    %swap3A_400 = vector.load %arg2[%swap3A_397, %swap3A_398, %swap3A_399] : memref<50x64x128xf32, #tpu.memory_space<vmem>>, vector<1x64x128xf32>
    %swap3A_401 = vector.shape_cast %swap3A_400 : vector<1x64x128xf32> to vector<64x128xf32>
    %swap3A_402 = vector.shape_cast %transpose3A_396 : vector<64x128xf32> to vector<1x64x128xf32>
    tpu.vector_store %arg2[%swap3A_397, %swap3A_398, %swap3A_399], %swap3A_402 {strides = array<i32>} : memref<50x64x128xf32, #tpu.memory_space<vmem>>, vector<1x64x128xf32>,
    %slice3A_403 = vector.extract_strided_slice %reshape3A {offsets = [0, 22, 64], sizes = [128, 1, 64], strides = [1, 1, 1]} : vector<128x25x128xf32> to vector<128x1x64xf32>
    %squeeze3A_404 = vector.shape_cast %slice3A_403 : vector<128x1x64xf32> to vector<128x64xf32>
    %transpose3A_405 = tpu.transpose %squeeze3A_404, [1, 0] : vector<128x64xf32> -> vector<64x128xf32>
    %swap3A_406 = arith.constant 45 : index
    %swap3A_407 = arith.constant 0 : index
    %swap3A_408 = arith.constant 0 : index
    %swap3A_409 = vector.load %arg2[%swap3A_406, %swap3A_407, %swap3A_408] : memref<50x64x128xf32, #tpu.memory_space<vmem>>, vector<1x64x128xf32>
    %swap3A_410 = vector.shape_cast %swap3A_409 : vector<1x64x128xf32> to vector<64x128xf32>
    %swap3A_411 = vector.shape_cast %transpose3A_405 : vector<64x128xf32> to vector<1x64x128xf32>
    tpu.vector_store %arg2[%swap3A_406, %swap3A_407, %swap3A_408], %swap3A_411 {strides = array<i32>} : memref<50x64x128xf32, #tpu.memory_space<vmem>>, vector<1x64x128xf32>,
    %slice3A_412 = vector.extract_strided_slice %reshape3A {offsets = [0, 23, 0], sizes = [128, 1, 64], strides = [1, 1, 1]} : vector<128x25x128xf32> to vector<128x1x64xf32>
    %squeeze3A_413 = vector.shape_cast %slice3A_412 : vector<128x1x64xf32> to vector<128x64xf32>
    %transpose3A_414 = tpu.transpose %squeeze3A_413, [1, 0] : vector<128x64xf32> -> vector<64x128xf32>
    %swap3A_415 = arith.constant 46 : index
    %swap3A_416 = arith.constant 0 : index
    %swap3A_417 = arith.constant 0 : index
    %swap3A_418 = vector.load %arg2[%swap3A_415, %swap3A_416, %swap3A_417] : memref<50x64x128xf32, #tpu.memory_space<vmem>>, vector<1x64x128xf32>
    %swap3A_419 = vector.shape_cast %swap3A_418 : vector<1x64x128xf32> to vector<64x128xf32>
    %swap3A_420 = vector.shape_cast %transpose3A_414 : vector<64x128xf32> to vector<1x64x128xf32>
    tpu.vector_store %arg2[%swap3A_415, %swap3A_416, %swap3A_417], %swap3A_420 {strides = array<i32>} : memref<50x64x128xf32, #tpu.memory_space<vmem>>, vector<1x64x128xf32>,
    %slice3A_421 = vector.extract_strided_slice %reshape3A {offsets = [0, 23, 64], sizes = [128, 1, 64], strides = [1, 1, 1]} : vector<128x25x128xf32> to vector<128x1x64xf32>
    %squeeze3A_422 = vector.shape_cast %slice3A_421 : vector<128x1x64xf32> to vector<128x64xf32>
    %transpose3A_423 = tpu.transpose %squeeze3A_422, [1, 0] : vector<128x64xf32> -> vector<64x128xf32>
    %swap3A_424 = arith.constant 47 : index
    %swap3A_425 = arith.constant 0 : index
    %swap3A_426 = arith.constant 0 : index
    %swap3A_427 = vector.load %arg2[%swap3A_424, %swap3A_425, %swap3A_426] : memref<50x64x128xf32, #tpu.memory_space<vmem>>, vector<1x64x128xf32>
    %swap3A_428 = vector.shape_cast %swap3A_427 : vector<1x64x128xf32> to vector<64x128xf32>
    %swap3A_429 = vector.shape_cast %transpose3A_423 : vector<64x128xf32> to vector<1x64x128xf32>
    tpu.vector_store %arg2[%swap3A_424, %swap3A_425, %swap3A_426], %swap3A_429 {strides = array<i32>} : memref<50x64x128xf32, #tpu.memory_space<vmem>>, vector<1x64x128xf32>,
    %slice3A_430 = vector.extract_strided_slice %reshape3A {offsets = [0, 24, 0], sizes = [128, 1, 64], strides = [1, 1, 1]} : vector<128x25x128xf32> to vector<128x1x64xf32>
    %squeeze3A_431 = vector.shape_cast %slice3A_430 : vector<128x1x64xf32> to vector<128x64xf32>
    %transpose3A_432 = tpu.transpose %squeeze3A_431, [1, 0] : vector<128x64xf32> -> vector<64x128xf32>
    %swap3A_433 = arith.constant 48 : index
    %swap3A_434 = arith.constant 0 : index
    %swap3A_435 = arith.constant 0 : index
    %swap3A_436 = vector.load %arg2[%swap3A_433, %swap3A_434, %swap3A_435] : memref<50x64x128xf32, #tpu.memory_space<vmem>>, vector<1x64x128xf32>
    %swap3A_437 = vector.shape_cast %swap3A_436 : vector<1x64x128xf32> to vector<64x128xf32>
    %swap3A_438 = vector.shape_cast %transpose3A_432 : vector<64x128xf32> to vector<1x64x128xf32>
    tpu.vector_store %arg2[%swap3A_433, %swap3A_434, %swap3A_435], %swap3A_438 {strides = array<i32>} : memref<50x64x128xf32, #tpu.memory_space<vmem>>, vector<1x64x128xf32>,
    %slice3A_439 = vector.extract_strided_slice %reshape3A {offsets = [0, 24, 64], sizes = [128, 1, 64], strides = [1, 1, 1]} : vector<128x25x128xf32> to vector<128x1x64xf32>
    %squeeze3A_440 = vector.shape_cast %slice3A_439 : vector<128x1x64xf32> to vector<128x64xf32>
    %transpose3A_441 = tpu.transpose %squeeze3A_440, [1, 0] : vector<128x64xf32> -> vector<64x128xf32>
    %swap3A_442 = arith.constant 49 : index
    %swap3A_443 = arith.constant 0 : index
    %swap3A_444 = arith.constant 0 : index
    %swap3A_445 = vector.load %arg2[%swap3A_442, %swap3A_443, %swap3A_444] : memref<50x64x128xf32, #tpu.memory_space<vmem>>, vector<1x64x128xf32>
    %swap3A_446 = vector.shape_cast %swap3A_445 : vector<1x64x128xf32> to vector<64x128xf32>
    %swap3A_447 = vector.shape_cast %transpose3A_441 : vector<64x128xf32> to vector<1x64x128xf32>
    tpu.vector_store %arg2[%swap3A_442, %swap3A_443, %swap3A_444], %swap3A_447 {strides = array<i32>} : memref<50x64x128xf32, #tpu.memory_space<vmem>>, vector<1x64x128xf32>,
    return
  }
  func.func @transform_0(%arg0: i32) -> (i32, i32) {
    %c0_i32 = arith.constant 0 : i32
    %c0_i32_0 = arith.constant 0 : i32
    return %arg0, %c0_i32 : i32, i32
  }
  func.func @transform_1(%arg0: i32) -> (i32, i32, i32) {
    %c0_i32 = arith.constant 0 : i32
    %c0_i32_0 = arith.constant 0 : i32
    %c0_i32_1 = arith.constant 0 : i32
    return %c0_i32, %c0_i32_0, %arg0 : i32, i32, i32
  }
}

</mosaic_0001>

<sc_bundles>
// kernel: kernel.5.cloned.1.call-start
scs
__scs_entry_jumppad:
0x0: {  	(pc) =	sbr.rel $0x88, $3  }
0x1: {  	(tag) =	ssettag $0x0;
	lr =	simm.s32 $0x1  }
0x2: {  	[smem:$0x3F9E] =	sst lr;
	_ =	strace $0xD0000000  }
0x3: {  	_ = 	snop  }
0x4: {  	_ = 	snop  }
0x5: {  	_ = 	snop  }
0x6: {  	_ = 	snop  }
0x7: {  	_ = 	snop  }
__scs_overlays_trampoline_lowered:
0x8: {  	[smem:$0x3FAD] =	sst s0  }
0x9: {  	[smem:$0x3FAE] =	sst s1  }
0xa: {  	[smem:$0x3FAF] =	sst s2  }
0xb: {  	[smem:$0x3FB0] =	sst s3  }
0xc: {  	[smem:$0x3FB1] =	sst s4  }
0xd: {  	[smem:$0x3FB2] =	sst s5  }
0xe: {  	[smem:$0x3FB3] =	sst s6  }
0xf: {  	[smem:$0x3FB4] =	sst s7  }
0x10: {  	[smem:$0x3FB5] =	sst s8  }
0x11: {  	[smem:$0x3FB6] =	sst s9;
	s0 =	simm.s32 @!p0 $0x0  }
0x12: {  	s1 =	sld [smem:$0x3F9C];
	s0 =	simm.s32 @p0 $0x1  }
0x13: {  	[smem:$0x3FB7] =	sst s0;
	s0 =	simm.s32 @!p1 $0x0  }
0x14: {  	s2 =	sld [smem:$0x3F9B];
	s0 =	simm.s32 @p1 $0x1  }
0x15: {  	[smem:$0x3FB8] =	sst s0;
	s0 =	simm.s32 @!p2 $0x0  }
0x16: {  	s3 =	sld [smem:$0x3FDB];
	s0 =	simm.s32 @p2 $0x1  }
0x17: {  	s4 =	simm.s32 $0x1BF5;
	[smem:$0x3FBA] =	sst s0  }
0x18: {  	s0 =	sld [smem:$0x3F9D];
	_ =	swait.ge [sflag:s4], $0x0  }
0x19: {  	s7 =	sld [smem:$0x3F9E]  }
0x1a: {  	s8 =	sadd.s32 $0xFFFFE003, lr  }
0x1b: {  	s9 =	sadd.s32 $0xFFFFFEF7, lr;
	s5 =	simm.s32 $0xFFFFFFFF;
	p2 =	slt.u32 s8, $0xFFFFF086  }
0x1c: {  	p1 =	slt.u32 s9, $0xF7A;
	s5 =	simm.s32 @!p2 $0x0  }
0x1d: {  	s5 =	simm.s32 @p1 $0x1;
	p0 =	seq.s32 s7, s2  }
0x1e: {  	s7 =	smul.u32 @!p0 $0xF7A, s2;
	p2 =	seq.s32 @!p0 s5, $0x0  }
0x1f: {  	s9 =	smul.u32 $0xF7A, s1;
	s8 =	simm.s32 @!p0 $0x1BF5;
	p2 =	por !p2, p0  }
0x20: {  	[sflag:s8] =	ssyncset.s32 @!p0 $0xFFFFF086;
	s6 =	sadd.s32 @!p0 s3, s7;
	s7 =	simm.s32 @!p0 $0x108  }
0x21: {  	s3 =	sadd.s32 s3, s9;
	s6 =	sadd.s32 @!p0 $0x88, s6;
	s7 =	simm.s32 @p2 $0x1082  }
0x22: {  	[simem:s7], [sflag:s8] =	dma.local @!p0 [hbm:s6], $0xF7A  }
0x23: {  	s9 =	sor.u32 $0xD0000000, s2;
	s6 =	simm.s32 $0x108;
	_ =	swait.ge @!p0 [sflag:s8], $0x0  }
0x24: {  	s3 =	sadd.s32 $0x88, s3;
	s6 =	simm.s32 @!p1 $0x1082;
	[sflag:s4] =	ssyncset.s32 $0xFFFFF086  }
0x25: {  	[simem:s6], [sflag:s4] =	dma.local [hbm:s3], $0xF7A  }
0x26: {  	[smem:$0x3F9E] =	sst s1;
	(tag) =	ssettag s2;
	_ =	strace s9  }
0x27: {  	s1 =	sld [smem:$0x3FAE]  }
0x28: {  	s2 =	sld [smem:$0x3FAF]  }
0x29: {  	s4 =	sld [smem:$0x3FB1]  }
0x2a: {  	p0 =	seq.s32 s5, $0x0;
	s5 =	sld [smem:$0x3FB2]  }
0x2b: {  	s6 =	sld [smem:$0x3FB3]  }
0x2c: {  	s7 =	sld [smem:$0x3FB4]  }
0x2d: {  	s3 =	simm.s32 $0x108;
	s8 =	sld [smem:$0x3FB5]  }
0x2e: {  	s3 =	simm.s32 @!p0 $0x1082;
	s9 =	sld [smem:$0x3FB6]  }
0x2f: {  	lr =	sadd.s32 s0, s3;
	s0 =	sld [smem:$0x3FAD]  }
0x30: {  	s3 =	sld [smem:$0x3FB0]  }
0x31: {  	[smem:$0x3FB9] =	sst s10  }
0x32: {  	s10 =	sld [smem:$0x3FB7];
	_ =	sdelay $0x3  }
0x33: {  	p0 =	seq.s32 s10, $0x1;
	s10 =	sld [smem:$0x3FB9];
	_ =	sdelay $0x3  }
0x34: {  	[smem:$0x3FB9] =	sst s10  }
0x35: {  	s10 =	sld [smem:$0x3FB8];
	_ =	sdelay $0x3  }
0x36: {  	p1 =	seq.s32 s10, $0x1;
	s10 =	sld [smem:$0x3FB9];
	_ =	sdelay $0x3  }
0x37: {  	[smem:$0x3FB9] =	sst s10  }
0x38: {  	s10 =	sld [smem:$0x3FBA]  }
0x39: {  	_ = 	snop;
	(pc) =	sbr.ind lr, $3  }
0x3a: {  	_ = 	snop  }
0x3b: {  	_ = 	snop  }
0x3c: {  	p2 =	seq.s32 s10, $0x1;
	s10 =	sld [smem:$0x3FB9]  }
0x3d: {  	_ =	shalt  }
0x3e: {  	_ =	shalt  }
0x3f: {  	_ =	shalt  }
0x40: {  	_ =	shalt  }
0x41: {  	_ =	shalt  }
0x42: {  	_ =	shalt  }
0x43: {  	_ =	shalt  }
0x44: {  	_ =	shalt  }
0x45: {  	_ =	shalt  }
0x46: {  	_ =	shalt  }
0x47: {  	_ =	shalt  }
0x48: {  	_ =	shalt  }
0x49: {  	_ =	shalt  }
0x4a: {  	_ =	shalt  }
0x4b: {  	_ =	shalt  }
0x4c: {  	_ =	shalt  }
0x4d: {  	_ =	shalt  }
0x4e: {  	_ =	shalt  }
0x4f: {  	_ =	shalt  }
0x50: {  	_ =	shalt  }
0x51: {  	_ =	shalt  }
0x52: {  	_ =	shalt  }
0x53: {  	_ =	shalt  }
0x54: {  	_ =	shalt  }
0x55: {  	_ =	shalt  }
0x56: {  	_ =	shalt  }
0x57: {  	_ =	shalt  }
0x58: {  	_ =	shalt  }
0x59: {  	_ =	shalt  }
0x5a: {  	_ =	shalt  }
0x5b: {  	_ =	shalt  }
0x5c: {  	_ =	shalt  }
0x5d: {  	_ =	shalt  }
0x5e: {  	_ =	shalt  }
0x5f: {  	_ =	shalt  }
0x60: {  	_ =	shalt  }
0x61: {  	_ =	shalt  }
0x62: {  	_ =	shalt  }
0x63: {  	_ =	shalt  }
0x64: {  	_ =	shalt  }
0x65: {  	_ =	shalt  }
0x66: {  	_ =	shalt  }
0x67: {  	_ =	shalt  }
0x68: {  	_ =	shalt  }
0x69: {  	_ =	shalt  }
0x6a: {  	_ =	shalt  }
0x6b: {  	_ =	shalt  }
0x6c: {  	_ =	shalt  }
0x6d: {  	_ =	shalt  }
0x6e: {  	_ =	shalt  }
0x6f: {  	_ =	shalt  }
0x70: {  	_ =	shalt  }
0x71: {  	_ =	shalt  }
0x72: {  	_ =	shalt  }
0x73: {  	_ =	shalt  }
0x74: {  	_ =	shalt  }
0x75: {  	_ =	shalt  }
0x76: {  	_ =	shalt  }
0x77: {  	_ =	shalt  }
0x78: {  	_ =	shalt  }
0x79: {  	_ =	shalt  }
0x7a: {  	_ =	shalt  }
0x7b: {  	_ =	shalt  }
0x7c: {  	_ =	shalt  }
0x7d: {  	_ =	shalt  }
0x7e: {  	_ =	shalt  }
0x7f: {  	_ =	shalt  }
0x80: {  	_ =	shalt  }
0x81: {  	_ =	shalt  }
0x82: {  	_ =	shalt  }
0x83: {  	_ =	shalt  }
0x84: {  	_ =	shalt  }
0x85: {  	_ =	shalt  }
0x86: {  	_ =	shalt  }
0x87: {  	_ =	shalt  }
.Lfunc_end0:
.L_simem_size_0:
called_computation_lowered:
.L_overlay_start_0:
0x88: {  	s2 =	sld [smem:$0x3FD9]  }
0x89: {  	s3 =	sld [smem:$0x3FFE];
	_ =	sdelay $0x1  }
0x8a: {  	s1 =	srdreg.scid  }
0x8b: {  	s0 =	sand.u32 $0x1, s1  }
0x8c: {  	s17 =	sshll.u32 s0, $0xA;
	s2 =	sadd.s32 s3, s2  }
0x8d: {  	s2 =	sadd.s32 s2, s17  }
0x8e: {  	[smem:$0x3FC5] =	sst s2  }
0x8f: {  	_ = 	snop  }
0x90: {  	s2 =	sld [smem:$0x3FC7]  }
0x91: {  	s18 =	sld [smem:$0x3FD0];
	(tm) =	ssettm $0x1  }
0x92: {  	s4 =	sld [smem:$0x3FFB];
	_ =	sdelay $0x3  }
0x93: {  	_ =	strace s4  }
0x94: {  	s4 =	sld [smem:$0x3FFC];
	_ =	sdelay $0x3  }
0x95: {  	_ =	strace s4  }
0x96: {  	s4 =	sld [smem:$0x3FFD];
	_ =	sdelay $0x3  }
0x97: {  	_ =	strace s4  }
0x98: {  	_ =	strace $0x8FFFFFFF  }
0x99: {  	s19 =	sld [smem:$0x3FDB];
	_ =	sdelay $0x1  }
0x9a: {  	s5 =	simm.s32 $_scs_section_size  }
0x9b: {  	s6 =	simm.s32 $_size__tile_overlayer_lowered;
	s7 =	simm.s32 $_tile_overlayer_lowered  }
0x9c: {  	s22 =	simm.s32 $0x1BFF;
	s21 =	sshll.u32 s7, $0x1;
	s4 =	sadd.s32 s5, s19  }
0x9d: {  	s8 =	simm.s32 $0x0;
	s20 =	sshll.u32 s6, $0x1;
	s6 =	sadd.s32 s21, s4  }
0x9e: {  	[timem:s8], [sflag:s22] =	dma.local [hbm:s6], s20  }
0x9f: {  	_ =	swait.ge [sflag:s22], s20  }
0xa0: {  	s5 =	ssub.s32 $0x0, s20;
	[sflag:s22] =	ssyncset.done $0x0  }
0xa1: {  	[sflag:s22] =	ssyncadd.s32 s5;
	_ =	sdelay $0x1  }
0xa2: {  	s23 =	simm.s32 $0x1B8B  }
0xa3: {  	_ =	swait.ge [sflag:s23], $0x1  }
0xa4: {  	[sflag:s23] =	ssyncset.done $0x0  }
0xa5: {  	s25 =	simm.s32 $0x1B8E;
	s24 =	sld [smem:$0x3FFE];
	[sflag:s23] =	ssyncadd.s32 $0xFFFFFFFF  }
0xa6: {  	s26 =	simm.s32 $execute0_lowered;
	[smem:$0x3FD2] =	sst s25  }
0xa7: {  	s6 =	sshll.u32 s26, $0x1;
	_ =	strace $0x80000046;
	[dreg:$0x1] =	wrdreg $0xFFFFFFFF  }
0xa8: {  	s28 =	simm.s32 $_size_execute0_lowered;
	s4 =	sadd.s32 s4, s6;
	[dreg:$0x0] =	wrdreg $0x0  }
0xa9: {  	s6 =	sshll.u32 s28, $0x1;
	[dreg:$0x2] =	wrdreg s4  }
0xaa: {  	[dreg:$0x3] =	wrdreg s6  }
0xab: {  	[dreg:$0x4] =	wrdreg $0xC0  }
0xac: {  	_ =	task [dreg:s8], $0x5FFFF  }
0xad: {  	[dreg:$0x1] =	wrdreg $0xFFFFFFFF  }
0xae: {  	[dreg:$0x0] =	wrdreg $0x60  }
0xaf: {  	[dreg:$0x2] =	wrdreg s18  }
0xb0: {  	[dreg:$0x3] =	wrdreg s24  }
0xb1: {  	[dreg:$0x4] =	wrdreg s2  }
0xb2: {  	[dreg:$0x5] =	wrdreg $0x9  }
0xb3: {  	_ =	task.clear_ibuf [dreg:s8], $0x6FFFF;
	_ =	strace $0x90000046  }
0xb4: {  	s29 =	simm.s32 $0x9;
	_ =	strace $0x80000048  }
0xb5: {  	_ =	swait.ge [sflag:s29], $0x1  }
0xb6: {  	[sflag:s29] =	ssyncadd.s32 $0xFFFFFFFF  }
0xb7: {  	_ =	strace $0x90000048  }
0xb8: {  	_ =	sfence  }
0xb9: {  	s30 =	sld [smem:$0x0];
	_ =	sdelay $0x2  }
0xba: {  	s31 =	sshll.u32 s1, $0xD;
	s1 =	sshrl.u32 s1, $0x2  }
0xbb: {  	s3 =	sand.u32 $0x4000, s31;
	s1 =	sadd.s32 s1, s30  }
0xbc: {  	s0 =	sor.u32 s3, s0;
	s1 =	sshll.u32 s1, $0x11  }
0xbd: {  	s0 =	sor.u32 s1, s0  }
0xbe: {  	s0 =	sadd.s32 $0x8F2B, s0  }
0xbf: {  	[sflag:s0] =	ssyncadd.remote.s32 $0x1  }
0xc0: {  	_ =	sfence.sel $0xFFFF  }
0xc1: {  	[dreg:$0x0] =	wrdreg $0xFFFFFFFF;
	(pc) =	sbr.abs _section_cstart, $3  }
0xc2: {  	[dreg:$0x1] =	wrdreg $0xFFFFFFFF  }
0xc3: {  	_ =	task.clear_ibuf [dreg:s8], $0x2FFFF;
	_ =	strace $0x9FFFFFFF  }
0xc4: {  	(tm) =	ssettm $0x7FFFFFFF  }
0xc5: {  	_ =	shalt  }
tec
execute0_lowered:
.L_overlay_start_1:
0x0: {  	(tag) =	ssettag $0x1  }
0x1: {  	s0 =	rddreg [dreg:$0x0];
	s1 =	srdreg.scid  }
0x2: {  	s2 =	rddreg [dreg:$0x1];
	s3 =	stileid.u32;
	s11 =	simm.s32 $0x3  }
0x3: {  	s13 =	simm.s32 $0x1C00;
	s14 =	simm.s32 $0x32;
	s15 =	simm.s32 $0x3800  }
0x4: {  	s17 =	simm.s32 $0x4480;
	s19 =	simm.s32 $0x5100;
	s21 =	simm.s32 $0x5D80  }
0x5: {  	s23 =	simm.s32 $0x6A00;
	s28 =	simm.s32 $0x8300;
	s30 =	simm.s32 $0x8F80  }
0x6: {  	s16 =	simm.s32 $0xB500;
	s20 =	simm.s32 $0xC180;
	s29 =	simm.s32 $0xDA80  }
0x7: {  	s18 =	simm.s32 $0xF380;
	s22 =	simm.s32 $0x1;
	s1 =	sand.u32 $0x1, s1  }
0x8: {  	s4 =	sshll.u32 s3, $0x8;
	s3 =	simm.s32 $0x0;
	s5 =	sshll.u32 s1, $0x7  }
0x9: {  	[smem:$0x7FF] =	sst s3;
	s1 =	ssub.s32 $0x2, s1;
	s4 =	sor.u32 s5, s4  }
0xa: {  	_ =	strace $0x80000047;
	s7 =	sshrl.u32 s1, $0x1;
	s6 =	smul.u32 $0xC80, s4  }
0xb: {  	s5 =	sadd.s32 $0x7B0400, s2;
	s8 =	smul.u32 $0x7, s4;
	s1 =	ssub.s32 s1, s7  }
0xc: {  	s31 =	smax.u32 s1, $0x1;
	s1 =	simm.s32 $0x9C00;
	s9 =	sshrl.u32 s6, $0x3  }
0xd: {  	s6 =	sadd.s32 $0x400, s2;
	s0 =	sadd.s32 s0, s8;
	[dreg:$0x7] =	wrdreg s31  }
0xe: {  	s2 =	simm.s32 $0xA880;
	s8 =	simm.s32 $0x0;
	s24 =	sadd.s32 s5, s9  }
0xf: {  	[dreg:$0x4] =	wrdreg s0;
	s0 =	simm.s32 $0xE700;
	s25 =	sadd.s32 $0xAF00, s24  }
0x10: {  	s26 =	sadd.s32 $0xBB80, s24;
	s24 =	simm.s32 $0xCE00;
	[dreg:$0x5] =	wrdreg s25  }
0x11: {  	v0 =	vlaneseq.u32;
	[dreg:$0x6] =	wrdreg s26;
	s25 =	simm.s32 $0x7680;
	s26 =	simm.s32 $0x2  }
.LBB2_1:
0x12: {  	v1 =	vor.u32 s3, v0  }
0x13: {  	v2 =	vmul.u32 $0x147B, v1;
	_ =	sdelay $0x1  }
0x14: {  	[dreg:$0x8] =	wrdreg s8;
	v2 =	vshrl.u32 v2, $0x12  }
0x15: {  	s7 =	rddreg [dreg:$0x4];
	v3 =	vmul.u32 $0xFFFFFFCE, v2  }
0x16: {  	[tilespmem:s3], [sflag:$0x3] =	stream.linear.gather [hbm4b:s7+s3], $0x1C00, $0x38;
	[tilespmem:$0x10040] =	vst v63  }
0x17: {  	_ =	swait.ge [sflag:s11], $0x1C00;
	v2 =	vmul.u32 $0x38, v2;
	v1 =	vadd.s32 v1, v3  }
0x18: {  	[sflag:s11] =	ssyncset.done $0x0;
	v3 =	vand.u32 $0xFFFFFFF8, v1  }
0x19: {  	s10 =	simm.s32 $0x10;
	[sflag:s11] =	ssyncadd.s32 $0xFFFFE400;
	v1 =	vand.u32 $0x7, v1;
	v2 =	vadd.s32 v2, v3  }
0x1a: {  	s9 =	simm.s32 $0x10000;
	s12 =	rddreg [dreg:$0x2];
	v5 =	vor.u32 v1, v2;
	v1 =	vor.u32 s10, v0  }
0x1b: {  	[tilespmem:s9], [sflag:$0x3] =	stream.linear.gather [hbm4b:s12+s3], $0x40, $0x38;
	v2 =	vmul.u32 $0x147B, v1;
	[tilespmem:$0x10040] =	vst v63  }
0x1c: {  	_ =	swait.ge [sflag:s11], $0x40  }
0x1d: {  	[sflag:s11] =	ssyncset.done $0x0;
	v2 =	vshrl.u32 v2, $0x12  }
0x1e: {  	[sflag:s11] =	ssyncadd.s32 $0xFFFFFFC0;
	v3 =	vmul.u32 $0xFFFFFFCE, v2  }
0x1f: {  	v4 =	vld.idx.msk [tilespmem:v5+s3+$0x0], $0xffff  }
0x20: {  	v2 =	vmul.u32 $0x38, v2;
	v3 =	vadd.s32 v1, v3  }
0x21: {  	v6 =	vand.u32 $0xFFFFFFF8, v3  }
0x22: {  	v3 =	vand.u32 $0x7, v3;
	v6 =	vadd.s32 v2, v6  }
0x23: {  	v6 =	vor.u32 v3, v6;
	v3 =	vld [tilespmem:$0x10020]  }
0x24: {  	v7 =	vshll.u32 v4, $0x1;
	v9 =	vand.u32 $0xFFFFE000, v4;
	v8 =	vshrl.u32 v4, $0xC;
	v4 =	vld [tilespmem:$0x10030]  }
0x25: {  	v1 =	vld [tilespmem:$0x10000]  }
0x26: {  	s31 =	simm.s32 $0x20;
	v2 =	vld [tilespmem:$0x10010];
	v10 =	vand.u32 $0x1FFE, v7  }
0x27: {  	s7 =	simm.s32 $0x30;
	v7 =	vor.u32 s31, v0;
	v8 =	vand.u32 $0x1, v8;
	v9 =	vor.u32 v9, v10  }
.LBB2_2:
0x28: {  	p0 =	sne.s32 s7, $0x18F0;
	v10 =	vmul.u32 $0x147B, v7;
	v8 =	vor.u32 v8, v9  }
0x29: {  	[tilespmem:v5+s13+$0x0] =	vst.idx.msk $0xffff, v8;
	v5 =	vmov v6  }
0x2a: {  	v8 =	vshrl.u32 v10, $0x12;
	v9 =	vld.idx.msk [tilespmem:v6+s3+$0x0], $0xffff  }
0x2b: {  	v6 =	vmul.u32 $0xFFFFFFCE, v8;
	_ =	sdelay $0x1  }
0x2c: {  	v6 =	vadd.s32 v7, v6;
	v7 =	vmul.u32 $0x38, v8  }
.Ltmp0:
0x2d: {  	v8 =	vand.u32 $0xFFFFFFF8, v6;
	(pc) =	sbr.rel @p0 .LBB2_2-.Ltmp0, $4  }
0x2e: {  	v6 =	vand.u32 $0x7, v6;
	v7 =	vadd.s32 v7, v8  }
0x2f: {  	v6 =	vor.u32 v6, v7;
	v7 =	vshll.u32 v9, $0x1  }
0x30: {  	v10 =	vand.u32 $0xFFFFE000, v9;
	v8 =	vshrl.u32 v9, $0xC;
	v11 =	vand.u32 $0x1FFE, v7  }
0x31: {  	v8 =	vand.u32 $0x1, v8;
	v7 =	vor.u32 s7, v0;
	s7 =	sadd.s32 $0x10, s7;
	v9 =	vor.u32 v10, v11  }
0x32: {  	_ =	sdelay $0x1  }
0x33: {  	v10 =	vmul.u32 $0x147B, v7  }
0x34: {  	v8 =	vor.u32 v8, v9  }
0x35: {  	[tilespmem:v5+s13+$0x0] =	vst.idx.msk $0xffff, v8;
	v5 =	vshrl.u32 v10, $0x12  }
0x36: {  	v8 =	vld.idx.msk [tilespmem:v6+s3+$0x0], $0xffff;
	v61 =	vmul.u32 $0xFFFFFFCE, v5;
	_ =	sdelay $0x1  }
0x37: {  	v5 =	vmul.u32 $0x38, v5;
	v7 =	vadd.s32 v7, v61  }
0x38: {  	v9 =	vand.u32 $0xFFFFFFF8, v7  }
0x39: {  	v7 =	vand.u32 $0x7, v7;
	v5 =	vadd.s32 v5, v9  }
0x3a: {  	v5 =	vor.u32 v7, v5;
	v7 =	vshll.u32 v8, $0x1  }
0x3b: {  	v62 =	vand.u32 $0xFFFFE000, v8;
	v8 =	vshrl.u32 v8, $0xC;
	v7 =	vand.u32 $0x1FFE, v7  }
0x3c: {  	v8 =	vand.u32 $0x1, v8;
	v7 =	vor.u32 v62, v7  }
0x3d: {  	v7 =	vor.u32 v8, v7  }
0x3e: {  	[tilespmem:v6+s13+$0x0] =	vst.idx.msk $0xffff, v7  }
0x3f: {  	v6 =	vld.idx.msk [tilespmem:v5+s3+$0x0], $0xffff;
	_ =	sdelay $0x4  }
0x40: {  	v7 =	vshll.u32 v6, $0x1  }
0x41: {  	v63 =	vand.u32 $0xFFFFE000, v6;
	v6 =	vshrl.u32 v6, $0xC;
	v7 =	vand.u32 $0x1FFE, v7  }
0x42: {  	v6 =	vand.u32 $0x1, v6;
	v7 =	vor.u32 v63, v7  }
0x43: {  	v6 =	vor.u32 v6, v7  }
0x44: {  	[tilespmem:v5+s13+$0x0] =	vst.idx.msk $0xffff, v6  }
0x45: {  	[tilespmem:s15], [sflag:$0x1] =	stream.indirect.gather [hbm4b:s6+s14], $0x40, s13, s14, $0xb8;
	[tilespmem:$0x10040] =	vst v63  }
0x46: {  	s7 =	simm.s32 $0x1C38  }
0x47: {  	[tilespmem:s17], [sflag:$0x1] =	stream.indirect.gather [hbm4b:s6+s14], $0x40, s7, s14, $0xb8;
	[tilespmem:$0x10040] =	vst v63  }
0x48: {  	s9 =	simm.s32 $0x1C70  }
0x49: {  	[tilespmem:s19], [sflag:$0x1] =	stream.indirect.gather [hbm4b:s6+s14], $0x40, s9, s14, $0xb8;
	[tilespmem:$0x10040] =	vst v63  }
0x4a: {  	s10 =	simm.s32 $0x1CA8  }
0x4b: {  	[tilespmem:s21], [sflag:$0x1] =	stream.indirect.gather [hbm4b:s6+s14], $0x40, s10, s14, $0xb8;
	[tilespmem:$0x10040] =	vst v63  }
0x4c: {  	s12 =	simm.s32 $0x1CE0  }
0x4d: {  	[tilespmem:s23], [sflag:$0x1] =	stream.indirect.gather [hbm4b:s6+s14], $0x40, s12, s14, $0xb8;
	[tilespmem:$0x10040] =	vst v63  }
0x4e: {  	s31 =	simm.s32 $0x1D18  }
0x4f: {  	[tilespmem:s25], [sflag:$0x1] =	stream.indirect.gather [hbm4b:s6+s14], $0x40, s31, s14, $0xb8;
	[tilespmem:$0x10040] =	vst v63  }
0x50: {  	s8 =	simm.s32 $0x1D50  }
0x51: {  	[tilespmem:s28], [sflag:$0x1] =	stream.indirect.gather [hbm4b:s6+s14], $0x40, s8, s14, $0xb8;
	[tilespmem:$0x10040] =	vst v63  }
0x52: {  	s9 =	simm.s32 $0x1D88  }
0x53: {  	[tilespmem:s30], [sflag:$0x1] =	stream.indirect.gather [hbm4b:s6+s14], $0x40, s9, s14, $0xb8;
	[tilespmem:$0x10040] =	vst v63  }
0x54: {  	s10 =	simm.s32 $0x1DC0  }
0x55: {  	[tilespmem:s1], [sflag:$0x2] =	stream.indirect.gather [hbm4b:s6+s14], $0x40, s10, s14, $0xb8;
	[tilespmem:$0x10040] =	vst v63  }
0x56: {  	s12 =	simm.s32 $0x1DF8  }
0x57: {  	[tilespmem:s2], [sflag:$0x2] =	stream.indirect.gather [hbm4b:s6+s14], $0x40, s12, s14, $0xb8;
	[tilespmem:$0x10040] =	vst v63  }
0x58: {  	s31 =	simm.s32 $0x1E30  }
0x59: {  	[tilespmem:s16], [sflag:$0x2] =	stream.indirect.gather [hbm4b:s6+s14], $0x40, s31, s14, $0xb8;
	[tilespmem:$0x10040] =	vst v63  }
0x5a: {  	s8 =	simm.s32 $0x1E68  }
0x5b: {  	[tilespmem:s20], [sflag:$0x2] =	stream.indirect.gather [hbm4b:s6+s14], $0x40, s8, s14, $0xb8;
	[tilespmem:$0x10040] =	vst v63  }
0x5c: {  	s9 =	simm.s32 $0x1EA0  }
0x5d: {  	[tilespmem:s24], [sflag:$0x2] =	stream.indirect.gather [hbm4b:s6+s14], $0x40, s9, s14, $0xb8;
	[tilespmem:$0x10040] =	vst v63  }
0x5e: {  	s10 =	simm.s32 $0x1ED8  }
0x5f: {  	[tilespmem:s29], [sflag:$0x2] =	stream.indirect.gather [hbm4b:s6+s14], $0x40, s10, s14, $0xb8;
	[tilespmem:$0x10040] =	vst v63  }
0x60: {  	s12 =	simm.s32 $0x1F10  }
0x61: {  	[tilespmem:s0], [sflag:$0x2] =	stream.indirect.gather [hbm4b:s6+s14], $0x40, s12, s14, $0xb8;
	[tilespmem:$0x10040] =	vst v63  }
0x62: {  	s31 =	simm.s32 $0x1F48;
	s12 =	simm.s32 $0x0  }
0x63: {  	[tilespmem:s18], [sflag:$0x2] =	stream.indirect.gather [hbm4b:s6+s14], $0x40, s31, s14, $0xb8;
	[tilespmem:$0x10040] =	vst v63  }
.LBB2_4:
0x64: {  	_ =	swait.ge [sflag:s22], $0xC80  }
0x65: {  	[sflag:s22] =	ssyncset.done $0x0  }
0x66: {  	[sflag:s22] =	ssyncadd.s32 $0xFFFFF380  }
0x67: {  	_ =	swait.ge [sflag:s22], $0xC80  }
0x68: {  	[sflag:s22] =	ssyncset.done $0x0  }
0x69: {  	[sflag:s22] =	ssyncadd.s32 $0xFFFFF380  }
0x6a: {  	_ =	swait.ge [sflag:s22], $0xC80  }
0x6b: {  	[sflag:s22] =	ssyncset.done $0x0  }
0x6c: {  	[sflag:s22] =	ssyncadd.s32 $0xFFFFF380  }
0x6d: {  	_ =	swait.ge [sflag:s22], $0xC80  }
0x6e: {  	[sflag:s22] =	ssyncset.done $0x0  }
0x6f: {  	[sflag:s22] =	ssyncadd.s32 $0xFFFFF380  }
0x70: {  	_ =	swait.ge [sflag:s22], $0xC80  }
0x71: {  	[sflag:s22] =	ssyncset.done $0x0  }
0x72: {  	[sflag:s22] =	ssyncadd.s32 $0xFFFFF380  }
0x73: {  	_ =	swait.ge [sflag:s22], $0xC80  }
0x74: {  	[sflag:s22] =	ssyncset.done $0x0  }
0x75: {  	[sflag:s22] =	ssyncadd.s32 $0xFFFFF380  }
0x76: {  	_ =	swait.ge [sflag:s22], $0xC80  }
0x77: {  	[sflag:s22] =	ssyncset.done $0x0  }
0x78: {  	[sflag:s22] =	ssyncadd.s32 $0xFFFFF380  }
0x79: {  	_ =	swait.ge [sflag:s22], $0xC80  }
0x7a: {  	[sflag:s22] =	ssyncset.done $0x0  }
0x7b: {  	s7 =	simm.s32 $0x0;
	[sflag:s22] =	ssyncadd.s32 $0xFFFFF380  }
0x7c: {  	v5 =	vld [tilespmem:s7+$0x3800]  }
0x7d: {  	v6 =	vld [tilespmem:s7+$0x3810]  }
0x7e: {  	v7 =	vld [tilespmem:s7+$0x3820]  }
0x7f: {  	v8 =	vld [tilespmem:s7+$0x3830]  }
0x80: {  	v9 =	vld [tilespmem:s7+$0x4480]  }
0x81: {  	v10 =	vld [tilespmem:s7+$0x4490];
	v5 =	vadd.f32 v5, v1  }
0x82: {  	v11 =	vld [tilespmem:s7+$0x44A0];
	v6 =	vadd.f32 v6, v2  }
0x83: {  	v7 =	vadd.f32 v7, v3;
	[tilespmem:s7+$0x3800] =	vst v5;
	v5 =	vld [tilespmem:s7+$0x44B0]  }
0x84: {  	v8 =	vadd.f32 v8, v4;
	[tilespmem:s7+$0x3810] =	vst v6;
	v6 =	vld [tilespmem:s7+$0x5100]  }
0x85: {  	v9 =	vadd.f32 v9, v1;
	[tilespmem:s7+$0x3820] =	vst v7;
	v7 =	vld [tilespmem:s7+$0x5110]  }
0x86: {  	v10 =	vadd.f32 v10, v2;
	[tilespmem:s7+$0x3830] =	vst v8;
	v8 =	vld [tilespmem:s7+$0x5120]  }
0x87: {  	v11 =	vadd.f32 v11, v3;
	[tilespmem:s7+$0x4480] =	vst v9;
	v9 =	vld [tilespmem:s7+$0x5130]  }
0x88: {  	[tilespmem:s7+$0x4490] =	vst v10;
	v10 =	vld [tilespmem:s7+$0x5D80];
	v5 =	vadd.f32 v5, v4  }
0x89: {  	[tilespmem:s7+$0x44A0] =	vst v11;
	v11 =	vld [tilespmem:s7+$0x5D90];
	v6 =	vadd.f32 v6, v1  }
0x8a: {  	v7 =	vadd.f32 v7, v2;
	[tilespmem:s7+$0x44B0] =	vst v5;
	v5 =	vld [tilespmem:s7+$0x5DA0]  }
0x8b: {  	v8 =	vadd.f32 v8, v3;
	[tilespmem:s7+$0x5100] =	vst v6;
	v6 =	vld [tilespmem:s7+$0x5DB0]  }
0x8c: {  	v9 =	vadd.f32 v9, v4;
	[tilespmem:s7+$0x5110] =	vst v7;
	v7 =	vld [tilespmem:s7+$0x6A00]  }
0x8d: {  	v10 =	vadd.f32 v10, v1;
	[tilespmem:s7+$0x5120] =	vst v8;
	v8 =	vld [tilespmem:s7+$0x6A10]  }
0x8e: {  	v11 =	vadd.f32 v11, v2;
	[tilespmem:s7+$0x5130] =	vst v9;
	v9 =	vld [tilespmem:s7+$0x6A20]  }
0x8f: {  	[tilespmem:s7+$0x5D80] =	vst v10;
	v10 =	vld [tilespmem:s7+$0x6A30];
	v5 =	vadd.f32 v5, v3  }
0x90: {  	[tilespmem:s7+$0x5D90] =	vst v11;
	v11 =	vld [tilespmem:s7+$0x7680]  }
0x91: {  	v6 =	vadd.f32 v6, v4;
	[tilespmem:s7+$0x5DA0] =	vst v5;
	v5 =	vld [tilespmem:s7+$0x7690]  }
0x92: {  	v7 =	vadd.f32 v7, v1  }
0x93: {  	[tilespmem:s7+$0x5DB0] =	vst v6;
	v6 =	vadd.f32 v8, v2;
	v8 =	vld [tilespmem:s7+$0x76B0]  }
0x94: {  	v12 =	vld [tilespmem:s7+$0x76A0];
	[tilespmem:s7+$0x6A00] =	vst v7;
	v7 =	vadd.f32 v9, v3  }
0x95: {  	v9 =	vld [tilespmem:s7+$0x8300];
	[tilespmem:s7+$0x6A10] =	vst v6;
	v6 =	vadd.f32 v10, v4  }
0x96: {  	[tilespmem:s7+$0x6A20] =	vst v7;
	v10 =	vld [tilespmem:s7+$0x8310];
	v7 =	vadd.f32 v11, v1;
	v11 =	vadd.f32 v5, v2  }
0x97: {  	[tilespmem:s7+$0x6A30] =	vst v6;
	v6 =	vld [tilespmem:s7+$0x8320]  }
0x98: {  	v5 =	vld [tilespmem:s7+$0x8330];
	[tilespmem:s7+$0x7690] =	vst v11;
	v11 =	vadd.f32 v8, v4  }
0x99: {  	v12 =	vadd.f32 v12, v3;
	[tilespmem:s7+$0x7680] =	vst v7;
	v7 =	vld [tilespmem:s7+$0x8F80]  }
0x9a: {  	v8 =	vld [tilespmem:s7+$0x8F90];
	[tilespmem:s7+$0x76B0] =	vst v11;
	v11 =	vadd.f32 v9, v1  }
0x9b: {  	s8 =	simm.s32 $0x100;
	[tilespmem:s7+$0x76A0] =	vst v12;
	v10 =	vadd.f32 v10, v2;
	v9 =	vld [tilespmem:s7+$0x8FA0]  }
.LBB2_5:
0x9c: {  	s9 =	sshra.s32 s8, $0x2;
	p0 =	sne.s32 s8, $0x3100;
	[tilespmem:s7+$0x8300] =	vst v11;
	v6 =	vadd.f32 v6, v3;
	v11 =	vld [tilespmem:s7+$0x8FB0]  }
0x9d: {  	v12 =	vld [tilespmem:s9+$0x3800];
	[tilespmem:s7+$0x8310] =	vst v10;
	v5 =	vadd.f32 v5, v4  }
0x9e: {  	v10 =	vld [tilespmem:s9+$0x3810];
	[tilespmem:s7+$0x8320] =	vst v6;
	v6 =	vadd.f32 v7, v1  }
0x9f: {  	v7 =	vld [tilespmem:s9+$0x3820];
	[tilespmem:s7+$0x8330] =	vst v5;
	v5 =	vadd.f32 v8, v2  }
0xa0: {  	v8 =	vld [tilespmem:s9+$0x3830];
	[tilespmem:s7+$0x8F80] =	vst v6;
	v6 =	vadd.f32 v9, v3  }
0xa1: {  	v9 =	vld [tilespmem:s9+$0x4480];
	[tilespmem:s7+$0x8F90] =	vst v5;
	v5 =	vadd.f32 v11, v4  }
0xa2: {  	v11 =	vadd.f32 v12, v1;
	v12 =	vld [tilespmem:s9+$0x4490];
	[tilespmem:s7+$0x8FA0] =	vst v6  }
0xa3: {  	v6 =	vadd.f32 v10, v2;
	v10 =	vld [tilespmem:s9+$0x44A0];
	[tilespmem:s7+$0x8FB0] =	vst v5;
	s7 =	smov.u32 s9  }
0xa4: {  	[tilespmem:s7+$0x3800] =	vst v11;
	v5 =	vadd.f32 v7, v3;
	v7 =	vld [tilespmem:s7+$0x44B0]  }
0xa5: {  	[tilespmem:s7+$0x3810] =	vst v6;
	v6 =	vadd.f32 v8, v4;
	v8 =	vld [tilespmem:s7+$0x5100]  }
0xa6: {  	[tilespmem:s7+$0x3820] =	vst v5;
	v5 =	vadd.f32 v9, v1;
	v9 =	vld [tilespmem:s7+$0x5110]  }
0xa7: {  	[tilespmem:s7+$0x3830] =	vst v6;
	v6 =	vadd.f32 v12, v2;
	v11 =	vld [tilespmem:s7+$0x5120]  }
0xa8: {  	[tilespmem:s7+$0x4480] =	vst v5;
	v5 =	vadd.f32 v10, v3;
	v10 =	vld [tilespmem:s7+$0x5130]  }
0xa9: {  	[tilespmem:s7+$0x4490] =	vst v6;
	v6 =	vadd.f32 v7, v4;
	v7 =	vld [tilespmem:s7+$0x5D80]  }
0xaa: {  	[tilespmem:s7+$0x44A0] =	vst v5;
	v5 =	vadd.f32 v8, v1;
	v8 =	vld [tilespmem:s7+$0x5D90]  }
0xab: {  	[tilespmem:s7+$0x44B0] =	vst v6;
	v6 =	vadd.f32 v9, v2;
	v9 =	vld [tilespmem:s7+$0x5DA0]  }
0xac: {  	[tilespmem:s7+$0x5100] =	vst v5;
	v5 =	vadd.f32 v11, v3;
	v11 =	vld [tilespmem:s7+$0x5DB0]  }
0xad: {  	[tilespmem:s7+$0x5110] =	vst v6;
	v6 =	vadd.f32 v10, v4;
	v10 =	vld [tilespmem:s7+$0x6A00]  }
0xae: {  	[tilespmem:s7+$0x5120] =	vst v5;
	v5 =	vadd.f32 v7, v1;
	v7 =	vld [tilespmem:s7+$0x6A10]  }
0xaf: {  	[tilespmem:s7+$0x5130] =	vst v6;
	v6 =	vadd.f32 v8, v2;
	v8 =	vld [tilespmem:s7+$0x6A20]  }
0xb0: {  	[tilespmem:s7+$0x5D80] =	vst v5;
	v5 =	vadd.f32 v9, v3;
	v9 =	vld [tilespmem:s7+$0x6A30]  }
0xb1: {  	[tilespmem:s7+$0x5D90] =	vst v6;
	v6 =	vadd.f32 v11, v4;
	v11 =	vld [tilespmem:s7+$0x7680]  }
0xb2: {  	[tilespmem:s7+$0x5DA0] =	vst v5;
	v5 =	vadd.f32 v10, v1;
	v10 =	vld [tilespmem:s7+$0x7690]  }
0xb3: {  	[tilespmem:s7+$0x5DB0] =	vst v6;
	v6 =	vadd.f32 v7, v2;
	v7 =	vld [tilespmem:s7+$0x76A0]  }
0xb4: {  	[tilespmem:s7+$0x6A00] =	vst v5;
	v5 =	vadd.f32 v8, v3;
	v8 =	vld [tilespmem:s7+$0x76B0]  }
0xb5: {  	[tilespmem:s7+$0x6A10] =	vst v6;
	v6 =	vadd.f32 v9, v4;
	v9 =	vld [tilespmem:s7+$0x8300]  }
0xb6: {  	[tilespmem:s7+$0x6A20] =	vst v5;
	v5 =	vadd.f32 v11, v1;
	v12 =	vld [tilespmem:s7+$0x8310]  }
.Ltmp1:
0xb7: {  	[tilespmem:s7+$0x6A30] =	vst v6;
	v10 =	vadd.f32 v10, v2;
	v6 =	vld [tilespmem:s7+$0x8320];
	(pc) =	sbr.rel @p0 .LBB2_5-.Ltmp1, $4  }
0xb8: {  	[tilespmem:s7+$0x7680] =	vst v5;
	v11 =	vadd.f32 v7, v3;
	v5 =	vld [tilespmem:s7+$0x8330]  }
0xb9: {  	[tilespmem:s7+$0x7690] =	vst v10;
	v10 =	vadd.f32 v8, v4;
	v7 =	vld [tilespmem:s7+$0x8F80]  }
0xba: {  	[tilespmem:s7+$0x76A0] =	vst v11;
	v11 =	vadd.f32 v9, v1;
	v8 =	vld [tilespmem:s7+$0x8F90]  }
0xbb: {  	s8 =	sadd.s32 $0x100, s8;
	[tilespmem:s7+$0x76B0] =	vst v10;
	v10 =	vadd.f32 v12, v2;
	v9 =	vld [tilespmem:s7+$0x8FA0]  }
0xbc: {  	[tilespmem:s7+$0x8300] =	vst v11;
	v6 =	vadd.f32 v6, v3;
	v11 =	vld [tilespmem:s7+$0x8FB0]  }
0xbd: {  	[tilespmem:s7+$0x8310] =	vst v10;
	v5 =	vadd.f32 v5, v4  }
0xbe: {  	[tilespmem:s7+$0x8320] =	vst v6;
	v6 =	vadd.f32 v7, v1  }
0xbf: {  	s8 =	sshll.u32 s12, $0x4;
	[tilespmem:s7+$0x8330] =	vst v5;
	v5 =	vadd.f32 v8, v2  }
0xc0: {  	s9 =	sadd.s32 s4, s8;
	[tilespmem:s7+$0x8F80] =	vst v6;
	v6 =	vadd.f32 v9, v3  }
0xc1: {  	s9 =	smul.u32 $0x190, s9;
	[tilespmem:s7+$0x8F90] =	vst v5;
	v5 =	vadd.f32 v11, v4  }
0xc2: {  	[tilespmem:s7+$0x8FA0] =	vst v6  }
0xc3: {  	s31 =	simm.s32 $0x0;
	s10 =	sadd.s32 s5, s9;
	s9 =	smul.u32 $0xE00, s12;
	[tilespmem:s7+$0x8FB0] =	vst v5  }
0xc4: {  	[hbm4b:s10+s31] =	stream.linear.scatter [tilespmem:s15], [sflag:$0x3], $0x6400, $0x38;
	[tilespmem:$0x10040] =	vst v63  }
0xc5: {  	_ =	swait.ge [sflag:s11], $0x6400  }
0xc6: {  	s7 =	sshra.s32 s9, $0x2;
	[sflag:s11] =	ssyncset.done $0x0  }
0xc7: {  	s10 =	sadd.s32 $0x1F80, s7;
	[sflag:s11] =	ssyncadd.s32 $0xFFFF9C00  }
0xc8: {  	[tilespmem:s15], [sflag:$0x1] =	stream.indirect.gather [hbm4b:s6+s14], $0x40, s10, s14, $0xb8;
	[tilespmem:$0x10040] =	vst v63  }
0xc9: {  	s31 =	sadd.s32 $0x1FB8, s7  }
0xca: {  	[tilespmem:s17], [sflag:$0x1] =	stream.indirect.gather [hbm4b:s6+s14], $0x40, s31, s14, $0xb8;
	[tilespmem:$0x10040] =	vst v63  }
0xcb: {  	s10 =	sadd.s32 $0x1FF0, s7  }
0xcc: {  	[tilespmem:s19], [sflag:$0x1] =	stream.indirect.gather [hbm4b:s6+s14], $0x40, s10, s14, $0xb8;
	[tilespmem:$0x10040] =	vst v63  }
0xcd: {  	s31 =	sadd.s32 $0x2028, s7  }
0xce: {  	[tilespmem:s21], [sflag:$0x1] =	stream.indirect.gather [hbm4b:s6+s14], $0x40, s31, s14, $0xb8;
	[tilespmem:$0x10040] =	vst v63  }
0xcf: {  	s10 =	sadd.s32 $0x2060, s7  }
0xd0: {  	[tilespmem:s23], [sflag:$0x1] =	stream.indirect.gather [hbm4b:s6+s14], $0x40, s10, s14, $0xb8;
	[tilespmem:$0x10040] =	vst v63  }
0xd1: {  	s31 =	sadd.s32 $0x2098, s7  }
0xd2: {  	[tilespmem:s25], [sflag:$0x1] =	stream.indirect.gather [hbm4b:s6+s14], $0x40, s31, s14, $0xb8;
	[tilespmem:$0x10040] =	vst v63  }
0xd3: {  	s10 =	sadd.s32 $0x20D0, s7  }
0xd4: {  	[tilespmem:s28], [sflag:$0x1] =	stream.indirect.gather [hbm4b:s6+s14], $0x40, s10, s14, $0xb8;
	[tilespmem:$0x10040] =	vst v63  }
0xd5: {  	s31 =	sadd.s32 $0x2108, s7  }
0xd6: {  	[tilespmem:s30], [sflag:$0x1] =	stream.indirect.gather [hbm4b:s6+s14], $0x40, s31, s14, $0xb8;
	[tilespmem:$0x10040] =	vst v63  }
0xd7: {  	_ =	swait.ge [sflag:s26], $0xC80  }
0xd8: {  	[sflag:s26] =	ssyncset.done $0x0  }
0xd9: {  	[sflag:s26] =	ssyncadd.s32 $0xFFFFF380  }
0xda: {  	_ =	swait.ge [sflag:s26], $0xC80  }
0xdb: {  	[sflag:s26] =	ssyncset.done $0x0  }
0xdc: {  	[sflag:s26] =	ssyncadd.s32 $0xFFFFF380  }
0xdd: {  	_ =	swait.ge [sflag:s26], $0xC80  }
0xde: {  	[sflag:s26] =	ssyncset.done $0x0  }
0xdf: {  	[sflag:s26] =	ssyncadd.s32 $0xFFFFF380  }
0xe0: {  	_ =	swait.ge [sflag:s26], $0xC80  }
0xe1: {  	[sflag:s26] =	ssyncset.done $0x0  }
0xe2: {  	[sflag:s26] =	ssyncadd.s32 $0xFFFFF380  }
0xe3: {  	_ =	swait.ge [sflag:s26], $0xC80  }
0xe4: {  	[sflag:s26] =	ssyncset.done $0x0  }
0xe5: {  	[sflag:s26] =	ssyncadd.s32 $0xFFFFF380  }
0xe6: {  	_ =	swait.ge [sflag:s26], $0xC80  }
0xe7: {  	[sflag:s26] =	ssyncset.done $0x0  }
0xe8: {  	[sflag:s26] =	ssyncadd.s32 $0xFFFFF380  }
0xe9: {  	_ =	swait.ge [sflag:s26], $0xC80  }
0xea: {  	[sflag:s26] =	ssyncset.done $0x0  }
0xeb: {  	[sflag:s26] =	ssyncadd.s32 $0xFFFFF380  }
0xec: {  	_ =	swait.ge [sflag:s26], $0xC80  }
0xed: {  	[sflag:s26] =	ssyncset.done $0x0  }
0xee: {  	s9 =	simm.s32 $0x0;
	[sflag:s26] =	ssyncadd.s32 $0xFFFFF380  }
0xef: {  	v5 =	vld [tilespmem:s9+$0x9C00]  }
0xf0: {  	v6 =	vld [tilespmem:s9+$0x9C10]  }
0xf1: {  	v7 =	vld [tilespmem:s9+$0x9C20]  }
0xf2: {  	v8 =	vld [tilespmem:s9+$0x9C30]  }
0xf3: {  	v9 =	vld [tilespmem:s9+$0xA880]  }
0xf4: {  	v10 =	vld [tilespmem:s9+$0xA890];
	v5 =	vadd.f32 v5, v1  }
0xf5: {  	v11 =	vld [tilespmem:s9+$0xA8A0];
	v6 =	vadd.f32 v6, v2  }
0xf6: {  	v7 =	vadd.f32 v7, v3;
	[tilespmem:s9+$0x9C00] =	vst v5;
	v5 =	vld [tilespmem:s9+$0xA8B0]  }
0xf7: {  	v8 =	vadd.f32 v8, v4;
	[tilespmem:s9+$0x9C10] =	vst v6;
	v6 =	vld [tilespmem:s9+$0xB500]  }
0xf8: {  	v9 =	vadd.f32 v9, v1;
	[tilespmem:s9+$0x9C20] =	vst v7;
	v7 =	vld [tilespmem:s9+$0xB510]  }
0xf9: {  	v10 =	vadd.f32 v10, v2;
	[tilespmem:s9+$0x9C30] =	vst v8;
	v8 =	vld [tilespmem:s9+$0xB520]  }
0xfa: {  	v11 =	vadd.f32 v11, v3;
	[tilespmem:s9+$0xA880] =	vst v9;
	v9 =	vld [tilespmem:s9+$0xB530]  }
0xfb: {  	[tilespmem:s9+$0xA890] =	vst v10;
	v10 =	vld [tilespmem:s9+$0xC180];
	v5 =	vadd.f32 v5, v4  }
0xfc: {  	[tilespmem:s9+$0xA8A0] =	vst v11;
	v11 =	vld [tilespmem:s9+$0xC190];
	v6 =	vadd.f32 v6, v1  }
0xfd: {  	v7 =	vadd.f32 v7, v2;
	[tilespmem:s9+$0xA8B0] =	vst v5;
	v5 =	vld [tilespmem:s9+$0xC1A0]  }
0xfe: {  	v8 =	vadd.f32 v8, v3;
	[tilespmem:s9+$0xB500] =	vst v6;
	v6 =	vld [tilespmem:s9+$0xC1B0]  }
0xff: {  	v9 =	vadd.f32 v9, v4;
	[tilespmem:s9+$0xB510] =	vst v7;
	v7 =	vld [tilespmem:s9+$0xCE00]  }
0x100: {  	v10 =	vadd.f32 v10, v1;
	[tilespmem:s9+$0xB520] =	vst v8;
	v8 =	vld [tilespmem:s9+$0xCE10]  }
0x101: {  	v11 =	vadd.f32 v11, v2;
	[tilespmem:s9+$0xB530] =	vst v9;
	v9 =	vld [tilespmem:s9+$0xCE20]  }
0x102: {  	[tilespmem:s9+$0xC180] =	vst v10;
	v10 =	vld [tilespmem:s9+$0xCE30];
	v5 =	vadd.f32 v5, v3  }
0x103: {  	[tilespmem:s9+$0xC190] =	vst v11;
	v11 =	vld [tilespmem:s9+$0xDA80]  }
0x104: {  	v6 =	vadd.f32 v6, v4;
	[tilespmem:s9+$0xC1A0] =	vst v5;
	v5 =	vld [tilespmem:s9+$0xDA90]  }
0x105: {  	v7 =	vadd.f32 v7, v1  }
0x106: {  	[tilespmem:s9+$0xC1B0] =	vst v6;
	v6 =	vadd.f32 v8, v2;
	v8 =	vld [tilespmem:s9+$0xDAB0]  }
0x107: {  	v12 =	vld [tilespmem:s9+$0xDAA0];
	[tilespmem:s9+$0xCE00] =	vst v7;
	v7 =	vadd.f32 v9, v3  }
0x108: {  	v9 =	vld [tilespmem:s9+$0xE700];
	[tilespmem:s9+$0xCE10] =	vst v6;
	v6 =	vadd.f32 v10, v4  }
0x109: {  	[tilespmem:s9+$0xCE20] =	vst v7;
	v10 =	vld [tilespmem:s9+$0xE710];
	v7 =	vadd.f32 v11, v1;
	v11 =	vadd.f32 v5, v2  }
0x10a: {  	[tilespmem:s9+$0xCE30] =	vst v6;
	v6 =	vld [tilespmem:s9+$0xE720]  }
0x10b: {  	v5 =	vld [tilespmem:s9+$0xE730];
	[tilespmem:s9+$0xDA90] =	vst v11;
	v11 =	vadd.f32 v8, v4  }
0x10c: {  	v12 =	vadd.f32 v12, v3;
	[tilespmem:s9+$0xDA80] =	vst v7;
	v7 =	vld [tilespmem:s9+$0xF380]  }
0x10d: {  	v8 =	vld [tilespmem:s9+$0xF390];
	[tilespmem:s9+$0xDAB0] =	vst v11;
	v11 =	vadd.f32 v9, v1  }
0x10e: {  	s10 =	simm.s32 $0x100;
	[tilespmem:s9+$0xDAA0] =	vst v12;
	v10 =	vadd.f32 v10, v2;
	v9 =	vld [tilespmem:s9+$0xF3A0]  }
.LBB2_7:
0x10f: {  	s31 =	sshra.s32 s10, $0x2;
	p0 =	sne.s32 s10, $0x3100;
	[tilespmem:s9+$0xE700] =	vst v11;
	v6 =	vadd.f32 v6, v3;
	v11 =	vld [tilespmem:s9+$0xF3B0]  }
0x110: {  	v12 =	vld [tilespmem:s31+$0x9C00];
	[tilespmem:s9+$0xE710] =	vst v10;
	v5 =	vadd.f32 v5, v4  }
0x111: {  	v10 =	vld [tilespmem:s31+$0x9C10];
	[tilespmem:s9+$0xE720] =	vst v6;
	v6 =	vadd.f32 v7, v1  }
0x112: {  	v7 =	vld [tilespmem:s31+$0x9C20];
	[tilespmem:s9+$0xE730] =	vst v5;
	v5 =	vadd.f32 v8, v2  }
0x113: {  	v8 =	vld [tilespmem:s31+$0x9C30];
	[tilespmem:s9+$0xF380] =	vst v6;
	v6 =	vadd.f32 v9, v3  }
0x114: {  	v9 =	vld [tilespmem:s31+$0xA880];
	[tilespmem:s9+$0xF390] =	vst v5;
	v5 =	vadd.f32 v11, v4  }
0x115: {  	v11 =	vadd.f32 v12, v1;
	v12 =	vld [tilespmem:s31+$0xA890];
	[tilespmem:s9+$0xF3A0] =	vst v6  }
0x116: {  	v6 =	vadd.f32 v10, v2;
	v10 =	vld [tilespmem:s31+$0xA8A0];
	[tilespmem:s9+$0xF3B0] =	vst v5;
	s9 =	smov.u32 s31  }
0x117: {  	[tilespmem:s9+$0x9C00] =	vst v11;
	v5 =	vadd.f32 v7, v3;
	v7 =	vld [tilespmem:s9+$0xA8B0]  }
0x118: {  	[tilespmem:s9+$0x9C10] =	vst v6;
	v6 =	vadd.f32 v8, v4;
	v8 =	vld [tilespmem:s9+$0xB500]  }
0x119: {  	[tilespmem:s9+$0x9C20] =	vst v5;
	v5 =	vadd.f32 v9, v1;
	v9 =	vld [tilespmem:s9+$0xB510]  }
0x11a: {  	[tilespmem:s9+$0x9C30] =	vst v6;
	v6 =	vadd.f32 v12, v2;
	v11 =	vld [tilespmem:s9+$0xB520]  }
0x11b: {  	[tilespmem:s9+$0xA880] =	vst v5;
	v5 =	vadd.f32 v10, v3;
	v10 =	vld [tilespmem:s9+$0xB530]  }
0x11c: {  	[tilespmem:s9+$0xA890] =	vst v6;
	v6 =	vadd.f32 v7, v4;
	v7 =	vld [tilespmem:s9+$0xC180]  }
0x11d: {  	[tilespmem:s9+$0xA8A0] =	vst v5;
	v5 =	vadd.f32 v8, v1;
	v8 =	vld [tilespmem:s9+$0xC190]  }
0x11e: {  	[tilespmem:s9+$0xA8B0] =	vst v6;
	v6 =	vadd.f32 v9, v2;
	v9 =	vld [tilespmem:s9+$0xC1A0]  }
0x11f: {  	[tilespmem:s9+$0xB500] =	vst v5;
	v5 =	vadd.f32 v11, v3;
	v11 =	vld [tilespmem:s9+$0xC1B0]  }
0x120: {  	[tilespmem:s9+$0xB510] =	vst v6;
	v6 =	vadd.f32 v10, v4;
	v10 =	vld [tilespmem:s9+$0xCE00]  }
0x121: {  	[tilespmem:s9+$0xB520] =	vst v5;
	v5 =	vadd.f32 v7, v1;
	v7 =	vld [tilespmem:s9+$0xCE10]  }
0x122: {  	[tilespmem:s9+$0xB530] =	vst v6;
	v6 =	vadd.f32 v8, v2;
	v8 =	vld [tilespmem:s9+$0xCE20]  }
0x123: {  	[tilespmem:s9+$0xC180] =	vst v5;
	v5 =	vadd.f32 v9, v3;
	v9 =	vld [tilespmem:s9+$0xCE30]  }
0x124: {  	[tilespmem:s9+$0xC190] =	vst v6;
	v6 =	vadd.f32 v11, v4;
	v11 =	vld [tilespmem:s9+$0xDA80]  }
0x125: {  	[tilespmem:s9+$0xC1A0] =	vst v5;
	v5 =	vadd.f32 v10, v1;
	v10 =	vld [tilespmem:s9+$0xDA90]  }
0x126: {  	[tilespmem:s9+$0xC1B0] =	vst v6;
	v6 =	vadd.f32 v7, v2;
	v7 =	vld [tilespmem:s9+$0xDAA0]  }
0x127: {  	[tilespmem:s9+$0xCE00] =	vst v5;
	v5 =	vadd.f32 v8, v3;
	v8 =	vld [tilespmem:s9+$0xDAB0]  }
0x128: {  	[tilespmem:s9+$0xCE10] =	vst v6;
	v6 =	vadd.f32 v9, v4;
	v9 =	vld [tilespmem:s9+$0xE700]  }
0x129: {  	[tilespmem:s9+$0xCE20] =	vst v5;
	v5 =	vadd.f32 v11, v1;
	v12 =	vld [tilespmem:s9+$0xE710]  }
.Ltmp2:
0x12a: {  	[tilespmem:s9+$0xCE30] =	vst v6;
	v10 =	vadd.f32 v10, v2;
	v6 =	vld [tilespmem:s9+$0xE720];
	(pc) =	sbr.rel @p0 .LBB2_7-.Ltmp2, $4  }
0x12b: {  	[tilespmem:s9+$0xDA80] =	vst v5;
	v11 =	vadd.f32 v7, v3;
	v5 =	vld [tilespmem:s9+$0xE730]  }
0x12c: {  	[tilespmem:s9+$0xDA90] =	vst v10;
	v10 =	vadd.f32 v8, v4;
	v7 =	vld [tilespmem:s9+$0xF380]  }
0x12d: {  	[tilespmem:s9+$0xDAA0] =	vst v11;
	v11 =	vadd.f32 v9, v1;
	v8 =	vld [tilespmem:s9+$0xF390]  }
0x12e: {  	s10 =	sadd.s32 $0x100, s10;
	[tilespmem:s9+$0xDAB0] =	vst v10;
	v10 =	vadd.f32 v12, v2;
	v9 =	vld [tilespmem:s9+$0xF3A0]  }
0x12f: {  	[tilespmem:s9+$0xE700] =	vst v11;
	v6 =	vadd.f32 v6, v3;
	v63 =	vld [tilespmem:s9+$0xF3B0]  }
0x130: {  	[tilespmem:s9+$0xE710] =	vst v10;
	v5 =	vadd.f32 v5, v4  }
0x131: {  	[tilespmem:s9+$0xE720] =	vst v6;
	v6 =	vadd.f32 v7, v1  }
0x132: {  	s8 =	sadd.s32 s8, s4;
	[tilespmem:s9+$0xE730] =	vst v5;
	v5 =	vadd.f32 v8, v2  }
0x133: {  	s8 =	smul.u32 $0x190, s8;
	[tilespmem:s9+$0xF380] =	vst v6;
	v6 =	vadd.f32 v9, v3  }
0x134: {  	[tilespmem:s9+$0xF390] =	vst v5;
	v5 =	vadd.f32 v63, v4  }
0x135: {  	s8 =	sadd.s32 s5, s8;
	[tilespmem:s9+$0xF3A0] =	vst v6  }
0x136: {  	s8 =	sadd.s32 $0xC80, s8;
	[tilespmem:s9+$0xF3B0] =	vst v5  }
0x137: {  	[hbm4b:s8+s3] =	stream.linear.scatter [tilespmem:s1], [sflag:$0x3], $0x6400, $0x38;
	[tilespmem:$0x10040] =	vst v63  }
0x138: {  	_ =	swait.ge [sflag:s11], $0x6400  }
0x139: {  	[sflag:s11] =	ssyncset.done $0x0  }
0x13a: {  	s10 =	sadd.s32 $0x2140, s7;
	[sflag:s11] =	ssyncadd.s32 $0xFFFF9C00  }
0x13b: {  	[tilespmem:s1], [sflag:$0x2] =	stream.indirect.gather [hbm4b:s6+s14], $0x40, s10, s14, $0xb8;
	[tilespmem:$0x10040] =	vst v63  }
0x13c: {  	s31 =	sadd.s32 $0x2178, s7  }
0x13d: {  	[tilespmem:s2], [sflag:$0x2] =	stream.indirect.gather [hbm4b:s6+s14], $0x40, s31, s14, $0xb8;
	[tilespmem:$0x10040] =	vst v63  }
0x13e: {  	s9 =	sadd.s32 $0x21B0, s7  }
0x13f: {  	[tilespmem:s16], [sflag:$0x2] =	stream.indirect.gather [hbm4b:s6+s14], $0x40, s9, s14, $0xb8;
	[tilespmem:$0x10040] =	vst v63  }
0x140: {  	s10 =	sadd.s32 $0x21E8, s7  }
0x141: {  	[tilespmem:s20], [sflag:$0x2] =	stream.indirect.gather [hbm4b:s6+s14], $0x40, s10, s14, $0xb8;
	[tilespmem:$0x10040] =	vst v63  }
0x142: {  	s12 =	sadd.s32 $0x1, s12;
	s31 =	sadd.s32 $0x2220, s7  }
0x143: {  	[tilespmem:s24], [sflag:$0x2] =	stream.indirect.gather [hbm4b:s6+s14], $0x40, s31, s14, $0xb8;
	[tilespmem:$0x10040] =	vst v63  }
0x144: {  	p0 =	sne.s32 s12, $0x7;
	s9 =	sadd.s32 $0x2258, s7  }
0x145: {  	[tilespmem:s29], [sflag:$0x2] =	stream.indirect.gather [hbm4b:s6+s14], $0x40, s9, s14, $0xb8;
	[tilespmem:$0x10040] =	vst v63  }
.Ltmp3:
0x146: {  	_ = 	snop;
	(pc) =	sbr.rel @p0 .LBB2_4-.Ltmp3, $4  }
0x147: {  	s10 =	sadd.s32 $0x2290, s7  }
0x148: {  	[tilespmem:s0], [sflag:$0x2] =	stream.indirect.gather [hbm4b:s6+s14], $0x40, s10, s14, $0xb8;
	[tilespmem:$0x10040] =	vst v63  }
0x149: {  	s31 =	sadd.s32 $0x22C8, s7  }
0x14a: {  	[tilespmem:s18], [sflag:$0x2] =	stream.indirect.gather [hbm4b:s6+s14], $0x40, s31, s14, $0xb8;
	[tilespmem:$0x10040] =	vst v63  }
0x14b: {  	_ =	swait.ge [sflag:s22], $0xC80  }
0x14c: {  	[sflag:s22] =	ssyncset.done $0x0  }
0x14d: {  	[sflag:s22] =	ssyncadd.s32 $0xFFFFF380  }
0x14e: {  	_ =	swait.ge [sflag:s22], $0xC80  }
0x14f: {  	[sflag:s22] =	ssyncset.done $0x0  }
0x150: {  	[sflag:s22] =	ssyncadd.s32 $0xFFFFF380  }
0x151: {  	_ =	swait.ge [sflag:s22], $0xC80  }
0x152: {  	[sflag:s22] =	ssyncset.done $0x0  }
0x153: {  	[sflag:s22] =	ssyncadd.s32 $0xFFFFF380  }
0x154: {  	_ =	swait.ge [sflag:s22], $0xC80  }
0x155: {  	[sflag:s22] =	ssyncset.done $0x0  }
0x156: {  	[sflag:s22] =	ssyncadd.s32 $0xFFFFF380  }
0x157: {  	_ =	swait.ge [sflag:s22], $0xC80  }
0x158: {  	[sflag:s22] =	ssyncset.done $0x0  }
0x159: {  	[sflag:s22] =	ssyncadd.s32 $0xFFFFF380  }
0x15a: {  	_ =	swait.ge [sflag:s22], $0xC80  }
0x15b: {  	[sflag:s22] =	ssyncset.done $0x0  }
0x15c: {  	[sflag:s22] =	ssyncadd.s32 $0xFFFFF380  }
0x15d: {  	_ =	swait.ge [sflag:s22], $0xC80  }
0x15e: {  	[sflag:s22] =	ssyncset.done $0x0  }
0x15f: {  	[sflag:s22] =	ssyncadd.s32 $0xFFFFF380  }
0x160: {  	_ =	swait.ge [sflag:s22], $0xC80  }
0x161: {  	[sflag:s22] =	ssyncset.done $0x0  }
0x162: {  	s7 =	simm.s32 $0x0;
	[sflag:s22] =	ssyncadd.s32 $0xFFFFF380  }
0x163: {  	v5 =	vld [tilespmem:s7+$0x3800]  }
0x164: {  	v6 =	vld [tilespmem:s7+$0x3810]  }
0x165: {  	v7 =	vld [tilespmem:s7+$0x3820]  }
0x166: {  	v8 =	vld [tilespmem:s7+$0x3830]  }
0x167: {  	v9 =	vld [tilespmem:s7+$0x4480]  }
0x168: {  	v10 =	vld [tilespmem:s7+$0x4490];
	v5 =	vadd.f32 v5, v1  }
0x169: {  	v11 =	vld [tilespmem:s7+$0x44A0];
	v6 =	vadd.f32 v6, v2  }
0x16a: {  	v7 =	vadd.f32 v7, v3;
	[tilespmem:s7+$0x3800] =	vst v5;
	v5 =	vld [tilespmem:s7+$0x44B0]  }
0x16b: {  	v8 =	vadd.f32 v8, v4;
	[tilespmem:s7+$0x3810] =	vst v6;
	v6 =	vld [tilespmem:s7+$0x5100]  }
0x16c: {  	v9 =	vadd.f32 v9, v1;
	[tilespmem:s7+$0x3820] =	vst v7;
	v7 =	vld [tilespmem:s7+$0x5110]  }
0x16d: {  	v10 =	vadd.f32 v10, v2;
	[tilespmem:s7+$0x3830] =	vst v8;
	v8 =	vld [tilespmem:s7+$0x5120]  }
0x16e: {  	v11 =	vadd.f32 v11, v3;
	[tilespmem:s7+$0x4480] =	vst v9;
	v9 =	vld [tilespmem:s7+$0x5130]  }
0x16f: {  	[tilespmem:s7+$0x4490] =	vst v10;
	v10 =	vld [tilespmem:s7+$0x5D80];
	v5 =	vadd.f32 v5, v4  }
0x170: {  	[tilespmem:s7+$0x44A0] =	vst v11;
	v11 =	vld [tilespmem:s7+$0x5D90];
	v6 =	vadd.f32 v6, v1  }
0x171: {  	v7 =	vadd.f32 v7, v2;
	[tilespmem:s7+$0x44B0] =	vst v5;
	v5 =	vld [tilespmem:s7+$0x5DA0]  }
0x172: {  	v8 =	vadd.f32 v8, v3;
	[tilespmem:s7+$0x5100] =	vst v6;
	v6 =	vld [tilespmem:s7+$0x5DB0]  }
0x173: {  	v9 =	vadd.f32 v9, v4;
	[tilespmem:s7+$0x5110] =	vst v7;
	v7 =	vld [tilespmem:s7+$0x6A00]  }
0x174: {  	v10 =	vadd.f32 v10, v1;
	[tilespmem:s7+$0x5120] =	vst v8;
	v8 =	vld [tilespmem:s7+$0x6A10]  }
0x175: {  	v11 =	vadd.f32 v11, v2;
	[tilespmem:s7+$0x5130] =	vst v9;
	v9 =	vld [tilespmem:s7+$0x6A20]  }
0x176: {  	[tilespmem:s7+$0x5D80] =	vst v10;
	v10 =	vld [tilespmem:s7+$0x6A30];
	v5 =	vadd.f32 v5, v3  }
0x177: {  	[tilespmem:s7+$0x5D90] =	vst v11;
	v11 =	vld [tilespmem:s7+$0x7680]  }
0x178: {  	v6 =	vadd.f32 v6, v4;
	[tilespmem:s7+$0x5DA0] =	vst v5;
	v5 =	vld [tilespmem:s7+$0x7690]  }
0x179: {  	v7 =	vadd.f32 v7, v1  }
0x17a: {  	[tilespmem:s7+$0x5DB0] =	vst v6;
	v6 =	vadd.f32 v8, v2;
	v8 =	vld [tilespmem:s7+$0x76B0]  }
0x17b: {  	v12 =	vld [tilespmem:s7+$0x76A0];
	[tilespmem:s7+$0x6A00] =	vst v7;
	v7 =	vadd.f32 v9, v3  }
0x17c: {  	v9 =	vld [tilespmem:s7+$0x8300];
	[tilespmem:s7+$0x6A10] =	vst v6;
	v6 =	vadd.f32 v10, v4  }
0x17d: {  	[tilespmem:s7+$0x6A20] =	vst v7;
	v10 =	vld [tilespmem:s7+$0x8310];
	v7 =	vadd.f32 v11, v1;
	v11 =	vadd.f32 v5, v2  }
0x17e: {  	[tilespmem:s7+$0x6A30] =	vst v6;
	v6 =	vld [tilespmem:s7+$0x8320]  }
0x17f: {  	v5 =	vld [tilespmem:s7+$0x8330];
	[tilespmem:s7+$0x7690] =	vst v11;
	v11 =	vadd.f32 v8, v4  }
0x180: {  	v12 =	vadd.f32 v12, v3;
	[tilespmem:s7+$0x7680] =	vst v7;
	v7 =	vld [tilespmem:s7+$0x8F80]  }
0x181: {  	v8 =	vld [tilespmem:s7+$0x8F90];
	[tilespmem:s7+$0x76B0] =	vst v11;
	v11 =	vadd.f32 v9, v1  }
0x182: {  	s8 =	simm.s32 $0x100;
	[tilespmem:s7+$0x76A0] =	vst v12;
	v10 =	vadd.f32 v10, v2;
	v9 =	vld [tilespmem:s7+$0x8FA0]  }
.LBB2_10:
0x183: {  	s9 =	sshra.s32 s8, $0x2;
	p0 =	sne.s32 s8, $0x3100;
	[tilespmem:s7+$0x8300] =	vst v11;
	v6 =	vadd.f32 v6, v3;
	v11 =	vld [tilespmem:s7+$0x8FB0]  }
0x184: {  	v12 =	vld [tilespmem:s9+$0x3800];
	[tilespmem:s7+$0x8310] =	vst v10;
	v5 =	vadd.f32 v5, v4  }
0x185: {  	v10 =	vld [tilespmem:s9+$0x3810];
	[tilespmem:s7+$0x8320] =	vst v6;
	v6 =	vadd.f32 v7, v1  }
0x186: {  	v7 =	vld [tilespmem:s9+$0x3820];
	[tilespmem:s7+$0x8330] =	vst v5;
	v5 =	vadd.f32 v8, v2  }
0x187: {  	v8 =	vld [tilespmem:s9+$0x3830];
	[tilespmem:s7+$0x8F80] =	vst v6;
	v6 =	vadd.f32 v9, v3  }
0x188: {  	v9 =	vld [tilespmem:s9+$0x4480];
	[tilespmem:s7+$0x8F90] =	vst v5;
	v5 =	vadd.f32 v11, v4  }
0x189: {  	v11 =	vadd.f32 v12, v1;
	v12 =	vld [tilespmem:s9+$0x4490];
	[tilespmem:s7+$0x8FA0] =	vst v6  }
0x18a: {  	v6 =	vadd.f32 v10, v2;
	v10 =	vld [tilespmem:s9+$0x44A0];
	[tilespmem:s7+$0x8FB0] =	vst v5;
	s7 =	smov.u32 s9  }
0x18b: {  	[tilespmem:s7+$0x3800] =	vst v11;
	v5 =	vadd.f32 v7, v3;
	v7 =	vld [tilespmem:s7+$0x44B0]  }
0x18c: {  	[tilespmem:s7+$0x3810] =	vst v6;
	v6 =	vadd.f32 v8, v4;
	v8 =	vld [tilespmem:s7+$0x5100]  }
0x18d: {  	[tilespmem:s7+$0x3820] =	vst v5;
	v5 =	vadd.f32 v9, v1;
	v9 =	vld [tilespmem:s7+$0x5110]  }
0x18e: {  	[tilespmem:s7+$0x3830] =	vst v6;
	v6 =	vadd.f32 v12, v2;
	v11 =	vld [tilespmem:s7+$0x5120]  }
0x18f: {  	[tilespmem:s7+$0x4480] =	vst v5;
	v5 =	vadd.f32 v10, v3;
	v10 =	vld [tilespmem:s7+$0x5130]  }
0x190: {  	[tilespmem:s7+$0x4490] =	vst v6;
	v6 =	vadd.f32 v7, v4;
	v7 =	vld [tilespmem:s7+$0x5D80]  }
0x191: {  	[tilespmem:s7+$0x44A0] =	vst v5;
	v5 =	vadd.f32 v8, v1;
	v8 =	vld [tilespmem:s7+$0x5D90]  }
0x192: {  	[tilespmem:s7+$0x44B0] =	vst v6;
	v6 =	vadd.f32 v9, v2;
	v9 =	vld [tilespmem:s7+$0x5DA0]  }
0x193: {  	[tilespmem:s7+$0x5100] =	vst v5;
	v5 =	vadd.f32 v11, v3;
	v11 =	vld [tilespmem:s7+$0x5DB0]  }
0x194: {  	[tilespmem:s7+$0x5110] =	vst v6;
	v6 =	vadd.f32 v10, v4;
	v10 =	vld [tilespmem:s7+$0x6A00]  }
0x195: {  	[tilespmem:s7+$0x5120] =	vst v5;
	v5 =	vadd.f32 v7, v1;
	v7 =	vld [tilespmem:s7+$0x6A10]  }
0x196: {  	[tilespmem:s7+$0x5130] =	vst v6;
	v6 =	vadd.f32 v8, v2;
	v8 =	vld [tilespmem:s7+$0x6A20]  }
0x197: {  	[tilespmem:s7+$0x5D80] =	vst v5;
	v5 =	vadd.f32 v9, v3;
	v9 =	vld [tilespmem:s7+$0x6A30]  }
0x198: {  	[tilespmem:s7+$0x5D90] =	vst v6;
	v6 =	vadd.f32 v11, v4;
	v11 =	vld [tilespmem:s7+$0x7680]  }
0x199: {  	[tilespmem:s7+$0x5DA0] =	vst v5;
	v5 =	vadd.f32 v10, v1;
	v10 =	vld [tilespmem:s7+$0x7690]  }
0x19a: {  	[tilespmem:s7+$0x5DB0] =	vst v6;
	v6 =	vadd.f32 v7, v2;
	v7 =	vld [tilespmem:s7+$0x76A0]  }
0x19b: {  	[tilespmem:s7+$0x6A00] =	vst v5;
	v5 =	vadd.f32 v8, v3;
	v8 =	vld [tilespmem:s7+$0x76B0]  }
0x19c: {  	[tilespmem:s7+$0x6A10] =	vst v6;
	v6 =	vadd.f32 v9, v4;
	v9 =	vld [tilespmem:s7+$0x8300]  }
0x19d: {  	[tilespmem:s7+$0x6A20] =	vst v5;
	v5 =	vadd.f32 v11, v1;
	v12 =	vld [tilespmem:s7+$0x8310]  }
.Ltmp4:
0x19e: {  	[tilespmem:s7+$0x6A30] =	vst v6;
	v10 =	vadd.f32 v10, v2;
	v6 =	vld [tilespmem:s7+$0x8320];
	(pc) =	sbr.rel @p0 .LBB2_10-.Ltmp4, $4  }
0x19f: {  	[tilespmem:s7+$0x7680] =	vst v5;
	v11 =	vadd.f32 v7, v3;
	v5 =	vld [tilespmem:s7+$0x8330]  }
0x1a0: {  	[tilespmem:s7+$0x7690] =	vst v10;
	v10 =	vadd.f32 v8, v4;
	v7 =	vld [tilespmem:s7+$0x8F80]  }
0x1a1: {  	[tilespmem:s7+$0x76A0] =	vst v11;
	v11 =	vadd.f32 v9, v1;
	v8 =	vld [tilespmem:s7+$0x8F90]  }
0x1a2: {  	s8 =	sadd.s32 $0x100, s8;
	[tilespmem:s7+$0x76B0] =	vst v10;
	v10 =	vadd.f32 v12, v2;
	v9 =	vld [tilespmem:s7+$0x8FA0]  }
0x1a3: {  	[tilespmem:s7+$0x8300] =	vst v11;
	v6 =	vadd.f32 v6, v3;
	v11 =	vld [tilespmem:s7+$0x8FB0]  }
0x1a4: {  	[tilespmem:s7+$0x8310] =	vst v10;
	v5 =	vadd.f32 v5, v4  }
0x1a5: {  	[tilespmem:s7+$0x8320] =	vst v6;
	v6 =	vadd.f32 v7, v1  }
0x1a6: {  	[tilespmem:s7+$0x8330] =	vst v5;
	v5 =	vadd.f32 v8, v2  }
0x1a7: {  	[tilespmem:s7+$0x8F80] =	vst v6;
	v6 =	vadd.f32 v9, v3  }
0x1a8: {  	[tilespmem:s7+$0x8F90] =	vst v5;
	v5 =	vadd.f32 v11, v4  }
0x1a9: {  	[tilespmem:s7+$0x8FA0] =	vst v6  }
0x1aa: {  	s31 =	simm.s32 $0x0;
	s8 =	rddreg [dreg:$0x5];
	[tilespmem:s7+$0x8FB0] =	vst v5  }
0x1ab: {  	[hbm4b:s8+s31] =	stream.linear.scatter [tilespmem:s15], [sflag:$0x3], $0x6400, $0x38;
	[tilespmem:$0x10040] =	vst v63  }
0x1ac: {  	_ =	swait.ge [sflag:s11], $0x6400  }
0x1ad: {  	[sflag:s11] =	ssyncset.done $0x0  }
0x1ae: {  	[sflag:s11] =	ssyncadd.s32 $0xFFFF9C00  }
0x1af: {  	_ =	swait.ge [sflag:s26], $0xC80  }
0x1b0: {  	[sflag:s26] =	ssyncset.done $0x0  }
0x1b1: {  	[sflag:s26] =	ssyncadd.s32 $0xFFFFF380  }
0x1b2: {  	_ =	swait.ge [sflag:s26], $0xC80  }
0x1b3: {  	[sflag:s26] =	ssyncset.done $0x0  }
0x1b4: {  	[sflag:s26] =	ssyncadd.s32 $0xFFFFF380  }
0x1b5: {  	_ =	swait.ge [sflag:s26], $0xC80  }
0x1b6: {  	[sflag:s26] =	ssyncset.done $0x0  }
0x1b7: {  	[sflag:s26] =	ssyncadd.s32 $0xFFFFF380  }
0x1b8: {  	_ =	swait.ge [sflag:s26], $0xC80  }
0x1b9: {  	[sflag:s26] =	ssyncset.done $0x0  }
0x1ba: {  	[sflag:s26] =	ssyncadd.s32 $0xFFFFF380  }
0x1bb: {  	_ =	swait.ge [sflag:s26], $0xC80  }
0x1bc: {  	[sflag:s26] =	ssyncset.done $0x0  }
0x1bd: {  	[sflag:s26] =	ssyncadd.s32 $0xFFFFF380  }
0x1be: {  	_ =	swait.ge [sflag:s26], $0xC80  }
0x1bf: {  	[sflag:s26] =	ssyncset.done $0x0  }
0x1c0: {  	[sflag:s26] =	ssyncadd.s32 $0xFFFFF380  }
0x1c1: {  	_ =	swait.ge [sflag:s26], $0xC80  }
0x1c2: {  	[sflag:s26] =	ssyncset.done $0x0  }
0x1c3: {  	[sflag:s26] =	ssyncadd.s32 $0xFFFFF380  }
0x1c4: {  	_ =	swait.ge [sflag:s26], $0xC80  }
0x1c5: {  	[sflag:s26] =	ssyncset.done $0x0  }
0x1c6: {  	s7 =	simm.s32 $0x0;
	[sflag:s26] =	ssyncadd.s32 $0xFFFFF380  }
0x1c7: {  	v5 =	vld [tilespmem:s7+$0x9C00]  }
0x1c8: {  	v6 =	vld [tilespmem:s7+$0x9C10]  }
0x1c9: {  	v7 =	vld [tilespmem:s7+$0x9C20]  }
0x1ca: {  	v8 =	vld [tilespmem:s7+$0x9C30]  }
0x1cb: {  	v9 =	vld [tilespmem:s7+$0xA880]  }
0x1cc: {  	v10 =	vld [tilespmem:s7+$0xA890];
	v5 =	vadd.f32 v5, v1  }
0x1cd: {  	v11 =	vld [tilespmem:s7+$0xA8A0];
	v6 =	vadd.f32 v6, v2  }
0x1ce: {  	v7 =	vadd.f32 v7, v3;
	[tilespmem:s7+$0x9C00] =	vst v5;
	v5 =	vld [tilespmem:s7+$0xA8B0]  }
0x1cf: {  	v8 =	vadd.f32 v8, v4;
	[tilespmem:s7+$0x9C10] =	vst v6;
	v6 =	vld [tilespmem:s7+$0xB500]  }
0x1d0: {  	v9 =	vadd.f32 v9, v1;
	[tilespmem:s7+$0x9C20] =	vst v7;
	v7 =	vld [tilespmem:s7+$0xB510]  }
0x1d1: {  	v10 =	vadd.f32 v10, v2;
	[tilespmem:s7+$0x9C30] =	vst v8;
	v8 =	vld [tilespmem:s7+$0xB520]  }
0x1d2: {  	v11 =	vadd.f32 v11, v3;
	[tilespmem:s7+$0xA880] =	vst v9;
	v9 =	vld [tilespmem:s7+$0xB530]  }
0x1d3: {  	[tilespmem:s7+$0xA890] =	vst v10;
	v10 =	vld [tilespmem:s7+$0xC180];
	v5 =	vadd.f32 v5, v4  }
0x1d4: {  	[tilespmem:s7+$0xA8A0] =	vst v11;
	v11 =	vld [tilespmem:s7+$0xC190];
	v6 =	vadd.f32 v6, v1  }
0x1d5: {  	v7 =	vadd.f32 v7, v2;
	[tilespmem:s7+$0xA8B0] =	vst v5;
	v5 =	vld [tilespmem:s7+$0xC1A0]  }
0x1d6: {  	v8 =	vadd.f32 v8, v3;
	[tilespmem:s7+$0xB500] =	vst v6;
	v6 =	vld [tilespmem:s7+$0xC1B0]  }
0x1d7: {  	v9 =	vadd.f32 v9, v4;
	[tilespmem:s7+$0xB510] =	vst v7;
	v7 =	vld [tilespmem:s7+$0xCE00]  }
0x1d8: {  	v10 =	vadd.f32 v10, v1;
	[tilespmem:s7+$0xB520] =	vst v8;
	v8 =	vld [tilespmem:s7+$0xCE10]  }
0x1d9: {  	v11 =	vadd.f32 v11, v2;
	[tilespmem:s7+$0xB530] =	vst v9;
	v9 =	vld [tilespmem:s7+$0xCE20]  }
0x1da: {  	[tilespmem:s7+$0xC180] =	vst v10;
	v10 =	vld [tilespmem:s7+$0xCE30];
	v5 =	vadd.f32 v5, v3  }
0x1db: {  	[tilespmem:s7+$0xC190] =	vst v11;
	v11 =	vld [tilespmem:s7+$0xDA80]  }
0x1dc: {  	v6 =	vadd.f32 v6, v4;
	[tilespmem:s7+$0xC1A0] =	vst v5;
	v5 =	vld [tilespmem:s7+$0xDA90]  }
0x1dd: {  	v7 =	vadd.f32 v7, v1  }
0x1de: {  	[tilespmem:s7+$0xC1B0] =	vst v6;
	v6 =	vadd.f32 v8, v2;
	v8 =	vld [tilespmem:s7+$0xDAB0]  }
0x1df: {  	v12 =	vld [tilespmem:s7+$0xDAA0];
	[tilespmem:s7+$0xCE00] =	vst v7;
	v7 =	vadd.f32 v9, v3  }
0x1e0: {  	v9 =	vld [tilespmem:s7+$0xE700];
	[tilespmem:s7+$0xCE10] =	vst v6;
	v6 =	vadd.f32 v10, v4  }
0x1e1: {  	[tilespmem:s7+$0xCE20] =	vst v7;
	v10 =	vld [tilespmem:s7+$0xE710];
	v7 =	vadd.f32 v11, v1;
	v11 =	vadd.f32 v5, v2  }
0x1e2: {  	[tilespmem:s7+$0xCE30] =	vst v6;
	v6 =	vld [tilespmem:s7+$0xE720]  }
0x1e3: {  	v5 =	vld [tilespmem:s7+$0xE730];
	[tilespmem:s7+$0xDA90] =	vst v11;
	v11 =	vadd.f32 v8, v4  }
0x1e4: {  	v12 =	vadd.f32 v12, v3;
	[tilespmem:s7+$0xDA80] =	vst v7;
	v7 =	vld [tilespmem:s7+$0xF380]  }
0x1e5: {  	v8 =	vld [tilespmem:s7+$0xF390];
	[tilespmem:s7+$0xDAB0] =	vst v11;
	v11 =	vadd.f32 v9, v1  }
0x1e6: {  	s8 =	simm.s32 $0x100;
	[tilespmem:s7+$0xDAA0] =	vst v12;
	v10 =	vadd.f32 v10, v2;
	v9 =	vld [tilespmem:s7+$0xF3A0]  }
.LBB2_12:
0x1e7: {  	s9 =	sshra.s32 s8, $0x2;
	p0 =	sne.s32 s8, $0x3100;
	[tilespmem:s7+$0xE700] =	vst v11;
	v6 =	vadd.f32 v6, v3;
	v11 =	vld [tilespmem:s7+$0xF3B0]  }
0x1e8: {  	v12 =	vld [tilespmem:s9+$0x9C00];
	[tilespmem:s7+$0xE710] =	vst v10;
	v5 =	vadd.f32 v5, v4  }
0x1e9: {  	v10 =	vld [tilespmem:s9+$0x9C10];
	[tilespmem:s7+$0xE720] =	vst v6;
	v6 =	vadd.f32 v7, v1  }
0x1ea: {  	v7 =	vld [tilespmem:s9+$0x9C20];
	[tilespmem:s7+$0xE730] =	vst v5;
	v5 =	vadd.f32 v8, v2  }
0x1eb: {  	v8 =	vld [tilespmem:s9+$0x9C30];
	[tilespmem:s7+$0xF380] =	vst v6;
	v6 =	vadd.f32 v9, v3  }
0x1ec: {  	v9 =	vld [tilespmem:s9+$0xA880];
	[tilespmem:s7+$0xF390] =	vst v5;
	v5 =	vadd.f32 v11, v4  }
0x1ed: {  	v11 =	vadd.f32 v12, v1;
	v12 =	vld [tilespmem:s9+$0xA890];
	[tilespmem:s7+$0xF3A0] =	vst v6  }
0x1ee: {  	v6 =	vadd.f32 v10, v2;
	v10 =	vld [tilespmem:s9+$0xA8A0];
	[tilespmem:s7+$0xF3B0] =	vst v5;
	s7 =	smov.u32 s9  }
0x1ef: {  	[tilespmem:s7+$0x9C00] =	vst v11;
	v5 =	vadd.f32 v7, v3;
	v7 =	vld [tilespmem:s7+$0xA8B0]  }
0x1f0: {  	[tilespmem:s7+$0x9C10] =	vst v6;
	v6 =	vadd.f32 v8, v4;
	v8 =	vld [tilespmem:s7+$0xB500]  }
0x1f1: {  	[tilespmem:s7+$0x9C20] =	vst v5;
	v5 =	vadd.f32 v9, v1;
	v9 =	vld [tilespmem:s7+$0xB510]  }
0x1f2: {  	[tilespmem:s7+$0x9C30] =	vst v6;
	v6 =	vadd.f32 v12, v2;
	v11 =	vld [tilespmem:s7+$0xB520]  }
0x1f3: {  	[tilespmem:s7+$0xA880] =	vst v5;
	v5 =	vadd.f32 v10, v3;
	v10 =	vld [tilespmem:s7+$0xB530]  }
0x1f4: {  	[tilespmem:s7+$0xA890] =	vst v6;
	v6 =	vadd.f32 v7, v4;
	v7 =	vld [tilespmem:s7+$0xC180]  }
0x1f5: {  	[tilespmem:s7+$0xA8A0] =	vst v5;
	v5 =	vadd.f32 v8, v1;
	v8 =	vld [tilespmem:s7+$0xC190]  }
0x1f6: {  	[tilespmem:s7+$0xA8B0] =	vst v6;
	v6 =	vadd.f32 v9, v2;
	v9 =	vld [tilespmem:s7+$0xC1A0]  }
0x1f7: {  	[tilespmem:s7+$0xB500] =	vst v5;
	v5 =	vadd.f32 v11, v3;
	v11 =	vld [tilespmem:s7+$0xC1B0]  }
0x1f8: {  	[tilespmem:s7+$0xB510] =	vst v6;
	v6 =	vadd.f32 v10, v4;
	v10 =	vld [tilespmem:s7+$0xCE00]  }
0x1f9: {  	[tilespmem:s7+$0xB520] =	vst v5;
	v5 =	vadd.f32 v7, v1;
	v7 =	vld [tilespmem:s7+$0xCE10]  }
0x1fa: {  	[tilespmem:s7+$0xB530] =	vst v6;
	v6 =	vadd.f32 v8, v2;
	v8 =	vld [tilespmem:s7+$0xCE20]  }
0x1fb: {  	[tilespmem:s7+$0xC180] =	vst v5;
	v5 =	vadd.f32 v9, v3;
	v9 =	vld [tilespmem:s7+$0xCE30]  }
0x1fc: {  	[tilespmem:s7+$0xC190] =	vst v6;
	v6 =	vadd.f32 v11, v4;
	v11 =	vld [tilespmem:s7+$0xDA80]  }
0x1fd: {  	[tilespmem:s7+$0xC1A0] =	vst v5;
	v5 =	vadd.f32 v10, v1;
	v10 =	vld [tilespmem:s7+$0xDA90]  }
0x1fe: {  	[tilespmem:s7+$0xC1B0] =	vst v6;
	v6 =	vadd.f32 v7, v2;
	v7 =	vld [tilespmem:s7+$0xDAA0]  }
0x1ff: {  	[tilespmem:s7+$0xCE00] =	vst v5;
	v5 =	vadd.f32 v8, v3;
	v8 =	vld [tilespmem:s7+$0xDAB0]  }
0x200: {  	[tilespmem:s7+$0xCE10] =	vst v6;
	v6 =	vadd.f32 v9, v4;
	v9 =	vld [tilespmem:s7+$0xE700]  }
0x201: {  	[tilespmem:s7+$0xCE20] =	vst v5;
	v5 =	vadd.f32 v11, v1;
	v12 =	vld [tilespmem:s7+$0xE710]  }
.Ltmp5:
0x202: {  	[tilespmem:s7+$0xCE30] =	vst v6;
	v10 =	vadd.f32 v10, v2;
	v6 =	vld [tilespmem:s7+$0xE720];
	(pc) =	sbr.rel @p0 .LBB2_12-.Ltmp5, $4  }
0x203: {  	[tilespmem:s7+$0xDA80] =	vst v5;
	v11 =	vadd.f32 v7, v3;
	v5 =	vld [tilespmem:s7+$0xE730]  }
0x204: {  	[tilespmem:s7+$0xDA90] =	vst v10;
	v10 =	vadd.f32 v8, v4;
	v7 =	vld [tilespmem:s7+$0xF380]  }
0x205: {  	[tilespmem:s7+$0xDAA0] =	vst v11;
	v11 =	vadd.f32 v9, v1;
	v8 =	vld [tilespmem:s7+$0xF390]  }
0x206: {  	s8 =	sadd.s32 $0x100, s8;
	[tilespmem:s7+$0xDAB0] =	vst v10;
	v10 =	vadd.f32 v12, v2;
	v9 =	vld [tilespmem:s7+$0xF3A0]  }
0x207: {  	[tilespmem:s7+$0xE700] =	vst v11;
	v6 =	vadd.f32 v6, v3;
	v63 =	vld [tilespmem:s7+$0xF3B0]  }
0x208: {  	[tilespmem:s7+$0xE710] =	vst v10;
	v5 =	vadd.f32 v5, v4  }
0x209: {  	[tilespmem:s7+$0xE720] =	vst v6;
	v1 =	vadd.f32 v7, v1  }
0x20a: {  	[tilespmem:s7+$0xE730] =	vst v5;
	v2 =	vadd.f32 v8, v2  }
0x20b: {  	[tilespmem:s7+$0xF380] =	vst v1;
	v1 =	vadd.f32 v9, v3  }
0x20c: {  	[tilespmem:s7+$0xF390] =	vst v2;
	v2 =	vadd.f32 v63, v4  }
0x20d: {  	[tilespmem:s7+$0xF3A0] =	vst v1  }
0x20e: {  	s12 =	rddreg [dreg:$0x6];
	[tilespmem:s7+$0xF3B0] =	vst v2  }
0x20f: {  	[hbm4b:s12+s3] =	stream.linear.scatter [tilespmem:s1], [sflag:$0x3], $0x6400, $0x38;
	[tilespmem:$0x10040] =	vst v63  }
0x210: {  	_ =	swait.ge [sflag:s11], $0x6400  }
0x211: {  	s8 =	rddreg [dreg:$0x8]  }
0x212: {  	s31 =	rddreg [dreg:$0x7];
	s8 =	sadd.s32 $0x1, s8  }
0x213: {  	p0 =	sne.s32 s8, s31  }
.Ltmp6:
0x214: {  	_ = 	snop;
	(pc) =	sbr.rel @p0 .LBB2_1-.Ltmp6, $3  }
0x215: {  	_ =	sdelay $0x1  }
0x216: {  	[sflag:s11] =	ssyncset.done $0x0  }
0x217: {  	[sflag:s11] =	ssyncadd.s32 $0xFFFF9C00  }
0x218: {  	_ =	sfence.sel $0x180000  }
0x219: {  	[bflag:$0x0] =	sbarrier.arrive $0xFFFF  }
0x21a: {  	_ =	strace $0x90000047  }
0x21b: {  	s0 =	stileid.u32;
	[bflag:$0x2] =	sbarrier.arrive $0xFFFF  }
0x21c: {  	p0 =	sne.s32 s0, $0x0;
	s0 =	rddreg [dreg:$0x3]  }
0x21d: {  	s0 =	sadd.s32 @!p0 $0x100000, s0  }
0x21e: {  	[sflag:s0] =	ssyncadd.tile.s32 @!p0 $0x1;
	_ =	shalt  }
.Lfunc_end2:
_tile_overlayer_lowered:
.L_overlay_start_2:
0x21f: {  	(tag) =	ssettag $0x2  }
0x220: {  	s0 =	rddreg [dreg:$0x0];
	s2 =	stileid.u32  }
0x221: {  	s1 =	rddreg [dreg:$0x1];
	p0 =	sne.s32 s2, $0x0  }
0x222: {  	s3 =	rddreg [dreg:$0x2];
	[bflag:$0x3] =	sbarrier.arrive $0xFFFF;
	s2 =	simm.s32 @!p0 $0x1C03  }
0x223: {  	[timem:s3], [sflag:s2] =	dma.local @!p0 [hbm:s0], s1  }
0x224: {  	s0 =	simm.s32 @!p0 $0x3  }
0x225: {  	_ =	swait.ge @!p0 [sflag:s0], s1  }
0x226: {  	s1 =	ssub.s32 @!p0 $0x0, s1;
	[sflag:s0] =	ssyncset.done @!p0 $0x0  }
0x227: {  	[sflag:s0] =	ssyncadd.s32 @!p0 s1  }
0x228: {  	[bflag:$0x3] =	sbarrier.arrive $0xFFFF  }
0x229: {  	_ =	shalt  }

</sc_bundles>
